<compile_context>
chip_gen: v7x
topology: tpu7x:2x2x1
jax: 0.10.2.dev20260603
libtpu: 0.0.44.dev20260713+nightly
codegen_flags: <defaults>
</compile_context>

<pallas_src>
import jax
import jax.numpy as jnp
from jax import lax
from jax.experimental import pallas as pl
from jax.experimental.pallas import tpu as pltpu
from jax.experimental.pallas import tpu_sc as plsc

B, C, W, H = 4, 96, 384, 384
NUM = 8
BW, BH = 64, 64
BC = B * C
NW = 32
TPW = BC // NW
CH = 96
NCHUNK = W // CH
NSTEP = TPW * NCHUNK
NBUF = 3
CHW = CH * H


def _fix_rects(buf, wshs_v, k, r0, zeros16, iota16):
    row16 = wshs_v[pl.ds(k * 16, 16)]
    for i in range(NUM):
        ws = jnp.minimum(jnp.maximum(row16[i], 0), W - 1)
        hs = jnp.minimum(jnp.maximum(row16[NUM + i], 0), H - 1)
        we = jnp.minimum(ws + BW, W - 1)
        he = jnp.minimum(hs + BH, H - 1)
        lo = jnp.maximum(ws - r0, 0)
        hi = jnp.maximum(jnp.minimum(we - r0, CH), lo)
        w0 = (hs // 16) * 16
        hsv = jnp.full((16,), hs, jnp.int32)
        hev = jnp.full((16,), he, jnp.int32)
        cols = []
        masks = []
        for kk in range(5):
            cv = w0 + kk * 16 + iota16
            m = (cv >= hsv) & (cv < hev)
            cols.append(jnp.minimum(cv, H - 1))
            masks.append(m)

        def row_body(r, acc):
            rb = r * H
            for kk in range(5):
                plsc.store_scatter(buf, [rb + cols[kk]], zeros16, mask=masks[kk])
            return acc

        lax.fori_loop(lo, hi, row_body, 0)


def _sc_kernel(x_hbm, wshs_hbm, out_hbm,
               b0, b1, b2, wshs_v,
               sin0, sin1, sin2, sout0, sout1, sout2):
    wid = lax.axis_index("s") * 2 + lax.axis_index("c")
    t0 = wid * TPW
    pltpu.sync_copy(wshs_hbm.at[pl.ds(t0 * 16, TPW * 16)], wshs_v)

    bufs = (b0, b1, b2)
    sins = (sin0, sin1, sin2)
    souts = (sout0, sout1, sout2)
    zeros16 = jnp.zeros((16,), jnp.float32)
    iota16 = lax.broadcasted_iota(jnp.int32, (16,), 0)

    def src_off(s):
        t = t0 + s // NCHUNK
        r0 = (s % NCHUNK) * CH
        return t * (W * H) + r0 * H

    def gather_start(s, u):
        pltpu.make_async_copy(x_hbm.at[pl.ds(src_off(s), CHW)], bufs[u], sins[u]).start()

    def gather_wait(u):
        pltpu.make_async_copy(x_hbm.at[pl.ds(0, CHW)], bufs[u], sins[u]).wait()

    def scatter_start(s, u):
        pltpu.make_async_copy(bufs[u], out_hbm.at[pl.ds(src_off(s), CHW)], souts[u]).start()

    def scatter_wait(u):
        pltpu.make_async_copy(bufs[u], out_hbm.at[pl.ds(0, CHW)], souts[u]).wait()

    gather_start(0, 0)
    gather_start(1, 1)

    def group_body(g, carry):
        for u in range(NBUF):
            s = g * NBUF + u
            gather_wait(u)
            k = s // NCHUNK
            r0 = (s % NCHUNK) * CH
            _fix_rects(bufs[u], wshs_v, k, r0, zeros16, iota16)
            scatter_start(s, u)
            nxt = (u + 2) % NBUF

            if u == 0:
                @pl.when(s == 0)
                def _():
                    gather_start(2, 2)

            @pl.when((s >= 1) & (s + 2 < NSTEP))
            def _():
                scatter_wait(nxt)
                gather_start(s + 2, nxt)

        return carry

    lax.fori_loop(0, NSTEP // NBUF, group_body, 0)
    scatter_wait(0)
    scatter_wait(1)
    scatter_wait(2)


def kernel(x, width_start, height_start):
    x1 = x.reshape(BC * W * H)
    wshs = jnp.concatenate(
        [width_start.reshape(BC, NUM), height_start.reshape(BC, NUM)],
        axis=1).reshape(BC * 2 * NUM)
    mesh = plsc.VectorSubcoreMesh(core_axis_name="c", subcore_axis_name="s")
    run = pl.kernel(
        _sc_kernel,
        mesh=mesh,
        compiler_params=pltpu.CompilerParams(needs_layout_passes=False),
        out_type=jax.ShapeDtypeStruct((BC * W * H,), jnp.float32),
        scratch_types=[
            pltpu.VMEM((CHW,), jnp.float32),
            pltpu.VMEM((CHW,), jnp.float32),
            pltpu.VMEM((CHW,), jnp.float32),
            pltpu.VMEM((TPW * 2 * NUM,), jnp.int32),
            pltpu.SemaphoreType.DMA,
            pltpu.SemaphoreType.DMA,
            pltpu.SemaphoreType.DMA,
            pltpu.SemaphoreType.DMA,
            pltpu.SemaphoreType.DMA,
            pltpu.SemaphoreType.DMA,
        ],
    )
    out1 = run(x1, wshs)
    return out1.reshape(B, C, W, H)

# --- scband reference (transcript-rebuilt; emitter-appended) ---
"""Pipeline reference for scband-custom-dropout-51883204935704 (READ-ONLY COPY).

The authoritative reference and input builder live on the scoring server;
editing this copy changes nothing except your own understanding.
"""

import jax, jax.numpy as jnp
import numpy as np

B, C, W, H = 4, 96, 384, 384
NUM = 8
BW, BH = 64, 64

def setup_inputs(seed: int = 0):
    key = jax.random.key(seed)
    k1, k2, k3 = jax.random.split(key, 3)
    x = jax.random.normal(k1, (B, C, W, H), dtype=jnp.float32)
    width_start = jax.random.randint(k2, (B, C, NUM), 0, W, dtype=jnp.int64 if jax.config.jax_enable_x64 else jnp.int32).astype(jnp.int32)
    height_start = jax.random.randint(k3, (B, C, NUM), 0, H, dtype=jnp.int64 if jax.config.jax_enable_x64 else jnp.int32).astype(jnp.int32)
    return {"x": x, "width_start": width_start, "height_start": height_start}

def reference(x, width_start, height_start):
    # Faithful translation of Custom_Dropout.forward (training path):
    # for each (batch, channel, block i): out[b, c, ws:we, hs:he] = 0
    # The per-rectangle slice-overwrite is expressed as a vectorized
    # scatter-overwrite (mask -> set zero), mathematically identical.
    b, c, w, h = x.shape
    ws = jnp.clip(width_start, 0, w - 1)
    we = jnp.clip(width_start + BW, 0, w - 1)
    hs = jnp.clip(height_start, 0, h - 1)
    he = jnp.clip(height_start + BH, 0, h - 1)
    w_idx = jnp.arange(w)
    h_idx = jnp.arange(h)
    mask = jnp.zeros((b, c, w, h), dtype=bool)
    for i in range(NUM):
        in_w = (w_idx[None, None, :] >= ws[:, :, i:i + 1]) & (w_idx[None, None, :] < we[:, :, i:i + 1])  # [B,C,W]
        in_h = (h_idx[None, None, :] >= hs[:, :, i:i + 1]) & (h_idx[None, None, :] < he[:, :, i:i + 1])  # [B,C,H]
        mask = mask | (in_w[:, :, :, None] & in_h[:, :, None, :])
    return jnp.where(mask, jnp.float32(0), x)

if __name__ == "__main__":
    import jax
    _d = setup_inputs()
    print(jax.jit(kernel)(*tuple(_d.values())))

</pallas_src>

<mosaic_0001>
#map = affine_map<(d0, d1) -> (0)>
module attributes {stable_mosaic.version = 14 : i64} {
  func.func @_sc_kernel(%arg0: i32, %arg1: i32, %arg2: memref<56623104xf32, #tpu.memory_space<hbm>>, %arg3: memref<6144xi32, #tpu.memory_space<hbm>>, %arg4: memref<56623104xf32, #tpu.memory_space<hbm>>, %arg5: memref<36864xf32, #tpu.memory_space<vmem>>, %arg6: memref<36864xf32, #tpu.memory_space<vmem>>, %arg7: memref<36864xf32, #tpu.memory_space<vmem>>, %arg8: memref<192xi32, #tpu.memory_space<vmem>>, %arg9: memref<!tpu.dma_semaphore, #tpu.memory_space<semaphore_mem>>, %arg10: memref<!tpu.dma_semaphore, #tpu.memory_space<semaphore_mem>>, %arg11: memref<!tpu.dma_semaphore, #tpu.memory_space<semaphore_mem>>, %arg12: memref<!tpu.dma_semaphore, #tpu.memory_space<semaphore_mem>>, %arg13: memref<!tpu.dma_semaphore, #tpu.memory_space<semaphore_mem>>, %arg14: memref<!tpu.dma_semaphore, #tpu.memory_space<semaphore_mem>>) attributes {dimension_semantics = [#tpu.dimension_semantics<core_parallel>, #tpu.dimension_semantics<subcore_parallel>], iteration_bounds = array<i64: 2, 16>, scalar_prefetch = 0 : i64, scratch_operands = 10 : i64, tpu.core_type = #tpu.core_type<sc_vector_subcore>, window_params = [{transform_indices = #map}, {transform_indices = #map}, {transform_indices = #map}]} {
    %mul3A = arith.constant 2 : i32
    %mul3A_0 = arith.muli %arg1, %mul3A : i32
    %add3A = arith.addi %mul3A_0, %arg0 : i32
    %mul3A_1 = arith.constant 12 : i32
    %mul3A_2 = arith.muli %add3A, %mul3A_1 : i32
    %mul3A_3 = arith.constant 16 : i32
    %mul3A_4 = arith.muli %mul3A_2, %mul3A_3 : i32
    "tpu.region"() ({
      %run_scoped3A = tpu.sem_alloc : memref<!tpu.dma_semaphore, #tpu.memory_space<semaphore_mem>>
      %dma_start3A_37 = tpu.memref_slice %arg3[%mul3A_4] : memref<6144xi32, #tpu.memory_space<hbm>> -> memref<192xi32, #tpu.memory_space<hbm>>
      %dma_start3A_38 = tpu.memref_slice %arg3[%mul3A_4] : memref<6144xi32, #tpu.memory_space<hbm>> -> memref<192xi32, #tpu.memory_space<hbm>>
      tpu.enqueue_dma source(%dma_start3A_38 : memref<192xi32, #tpu.memory_space<hbm>>) target(%arg8 : memref<192xi32, #tpu.memory_space<vmem>>) target_semaphore(%run_scoped3A : memref<!tpu.dma_semaphore, #tpu.memory_space<semaphore_mem>>)
      %dma_wait3A_39 = tpu.memref_slice %arg3[%mul3A_4] : memref<6144xi32, #tpu.memory_space<hbm>> -> memref<192xi32, #tpu.memory_space<hbm>>
      %dma_wait3A_40 = tpu.memref_slice %arg3[%mul3A_4] : memref<6144xi32, #tpu.memory_space<hbm>> -> memref<192xi32, #tpu.memory_space<hbm>>
      tpu.wait_dma2 semaphore(%run_scoped3A : memref<!tpu.dma_semaphore, #tpu.memory_space<semaphore_mem>>) src(%dma_wait3A_40 : memref<192xi32, #tpu.memory_space<hbm>>) dst(%arg8 : memref<192xi32, #tpu.memory_space<vmem>>)
      tpu.yield
    }) : () -> ()
    %broadcast_in_dim3A = arith.constant 0.000000e+00 : f32
    %broadcast_in_dim3A_5 = vector.broadcast %broadcast_in_dim3A : f32 to vector<16xf32>
    %iota3A = tpu.iota {dimensions = array<i32: 0>} : vector<16xi32>
    %add3A_6 = arith.constant 0 : i32
    %add3A_7 = arith.addi %mul3A_2, %add3A_6 : i32
    %mul3A_8 = arith.constant 147456 : i32
    %mul3A_9 = arith.muli %add3A_7, %mul3A_8 : i32
    %add3A_10 = arith.constant 0 : i32
    %add3A_11 = arith.addi %mul3A_9, %add3A_10 : i32
    %dma_start3A = tpu.memref_slice %arg2[%add3A_11] : memref<56623104xf32, #tpu.memory_space<hbm>> -> memref<36864xf32, #tpu.memory_space<hbm>>
    %dma_start3A_12 = tpu.memref_slice %arg2[%add3A_11] : memref<56623104xf32, #tpu.memory_space<hbm>> -> memref<36864xf32, #tpu.memory_space<hbm>>
    tpu.enqueue_dma source(%dma_start3A_12 : memref<36864xf32, #tpu.memory_space<hbm>>) target(%arg5 : memref<36864xf32, #tpu.memory_space<vmem>>) target_semaphore(%arg9 : memref<!tpu.dma_semaphore, #tpu.memory_space<semaphore_mem>>)
    %add3A_13 = arith.constant 0 : i32
    %add3A_14 = arith.addi %mul3A_2, %add3A_13 : i32
    %mul3A_15 = arith.constant 147456 : i32
    %mul3A_16 = arith.muli %add3A_14, %mul3A_15 : i32
    %add3A_17 = arith.constant 36864 : i32
    %add3A_18 = arith.addi %mul3A_16, %add3A_17 : i32
    %dma_start3A_19 = tpu.memref_slice %arg2[%add3A_18] : memref<56623104xf32, #tpu.memory_space<hbm>> -> memref<36864xf32, #tpu.memory_space<hbm>>
    %dma_start3A_20 = tpu.memref_slice %arg2[%add3A_18] : memref<56623104xf32, #tpu.memory_space<hbm>> -> memref<36864xf32, #tpu.memory_space<hbm>>
    tpu.enqueue_dma source(%dma_start3A_20 : memref<36864xf32, #tpu.memory_space<hbm>>) target(%arg6 : memref<36864xf32, #tpu.memory_space<vmem>>) target_semaphore(%arg10 : memref<!tpu.dma_semaphore, #tpu.memory_space<semaphore_mem>>)
    %scan3A = arith.constant 0 : i32
    %scan3A_21 = arith.constant 0 : i32
    %scan3A_22 = arith.constant 16 : i32
    %scan3A_23 = arith.addi %scan3A_21, %scan3A_22 : i32
    %scan3A_24 = arith.constant 1 : i32
    scf.for %scan3A_37 = %scan3A_21 to %scan3A_23 step %scan3A_24  : i32 {
      %mul3A_38 = arith.constant 3 : i32
      %mul3A_39 = arith.muli %scan3A_37, %mul3A_38 : i32
      %add3A_40 = arith.constant 0 : i32
      %add3A_41 = arith.addi %mul3A_39, %add3A_40 : i32
      %dma_wait3A_42 = arith.constant 0 : i32
      %dma_wait3A_43 = tpu.memref_slice %arg2[%dma_wait3A_42] : memref<56623104xf32, #tpu.memory_space<hbm>> -> memref<36864xf32, #tpu.memory_space<hbm>>
      %dma_wait3A_44 = arith.constant 0 : i32
      %dma_wait3A_45 = tpu.memref_slice %arg2[%dma_wait3A_44] : memref<56623104xf32, #tpu.memory_space<hbm>> -> memref<36864xf32, #tpu.memory_space<hbm>>
      tpu.wait_dma2 semaphore(%arg9 : memref<!tpu.dma_semaphore, #tpu.memory_space<semaphore_mem>>) src(%dma_wait3A_45 : memref<36864xf32, #tpu.memory_space<hbm>>) dst(%arg5 : memref<36864xf32, #tpu.memory_space<vmem>>)
      %jit3A = arith.constant 4 : i32
      %div3A = arith.divsi %add3A_41, %jit3A : i32
      %sign3A = arith.constant 0 : i32
      %sign3A_46 = arith.cmpi sgt, %add3A_41, %sign3A : i32
      %sign3A_47 = arith.extui %sign3A_46 : i1 to i32
      %sign3A_48 = arith.constant 0 : i32
      %sign3A_49 = arith.cmpi slt, %add3A_41, %sign3A_48 : i32
      %sign3A_50 = arith.extui %sign3A_49 : i1 to i32
      %sign3A_51 = arith.subi %sign3A_47, %sign3A_50 : i32
      %sign3A_52 = arith.constant 0 : i32
      %sign3A_53 = arith.cmpi sgt, %jit3A, %sign3A_52 : i32
      %sign3A_54 = arith.extui %sign3A_53 : i1 to i32
      %sign3A_55 = arith.constant 0 : i32
      %sign3A_56 = arith.cmpi slt, %jit3A, %sign3A_55 : i32
      %sign3A_57 = arith.extui %sign3A_56 : i1 to i32
      %sign3A_58 = arith.subi %sign3A_54, %sign3A_57 : i32
      %ne3A = arith.cmpi ne, %sign3A_51, %sign3A_58 : i32
      %rem3A = arith.remsi %add3A_41, %jit3A : i32
      %ne3A_59 = arith.constant 0 : i32
      %ne3A_60 = arith.cmpi ne, %rem3A, %ne3A_59 : i32
      %and3A = arith.andi %ne3A, %ne3A_60 : i1
      %sub3A = arith.constant 1 : i32
      %sub3A_61 = arith.subi %div3A, %sub3A : i32
      %select_n3A = arith.select %and3A, %sub3A_61, %div3A : i32
      %jit3A_62 = arith.constant 4 : i32
      %eq3A = arith.constant 0 : i32
      %eq3A_63 = arith.cmpi eq, %jit3A_62, %eq3A : i32
      %jit3A_64 = arith.constant 1 : i32
      %select_n3A_65 = arith.select %eq3A_63, %jit3A_64, %jit3A_62 : i32
      %rem3A_66 = arith.remsi %add3A_41, %select_n3A_65 : i32
      %ne3A_67 = arith.constant 0 : i32
      %ne3A_68 = arith.cmpi ne, %rem3A_66, %ne3A_67 : i32
      %lt3A = arith.constant 0 : i32
      %lt3A_69 = arith.cmpi slt, %rem3A_66, %lt3A : i32
      %lt3A_70 = arith.constant 0 : i32
      %lt3A_71 = arith.cmpi slt, %select_n3A_65, %lt3A_70 : i32
      %ne3A_72 = arith.xori %lt3A_69, %lt3A_71 : i1
      %and3A_73 = arith.andi %ne3A_72, %ne3A_68 : i1
      %add3A_74 = arith.addi %rem3A_66, %select_n3A_65 : i32
      %select_n3A_75 = arith.select %and3A_73, %add3A_74, %rem3A_66 : i32
      %mul3A_76 = arith.constant 96 : i32
      %mul3A_77 = arith.muli %select_n3A_75, %mul3A_76 : i32
      %mul3A_78 = arith.constant 16 : i32
      %mul3A_79 = arith.muli %select_n3A, %mul3A_78 : i32
      %get3A = arith.index_cast %mul3A_79 : i32 to index
      %get3A_80 = tpu.vector_load %arg8[%get3A] {strides = array<i32>} : memref<192xi32, #tpu.memory_space<vmem>>, vector<16xi32>,
      %slice3A = vector.extract_strided_slice %get3A_80 {offsets = [0], sizes = [1], strides = [1]} : vector<16xi32> to vector<1xi32>
      %squeeze3A = vector.extract %slice3A[0] : i32 from vector<1xi32>
      %max3A = arith.constant 0 : i32
      %max3A_81 = arith.maxsi %squeeze3A, %max3A : i32
      %min3A = arith.constant 383 : i32
      %min3A_82 = arith.minsi %max3A_81, %min3A : i32
      %slice3A_83 = vector.extract_strided_slice %get3A_80 {offsets = [8], sizes = [1], strides = [1]} : vector<16xi32> to vector<1xi32>
      %squeeze3A_84 = vector.extract %slice3A_83[0] : i32 from vector<1xi32>
      %max3A_85 = arith.constant 0 : i32
      %max3A_86 = arith.maxsi %squeeze3A_84, %max3A_85 : i32
      %min3A_87 = arith.constant 383 : i32
      %min3A_88 = arith.minsi %max3A_86, %min3A_87 : i32
      %add3A_89 = arith.constant 64 : i32
      %add3A_90 = arith.addi %min3A_82, %add3A_89 : i32
      %min3A_91 = arith.constant 383 : i32
      %min3A_92 = arith.minsi %add3A_90, %min3A_91 : i32
      %add3A_93 = arith.constant 64 : i32
      %add3A_94 = arith.addi %min3A_88, %add3A_93 : i32
      %min3A_95 = arith.constant 383 : i32
      %min3A_96 = arith.minsi %add3A_94, %min3A_95 : i32
      %sub3A_97 = arith.subi %min3A_82, %mul3A_77 : i32
      %max3A_98 = arith.constant 0 : i32
      %max3A_99 = arith.maxsi %sub3A_97, %max3A_98 : i32
      %sub3A_100 = arith.subi %min3A_92, %mul3A_77 : i32
      %min3A_101 = arith.constant 96 : i32
      %min3A_102 = arith.minsi %sub3A_100, %min3A_101 : i32
      %max3A_103 = arith.maxsi %min3A_102, %max3A_99 : i32
      %jit3A_104 = arith.constant 16 : i32
      %div3A_105 = arith.divsi %min3A_88, %jit3A_104 : i32
      %sign3A_106 = arith.constant 0 : i32
      %sign3A_107 = arith.cmpi sgt, %min3A_88, %sign3A_106 : i32
      %sign3A_108 = arith.extui %sign3A_107 : i1 to i32
      %sign3A_109 = arith.constant 0 : i32
      %sign3A_110 = arith.cmpi slt, %min3A_88, %sign3A_109 : i32
      %sign3A_111 = arith.extui %sign3A_110 : i1 to i32
      %sign3A_112 = arith.subi %sign3A_108, %sign3A_111 : i32
      %sign3A_113 = arith.constant 0 : i32
      %sign3A_114 = arith.cmpi sgt, %jit3A_104, %sign3A_113 : i32
      %sign3A_115 = arith.extui %sign3A_114 : i1 to i32
      %sign3A_116 = arith.constant 0 : i32
      %sign3A_117 = arith.cmpi slt, %jit3A_104, %sign3A_116 : i32
      %sign3A_118 = arith.extui %sign3A_117 : i1 to i32
      %sign3A_119 = arith.subi %sign3A_115, %sign3A_118 : i32
      %ne3A_120 = arith.cmpi ne, %sign3A_112, %sign3A_119 : i32
      %rem3A_121 = arith.remsi %min3A_88, %jit3A_104 : i32
      %ne3A_122 = arith.constant 0 : i32
      %ne3A_123 = arith.cmpi ne, %rem3A_121, %ne3A_122 : i32
      %and3A_124 = arith.andi %ne3A_120, %ne3A_123 : i1
      %sub3A_125 = arith.constant 1 : i32
      %sub3A_126 = arith.subi %div3A_105, %sub3A_125 : i32
      %select_n3A_127 = arith.select %and3A_124, %sub3A_126, %div3A_105 : i32
      %mul3A_128 = arith.constant 16 : i32
      %mul3A_129 = arith.muli %select_n3A_127, %mul3A_128 : i32
      %broadcast_in_dim3A_130 = vector.broadcast %min3A_88 : i32 to vector<16xi32>
      %broadcast_in_dim3A_131 = vector.broadcast %min3A_96 : i32 to vector<16xi32>
      %add3A_132 = arith.constant 0 : i32
      %add3A_133 = arith.addi %mul3A_129, %add3A_132 : i32
      %add3A_134 = vector.broadcast %add3A_133 : i32 to vector<16xi32>
      %add3A_135 = arith.addi %add3A_134, %iota3A : vector<16xi32>
      %ge3A = arith.cmpi sge, %add3A_135, %broadcast_in_dim3A_130 : vector<16xi32>
      %lt3A_136 = arith.cmpi slt, %add3A_135, %broadcast_in_dim3A_131 : vector<16xi32>
      %and3A_137 = arith.andi %ge3A, %lt3A_136 : vector<16xi1>
      %min3A_138 = arith.constant 383 : i32
      %min3A_139 = vector.broadcast %min3A_138 : i32 to vector<16xi32>
      %min3A_140 = arith.minsi %add3A_135, %min3A_139 : vector<16xi32>
      %add3A_141 = arith.constant 16 : i32
      %add3A_142 = arith.addi %mul3A_129, %add3A_141 : i32
      %add3A_143 = vector.broadcast %add3A_142 : i32 to vector<16xi32>
      %add3A_144 = arith.addi %add3A_143, %iota3A : vector<16xi32>
      %ge3A_145 = arith.cmpi sge, %add3A_144, %broadcast_in_dim3A_130 : vector<16xi32>
      %lt3A_146 = arith.cmpi slt, %add3A_144, %broadcast_in_dim3A_131 : vector<16xi32>
      %and3A_147 = arith.andi %ge3A_145, %lt3A_146 : vector<16xi1>
      %min3A_148 = arith.constant 383 : i32
      %min3A_149 = vector.broadcast %min3A_148 : i32 to vector<16xi32>
      %min3A_150 = arith.minsi %add3A_144, %min3A_149 : vector<16xi32>
      %add3A_151 = arith.constant 32 : i32
      %add3A_152 = arith.addi %mul3A_129, %add3A_151 : i32
      %add3A_153 = vector.broadcast %add3A_152 : i32 to vector<16xi32>
      %add3A_154 = arith.addi %add3A_153, %iota3A : vector<16xi32>
      %ge3A_155 = arith.cmpi sge, %add3A_154, %broadcast_in_dim3A_130 : vector<16xi32>
      %lt3A_156 = arith.cmpi slt, %add3A_154, %broadcast_in_dim3A_131 : vector<16xi32>
      %and3A_157 = arith.andi %ge3A_155, %lt3A_156 : vector<16xi1>
      %min3A_158 = arith.constant 383 : i32
      %min3A_159 = vector.broadcast %min3A_158 : i32 to vector<16xi32>
      %min3A_160 = arith.minsi %add3A_154, %min3A_159 : vector<16xi32>
      %add3A_161 = arith.constant 48 : i32
      %add3A_162 = arith.addi %mul3A_129, %add3A_161 : i32
      %add3A_163 = vector.broadcast %add3A_162 : i32 to vector<16xi32>
      %add3A_164 = arith.addi %add3A_163, %iota3A : vector<16xi32>
      %ge3A_165 = arith.cmpi sge, %add3A_164, %broadcast_in_dim3A_130 : vector<16xi32>
      %lt3A_166 = arith.cmpi slt, %add3A_164, %broadcast_in_dim3A_131 : vector<16xi32>
      %and3A_167 = arith.andi %ge3A_165, %lt3A_166 : vector<16xi1>
      %min3A_168 = arith.constant 383 : i32
      %min3A_169 = vector.broadcast %min3A_168 : i32 to vector<16xi32>
      %min3A_170 = arith.minsi %add3A_164, %min3A_169 : vector<16xi32>
      %add3A_171 = arith.constant 64 : i32
      %add3A_172 = arith.addi %mul3A_129, %add3A_171 : i32
      %add3A_173 = vector.broadcast %add3A_172 : i32 to vector<16xi32>
      %add3A_174 = arith.addi %add3A_173, %iota3A : vector<16xi32>
      %ge3A_175 = arith.cmpi sge, %add3A_174, %broadcast_in_dim3A_130 : vector<16xi32>
      %lt3A_176 = arith.cmpi slt, %add3A_174, %broadcast_in_dim3A_131 : vector<16xi32>
      %and3A_177 = arith.andi %ge3A_175, %lt3A_176 : vector<16xi1>
      %min3A_178 = arith.constant 383 : i32
      %min3A_179 = vector.broadcast %min3A_178 : i32 to vector<16xi32>
      %min3A_180 = arith.minsi %add3A_174, %min3A_179 : vector<16xi32>
      %while3A = arith.constant 0 : i32
      %while3A_181 = arith.subi %max3A_103, %max3A_99 : i32
      %while3A_182 = arith.addi %max3A_99, %while3A_181 : i32
      %while3A_183 = arith.constant 1 : i32
      %while3A_184 = arith.divsi %while3A_181, %while3A_183 : i32
      %while3A_185 = arith.muli %while3A_184, %while3A_183 : i32
      %while3A_186 = arith.addi %max3A_99, %while3A_185 : i32
      %while3A_187 = arith.constant 1 : i32
      scf.for %while3A_3102 = %max3A_99 to %while3A_186 step %while3A_187  : i32 {
        %mul3A_3103 = arith.constant 384 : i32
        %mul3A_3104 = arith.muli %while3A_3102, %mul3A_3103 : i32
        %add3A_3105 = vector.broadcast %mul3A_3104 : i32 to vector<16xi32>
        %add3A_3106 = arith.addi %add3A_3105, %min3A_140 : vector<16xi32>
        tpu.vector_store_idx %arg5[%add3A_3106], %broadcast_in_dim3A_5 masked %and3A_137 : memref<36864xf32, #tpu.memory_space<vmem>>[vector<16xi32>], vector<16xf32>, vector<16xi1>
        %add3A_3107 = vector.broadcast %mul3A_3104 : i32 to vector<16xi32>
        %add3A_3108 = arith.addi %add3A_3107, %min3A_150 : vector<16xi32>
        tpu.vector_store_idx %arg5[%add3A_3108], %broadcast_in_dim3A_5 masked %and3A_147 : memref<36864xf32, #tpu.memory_space<vmem>>[vector<16xi32>], vector<16xf32>, vector<16xi1>
        %add3A_3109 = vector.broadcast %mul3A_3104 : i32 to vector<16xi32>
        %add3A_3110 = arith.addi %add3A_3109, %min3A_160 : vector<16xi32>
        tpu.vector_store_idx %arg5[%add3A_3110], %broadcast_in_dim3A_5 masked %and3A_157 : memref<36864xf32, #tpu.memory_space<vmem>>[vector<16xi32>], vector<16xf32>, vector<16xi1>
        %add3A_3111 = vector.broadcast %mul3A_3104 : i32 to vector<16xi32>
        %add3A_3112 = arith.addi %add3A_3111, %min3A_170 : vector<16xi32>
        tpu.vector_store_idx %arg5[%add3A_3112], %broadcast_in_dim3A_5 masked %and3A_167 : memref<36864xf32, #tpu.memory_space<vmem>>[vector<16xi32>], vector<16xf32>, vector<16xi1>
        %add3A_3113 = vector.broadcast %mul3A_3104 : i32 to vector<16xi32>
        %add3A_3114 = arith.addi %add3A_3113, %min3A_180 : vector<16xi32>
        tpu.vector_store_idx %arg5[%add3A_3114], %broadcast_in_dim3A_5 masked %and3A_177 : memref<36864xf32, #tpu.memory_space<vmem>>[vector<16xi32>], vector<16xf32>, vector<16xi1>
      }
      %while3A_188 = arith.constant 1 : i32
      scf.for %while3A_3102 = %while3A_186 to %while3A_182 step %while3A_188  : i32 {
        %mul3A_3103 = arith.constant 384 : i32
        %mul3A_3104 = arith.muli %while3A_3102, %mul3A_3103 : i32
        %add3A_3105 = vector.broadcast %mul3A_3104 : i32 to vector<16xi32>
        %add3A_3106 = arith.addi %add3A_3105, %min3A_140 : vector<16xi32>
        tpu.vector_store_idx %arg5[%add3A_3106], %broadcast_in_dim3A_5 masked %and3A_137 : memref<36864xf32, #tpu.memory_space<vmem>>[vector<16xi32>], vector<16xf32>, vector<16xi1>
        %add3A_3107 = vector.broadcast %mul3A_3104 : i32 to vector<16xi32>
        %add3A_3108 = arith.addi %add3A_3107, %min3A_150 : vector<16xi32>
        tpu.vector_store_idx %arg5[%add3A_3108], %broadcast_in_dim3A_5 masked %and3A_147 : memref<36864xf32, #tpu.memory_space<vmem>>[vector<16xi32>], vector<16xf32>, vector<16xi1>
        %add3A_3109 = vector.broadcast %mul3A_3104 : i32 to vector<16xi32>
        %add3A_3110 = arith.addi %add3A_3109, %min3A_160 : vector<16xi32>
        tpu.vector_store_idx %arg5[%add3A_3110], %broadcast_in_dim3A_5 masked %and3A_157 : memref<36864xf32, #tpu.memory_space<vmem>>[vector<16xi32>], vector<16xf32>, vector<16xi1>
        %add3A_3111 = vector.broadcast %mul3A_3104 : i32 to vector<16xi32>
        %add3A_3112 = arith.addi %add3A_3111, %min3A_170 : vector<16xi32>
        tpu.vector_store_idx %arg5[%add3A_3112], %broadcast_in_dim3A_5 masked %and3A_167 : memref<36864xf32, #tpu.memory_space<vmem>>[vector<16xi32>], vector<16xf32>, vector<16xi1>
        %add3A_3113 = vector.broadcast %mul3A_3104 : i32 to vector<16xi32>
        %add3A_3114 = arith.addi %add3A_3113, %min3A_180 : vector<16xi32>
        tpu.vector_store_idx %arg5[%add3A_3114], %broadcast_in_dim3A_5 masked %and3A_177 : memref<36864xf32, #tpu.memory_space<vmem>>[vector<16xi32>], vector<16xf32>, vector<16xi1>
      }
      %slice3A_189 = vector.extract_strided_slice %get3A_80 {offsets = [1], sizes = [1], strides = [1]} : vector<16xi32> to vector<1xi32>
      %squeeze3A_190 = vector.extract %slice3A_189[0] : i32 from vector<1xi32>
      %max3A_191 = arith.constant 0 : i32
      %max3A_192 = arith.maxsi %squeeze3A_190, %max3A_191 : i32
      %min3A_193 = arith.constant 383 : i32
      %min3A_194 = arith.minsi %max3A_192, %min3A_193 : i32
      %slice3A_195 = vector.extract_strided_slice %get3A_80 {offsets = [9], sizes = [1], strides = [1]} : vector<16xi32> to vector<1xi32>
      %squeeze3A_196 = vector.extract %slice3A_195[0] : i32 from vector<1xi32>
      %max3A_197 = arith.constant 0 : i32
      %max3A_198 = arith.maxsi %squeeze3A_196, %max3A_197 : i32
      %min3A_199 = arith.constant 383 : i32
      %min3A_200 = arith.minsi %max3A_198, %min3A_199 : i32
      %add3A_201 = arith.constant 64 : i32
      %add3A_202 = arith.addi %min3A_194, %add3A_201 : i32
      %min3A_203 = arith.constant 383 : i32
      %min3A_204 = arith.minsi %add3A_202, %min3A_203 : i32
      %add3A_205 = arith.constant 64 : i32
      %add3A_206 = arith.addi %min3A_200, %add3A_205 : i32
      %min3A_207 = arith.constant 383 : i32
      %min3A_208 = arith.minsi %add3A_206, %min3A_207 : i32
      %sub3A_209 = arith.subi %min3A_194, %mul3A_77 : i32
      %max3A_210 = arith.constant 0 : i32
      %max3A_211 = arith.maxsi %sub3A_209, %max3A_210 : i32
      %sub3A_212 = arith.subi %min3A_204, %mul3A_77 : i32
      %min3A_213 = arith.constant 96 : i32
      %min3A_214 = arith.minsi %sub3A_212, %min3A_213 : i32
      %max3A_215 = arith.maxsi %min3A_214, %max3A_211 : i32
      %jit3A_216 = arith.constant 16 : i32
      %div3A_217 = arith.divsi %min3A_200, %jit3A_216 : i32
      %sign3A_218 = arith.constant 0 : i32
      %sign3A_219 = arith.cmpi sgt, %min3A_200, %sign3A_218 : i32
      %sign3A_220 = arith.extui %sign3A_219 : i1 to i32
      %sign3A_221 = arith.constant 0 : i32
      %sign3A_222 = arith.cmpi slt, %min3A_200, %sign3A_221 : i32
      %sign3A_223 = arith.extui %sign3A_222 : i1 to i32
      %sign3A_224 = arith.subi %sign3A_220, %sign3A_223 : i32
      %sign3A_225 = arith.constant 0 : i32
      %sign3A_226 = arith.cmpi sgt, %jit3A_216, %sign3A_225 : i32
      %sign3A_227 = arith.extui %sign3A_226 : i1 to i32
      %sign3A_228 = arith.constant 0 : i32
      %sign3A_229 = arith.cmpi slt, %jit3A_216, %sign3A_228 : i32
      %sign3A_230 = arith.extui %sign3A_229 : i1 to i32
      %sign3A_231 = arith.subi %sign3A_227, %sign3A_230 : i32
      %ne3A_232 = arith.cmpi ne, %sign3A_224, %sign3A_231 : i32
      %rem3A_233 = arith.remsi %min3A_200, %jit3A_216 : i32
      %ne3A_234 = arith.constant 0 : i32
      %ne3A_235 = arith.cmpi ne, %rem3A_233, %ne3A_234 : i32
      %and3A_236 = arith.andi %ne3A_232, %ne3A_235 : i1
      %sub3A_237 = arith.constant 1 : i32
      %sub3A_238 = arith.subi %div3A_217, %sub3A_237 : i32
      %select_n3A_239 = arith.select %and3A_236, %sub3A_238, %div3A_217 : i32
      %mul3A_240 = arith.constant 16 : i32
      %mul3A_241 = arith.muli %select_n3A_239, %mul3A_240 : i32
      %broadcast_in_dim3A_242 = vector.broadcast %min3A_200 : i32 to vector<16xi32>
      %broadcast_in_dim3A_243 = vector.broadcast %min3A_208 : i32 to vector<16xi32>
      %add3A_244 = arith.constant 0 : i32
      %add3A_245 = arith.addi %mul3A_241, %add3A_244 : i32
      %add3A_246 = vector.broadcast %add3A_245 : i32 to vector<16xi32>
      %add3A_247 = arith.addi %add3A_246, %iota3A : vector<16xi32>
      %ge3A_248 = arith.cmpi sge, %add3A_247, %broadcast_in_dim3A_242 : vector<16xi32>
      %lt3A_249 = arith.cmpi slt, %add3A_247, %broadcast_in_dim3A_243 : vector<16xi32>
      %and3A_250 = arith.andi %ge3A_248, %lt3A_249 : vector<16xi1>
      %min3A_251 = arith.constant 383 : i32
      %min3A_252 = vector.broadcast %min3A_251 : i32 to vector<16xi32>
      %min3A_253 = arith.minsi %add3A_247, %min3A_252 : vector<16xi32>
      %add3A_254 = arith.constant 16 : i32
      %add3A_255 = arith.addi %mul3A_241, %add3A_254 : i32
      %add3A_256 = vector.broadcast %add3A_255 : i32 to vector<16xi32>
      %add3A_257 = arith.addi %add3A_256, %iota3A : vector<16xi32>
      %ge3A_258 = arith.cmpi sge, %add3A_257, %broadcast_in_dim3A_242 : vector<16xi32>
      %lt3A_259 = arith.cmpi slt, %add3A_257, %broadcast_in_dim3A_243 : vector<16xi32>
      %and3A_260 = arith.andi %ge3A_258, %lt3A_259 : vector<16xi1>
      %min3A_261 = arith.constant 383 : i32
      %min3A_262 = vector.broadcast %min3A_261 : i32 to vector<16xi32>
      %min3A_263 = arith.minsi %add3A_257, %min3A_262 : vector<16xi32>
      %add3A_264 = arith.constant 32 : i32
      %add3A_265 = arith.addi %mul3A_241, %add3A_264 : i32
      %add3A_266 = vector.broadcast %add3A_265 : i32 to vector<16xi32>
      %add3A_267 = arith.addi %add3A_266, %iota3A : vector<16xi32>
      %ge3A_268 = arith.cmpi sge, %add3A_267, %broadcast_in_dim3A_242 : vector<16xi32>
      %lt3A_269 = arith.cmpi slt, %add3A_267, %broadcast_in_dim3A_243 : vector<16xi32>
      %and3A_270 = arith.andi %ge3A_268, %lt3A_269 : vector<16xi1>
      %min3A_271 = arith.constant 383 : i32
      %min3A_272 = vector.broadcast %min3A_271 : i32 to vector<16xi32>
      %min3A_273 = arith.minsi %add3A_267, %min3A_272 : vector<16xi32>
      %add3A_274 = arith.constant 48 : i32
      %add3A_275 = arith.addi %mul3A_241, %add3A_274 : i32
      %add3A_276 = vector.broadcast %add3A_275 : i32 to vector<16xi32>
      %add3A_277 = arith.addi %add3A_276, %iota3A : vector<16xi32>
      %ge3A_278 = arith.cmpi sge, %add3A_277, %broadcast_in_dim3A_242 : vector<16xi32>
      %lt3A_279 = arith.cmpi slt, %add3A_277, %broadcast_in_dim3A_243 : vector<16xi32>
      %and3A_280 = arith.andi %ge3A_278, %lt3A_279 : vector<16xi1>
      %min3A_281 = arith.constant 383 : i32
      %min3A_282 = vector.broadcast %min3A_281 : i32 to vector<16xi32>
      %min3A_283 = arith.minsi %add3A_277, %min3A_282 : vector<16xi32>
      %add3A_284 = arith.constant 64 : i32
      %add3A_285 = arith.addi %mul3A_241, %add3A_284 : i32
      %add3A_286 = vector.broadcast %add3A_285 : i32 to vector<16xi32>
      %add3A_287 = arith.addi %add3A_286, %iota3A : vector<16xi32>
      %ge3A_288 = arith.cmpi sge, %add3A_287, %broadcast_in_dim3A_242 : vector<16xi32>
      %lt3A_289 = arith.cmpi slt, %add3A_287, %broadcast_in_dim3A_243 : vector<16xi32>
      %and3A_290 = arith.andi %ge3A_288, %lt3A_289 : vector<16xi1>
      %min3A_291 = arith.constant 383 : i32
      %min3A_292 = vector.broadcast %min3A_291 : i32 to vector<16xi32>
      %min3A_293 = arith.minsi %add3A_287, %min3A_292 : vector<16xi32>
      %while3A_294 = arith.constant 0 : i32
      %while3A_295 = arith.subi %max3A_215, %max3A_211 : i32
      %while3A_296 = arith.addi %max3A_211, %while3A_295 : i32
      %while3A_297 = arith.constant 1 : i32
      %while3A_298 = arith.divsi %while3A_295, %while3A_297 : i32
      %while3A_299 = arith.muli %while3A_298, %while3A_297 : i32
      %while3A_300 = arith.addi %max3A_211, %while3A_299 : i32
      %while3A_301 = arith.constant 1 : i32
      scf.for %while3A_3102 = %max3A_211 to %while3A_300 step %while3A_301  : i32 {
        %mul3A_3103 = arith.constant 384 : i32
        %mul3A_3104 = arith.muli %while3A_3102, %mul3A_3103 : i32
        %add3A_3105 = vector.broadcast %mul3A_3104 : i32 to vector<16xi32>
        %add3A_3106 = arith.addi %add3A_3105, %min3A_253 : vector<16xi32>
        tpu.vector_store_idx %arg5[%add3A_3106], %broadcast_in_dim3A_5 masked %and3A_250 : memref<36864xf32, #tpu.memory_space<vmem>>[vector<16xi32>], vector<16xf32>, vector<16xi1>
        %add3A_3107 = vector.broadcast %mul3A_3104 : i32 to vector<16xi32>
        %add3A_3108 = arith.addi %add3A_3107, %min3A_263 : vector<16xi32>
        tpu.vector_store_idx %arg5[%add3A_3108], %broadcast_in_dim3A_5 masked %and3A_260 : memref<36864xf32, #tpu.memory_space<vmem>>[vector<16xi32>], vector<16xf32>, vector<16xi1>
        %add3A_3109 = vector.broadcast %mul3A_3104 : i32 to vector<16xi32>
        %add3A_3110 = arith.addi %add3A_3109, %min3A_273 : vector<16xi32>
        tpu.vector_store_idx %arg5[%add3A_3110], %broadcast_in_dim3A_5 masked %and3A_270 : memref<36864xf32, #tpu.memory_space<vmem>>[vector<16xi32>], vector<16xf32>, vector<16xi1>
        %add3A_3111 = vector.broadcast %mul3A_3104 : i32 to vector<16xi32>
        %add3A_3112 = arith.addi %add3A_3111, %min3A_283 : vector<16xi32>
        tpu.vector_store_idx %arg5[%add3A_3112], %broadcast_in_dim3A_5 masked %and3A_280 : memref<36864xf32, #tpu.memory_space<vmem>>[vector<16xi32>], vector<16xf32>, vector<16xi1>
        %add3A_3113 = vector.broadcast %mul3A_3104 : i32 to vector<16xi32>
        %add3A_3114 = arith.addi %add3A_3113, %min3A_293 : vector<16xi32>
        tpu.vector_store_idx %arg5[%add3A_3114], %broadcast_in_dim3A_5 masked %and3A_290 : memref<36864xf32, #tpu.memory_space<vmem>>[vector<16xi32>], vector<16xf32>, vector<16xi1>
      }
      %while3A_302 = arith.constant 1 : i32
      scf.for %while3A_3102 = %while3A_300 to %while3A_296 step %while3A_302  : i32 {
        %mul3A_3103 = arith.constant 384 : i32
        %mul3A_3104 = arith.muli %while3A_3102, %mul3A_3103 : i32
        %add3A_3105 = vector.broadcast %mul3A_3104 : i32 to vector<16xi32>
        %add3A_3106 = arith.addi %add3A_3105, %min3A_253 : vector<16xi32>
        tpu.vector_store_idx %arg5[%add3A_3106], %broadcast_in_dim3A_5 masked %and3A_250 : memref<36864xf32, #tpu.memory_space<vmem>>[vector<16xi32>], vector<16xf32>, vector<16xi1>
        %add3A_3107 = vector.broadcast %mul3A_3104 : i32 to vector<16xi32>
        %add3A_3108 = arith.addi %add3A_3107, %min3A_263 : vector<16xi32>
        tpu.vector_store_idx %arg5[%add3A_3108], %broadcast_in_dim3A_5 masked %and3A_260 : memref<36864xf32, #tpu.memory_space<vmem>>[vector<16xi32>], vector<16xf32>, vector<16xi1>
        %add3A_3109 = vector.broadcast %mul3A_3104 : i32 to vector<16xi32>
        %add3A_3110 = arith.addi %add3A_3109, %min3A_273 : vector<16xi32>
        tpu.vector_store_idx %arg5[%add3A_3110], %broadcast_in_dim3A_5 masked %and3A_270 : memref<36864xf32, #tpu.memory_space<vmem>>[vector<16xi32>], vector<16xf32>, vector<16xi1>
        %add3A_3111 = vector.broadcast %mul3A_3104 : i32 to vector<16xi32>
        %add3A_3112 = arith.addi %add3A_3111, %min3A_283 : vector<16xi32>
        tpu.vector_store_idx %arg5[%add3A_3112], %broadcast_in_dim3A_5 masked %and3A_280 : memref<36864xf32, #tpu.memory_space<vmem>>[vector<16xi32>], vector<16xf32>, vector<16xi1>
        %add3A_3113 = vector.broadcast %mul3A_3104 : i32 to vector<16xi32>
        %add3A_3114 = arith.addi %add3A_3113, %min3A_293 : vector<16xi32>
        tpu.vector_store_idx %arg5[%add3A_3114], %broadcast_in_dim3A_5 masked %and3A_290 : memref<36864xf32, #tpu.memory_space<vmem>>[vector<16xi32>], vector<16xf32>, vector<16xi1>
      }
      %slice3A_303 = vector.extract_strided_slice %get3A_80 {offsets = [2], sizes = [1], strides = [1]} : vector<16xi32> to vector<1xi32>
      %squeeze3A_304 = vector.extract %slice3A_303[0] : i32 from vector<1xi32>
      %max3A_305 = arith.constant 0 : i32
      %max3A_306 = arith.maxsi %squeeze3A_304, %max3A_305 : i32
      %min3A_307 = arith.constant 383 : i32
      %min3A_308 = arith.minsi %max3A_306, %min3A_307 : i32
      %slice3A_309 = vector.extract_strided_slice %get3A_80 {offsets = [10], sizes = [1], strides = [1]} : vector<16xi32> to vector<1xi32>
      %squeeze3A_310 = vector.extract %slice3A_309[0] : i32 from vector<1xi32>
      %max3A_311 = arith.constant 0 : i32
      %max3A_312 = arith.maxsi %squeeze3A_310, %max3A_311 : i32
      %min3A_313 = arith.constant 383 : i32
      %min3A_314 = arith.minsi %max3A_312, %min3A_313 : i32
      %add3A_315 = arith.constant 64 : i32
      %add3A_316 = arith.addi %min3A_308, %add3A_315 : i32
      %min3A_317 = arith.constant 383 : i32
      %min3A_318 = arith.minsi %add3A_316, %min3A_317 : i32
      %add3A_319 = arith.constant 64 : i32
      %add3A_320 = arith.addi %min3A_314, %add3A_319 : i32
      %min3A_321 = arith.constant 383 : i32
      %min3A_322 = arith.minsi %add3A_320, %min3A_321 : i32
      %sub3A_323 = arith.subi %min3A_308, %mul3A_77 : i32
      %max3A_324 = arith.constant 0 : i32
      %max3A_325 = arith.maxsi %sub3A_323, %max3A_324 : i32
      %sub3A_326 = arith.subi %min3A_318, %mul3A_77 : i32
      %min3A_327 = arith.constant 96 : i32
      %min3A_328 = arith.minsi %sub3A_326, %min3A_327 : i32
      %max3A_329 = arith.maxsi %min3A_328, %max3A_325 : i32
      %jit3A_330 = arith.constant 16 : i32
      %div3A_331 = arith.divsi %min3A_314, %jit3A_330 : i32
      %sign3A_332 = arith.constant 0 : i32
      %sign3A_333 = arith.cmpi sgt, %min3A_314, %sign3A_332 : i32
      %sign3A_334 = arith.extui %sign3A_333 : i1 to i32
      %sign3A_335 = arith.constant 0 : i32
      %sign3A_336 = arith.cmpi slt, %min3A_314, %sign3A_335 : i32
      %sign3A_337 = arith.extui %sign3A_336 : i1 to i32
      %sign3A_338 = arith.subi %sign3A_334, %sign3A_337 : i32
      %sign3A_339 = arith.constant 0 : i32
      %sign3A_340 = arith.cmpi sgt, %jit3A_330, %sign3A_339 : i32
      %sign3A_341 = arith.extui %sign3A_340 : i1 to i32
      %sign3A_342 = arith.constant 0 : i32
      %sign3A_343 = arith.cmpi slt, %jit3A_330, %sign3A_342 : i32
      %sign3A_344 = arith.extui %sign3A_343 : i1 to i32
      %sign3A_345 = arith.subi %sign3A_341, %sign3A_344 : i32
      %ne3A_346 = arith.cmpi ne, %sign3A_338, %sign3A_345 : i32
      %rem3A_347 = arith.remsi %min3A_314, %jit3A_330 : i32
      %ne3A_348 = arith.constant 0 : i32
      %ne3A_349 = arith.cmpi ne, %rem3A_347, %ne3A_348 : i32
      %and3A_350 = arith.andi %ne3A_346, %ne3A_349 : i1
      %sub3A_351 = arith.constant 1 : i32
      %sub3A_352 = arith.subi %div3A_331, %sub3A_351 : i32
      %select_n3A_353 = arith.select %and3A_350, %sub3A_352, %div3A_331 : i32
      %mul3A_354 = arith.constant 16 : i32
      %mul3A_355 = arith.muli %select_n3A_353, %mul3A_354 : i32
      %broadcast_in_dim3A_356 = vector.broadcast %min3A_314 : i32 to vector<16xi32>
      %broadcast_in_dim3A_357 = vector.broadcast %min3A_322 : i32 to vector<16xi32>
      %add3A_358 = arith.constant 0 : i32
      %add3A_359 = arith.addi %mul3A_355, %add3A_358 : i32
      %add3A_360 = vector.broadcast %add3A_359 : i32 to vector<16xi32>
      %add3A_361 = arith.addi %add3A_360, %iota3A : vector<16xi32>
      %ge3A_362 = arith.cmpi sge, %add3A_361, %broadcast_in_dim3A_356 : vector<16xi32>
      %lt3A_363 = arith.cmpi slt, %add3A_361, %broadcast_in_dim3A_357 : vector<16xi32>
      %and3A_364 = arith.andi %ge3A_362, %lt3A_363 : vector<16xi1>
      %min3A_365 = arith.constant 383 : i32
      %min3A_366 = vector.broadcast %min3A_365 : i32 to vector<16xi32>
      %min3A_367 = arith.minsi %add3A_361, %min3A_366 : vector<16xi32>
      %add3A_368 = arith.constant 16 : i32
      %add3A_369 = arith.addi %mul3A_355, %add3A_368 : i32
      %add3A_370 = vector.broadcast %add3A_369 : i32 to vector<16xi32>
      %add3A_371 = arith.addi %add3A_370, %iota3A : vector<16xi32>
      %ge3A_372 = arith.cmpi sge, %add3A_371, %broadcast_in_dim3A_356 : vector<16xi32>
      %lt3A_373 = arith.cmpi slt, %add3A_371, %broadcast_in_dim3A_357 : vector<16xi32>
      %and3A_374 = arith.andi %ge3A_372, %lt3A_373 : vector<16xi1>
      %min3A_375 = arith.constant 383 : i32
      %min3A_376 = vector.broadcast %min3A_375 : i32 to vector<16xi32>
      %min3A_377 = arith.minsi %add3A_371, %min3A_376 : vector<16xi32>
      %add3A_378 = arith.constant 32 : i32
      %add3A_379 = arith.addi %mul3A_355, %add3A_378 : i32
      %add3A_380 = vector.broadcast %add3A_379 : i32 to vector<16xi32>
      %add3A_381 = arith.addi %add3A_380, %iota3A : vector<16xi32>
      %ge3A_382 = arith.cmpi sge, %add3A_381, %broadcast_in_dim3A_356 : vector<16xi32>
      %lt3A_383 = arith.cmpi slt, %add3A_381, %broadcast_in_dim3A_357 : vector<16xi32>
      %and3A_384 = arith.andi %ge3A_382, %lt3A_383 : vector<16xi1>
      %min3A_385 = arith.constant 383 : i32
      %min3A_386 = vector.broadcast %min3A_385 : i32 to vector<16xi32>
      %min3A_387 = arith.minsi %add3A_381, %min3A_386 : vector<16xi32>
      %add3A_388 = arith.constant 48 : i32
      %add3A_389 = arith.addi %mul3A_355, %add3A_388 : i32
      %add3A_390 = vector.broadcast %add3A_389 : i32 to vector<16xi32>
      %add3A_391 = arith.addi %add3A_390, %iota3A : vector<16xi32>
      %ge3A_392 = arith.cmpi sge, %add3A_391, %broadcast_in_dim3A_356 : vector<16xi32>
      %lt3A_393 = arith.cmpi slt, %add3A_391, %broadcast_in_dim3A_357 : vector<16xi32>
      %and3A_394 = arith.andi %ge3A_392, %lt3A_393 : vector<16xi1>
      %min3A_395 = arith.constant 383 : i32
      %min3A_396 = vector.broadcast %min3A_395 : i32 to vector<16xi32>
      %min3A_397 = arith.minsi %add3A_391, %min3A_396 : vector<16xi32>
      %add3A_398 = arith.constant 64 : i32
      %add3A_399 = arith.addi %mul3A_355, %add3A_398 : i32
      %add3A_400 = vector.broadcast %add3A_399 : i32 to vector<16xi32>
      %add3A_401 = arith.addi %add3A_400, %iota3A : vector<16xi32>
      %ge3A_402 = arith.cmpi sge, %add3A_401, %broadcast_in_dim3A_356 : vector<16xi32>
      %lt3A_403 = arith.cmpi slt, %add3A_401, %broadcast_in_dim3A_357 : vector<16xi32>
      %and3A_404 = arith.andi %ge3A_402, %lt3A_403 : vector<16xi1>
      %min3A_405 = arith.constant 383 : i32
      %min3A_406 = vector.broadcast %min3A_405 : i32 to vector<16xi32>
      %min3A_407 = arith.minsi %add3A_401, %min3A_406 : vector<16xi32>
      %while3A_408 = arith.constant 0 : i32
      %while3A_409 = arith.subi %max3A_329, %max3A_325 : i32
      %while3A_410 = arith.addi %max3A_325, %while3A_409 : i32
      %while3A_411 = arith.constant 1 : i32
      %while3A_412 = arith.divsi %while3A_409, %while3A_411 : i32
      %while3A_413 = arith.muli %while3A_412, %while3A_411 : i32
      %while3A_414 = arith.addi %max3A_325, %while3A_413 : i32
      %while3A_415 = arith.constant 1 : i32
      scf.for %while3A_3102 = %max3A_325 to %while3A_414 step %while3A_415  : i32 {
        %mul3A_3103 = arith.constant 384 : i32
        %mul3A_3104 = arith.muli %while3A_3102, %mul3A_3103 : i32
        %add3A_3105 = vector.broadcast %mul3A_3104 : i32 to vector<16xi32>
        %add3A_3106 = arith.addi %add3A_3105, %min3A_367 : vector<16xi32>
        tpu.vector_store_idx %arg5[%add3A_3106], %broadcast_in_dim3A_5 masked %and3A_364 : memref<36864xf32, #tpu.memory_space<vmem>>[vector<16xi32>], vector<16xf32>, vector<16xi1>
        %add3A_3107 = vector.broadcast %mul3A_3104 : i32 to vector<16xi32>
        %add3A_3108 = arith.addi %add3A_3107, %min3A_377 : vector<16xi32>
        tpu.vector_store_idx %arg5[%add3A_3108], %broadcast_in_dim3A_5 masked %and3A_374 : memref<36864xf32, #tpu.memory_space<vmem>>[vector<16xi32>], vector<16xf32>, vector<16xi1>
        %add3A_3109 = vector.broadcast %mul3A_3104 : i32 to vector<16xi32>
        %add3A_3110 = arith.addi %add3A_3109, %min3A_387 : vector<16xi32>
        tpu.vector_store_idx %arg5[%add3A_3110], %broadcast_in_dim3A_5 masked %and3A_384 : memref<36864xf32, #tpu.memory_space<vmem>>[vector<16xi32>], vector<16xf32>, vector<16xi1>
        %add3A_3111 = vector.broadcast %mul3A_3104 : i32 to vector<16xi32>
        %add3A_3112 = arith.addi %add3A_3111, %min3A_397 : vector<16xi32>
        tpu.vector_store_idx %arg5[%add3A_3112], %broadcast_in_dim3A_5 masked %and3A_394 : memref<36864xf32, #tpu.memory_space<vmem>>[vector<16xi32>], vector<16xf32>, vector<16xi1>
        %add3A_3113 = vector.broadcast %mul3A_3104 : i32 to vector<16xi32>
        %add3A_3114 = arith.addi %add3A_3113, %min3A_407 : vector<16xi32>
        tpu.vector_store_idx %arg5[%add3A_3114], %broadcast_in_dim3A_5 masked %and3A_404 : memref<36864xf32, #tpu.memory_space<vmem>>[vector<16xi32>], vector<16xf32>, vector<16xi1>
      }
      %while3A_416 = arith.constant 1 : i32
      scf.for %while3A_3102 = %while3A_414 to %while3A_410 step %while3A_416  : i32 {
        %mul3A_3103 = arith.constant 384 : i32
        %mul3A_3104 = arith.muli %while3A_3102, %mul3A_3103 : i32
        %add3A_3105 = vector.broadcast %mul3A_3104 : i32 to vector<16xi32>
        %add3A_3106 = arith.addi %add3A_3105, %min3A_367 : vector<16xi32>
        tpu.vector_store_idx %arg5[%add3A_3106], %broadcast_in_dim3A_5 masked %and3A_364 : memref<36864xf32, #tpu.memory_space<vmem>>[vector<16xi32>], vector<16xf32>, vector<16xi1>
        %add3A_3107 = vector.broadcast %mul3A_3104 : i32 to vector<16xi32>
        %add3A_3108 = arith.addi %add3A_3107, %min3A_377 : vector<16xi32>
        tpu.vector_store_idx %arg5[%add3A_3108], %broadcast_in_dim3A_5 masked %and3A_374 : memref<36864xf32, #tpu.memory_space<vmem>>[vector<16xi32>], vector<16xf32>, vector<16xi1>
        %add3A_3109 = vector.broadcast %mul3A_3104 : i32 to vector<16xi32>
        %add3A_3110 = arith.addi %add3A_3109, %min3A_387 : vector<16xi32>
        tpu.vector_store_idx %arg5[%add3A_3110], %broadcast_in_dim3A_5 masked %and3A_384 : memref<36864xf32, #tpu.memory_space<vmem>>[vector<16xi32>], vector<16xf32>, vector<16xi1>
        %add3A_3111 = vector.broadcast %mul3A_3104 : i32 to vector<16xi32>
        %add3A_3112 = arith.addi %add3A_3111, %min3A_397 : vector<16xi32>
        tpu.vector_store_idx %arg5[%add3A_3112], %broadcast_in_dim3A_5 masked %and3A_394 : memref<36864xf32, #tpu.memory_space<vmem>>[vector<16xi32>], vector<16xf32>, vector<16xi1>
        %add3A_3113 = vector.broadcast %mul3A_3104 : i32 to vector<16xi32>
        %add3A_3114 = arith.addi %add3A_3113, %min3A_407 : vector<16xi32>
        tpu.vector_store_idx %arg5[%add3A_3114], %broadcast_in_dim3A_5 masked %and3A_404 : memref<36864xf32, #tpu.memory_space<vmem>>[vector<16xi32>], vector<16xf32>, vector<16xi1>
      }
      %slice3A_417 = vector.extract_strided_slice %get3A_80 {offsets = [3], sizes = [1], strides = [1]} : vector<16xi32> to vector<1xi32>
      %squeeze3A_418 = vector.extract %slice3A_417[0] : i32 from vector<1xi32>
      %max3A_419 = arith.constant 0 : i32
      %max3A_420 = arith.maxsi %squeeze3A_418, %max3A_419 : i32
      %min3A_421 = arith.constant 383 : i32
      %min3A_422 = arith.minsi %max3A_420, %min3A_421 : i32
      %slice3A_423 = vector.extract_strided_slice %get3A_80 {offsets = [11], sizes = [1], strides = [1]} : vector<16xi32> to vector<1xi32>
      %squeeze3A_424 = vector.extract %slice3A_423[0] : i32 from vector<1xi32>
      %max3A_425 = arith.constant 0 : i32
      %max3A_426 = arith.maxsi %squeeze3A_424, %max3A_425 : i32
      %min3A_427 = arith.constant 383 : i32
      %min3A_428 = arith.minsi %max3A_426, %min3A_427 : i32
      %add3A_429 = arith.constant 64 : i32
      %add3A_430 = arith.addi %min3A_422, %add3A_429 : i32
      %min3A_431 = arith.constant 383 : i32
      %min3A_432 = arith.minsi %add3A_430, %min3A_431 : i32
      %add3A_433 = arith.constant 64 : i32
      %add3A_434 = arith.addi %min3A_428, %add3A_433 : i32
      %min3A_435 = arith.constant 383 : i32
      %min3A_436 = arith.minsi %add3A_434, %min3A_435 : i32
      %sub3A_437 = arith.subi %min3A_422, %mul3A_77 : i32
      %max3A_438 = arith.constant 0 : i32
      %max3A_439 = arith.maxsi %sub3A_437, %max3A_438 : i32
      %sub3A_440 = arith.subi %min3A_432, %mul3A_77 : i32
      %min3A_441 = arith.constant 96 : i32
      %min3A_442 = arith.minsi %sub3A_440, %min3A_441 : i32
      %max3A_443 = arith.maxsi %min3A_442, %max3A_439 : i32
      %jit3A_444 = arith.constant 16 : i32
      %div3A_445 = arith.divsi %min3A_428, %jit3A_444 : i32
      %sign3A_446 = arith.constant 0 : i32
      %sign3A_447 = arith.cmpi sgt, %min3A_428, %sign3A_446 : i32
      %sign3A_448 = arith.extui %sign3A_447 : i1 to i32
      %sign3A_449 = arith.constant 0 : i32
      %sign3A_450 = arith.cmpi slt, %min3A_428, %sign3A_449 : i32
      %sign3A_451 = arith.extui %sign3A_450 : i1 to i32
      %sign3A_452 = arith.subi %sign3A_448, %sign3A_451 : i32
      %sign3A_453 = arith.constant 0 : i32
      %sign3A_454 = arith.cmpi sgt, %jit3A_444, %sign3A_453 : i32
      %sign3A_455 = arith.extui %sign3A_454 : i1 to i32
      %sign3A_456 = arith.constant 0 : i32
      %sign3A_457 = arith.cmpi slt, %jit3A_444, %sign3A_456 : i32
      %sign3A_458 = arith.extui %sign3A_457 : i1 to i32
      %sign3A_459 = arith.subi %sign3A_455, %sign3A_458 : i32
      %ne3A_460 = arith.cmpi ne, %sign3A_452, %sign3A_459 : i32
      %rem3A_461 = arith.remsi %min3A_428, %jit3A_444 : i32
      %ne3A_462 = arith.constant 0 : i32
      %ne3A_463 = arith.cmpi ne, %rem3A_461, %ne3A_462 : i32
      %and3A_464 = arith.andi %ne3A_460, %ne3A_463 : i1
      %sub3A_465 = arith.constant 1 : i32
      %sub3A_466 = arith.subi %div3A_445, %sub3A_465 : i32
      %select_n3A_467 = arith.select %and3A_464, %sub3A_466, %div3A_445 : i32
      %mul3A_468 = arith.constant 16 : i32
      %mul3A_469 = arith.muli %select_n3A_467, %mul3A_468 : i32
      %broadcast_in_dim3A_470 = vector.broadcast %min3A_428 : i32 to vector<16xi32>
      %broadcast_in_dim3A_471 = vector.broadcast %min3A_436 : i32 to vector<16xi32>
      %add3A_472 = arith.constant 0 : i32
      %add3A_473 = arith.addi %mul3A_469, %add3A_472 : i32
      %add3A_474 = vector.broadcast %add3A_473 : i32 to vector<16xi32>
      %add3A_475 = arith.addi %add3A_474, %iota3A : vector<16xi32>
      %ge3A_476 = arith.cmpi sge, %add3A_475, %broadcast_in_dim3A_470 : vector<16xi32>
      %lt3A_477 = arith.cmpi slt, %add3A_475, %broadcast_in_dim3A_471 : vector<16xi32>
      %and3A_478 = arith.andi %ge3A_476, %lt3A_477 : vector<16xi1>
      %min3A_479 = arith.constant 383 : i32
      %min3A_480 = vector.broadcast %min3A_479 : i32 to vector<16xi32>
      %min3A_481 = arith.minsi %add3A_475, %min3A_480 : vector<16xi32>
      %add3A_482 = arith.constant 16 : i32
      %add3A_483 = arith.addi %mul3A_469, %add3A_482 : i32
      %add3A_484 = vector.broadcast %add3A_483 : i32 to vector<16xi32>
      %add3A_485 = arith.addi %add3A_484, %iota3A : vector<16xi32>
      %ge3A_486 = arith.cmpi sge, %add3A_485, %broadcast_in_dim3A_470 : vector<16xi32>
      %lt3A_487 = arith.cmpi slt, %add3A_485, %broadcast_in_dim3A_471 : vector<16xi32>
      %and3A_488 = arith.andi %ge3A_486, %lt3A_487 : vector<16xi1>
      %min3A_489 = arith.constant 383 : i32
      %min3A_490 = vector.broadcast %min3A_489 : i32 to vector<16xi32>
      %min3A_491 = arith.minsi %add3A_485, %min3A_490 : vector<16xi32>
      %add3A_492 = arith.constant 32 : i32
      %add3A_493 = arith.addi %mul3A_469, %add3A_492 : i32
      %add3A_494 = vector.broadcast %add3A_493 : i32 to vector<16xi32>
      %add3A_495 = arith.addi %add3A_494, %iota3A : vector<16xi32>
      %ge3A_496 = arith.cmpi sge, %add3A_495, %broadcast_in_dim3A_470 : vector<16xi32>
      %lt3A_497 = arith.cmpi slt, %add3A_495, %broadcast_in_dim3A_471 : vector<16xi32>
      %and3A_498 = arith.andi %ge3A_496, %lt3A_497 : vector<16xi1>
      %min3A_499 = arith.constant 383 : i32
      %min3A_500 = vector.broadcast %min3A_499 : i32 to vector<16xi32>
      %min3A_501 = arith.minsi %add3A_495, %min3A_500 : vector<16xi32>
      %add3A_502 = arith.constant 48 : i32
      %add3A_503 = arith.addi %mul3A_469, %add3A_502 : i32
      %add3A_504 = vector.broadcast %add3A_503 : i32 to vector<16xi32>
      %add3A_505 = arith.addi %add3A_504, %iota3A : vector<16xi32>
      %ge3A_506 = arith.cmpi sge, %add3A_505, %broadcast_in_dim3A_470 : vector<16xi32>
      %lt3A_507 = arith.cmpi slt, %add3A_505, %broadcast_in_dim3A_471 : vector<16xi32>
      %and3A_508 = arith.andi %ge3A_506, %lt3A_507 : vector<16xi1>
      %min3A_509 = arith.constant 383 : i32
      %min3A_510 = vector.broadcast %min3A_509 : i32 to vector<16xi32>
      %min3A_511 = arith.minsi %add3A_505, %min3A_510 : vector<16xi32>
      %add3A_512 = arith.constant 64 : i32
      %add3A_513 = arith.addi %mul3A_469, %add3A_512 : i32
      %add3A_514 = vector.broadcast %add3A_513 : i32 to vector<16xi32>
      %add3A_515 = arith.addi %add3A_514, %iota3A : vector<16xi32>
      %ge3A_516 = arith.cmpi sge, %add3A_515, %broadcast_in_dim3A_470 : vector<16xi32>
      %lt3A_517 = arith.cmpi slt, %add3A_515, %broadcast_in_dim3A_471 : vector<16xi32>
      %and3A_518 = arith.andi %ge3A_516, %lt3A_517 : vector<16xi1>
      %min3A_519 = arith.constant 383 : i32
      %min3A_520 = vector.broadcast %min3A_519 : i32 to vector<16xi32>
      %min3A_521 = arith.minsi %add3A_515, %min3A_520 : vector<16xi32>
      %while3A_522 = arith.constant 0 : i32
      %while3A_523 = arith.subi %max3A_443, %max3A_439 : i32
      %while3A_524 = arith.addi %max3A_439, %while3A_523 : i32
      %while3A_525 = arith.constant 1 : i32
      %while3A_526 = arith.divsi %while3A_523, %while3A_525 : i32
      %while3A_527 = arith.muli %while3A_526, %while3A_525 : i32
      %while3A_528 = arith.addi %max3A_439, %while3A_527 : i32
      %while3A_529 = arith.constant 1 : i32
      scf.for %while3A_3102 = %max3A_439 to %while3A_528 step %while3A_529  : i32 {
        %mul3A_3103 = arith.constant 384 : i32
        %mul3A_3104 = arith.muli %while3A_3102, %mul3A_3103 : i32
        %add3A_3105 = vector.broadcast %mul3A_3104 : i32 to vector<16xi32>
        %add3A_3106 = arith.addi %add3A_3105, %min3A_481 : vector<16xi32>
        tpu.vector_store_idx %arg5[%add3A_3106], %broadcast_in_dim3A_5 masked %and3A_478 : memref<36864xf32, #tpu.memory_space<vmem>>[vector<16xi32>], vector<16xf32>, vector<16xi1>
        %add3A_3107 = vector.broadcast %mul3A_3104 : i32 to vector<16xi32>
        %add3A_3108 = arith.addi %add3A_3107, %min3A_491 : vector<16xi32>
        tpu.vector_store_idx %arg5[%add3A_3108], %broadcast_in_dim3A_5 masked %and3A_488 : memref<36864xf32, #tpu.memory_space<vmem>>[vector<16xi32>], vector<16xf32>, vector<16xi1>
        %add3A_3109 = vector.broadcast %mul3A_3104 : i32 to vector<16xi32>
        %add3A_3110 = arith.addi %add3A_3109, %min3A_501 : vector<16xi32>
        tpu.vector_store_idx %arg5[%add3A_3110], %broadcast_in_dim3A_5 masked %and3A_498 : memref<36864xf32, #tpu.memory_space<vmem>>[vector<16xi32>], vector<16xf32>, vector<16xi1>
        %add3A_3111 = vector.broadcast %mul3A_3104 : i32 to vector<16xi32>
        %add3A_3112 = arith.addi %add3A_3111, %min3A_511 : vector<16xi32>
        tpu.vector_store_idx %arg5[%add3A_3112], %broadcast_in_dim3A_5 masked %and3A_508 : memref<36864xf32, #tpu.memory_space<vmem>>[vector<16xi32>], vector<16xf32>, vector<16xi1>
        %add3A_3113 = vector.broadcast %mul3A_3104 : i32 to vector<16xi32>
        %add3A_3114 = arith.addi %add3A_3113, %min3A_521 : vector<16xi32>
        tpu.vector_store_idx %arg5[%add3A_3114], %broadcast_in_dim3A_5 masked %and3A_518 : memref<36864xf32, #tpu.memory_space<vmem>>[vector<16xi32>], vector<16xf32>, vector<16xi1>
      }
      %while3A_530 = arith.constant 1 : i32
      scf.for %while3A_3102 = %while3A_528 to %while3A_524 step %while3A_530  : i32 {
        %mul3A_3103 = arith.constant 384 : i32
        %mul3A_3104 = arith.muli %while3A_3102, %mul3A_3103 : i32
        %add3A_3105 = vector.broadcast %mul3A_3104 : i32 to vector<16xi32>
        %add3A_3106 = arith.addi %add3A_3105, %min3A_481 : vector<16xi32>
        tpu.vector_store_idx %arg5[%add3A_3106], %broadcast_in_dim3A_5 masked %and3A_478 : memref<36864xf32, #tpu.memory_space<vmem>>[vector<16xi32>], vector<16xf32>, vector<16xi1>
        %add3A_3107 = vector.broadcast %mul3A_3104 : i32 to vector<16xi32>
        %add3A_3108 = arith.addi %add3A_3107, %min3A_491 : vector<16xi32>
        tpu.vector_store_idx %arg5[%add3A_3108], %broadcast_in_dim3A_5 masked %and3A_488 : memref<36864xf32, #tpu.memory_space<vmem>>[vector<16xi32>], vector<16xf32>, vector<16xi1>
        %add3A_3109 = vector.broadcast %mul3A_3104 : i32 to vector<16xi32>
        %add3A_3110 = arith.addi %add3A_3109, %min3A_501 : vector<16xi32>
        tpu.vector_store_idx %arg5[%add3A_3110], %broadcast_in_dim3A_5 masked %and3A_498 : memref<36864xf32, #tpu.memory_space<vmem>>[vector<16xi32>], vector<16xf32>, vector<16xi1>
        %add3A_3111 = vector.broadcast %mul3A_3104 : i32 to vector<16xi32>
        %add3A_3112 = arith.addi %add3A_3111, %min3A_511 : vector<16xi32>
        tpu.vector_store_idx %arg5[%add3A_3112], %broadcast_in_dim3A_5 masked %and3A_508 : memref<36864xf32, #tpu.memory_space<vmem>>[vector<16xi32>], vector<16xf32>, vector<16xi1>
        %add3A_3113 = vector.broadcast %mul3A_3104 : i32 to vector<16xi32>
        %add3A_3114 = arith.addi %add3A_3113, %min3A_521 : vector<16xi32>
        tpu.vector_store_idx %arg5[%add3A_3114], %broadcast_in_dim3A_5 masked %and3A_518 : memref<36864xf32, #tpu.memory_space<vmem>>[vector<16xi32>], vector<16xf32>, vector<16xi1>
      }
      %slice3A_531 = vector.extract_strided_slice %get3A_80 {offsets = [4], sizes = [1], strides = [1]} : vector<16xi32> to vector<1xi32>
      %squeeze3A_532 = vector.extract %slice3A_531[0] : i32 from vector<1xi32>
      %max3A_533 = arith.constant 0 : i32
      %max3A_534 = arith.maxsi %squeeze3A_532, %max3A_533 : i32
      %min3A_535 = arith.constant 383 : i32
      %min3A_536 = arith.minsi %max3A_534, %min3A_535 : i32
      %slice3A_537 = vector.extract_strided_slice %get3A_80 {offsets = [12], sizes = [1], strides = [1]} : vector<16xi32> to vector<1xi32>
      %squeeze3A_538 = vector.extract %slice3A_537[0] : i32 from vector<1xi32>
      %max3A_539 = arith.constant 0 : i32
      %max3A_540 = arith.maxsi %squeeze3A_538, %max3A_539 : i32
      %min3A_541 = arith.constant 383 : i32
      %min3A_542 = arith.minsi %max3A_540, %min3A_541 : i32
      %add3A_543 = arith.constant 64 : i32
      %add3A_544 = arith.addi %min3A_536, %add3A_543 : i32
      %min3A_545 = arith.constant 383 : i32
      %min3A_546 = arith.minsi %add3A_544, %min3A_545 : i32
      %add3A_547 = arith.constant 64 : i32
      %add3A_548 = arith.addi %min3A_542, %add3A_547 : i32
      %min3A_549 = arith.constant 383 : i32
      %min3A_550 = arith.minsi %add3A_548, %min3A_549 : i32
      %sub3A_551 = arith.subi %min3A_536, %mul3A_77 : i32
      %max3A_552 = arith.constant 0 : i32
      %max3A_553 = arith.maxsi %sub3A_551, %max3A_552 : i32
      %sub3A_554 = arith.subi %min3A_546, %mul3A_77 : i32
      %min3A_555 = arith.constant 96 : i32
      %min3A_556 = arith.minsi %sub3A_554, %min3A_555 : i32
      %max3A_557 = arith.maxsi %min3A_556, %max3A_553 : i32
      %jit3A_558 = arith.constant 16 : i32
      %div3A_559 = arith.divsi %min3A_542, %jit3A_558 : i32
      %sign3A_560 = arith.constant 0 : i32
      %sign3A_561 = arith.cmpi sgt, %min3A_542, %sign3A_560 : i32
      %sign3A_562 = arith.extui %sign3A_561 : i1 to i32
      %sign3A_563 = arith.constant 0 : i32
      %sign3A_564 = arith.cmpi slt, %min3A_542, %sign3A_563 : i32
      %sign3A_565 = arith.extui %sign3A_564 : i1 to i32
      %sign3A_566 = arith.subi %sign3A_562, %sign3A_565 : i32
      %sign3A_567 = arith.constant 0 : i32
      %sign3A_568 = arith.cmpi sgt, %jit3A_558, %sign3A_567 : i32
      %sign3A_569 = arith.extui %sign3A_568 : i1 to i32
      %sign3A_570 = arith.constant 0 : i32
      %sign3A_571 = arith.cmpi slt, %jit3A_558, %sign3A_570 : i32
      %sign3A_572 = arith.extui %sign3A_571 : i1 to i32
      %sign3A_573 = arith.subi %sign3A_569, %sign3A_572 : i32
      %ne3A_574 = arith.cmpi ne, %sign3A_566, %sign3A_573 : i32
      %rem3A_575 = arith.remsi %min3A_542, %jit3A_558 : i32
      %ne3A_576 = arith.constant 0 : i32
      %ne3A_577 = arith.cmpi ne, %rem3A_575, %ne3A_576 : i32
      %and3A_578 = arith.andi %ne3A_574, %ne3A_577 : i1
      %sub3A_579 = arith.constant 1 : i32
      %sub3A_580 = arith.subi %div3A_559, %sub3A_579 : i32
      %select_n3A_581 = arith.select %and3A_578, %sub3A_580, %div3A_559 : i32
      %mul3A_582 = arith.constant 16 : i32
      %mul3A_583 = arith.muli %select_n3A_581, %mul3A_582 : i32
      %broadcast_in_dim3A_584 = vector.broadcast %min3A_542 : i32 to vector<16xi32>
      %broadcast_in_dim3A_585 = vector.broadcast %min3A_550 : i32 to vector<16xi32>
      %add3A_586 = arith.constant 0 : i32
      %add3A_587 = arith.addi %mul3A_583, %add3A_586 : i32
      %add3A_588 = vector.broadcast %add3A_587 : i32 to vector<16xi32>
      %add3A_589 = arith.addi %add3A_588, %iota3A : vector<16xi32>
      %ge3A_590 = arith.cmpi sge, %add3A_589, %broadcast_in_dim3A_584 : vector<16xi32>
      %lt3A_591 = arith.cmpi slt, %add3A_589, %broadcast_in_dim3A_585 : vector<16xi32>
      %and3A_592 = arith.andi %ge3A_590, %lt3A_591 : vector<16xi1>
      %min3A_593 = arith.constant 383 : i32
      %min3A_594 = vector.broadcast %min3A_593 : i32 to vector<16xi32>
      %min3A_595 = arith.minsi %add3A_589, %min3A_594 : vector<16xi32>
      %add3A_596 = arith.constant 16 : i32
      %add3A_597 = arith.addi %mul3A_583, %add3A_596 : i32
      %add3A_598 = vector.broadcast %add3A_597 : i32 to vector<16xi32>
      %add3A_599 = arith.addi %add3A_598, %iota3A : vector<16xi32>
      %ge3A_600 = arith.cmpi sge, %add3A_599, %broadcast_in_dim3A_584 : vector<16xi32>
      %lt3A_601 = arith.cmpi slt, %add3A_599, %broadcast_in_dim3A_585 : vector<16xi32>
      %and3A_602 = arith.andi %ge3A_600, %lt3A_601 : vector<16xi1>
      %min3A_603 = arith.constant 383 : i32
      %min3A_604 = vector.broadcast %min3A_603 : i32 to vector<16xi32>
      %min3A_605 = arith.minsi %add3A_599, %min3A_604 : vector<16xi32>
      %add3A_606 = arith.constant 32 : i32
      %add3A_607 = arith.addi %mul3A_583, %add3A_606 : i32
      %add3A_608 = vector.broadcast %add3A_607 : i32 to vector<16xi32>
      %add3A_609 = arith.addi %add3A_608, %iota3A : vector<16xi32>
      %ge3A_610 = arith.cmpi sge, %add3A_609, %broadcast_in_dim3A_584 : vector<16xi32>
      %lt3A_611 = arith.cmpi slt, %add3A_609, %broadcast_in_dim3A_585 : vector<16xi32>
      %and3A_612 = arith.andi %ge3A_610, %lt3A_611 : vector<16xi1>
      %min3A_613 = arith.constant 383 : i32
      %min3A_614 = vector.broadcast %min3A_613 : i32 to vector<16xi32>
      %min3A_615 = arith.minsi %add3A_609, %min3A_614 : vector<16xi32>
      %add3A_616 = arith.constant 48 : i32
      %add3A_617 = arith.addi %mul3A_583, %add3A_616 : i32
      %add3A_618 = vector.broadcast %add3A_617 : i32 to vector<16xi32>
      %add3A_619 = arith.addi %add3A_618, %iota3A : vector<16xi32>
      %ge3A_620 = arith.cmpi sge, %add3A_619, %broadcast_in_dim3A_584 : vector<16xi32>
      %lt3A_621 = arith.cmpi slt, %add3A_619, %broadcast_in_dim3A_585 : vector<16xi32>
      %and3A_622 = arith.andi %ge3A_620, %lt3A_621 : vector<16xi1>
      %min3A_623 = arith.constant 383 : i32
      %min3A_624 = vector.broadcast %min3A_623 : i32 to vector<16xi32>
      %min3A_625 = arith.minsi %add3A_619, %min3A_624 : vector<16xi32>
      %add3A_626 = arith.constant 64 : i32
      %add3A_627 = arith.addi %mul3A_583, %add3A_626 : i32
      %add3A_628 = vector.broadcast %add3A_627 : i32 to vector<16xi32>
      %add3A_629 = arith.addi %add3A_628, %iota3A : vector<16xi32>
      %ge3A_630 = arith.cmpi sge, %add3A_629, %broadcast_in_dim3A_584 : vector<16xi32>
      %lt3A_631 = arith.cmpi slt, %add3A_629, %broadcast_in_dim3A_585 : vector<16xi32>
      %and3A_632 = arith.andi %ge3A_630, %lt3A_631 : vector<16xi1>
      %min3A_633 = arith.constant 383 : i32
      %min3A_634 = vector.broadcast %min3A_633 : i32 to vector<16xi32>
      %min3A_635 = arith.minsi %add3A_629, %min3A_634 : vector<16xi32>
      %while3A_636 = arith.constant 0 : i32
      %while3A_637 = arith.subi %max3A_557, %max3A_553 : i32
      %while3A_638 = arith.addi %max3A_553, %while3A_637 : i32
      %while3A_639 = arith.constant 1 : i32
      %while3A_640 = arith.divsi %while3A_637, %while3A_639 : i32
      %while3A_641 = arith.muli %while3A_640, %while3A_639 : i32
      %while3A_642 = arith.addi %max3A_553, %while3A_641 : i32
      %while3A_643 = arith.constant 1 : i32
      scf.for %while3A_3102 = %max3A_553 to %while3A_642 step %while3A_643  : i32 {
        %mul3A_3103 = arith.constant 384 : i32
        %mul3A_3104 = arith.muli %while3A_3102, %mul3A_3103 : i32
        %add3A_3105 = vector.broadcast %mul3A_3104 : i32 to vector<16xi32>
        %add3A_3106 = arith.addi %add3A_3105, %min3A_595 : vector<16xi32>
        tpu.vector_store_idx %arg5[%add3A_3106], %broadcast_in_dim3A_5 masked %and3A_592 : memref<36864xf32, #tpu.memory_space<vmem>>[vector<16xi32>], vector<16xf32>, vector<16xi1>
        %add3A_3107 = vector.broadcast %mul3A_3104 : i32 to vector<16xi32>
        %add3A_3108 = arith.addi %add3A_3107, %min3A_605 : vector<16xi32>
        tpu.vector_store_idx %arg5[%add3A_3108], %broadcast_in_dim3A_5 masked %and3A_602 : memref<36864xf32, #tpu.memory_space<vmem>>[vector<16xi32>], vector<16xf32>, vector<16xi1>
        %add3A_3109 = vector.broadcast %mul3A_3104 : i32 to vector<16xi32>
        %add3A_3110 = arith.addi %add3A_3109, %min3A_615 : vector<16xi32>
        tpu.vector_store_idx %arg5[%add3A_3110], %broadcast_in_dim3A_5 masked %and3A_612 : memref<36864xf32, #tpu.memory_space<vmem>>[vector<16xi32>], vector<16xf32>, vector<16xi1>
        %add3A_3111 = vector.broadcast %mul3A_3104 : i32 to vector<16xi32>
        %add3A_3112 = arith.addi %add3A_3111, %min3A_625 : vector<16xi32>
        tpu.vector_store_idx %arg5[%add3A_3112], %broadcast_in_dim3A_5 masked %and3A_622 : memref<36864xf32, #tpu.memory_space<vmem>>[vector<16xi32>], vector<16xf32>, vector<16xi1>
        %add3A_3113 = vector.broadcast %mul3A_3104 : i32 to vector<16xi32>
        %add3A_3114 = arith.addi %add3A_3113, %min3A_635 : vector<16xi32>
        tpu.vector_store_idx %arg5[%add3A_3114], %broadcast_in_dim3A_5 masked %and3A_632 : memref<36864xf32, #tpu.memory_space<vmem>>[vector<16xi32>], vector<16xf32>, vector<16xi1>
      }
      %while3A_644 = arith.constant 1 : i32
      scf.for %while3A_3102 = %while3A_642 to %while3A_638 step %while3A_644  : i32 {
        %mul3A_3103 = arith.constant 384 : i32
        %mul3A_3104 = arith.muli %while3A_3102, %mul3A_3103 : i32
        %add3A_3105 = vector.broadcast %mul3A_3104 : i32 to vector<16xi32>
        %add3A_3106 = arith.addi %add3A_3105, %min3A_595 : vector<16xi32>
        tpu.vector_store_idx %arg5[%add3A_3106], %broadcast_in_dim3A_5 masked %and3A_592 : memref<36864xf32, #tpu.memory_space<vmem>>[vector<16xi32>], vector<16xf32>, vector<16xi1>
        %add3A_3107 = vector.broadcast %mul3A_3104 : i32 to vector<16xi32>
        %add3A_3108 = arith.addi %add3A_3107, %min3A_605 : vector<16xi32>
        tpu.vector_store_idx %arg5[%add3A_3108], %broadcast_in_dim3A_5 masked %and3A_602 : memref<36864xf32, #tpu.memory_space<vmem>>[vector<16xi32>], vector<16xf32>, vector<16xi1>
        %add3A_3109 = vector.broadcast %mul3A_3104 : i32 to vector<16xi32>
        %add3A_3110 = arith.addi %add3A_3109, %min3A_615 : vector<16xi32>
        tpu.vector_store_idx %arg5[%add3A_3110], %broadcast_in_dim3A_5 masked %and3A_612 : memref<36864xf32, #tpu.memory_space<vmem>>[vector<16xi32>], vector<16xf32>, vector<16xi1>
        %add3A_3111 = vector.broadcast %mul3A_3104 : i32 to vector<16xi32>
        %add3A_3112 = arith.addi %add3A_3111, %min3A_625 : vector<16xi32>
        tpu.vector_store_idx %arg5[%add3A_3112], %broadcast_in_dim3A_5 masked %and3A_622 : memref<36864xf32, #tpu.memory_space<vmem>>[vector<16xi32>], vector<16xf32>, vector<16xi1>
        %add3A_3113 = vector.broadcast %mul3A_3104 : i32 to vector<16xi32>
        %add3A_3114 = arith.addi %add3A_3113, %min3A_635 : vector<16xi32>
        tpu.vector_store_idx %arg5[%add3A_3114], %broadcast_in_dim3A_5 masked %and3A_632 : memref<36864xf32, #tpu.memory_space<vmem>>[vector<16xi32>], vector<16xf32>, vector<16xi1>
      }
      %slice3A_645 = vector.extract_strided_slice %get3A_80 {offsets = [5], sizes = [1], strides = [1]} : vector<16xi32> to vector<1xi32>
      %squeeze3A_646 = vector.extract %slice3A_645[0] : i32 from vector<1xi32>
      %max3A_647 = arith.constant 0 : i32
      %max3A_648 = arith.maxsi %squeeze3A_646, %max3A_647 : i32
      %min3A_649 = arith.constant 383 : i32
      %min3A_650 = arith.minsi %max3A_648, %min3A_649 : i32
      %slice3A_651 = vector.extract_strided_slice %get3A_80 {offsets = [13], sizes = [1], strides = [1]} : vector<16xi32> to vector<1xi32>
      %squeeze3A_652 = vector.extract %slice3A_651[0] : i32 from vector<1xi32>
      %max3A_653 = arith.constant 0 : i32
      %max3A_654 = arith.maxsi %squeeze3A_652, %max3A_653 : i32
      %min3A_655 = arith.constant 383 : i32
      %min3A_656 = arith.minsi %max3A_654, %min3A_655 : i32
      %add3A_657 = arith.constant 64 : i32
      %add3A_658 = arith.addi %min3A_650, %add3A_657 : i32
      %min3A_659 = arith.constant 383 : i32
      %min3A_660 = arith.minsi %add3A_658, %min3A_659 : i32
      %add3A_661 = arith.constant 64 : i32
      %add3A_662 = arith.addi %min3A_656, %add3A_661 : i32
      %min3A_663 = arith.constant 383 : i32
      %min3A_664 = arith.minsi %add3A_662, %min3A_663 : i32
      %sub3A_665 = arith.subi %min3A_650, %mul3A_77 : i32
      %max3A_666 = arith.constant 0 : i32
      %max3A_667 = arith.maxsi %sub3A_665, %max3A_666 : i32
      %sub3A_668 = arith.subi %min3A_660, %mul3A_77 : i32
      %min3A_669 = arith.constant 96 : i32
      %min3A_670 = arith.minsi %sub3A_668, %min3A_669 : i32
      %max3A_671 = arith.maxsi %min3A_670, %max3A_667 : i32
      %jit3A_672 = arith.constant 16 : i32
      %div3A_673 = arith.divsi %min3A_656, %jit3A_672 : i32
      %sign3A_674 = arith.constant 0 : i32
      %sign3A_675 = arith.cmpi sgt, %min3A_656, %sign3A_674 : i32
      %sign3A_676 = arith.extui %sign3A_675 : i1 to i32
      %sign3A_677 = arith.constant 0 : i32
      %sign3A_678 = arith.cmpi slt, %min3A_656, %sign3A_677 : i32
      %sign3A_679 = arith.extui %sign3A_678 : i1 to i32
      %sign3A_680 = arith.subi %sign3A_676, %sign3A_679 : i32
      %sign3A_681 = arith.constant 0 : i32
      %sign3A_682 = arith.cmpi sgt, %jit3A_672, %sign3A_681 : i32
      %sign3A_683 = arith.extui %sign3A_682 : i1 to i32
      %sign3A_684 = arith.constant 0 : i32
      %sign3A_685 = arith.cmpi slt, %jit3A_672, %sign3A_684 : i32
      %sign3A_686 = arith.extui %sign3A_685 : i1 to i32
      %sign3A_687 = arith.subi %sign3A_683, %sign3A_686 : i32
      %ne3A_688 = arith.cmpi ne, %sign3A_680, %sign3A_687 : i32
      %rem3A_689 = arith.remsi %min3A_656, %jit3A_672 : i32
      %ne3A_690 = arith.constant 0 : i32
      %ne3A_691 = arith.cmpi ne, %rem3A_689, %ne3A_690 : i32
      %and3A_692 = arith.andi %ne3A_688, %ne3A_691 : i1
      %sub3A_693 = arith.constant 1 : i32
      %sub3A_694 = arith.subi %div3A_673, %sub3A_693 : i32
      %select_n3A_695 = arith.select %and3A_692, %sub3A_694, %div3A_673 : i32
      %mul3A_696 = arith.constant 16 : i32
      %mul3A_697 = arith.muli %select_n3A_695, %mul3A_696 : i32
      %broadcast_in_dim3A_698 = vector.broadcast %min3A_656 : i32 to vector<16xi32>
      %broadcast_in_dim3A_699 = vector.broadcast %min3A_664 : i32 to vector<16xi32>
      %add3A_700 = arith.constant 0 : i32
      %add3A_701 = arith.addi %mul3A_697, %add3A_700 : i32
      %add3A_702 = vector.broadcast %add3A_701 : i32 to vector<16xi32>
      %add3A_703 = arith.addi %add3A_702, %iota3A : vector<16xi32>
      %ge3A_704 = arith.cmpi sge, %add3A_703, %broadcast_in_dim3A_698 : vector<16xi32>
      %lt3A_705 = arith.cmpi slt, %add3A_703, %broadcast_in_dim3A_699 : vector<16xi32>
      %and3A_706 = arith.andi %ge3A_704, %lt3A_705 : vector<16xi1>
      %min3A_707 = arith.constant 383 : i32
      %min3A_708 = vector.broadcast %min3A_707 : i32 to vector<16xi32>
      %min3A_709 = arith.minsi %add3A_703, %min3A_708 : vector<16xi32>
      %add3A_710 = arith.constant 16 : i32
      %add3A_711 = arith.addi %mul3A_697, %add3A_710 : i32
      %add3A_712 = vector.broadcast %add3A_711 : i32 to vector<16xi32>
      %add3A_713 = arith.addi %add3A_712, %iota3A : vector<16xi32>
      %ge3A_714 = arith.cmpi sge, %add3A_713, %broadcast_in_dim3A_698 : vector<16xi32>
      %lt3A_715 = arith.cmpi slt, %add3A_713, %broadcast_in_dim3A_699 : vector<16xi32>
      %and3A_716 = arith.andi %ge3A_714, %lt3A_715 : vector<16xi1>
      %min3A_717 = arith.constant 383 : i32
      %min3A_718 = vector.broadcast %min3A_717 : i32 to vector<16xi32>
      %min3A_719 = arith.minsi %add3A_713, %min3A_718 : vector<16xi32>
      %add3A_720 = arith.constant 32 : i32
      %add3A_721 = arith.addi %mul3A_697, %add3A_720 : i32
      %add3A_722 = vector.broadcast %add3A_721 : i32 to vector<16xi32>
      %add3A_723 = arith.addi %add3A_722, %iota3A : vector<16xi32>
      %ge3A_724 = arith.cmpi sge, %add3A_723, %broadcast_in_dim3A_698 : vector<16xi32>
      %lt3A_725 = arith.cmpi slt, %add3A_723, %broadcast_in_dim3A_699 : vector<16xi32>
      %and3A_726 = arith.andi %ge3A_724, %lt3A_725 : vector<16xi1>
      %min3A_727 = arith.constant 383 : i32
      %min3A_728 = vector.broadcast %min3A_727 : i32 to vector<16xi32>
      %min3A_729 = arith.minsi %add3A_723, %min3A_728 : vector<16xi32>
      %add3A_730 = arith.constant 48 : i32
      %add3A_731 = arith.addi %mul3A_697, %add3A_730 : i32
      %add3A_732 = vector.broadcast %add3A_731 : i32 to vector<16xi32>
      %add3A_733 = arith.addi %add3A_732, %iota3A : vector<16xi32>
      %ge3A_734 = arith.cmpi sge, %add3A_733, %broadcast_in_dim3A_698 : vector<16xi32>
      %lt3A_735 = arith.cmpi slt, %add3A_733, %broadcast_in_dim3A_699 : vector<16xi32>
      %and3A_736 = arith.andi %ge3A_734, %lt3A_735 : vector<16xi1>
      %min3A_737 = arith.constant 383 : i32
      %min3A_738 = vector.broadcast %min3A_737 : i32 to vector<16xi32>
      %min3A_739 = arith.minsi %add3A_733, %min3A_738 : vector<16xi32>
      %add3A_740 = arith.constant 64 : i32
      %add3A_741 = arith.addi %mul3A_697, %add3A_740 : i32
      %add3A_742 = vector.broadcast %add3A_741 : i32 to vector<16xi32>
      %add3A_743 = arith.addi %add3A_742, %iota3A : vector<16xi32>
      %ge3A_744 = arith.cmpi sge, %add3A_743, %broadcast_in_dim3A_698 : vector<16xi32>
      %lt3A_745 = arith.cmpi slt, %add3A_743, %broadcast_in_dim3A_699 : vector<16xi32>
      %and3A_746 = arith.andi %ge3A_744, %lt3A_745 : vector<16xi1>
      %min3A_747 = arith.constant 383 : i32
      %min3A_748 = vector.broadcast %min3A_747 : i32 to vector<16xi32>
      %min3A_749 = arith.minsi %add3A_743, %min3A_748 : vector<16xi32>
      %while3A_750 = arith.constant 0 : i32
      %while3A_751 = arith.subi %max3A_671, %max3A_667 : i32
      %while3A_752 = arith.addi %max3A_667, %while3A_751 : i32
      %while3A_753 = arith.constant 1 : i32
      %while3A_754 = arith.divsi %while3A_751, %while3A_753 : i32
      %while3A_755 = arith.muli %while3A_754, %while3A_753 : i32
      %while3A_756 = arith.addi %max3A_667, %while3A_755 : i32
      %while3A_757 = arith.constant 1 : i32
      scf.for %while3A_3102 = %max3A_667 to %while3A_756 step %while3A_757  : i32 {
        %mul3A_3103 = arith.constant 384 : i32
        %mul3A_3104 = arith.muli %while3A_3102, %mul3A_3103 : i32
        %add3A_3105 = vector.broadcast %mul3A_3104 : i32 to vector<16xi32>
        %add3A_3106 = arith.addi %add3A_3105, %min3A_709 : vector<16xi32>
        tpu.vector_store_idx %arg5[%add3A_3106], %broadcast_in_dim3A_5 masked %and3A_706 : memref<36864xf32, #tpu.memory_space<vmem>>[vector<16xi32>], vector<16xf32>, vector<16xi1>
        %add3A_3107 = vector.broadcast %mul3A_3104 : i32 to vector<16xi32>
        %add3A_3108 = arith.addi %add3A_3107, %min3A_719 : vector<16xi32>
        tpu.vector_store_idx %arg5[%add3A_3108], %broadcast_in_dim3A_5 masked %and3A_716 : memref<36864xf32, #tpu.memory_space<vmem>>[vector<16xi32>], vector<16xf32>, vector<16xi1>
        %add3A_3109 = vector.broadcast %mul3A_3104 : i32 to vector<16xi32>
        %add3A_3110 = arith.addi %add3A_3109, %min3A_729 : vector<16xi32>
        tpu.vector_store_idx %arg5[%add3A_3110], %broadcast_in_dim3A_5 masked %and3A_726 : memref<36864xf32, #tpu.memory_space<vmem>>[vector<16xi32>], vector<16xf32>, vector<16xi1>
        %add3A_3111 = vector.broadcast %mul3A_3104 : i32 to vector<16xi32>
        %add3A_3112 = arith.addi %add3A_3111, %min3A_739 : vector<16xi32>
        tpu.vector_store_idx %arg5[%add3A_3112], %broadcast_in_dim3A_5 masked %and3A_736 : memref<36864xf32, #tpu.memory_space<vmem>>[vector<16xi32>], vector<16xf32>, vector<16xi1>
        %add3A_3113 = vector.broadcast %mul3A_3104 : i32 to vector<16xi32>
        %add3A_3114 = arith.addi %add3A_3113, %min3A_749 : vector<16xi32>
        tpu.vector_store_idx %arg5[%add3A_3114], %broadcast_in_dim3A_5 masked %and3A_746 : memref<36864xf32, #tpu.memory_space<vmem>>[vector<16xi32>], vector<16xf32>, vector<16xi1>
      }
      %while3A_758 = arith.constant 1 : i32
      scf.for %while3A_3102 = %while3A_756 to %while3A_752 step %while3A_758  : i32 {
        %mul3A_3103 = arith.constant 384 : i32
        %mul3A_3104 = arith.muli %while3A_3102, %mul3A_3103 : i32
        %add3A_3105 = vector.broadcast %mul3A_3104 : i32 to vector<16xi32>
        %add3A_3106 = arith.addi %add3A_3105, %min3A_709 : vector<16xi32>
        tpu.vector_store_idx %arg5[%add3A_3106], %broadcast_in_dim3A_5 masked %and3A_706 : memref<36864xf32, #tpu.memory_space<vmem>>[vector<16xi32>], vector<16xf32>, vector<16xi1>
        %add3A_3107 = vector.broadcast %mul3A_3104 : i32 to vector<16xi32>
        %add3A_3108 = arith.addi %add3A_3107, %min3A_719 : vector<16xi32>
        tpu.vector_store_idx %arg5[%add3A_3108], %broadcast_in_dim3A_5 masked %and3A_716 : memref<36864xf32, #tpu.memory_space<vmem>>[vector<16xi32>], vector<16xf32>, vector<16xi1>
        %add3A_3109 = vector.broadcast %mul3A_3104 : i32 to vector<16xi32>
        %add3A_3110 = arith.addi %add3A_3109, %min3A_729 : vector<16xi32>
        tpu.vector_store_idx %arg5[%add3A_3110], %broadcast_in_dim3A_5 masked %and3A_726 : memref<36864xf32, #tpu.memory_space<vmem>>[vector<16xi32>], vector<16xf32>, vector<16xi1>
        %add3A_3111 = vector.broadcast %mul3A_3104 : i32 to vector<16xi32>
        %add3A_3112 = arith.addi %add3A_3111, %min3A_739 : vector<16xi32>
        tpu.vector_store_idx %arg5[%add3A_3112], %broadcast_in_dim3A_5 masked %and3A_736 : memref<36864xf32, #tpu.memory_space<vmem>>[vector<16xi32>], vector<16xf32>, vector<16xi1>
        %add3A_3113 = vector.broadcast %mul3A_3104 : i32 to vector<16xi32>
        %add3A_3114 = arith.addi %add3A_3113, %min3A_749 : vector<16xi32>
        tpu.vector_store_idx %arg5[%add3A_3114], %broadcast_in_dim3A_5 masked %and3A_746 : memref<36864xf32, #tpu.memory_space<vmem>>[vector<16xi32>], vector<16xf32>, vector<16xi1>
      }
      %slice3A_759 = vector.extract_strided_slice %get3A_80 {offsets = [6], sizes = [1], strides = [1]} : vector<16xi32> to vector<1xi32>
      %squeeze3A_760 = vector.extract %slice3A_759[0] : i32 from vector<1xi32>
      %max3A_761 = arith.constant 0 : i32
      %max3A_762 = arith.maxsi %squeeze3A_760, %max3A_761 : i32
      %min3A_763 = arith.constant 383 : i32
      %min3A_764 = arith.minsi %max3A_762, %min3A_763 : i32
      %slice3A_765 = vector.extract_strided_slice %get3A_80 {offsets = [14], sizes = [1], strides = [1]} : vector<16xi32> to vector<1xi32>
      %squeeze3A_766 = vector.extract %slice3A_765[0] : i32 from vector<1xi32>
      %max3A_767 = arith.constant 0 : i32
      %max3A_768 = arith.maxsi %squeeze3A_766, %max3A_767 : i32
      %min3A_769 = arith.constant 383 : i32
      %min3A_770 = arith.minsi %max3A_768, %min3A_769 : i32
      %add3A_771 = arith.constant 64 : i32
      %add3A_772 = arith.addi %min3A_764, %add3A_771 : i32
      %min3A_773 = arith.constant 383 : i32
      %min3A_774 = arith.minsi %add3A_772, %min3A_773 : i32
      %add3A_775 = arith.constant 64 : i32
      %add3A_776 = arith.addi %min3A_770, %add3A_775 : i32
      %min3A_777 = arith.constant 383 : i32
      %min3A_778 = arith.minsi %add3A_776, %min3A_777 : i32
      %sub3A_779 = arith.subi %min3A_764, %mul3A_77 : i32
      %max3A_780 = arith.constant 0 : i32
      %max3A_781 = arith.maxsi %sub3A_779, %max3A_780 : i32
      %sub3A_782 = arith.subi %min3A_774, %mul3A_77 : i32
      %min3A_783 = arith.constant 96 : i32
      %min3A_784 = arith.minsi %sub3A_782, %min3A_783 : i32
      %max3A_785 = arith.maxsi %min3A_784, %max3A_781 : i32
      %jit3A_786 = arith.constant 16 : i32
      %div3A_787 = arith.divsi %min3A_770, %jit3A_786 : i32
      %sign3A_788 = arith.constant 0 : i32
      %sign3A_789 = arith.cmpi sgt, %min3A_770, %sign3A_788 : i32
      %sign3A_790 = arith.extui %sign3A_789 : i1 to i32
      %sign3A_791 = arith.constant 0 : i32
      %sign3A_792 = arith.cmpi slt, %min3A_770, %sign3A_791 : i32
      %sign3A_793 = arith.extui %sign3A_792 : i1 to i32
      %sign3A_794 = arith.subi %sign3A_790, %sign3A_793 : i32
      %sign3A_795 = arith.constant 0 : i32
      %sign3A_796 = arith.cmpi sgt, %jit3A_786, %sign3A_795 : i32
      %sign3A_797 = arith.extui %sign3A_796 : i1 to i32
      %sign3A_798 = arith.constant 0 : i32
      %sign3A_799 = arith.cmpi slt, %jit3A_786, %sign3A_798 : i32
      %sign3A_800 = arith.extui %sign3A_799 : i1 to i32
      %sign3A_801 = arith.subi %sign3A_797, %sign3A_800 : i32
      %ne3A_802 = arith.cmpi ne, %sign3A_794, %sign3A_801 : i32
      %rem3A_803 = arith.remsi %min3A_770, %jit3A_786 : i32
      %ne3A_804 = arith.constant 0 : i32
      %ne3A_805 = arith.cmpi ne, %rem3A_803, %ne3A_804 : i32
      %and3A_806 = arith.andi %ne3A_802, %ne3A_805 : i1
      %sub3A_807 = arith.constant 1 : i32
      %sub3A_808 = arith.subi %div3A_787, %sub3A_807 : i32
      %select_n3A_809 = arith.select %and3A_806, %sub3A_808, %div3A_787 : i32
      %mul3A_810 = arith.constant 16 : i32
      %mul3A_811 = arith.muli %select_n3A_809, %mul3A_810 : i32
      %broadcast_in_dim3A_812 = vector.broadcast %min3A_770 : i32 to vector<16xi32>
      %broadcast_in_dim3A_813 = vector.broadcast %min3A_778 : i32 to vector<16xi32>
      %add3A_814 = arith.constant 0 : i32
      %add3A_815 = arith.addi %mul3A_811, %add3A_814 : i32
      %add3A_816 = vector.broadcast %add3A_815 : i32 to vector<16xi32>
      %add3A_817 = arith.addi %add3A_816, %iota3A : vector<16xi32>
      %ge3A_818 = arith.cmpi sge, %add3A_817, %broadcast_in_dim3A_812 : vector<16xi32>
      %lt3A_819 = arith.cmpi slt, %add3A_817, %broadcast_in_dim3A_813 : vector<16xi32>
      %and3A_820 = arith.andi %ge3A_818, %lt3A_819 : vector<16xi1>
      %min3A_821 = arith.constant 383 : i32
      %min3A_822 = vector.broadcast %min3A_821 : i32 to vector<16xi32>
      %min3A_823 = arith.minsi %add3A_817, %min3A_822 : vector<16xi32>
      %add3A_824 = arith.constant 16 : i32
      %add3A_825 = arith.addi %mul3A_811, %add3A_824 : i32
      %add3A_826 = vector.broadcast %add3A_825 : i32 to vector<16xi32>
      %add3A_827 = arith.addi %add3A_826, %iota3A : vector<16xi32>
      %ge3A_828 = arith.cmpi sge, %add3A_827, %broadcast_in_dim3A_812 : vector<16xi32>
      %lt3A_829 = arith.cmpi slt, %add3A_827, %broadcast_in_dim3A_813 : vector<16xi32>
      %and3A_830 = arith.andi %ge3A_828, %lt3A_829 : vector<16xi1>
      %min3A_831 = arith.constant 383 : i32
      %min3A_832 = vector.broadcast %min3A_831 : i32 to vector<16xi32>
      %min3A_833 = arith.minsi %add3A_827, %min3A_832 : vector<16xi32>
      %add3A_834 = arith.constant 32 : i32
      %add3A_835 = arith.addi %mul3A_811, %add3A_834 : i32
      %add3A_836 = vector.broadcast %add3A_835 : i32 to vector<16xi32>
      %add3A_837 = arith.addi %add3A_836, %iota3A : vector<16xi32>
      %ge3A_838 = arith.cmpi sge, %add3A_837, %broadcast_in_dim3A_812 : vector<16xi32>
      %lt3A_839 = arith.cmpi slt, %add3A_837, %broadcast_in_dim3A_813 : vector<16xi32>
      %and3A_840 = arith.andi %ge3A_838, %lt3A_839 : vector<16xi1>
      %min3A_841 = arith.constant 383 : i32
      %min3A_842 = vector.broadcast %min3A_841 : i32 to vector<16xi32>
      %min3A_843 = arith.minsi %add3A_837, %min3A_842 : vector<16xi32>
      %add3A_844 = arith.constant 48 : i32
      %add3A_845 = arith.addi %mul3A_811, %add3A_844 : i32
      %add3A_846 = vector.broadcast %add3A_845 : i32 to vector<16xi32>
      %add3A_847 = arith.addi %add3A_846, %iota3A : vector<16xi32>
      %ge3A_848 = arith.cmpi sge, %add3A_847, %broadcast_in_dim3A_812 : vector<16xi32>
      %lt3A_849 = arith.cmpi slt, %add3A_847, %broadcast_in_dim3A_813 : vector<16xi32>
      %and3A_850 = arith.andi %ge3A_848, %lt3A_849 : vector<16xi1>
      %min3A_851 = arith.constant 383 : i32
      %min3A_852 = vector.broadcast %min3A_851 : i32 to vector<16xi32>
      %min3A_853 = arith.minsi %add3A_847, %min3A_852 : vector<16xi32>
      %add3A_854 = arith.constant 64 : i32
      %add3A_855 = arith.addi %mul3A_811, %add3A_854 : i32
      %add3A_856 = vector.broadcast %add3A_855 : i32 to vector<16xi32>
      %add3A_857 = arith.addi %add3A_856, %iota3A : vector<16xi32>
      %ge3A_858 = arith.cmpi sge, %add3A_857, %broadcast_in_dim3A_812 : vector<16xi32>
      %lt3A_859 = arith.cmpi slt, %add3A_857, %broadcast_in_dim3A_813 : vector<16xi32>
      %and3A_860 = arith.andi %ge3A_858, %lt3A_859 : vector<16xi1>
      %min3A_861 = arith.constant 383 : i32
      %min3A_862 = vector.broadcast %min3A_861 : i32 to vector<16xi32>
      %min3A_863 = arith.minsi %add3A_857, %min3A_862 : vector<16xi32>
      %while3A_864 = arith.constant 0 : i32
      %while3A_865 = arith.subi %max3A_785, %max3A_781 : i32
      %while3A_866 = arith.addi %max3A_781, %while3A_865 : i32
      %while3A_867 = arith.constant 1 : i32
      %while3A_868 = arith.divsi %while3A_865, %while3A_867 : i32
      %while3A_869 = arith.muli %while3A_868, %while3A_867 : i32
      %while3A_870 = arith.addi %max3A_781, %while3A_869 : i32
      %while3A_871 = arith.constant 1 : i32
      scf.for %while3A_3102 = %max3A_781 to %while3A_870 step %while3A_871  : i32 {
        %mul3A_3103 = arith.constant 384 : i32
        %mul3A_3104 = arith.muli %while3A_3102, %mul3A_3103 : i32
        %add3A_3105 = vector.broadcast %mul3A_3104 : i32 to vector<16xi32>
        %add3A_3106 = arith.addi %add3A_3105, %min3A_823 : vector<16xi32>
        tpu.vector_store_idx %arg5[%add3A_3106], %broadcast_in_dim3A_5 masked %and3A_820 : memref<36864xf32, #tpu.memory_space<vmem>>[vector<16xi32>], vector<16xf32>, vector<16xi1>
        %add3A_3107 = vector.broadcast %mul3A_3104 : i32 to vector<16xi32>
        %add3A_3108 = arith.addi %add3A_3107, %min3A_833 : vector<16xi32>
        tpu.vector_store_idx %arg5[%add3A_3108], %broadcast_in_dim3A_5 masked %and3A_830 : memref<36864xf32, #tpu.memory_space<vmem>>[vector<16xi32>], vector<16xf32>, vector<16xi1>
        %add3A_3109 = vector.broadcast %mul3A_3104 : i32 to vector<16xi32>
        %add3A_3110 = arith.addi %add3A_3109, %min3A_843 : vector<16xi32>
        tpu.vector_store_idx %arg5[%add3A_3110], %broadcast_in_dim3A_5 masked %and3A_840 : memref<36864xf32, #tpu.memory_space<vmem>>[vector<16xi32>], vector<16xf32>, vector<16xi1>
        %add3A_3111 = vector.broadcast %mul3A_3104 : i32 to vector<16xi32>
        %add3A_3112 = arith.addi %add3A_3111, %min3A_853 : vector<16xi32>
        tpu.vector_store_idx %arg5[%add3A_3112], %broadcast_in_dim3A_5 masked %and3A_850 : memref<36864xf32, #tpu.memory_space<vmem>>[vector<16xi32>], vector<16xf32>, vector<16xi1>
        %add3A_3113 = vector.broadcast %mul3A_3104 : i32 to vector<16xi32>
        %add3A_3114 = arith.addi %add3A_3113, %min3A_863 : vector<16xi32>
        tpu.vector_store_idx %arg5[%add3A_3114], %broadcast_in_dim3A_5 masked %and3A_860 : memref<36864xf32, #tpu.memory_space<vmem>>[vector<16xi32>], vector<16xf32>, vector<16xi1>
      }
      %while3A_872 = arith.constant 1 : i32
      scf.for %while3A_3102 = %while3A_870 to %while3A_866 step %while3A_872  : i32 {
        %mul3A_3103 = arith.constant 384 : i32
        %mul3A_3104 = arith.muli %while3A_3102, %mul3A_3103 : i32
        %add3A_3105 = vector.broadcast %mul3A_3104 : i32 to vector<16xi32>
        %add3A_3106 = arith.addi %add3A_3105, %min3A_823 : vector<16xi32>
        tpu.vector_store_idx %arg5[%add3A_3106], %broadcast_in_dim3A_5 masked %and3A_820 : memref<36864xf32, #tpu.memory_space<vmem>>[vector<16xi32>], vector<16xf32>, vector<16xi1>
        %add3A_3107 = vector.broadcast %mul3A_3104 : i32 to vector<16xi32>
        %add3A_3108 = arith.addi %add3A_3107, %min3A_833 : vector<16xi32>
        tpu.vector_store_idx %arg5[%add3A_3108], %broadcast_in_dim3A_5 masked %and3A_830 : memref<36864xf32, #tpu.memory_space<vmem>>[vector<16xi32>], vector<16xf32>, vector<16xi1>
        %add3A_3109 = vector.broadcast %mul3A_3104 : i32 to vector<16xi32>
        %add3A_3110 = arith.addi %add3A_3109, %min3A_843 : vector<16xi32>
        tpu.vector_store_idx %arg5[%add3A_3110], %broadcast_in_dim3A_5 masked %and3A_840 : memref<36864xf32, #tpu.memory_space<vmem>>[vector<16xi32>], vector<16xf32>, vector<16xi1>
        %add3A_3111 = vector.broadcast %mul3A_3104 : i32 to vector<16xi32>
        %add3A_3112 = arith.addi %add3A_3111, %min3A_853 : vector<16xi32>
        tpu.vector_store_idx %arg5[%add3A_3112], %broadcast_in_dim3A_5 masked %and3A_850 : memref<36864xf32, #tpu.memory_space<vmem>>[vector<16xi32>], vector<16xf32>, vector<16xi1>
        %add3A_3113 = vector.broadcast %mul3A_3104 : i32 to vector<16xi32>
        %add3A_3114 = arith.addi %add3A_3113, %min3A_863 : vector<16xi32>
        tpu.vector_store_idx %arg5[%add3A_3114], %broadcast_in_dim3A_5 masked %and3A_860 : memref<36864xf32, #tpu.memory_space<vmem>>[vector<16xi32>], vector<16xf32>, vector<16xi1>
      }
      %slice3A_873 = vector.extract_strided_slice %get3A_80 {offsets = [7], sizes = [1], strides = [1]} : vector<16xi32> to vector<1xi32>
      %squeeze3A_874 = vector.extract %slice3A_873[0] : i32 from vector<1xi32>
      %max3A_875 = arith.constant 0 : i32
      %max3A_876 = arith.maxsi %squeeze3A_874, %max3A_875 : i32
      %min3A_877 = arith.constant 383 : i32
      %min3A_878 = arith.minsi %max3A_876, %min3A_877 : i32
      %slice3A_879 = vector.extract_strided_slice %get3A_80 {offsets = [15], sizes = [1], strides = [1]} : vector<16xi32> to vector<1xi32>
      %squeeze3A_880 = vector.extract %slice3A_879[0] : i32 from vector<1xi32>
      %max3A_881 = arith.constant 0 : i32
      %max3A_882 = arith.maxsi %squeeze3A_880, %max3A_881 : i32
      %min3A_883 = arith.constant 383 : i32
      %min3A_884 = arith.minsi %max3A_882, %min3A_883 : i32
      %add3A_885 = arith.constant 64 : i32
      %add3A_886 = arith.addi %min3A_878, %add3A_885 : i32
      %min3A_887 = arith.constant 383 : i32
      %min3A_888 = arith.minsi %add3A_886, %min3A_887 : i32
      %add3A_889 = arith.constant 64 : i32
      %add3A_890 = arith.addi %min3A_884, %add3A_889 : i32
      %min3A_891 = arith.constant 383 : i32
      %min3A_892 = arith.minsi %add3A_890, %min3A_891 : i32
      %sub3A_893 = arith.subi %min3A_878, %mul3A_77 : i32
      %max3A_894 = arith.constant 0 : i32
      %max3A_895 = arith.maxsi %sub3A_893, %max3A_894 : i32
      %sub3A_896 = arith.subi %min3A_888, %mul3A_77 : i32
      %min3A_897 = arith.constant 96 : i32
      %min3A_898 = arith.minsi %sub3A_896, %min3A_897 : i32
      %max3A_899 = arith.maxsi %min3A_898, %max3A_895 : i32
      %jit3A_900 = arith.constant 16 : i32
      %div3A_901 = arith.divsi %min3A_884, %jit3A_900 : i32
      %sign3A_902 = arith.constant 0 : i32
      %sign3A_903 = arith.cmpi sgt, %min3A_884, %sign3A_902 : i32
      %sign3A_904 = arith.extui %sign3A_903 : i1 to i32
      %sign3A_905 = arith.constant 0 : i32
      %sign3A_906 = arith.cmpi slt, %min3A_884, %sign3A_905 : i32
      %sign3A_907 = arith.extui %sign3A_906 : i1 to i32
      %sign3A_908 = arith.subi %sign3A_904, %sign3A_907 : i32
      %sign3A_909 = arith.constant 0 : i32
      %sign3A_910 = arith.cmpi sgt, %jit3A_900, %sign3A_909 : i32
      %sign3A_911 = arith.extui %sign3A_910 : i1 to i32
      %sign3A_912 = arith.constant 0 : i32
      %sign3A_913 = arith.cmpi slt, %jit3A_900, %sign3A_912 : i32
      %sign3A_914 = arith.extui %sign3A_913 : i1 to i32
      %sign3A_915 = arith.subi %sign3A_911, %sign3A_914 : i32
      %ne3A_916 = arith.cmpi ne, %sign3A_908, %sign3A_915 : i32
      %rem3A_917 = arith.remsi %min3A_884, %jit3A_900 : i32
      %ne3A_918 = arith.constant 0 : i32
      %ne3A_919 = arith.cmpi ne, %rem3A_917, %ne3A_918 : i32
      %and3A_920 = arith.andi %ne3A_916, %ne3A_919 : i1
      %sub3A_921 = arith.constant 1 : i32
      %sub3A_922 = arith.subi %div3A_901, %sub3A_921 : i32
      %select_n3A_923 = arith.select %and3A_920, %sub3A_922, %div3A_901 : i32
      %mul3A_924 = arith.constant 16 : i32
      %mul3A_925 = arith.muli %select_n3A_923, %mul3A_924 : i32
      %broadcast_in_dim3A_926 = vector.broadcast %min3A_884 : i32 to vector<16xi32>
      %broadcast_in_dim3A_927 = vector.broadcast %min3A_892 : i32 to vector<16xi32>
      %add3A_928 = arith.constant 0 : i32
      %add3A_929 = arith.addi %mul3A_925, %add3A_928 : i32
      %add3A_930 = vector.broadcast %add3A_929 : i32 to vector<16xi32>
      %add3A_931 = arith.addi %add3A_930, %iota3A : vector<16xi32>
      %ge3A_932 = arith.cmpi sge, %add3A_931, %broadcast_in_dim3A_926 : vector<16xi32>
      %lt3A_933 = arith.cmpi slt, %add3A_931, %broadcast_in_dim3A_927 : vector<16xi32>
      %and3A_934 = arith.andi %ge3A_932, %lt3A_933 : vector<16xi1>
      %min3A_935 = arith.constant 383 : i32
      %min3A_936 = vector.broadcast %min3A_935 : i32 to vector<16xi32>
      %min3A_937 = arith.minsi %add3A_931, %min3A_936 : vector<16xi32>
      %add3A_938 = arith.constant 16 : i32
      %add3A_939 = arith.addi %mul3A_925, %add3A_938 : i32
      %add3A_940 = vector.broadcast %add3A_939 : i32 to vector<16xi32>
      %add3A_941 = arith.addi %add3A_940, %iota3A : vector<16xi32>
      %ge3A_942 = arith.cmpi sge, %add3A_941, %broadcast_in_dim3A_926 : vector<16xi32>
      %lt3A_943 = arith.cmpi slt, %add3A_941, %broadcast_in_dim3A_927 : vector<16xi32>
      %and3A_944 = arith.andi %ge3A_942, %lt3A_943 : vector<16xi1>
      %min3A_945 = arith.constant 383 : i32
      %min3A_946 = vector.broadcast %min3A_945 : i32 to vector<16xi32>
      %min3A_947 = arith.minsi %add3A_941, %min3A_946 : vector<16xi32>
      %add3A_948 = arith.constant 32 : i32
      %add3A_949 = arith.addi %mul3A_925, %add3A_948 : i32
      %add3A_950 = vector.broadcast %add3A_949 : i32 to vector<16xi32>
      %add3A_951 = arith.addi %add3A_950, %iota3A : vector<16xi32>
      %ge3A_952 = arith.cmpi sge, %add3A_951, %broadcast_in_dim3A_926 : vector<16xi32>
      %lt3A_953 = arith.cmpi slt, %add3A_951, %broadcast_in_dim3A_927 : vector<16xi32>
      %and3A_954 = arith.andi %ge3A_952, %lt3A_953 : vector<16xi1>
      %min3A_955 = arith.constant 383 : i32
      %min3A_956 = vector.broadcast %min3A_955 : i32 to vector<16xi32>
      %min3A_957 = arith.minsi %add3A_951, %min3A_956 : vector<16xi32>
      %add3A_958 = arith.constant 48 : i32
      %add3A_959 = arith.addi %mul3A_925, %add3A_958 : i32
      %add3A_960 = vector.broadcast %add3A_959 : i32 to vector<16xi32>
      %add3A_961 = arith.addi %add3A_960, %iota3A : vector<16xi32>
      %ge3A_962 = arith.cmpi sge, %add3A_961, %broadcast_in_dim3A_926 : vector<16xi32>
      %lt3A_963 = arith.cmpi slt, %add3A_961, %broadcast_in_dim3A_927 : vector<16xi32>
      %and3A_964 = arith.andi %ge3A_962, %lt3A_963 : vector<16xi1>
      %min3A_965 = arith.constant 383 : i32
      %min3A_966 = vector.broadcast %min3A_965 : i32 to vector<16xi32>
      %min3A_967 = arith.minsi %add3A_961, %min3A_966 : vector<16xi32>
      %add3A_968 = arith.constant 64 : i32
      %add3A_969 = arith.addi %mul3A_925, %add3A_968 : i32
      %add3A_970 = vector.broadcast %add3A_969 : i32 to vector<16xi32>
      %add3A_971 = arith.addi %add3A_970, %iota3A : vector<16xi32>
      %ge3A_972 = arith.cmpi sge, %add3A_971, %broadcast_in_dim3A_926 : vector<16xi32>
      %lt3A_973 = arith.cmpi slt, %add3A_971, %broadcast_in_dim3A_927 : vector<16xi32>
      %and3A_974 = arith.andi %ge3A_972, %lt3A_973 : vector<16xi1>
      %min3A_975 = arith.constant 383 : i32
      %min3A_976 = vector.broadcast %min3A_975 : i32 to vector<16xi32>
      %min3A_977 = arith.minsi %add3A_971, %min3A_976 : vector<16xi32>
      %while3A_978 = arith.constant 0 : i32
      %while3A_979 = arith.subi %max3A_899, %max3A_895 : i32
      %while3A_980 = arith.addi %max3A_895, %while3A_979 : i32
      %while3A_981 = arith.constant 1 : i32
      %while3A_982 = arith.divsi %while3A_979, %while3A_981 : i32
      %while3A_983 = arith.muli %while3A_982, %while3A_981 : i32
      %while3A_984 = arith.addi %max3A_895, %while3A_983 : i32
      %while3A_985 = arith.constant 1 : i32
      scf.for %while3A_3102 = %max3A_895 to %while3A_984 step %while3A_985  : i32 {
        %mul3A_3103 = arith.constant 384 : i32
        %mul3A_3104 = arith.muli %while3A_3102, %mul3A_3103 : i32
        %add3A_3105 = vector.broadcast %mul3A_3104 : i32 to vector<16xi32>
        %add3A_3106 = arith.addi %add3A_3105, %min3A_937 : vector<16xi32>
        tpu.vector_store_idx %arg5[%add3A_3106], %broadcast_in_dim3A_5 masked %and3A_934 : memref<36864xf32, #tpu.memory_space<vmem>>[vector<16xi32>], vector<16xf32>, vector<16xi1>
        %add3A_3107 = vector.broadcast %mul3A_3104 : i32 to vector<16xi32>
        %add3A_3108 = arith.addi %add3A_3107, %min3A_947 : vector<16xi32>
        tpu.vector_store_idx %arg5[%add3A_3108], %broadcast_in_dim3A_5 masked %and3A_944 : memref<36864xf32, #tpu.memory_space<vmem>>[vector<16xi32>], vector<16xf32>, vector<16xi1>
        %add3A_3109 = vector.broadcast %mul3A_3104 : i32 to vector<16xi32>
        %add3A_3110 = arith.addi %add3A_3109, %min3A_957 : vector<16xi32>
        tpu.vector_store_idx %arg5[%add3A_3110], %broadcast_in_dim3A_5 masked %and3A_954 : memref<36864xf32, #tpu.memory_space<vmem>>[vector<16xi32>], vector<16xf32>, vector<16xi1>
        %add3A_3111 = vector.broadcast %mul3A_3104 : i32 to vector<16xi32>
        %add3A_3112 = arith.addi %add3A_3111, %min3A_967 : vector<16xi32>
        tpu.vector_store_idx %arg5[%add3A_3112], %broadcast_in_dim3A_5 masked %and3A_964 : memref<36864xf32, #tpu.memory_space<vmem>>[vector<16xi32>], vector<16xf32>, vector<16xi1>
        %add3A_3113 = vector.broadcast %mul3A_3104 : i32 to vector<16xi32>
        %add3A_3114 = arith.addi %add3A_3113, %min3A_977 : vector<16xi32>
        tpu.vector_store_idx %arg5[%add3A_3114], %broadcast_in_dim3A_5 masked %and3A_974 : memref<36864xf32, #tpu.memory_space<vmem>>[vector<16xi32>], vector<16xf32>, vector<16xi1>
      }
      %while3A_986 = arith.constant 1 : i32
      scf.for %while3A_3102 = %while3A_984 to %while3A_980 step %while3A_986  : i32 {
        %mul3A_3103 = arith.constant 384 : i32
        %mul3A_3104 = arith.muli %while3A_3102, %mul3A_3103 : i32
        %add3A_3105 = vector.broadcast %mul3A_3104 : i32 to vector<16xi32>
        %add3A_3106 = arith.addi %add3A_3105, %min3A_937 : vector<16xi32>
        tpu.vector_store_idx %arg5[%add3A_3106], %broadcast_in_dim3A_5 masked %and3A_934 : memref<36864xf32, #tpu.memory_space<vmem>>[vector<16xi32>], vector<16xf32>, vector<16xi1>
        %add3A_3107 = vector.broadcast %mul3A_3104 : i32 to vector<16xi32>
        %add3A_3108 = arith.addi %add3A_3107, %min3A_947 : vector<16xi32>
        tpu.vector_store_idx %arg5[%add3A_3108], %broadcast_in_dim3A_5 masked %and3A_944 : memref<36864xf32, #tpu.memory_space<vmem>>[vector<16xi32>], vector<16xf32>, vector<16xi1>
        %add3A_3109 = vector.broadcast %mul3A_3104 : i32 to vector<16xi32>
        %add3A_3110 = arith.addi %add3A_3109, %min3A_957 : vector<16xi32>
        tpu.vector_store_idx %arg5[%add3A_3110], %broadcast_in_dim3A_5 masked %and3A_954 : memref<36864xf32, #tpu.memory_space<vmem>>[vector<16xi32>], vector<16xf32>, vector<16xi1>
        %add3A_3111 = vector.broadcast %mul3A_3104 : i32 to vector<16xi32>
        %add3A_3112 = arith.addi %add3A_3111, %min3A_967 : vector<16xi32>
        tpu.vector_store_idx %arg5[%add3A_3112], %broadcast_in_dim3A_5 masked %and3A_964 : memref<36864xf32, #tpu.memory_space<vmem>>[vector<16xi32>], vector<16xf32>, vector<16xi1>
        %add3A_3113 = vector.broadcast %mul3A_3104 : i32 to vector<16xi32>
        %add3A_3114 = arith.addi %add3A_3113, %min3A_977 : vector<16xi32>
        tpu.vector_store_idx %arg5[%add3A_3114], %broadcast_in_dim3A_5 masked %and3A_974 : memref<36864xf32, #tpu.memory_space<vmem>>[vector<16xi32>], vector<16xf32>, vector<16xi1>
      }
      %jit3A_987 = arith.constant 4 : i32
      %div3A_988 = arith.divsi %add3A_41, %jit3A_987 : i32
      %sign3A_989 = arith.constant 0 : i32
      %sign3A_990 = arith.cmpi sgt, %add3A_41, %sign3A_989 : i32
      %sign3A_991 = arith.extui %sign3A_990 : i1 to i32
      %sign3A_992 = arith.constant 0 : i32
      %sign3A_993 = arith.cmpi slt, %add3A_41, %sign3A_992 : i32
      %sign3A_994 = arith.extui %sign3A_993 : i1 to i32
      %sign3A_995 = arith.subi %sign3A_991, %sign3A_994 : i32
      %sign3A_996 = arith.constant 0 : i32
      %sign3A_997 = arith.cmpi sgt, %jit3A_987, %sign3A_996 : i32
      %sign3A_998 = arith.extui %sign3A_997 : i1 to i32
      %sign3A_999 = arith.constant 0 : i32
      %sign3A_1000 = arith.cmpi slt, %jit3A_987, %sign3A_999 : i32
      %sign3A_1001 = arith.extui %sign3A_1000 : i1 to i32
      %sign3A_1002 = arith.subi %sign3A_998, %sign3A_1001 : i32
      %ne3A_1003 = arith.cmpi ne, %sign3A_995, %sign3A_1002 : i32
      %rem3A_1004 = arith.remsi %add3A_41, %jit3A_987 : i32
      %ne3A_1005 = arith.constant 0 : i32
      %ne3A_1006 = arith.cmpi ne, %rem3A_1004, %ne3A_1005 : i32
      %and3A_1007 = arith.andi %ne3A_1003, %ne3A_1006 : i1
      %sub3A_1008 = arith.constant 1 : i32
      %sub3A_1009 = arith.subi %div3A_988, %sub3A_1008 : i32
      %select_n3A_1010 = arith.select %and3A_1007, %sub3A_1009, %div3A_988 : i32
      %add3A_1011 = arith.addi %mul3A_2, %select_n3A_1010 : i32
      %jit3A_1012 = arith.constant 4 : i32
      %eq3A_1013 = arith.constant 0 : i32
      %eq3A_1014 = arith.cmpi eq, %jit3A_1012, %eq3A_1013 : i32
      %jit3A_1015 = arith.constant 1 : i32
      %select_n3A_1016 = arith.select %eq3A_1014, %jit3A_1015, %jit3A_1012 : i32
      %rem3A_1017 = arith.remsi %add3A_41, %select_n3A_1016 : i32
      %ne3A_1018 = arith.constant 0 : i32
      %ne3A_1019 = arith.cmpi ne, %rem3A_1017, %ne3A_1018 : i32
      %lt3A_1020 = arith.constant 0 : i32
      %lt3A_1021 = arith.cmpi slt, %rem3A_1017, %lt3A_1020 : i32
      %lt3A_1022 = arith.constant 0 : i32
      %lt3A_1023 = arith.cmpi slt, %select_n3A_1016, %lt3A_1022 : i32
      %ne3A_1024 = arith.xori %lt3A_1021, %lt3A_1023 : i1
      %and3A_1025 = arith.andi %ne3A_1024, %ne3A_1019 : i1
      %add3A_1026 = arith.addi %rem3A_1017, %select_n3A_1016 : i32
      %select_n3A_1027 = arith.select %and3A_1025, %add3A_1026, %rem3A_1017 : i32
      %mul3A_1028 = arith.constant 96 : i32
      %mul3A_1029 = arith.muli %select_n3A_1027, %mul3A_1028 : i32
      %mul3A_1030 = arith.constant 147456 : i32
      %mul3A_1031 = arith.muli %add3A_1011, %mul3A_1030 : i32
      %mul3A_1032 = arith.constant 384 : i32
      %mul3A_1033 = arith.muli %mul3A_1029, %mul3A_1032 : i32
      %add3A_1034 = arith.addi %mul3A_1031, %mul3A_1033 : i32
      %dma_start3A_1035 = tpu.memref_slice %arg4[%add3A_1034] : memref<56623104xf32, #tpu.memory_space<hbm>> -> memref<36864xf32, #tpu.memory_space<hbm>>
      %dma_start3A_1036 = tpu.memref_slice %arg4[%add3A_1034] : memref<56623104xf32, #tpu.memory_space<hbm>> -> memref<36864xf32, #tpu.memory_space<hbm>>
      tpu.enqueue_dma source(%arg5 : memref<36864xf32, #tpu.memory_space<vmem>>) target(%dma_start3A_1036 : memref<36864xf32, #tpu.memory_space<hbm>>) target_semaphore(%arg12 : memref<!tpu.dma_semaphore, #tpu.memory_space<semaphore_mem>>)
      %eq3A_1037 = arith.constant 0 : i32
      %eq3A_1038 = arith.cmpi eq, %add3A_41, %eq3A_1037 : i32
      %convert_element_type3A = arith.extui %eq3A_1038 : i1 to i32
      %cond3A = arith.constant 0 : i32
      %cond3A_1039 = arith.cmpi ne, %convert_element_type3A, %cond3A : i32
      scf.if %cond3A_1039 {
        %add3A_3102 = arith.constant 0 : i32
        %add3A_3103 = arith.addi %mul3A_2, %add3A_3102 : i32
        %mul3A_3104 = arith.constant 147456 : i32
        %mul3A_3105 = arith.muli %add3A_3103, %mul3A_3104 : i32
        %add3A_3106 = arith.constant 73728 : i32
        %add3A_3107 = arith.addi %mul3A_3105, %add3A_3106 : i32
        %dma_start3A_3108 = tpu.memref_slice %arg2[%add3A_3107] : memref<56623104xf32, #tpu.memory_space<hbm>> -> memref<36864xf32, #tpu.memory_space<hbm>>
        %dma_start3A_3109 = tpu.memref_slice %arg2[%add3A_3107] : memref<56623104xf32, #tpu.memory_space<hbm>> -> memref<36864xf32, #tpu.memory_space<hbm>>
        tpu.enqueue_dma source(%dma_start3A_3109 : memref<36864xf32, #tpu.memory_space<hbm>>) target(%arg7 : memref<36864xf32, #tpu.memory_space<vmem>>) target_semaphore(%arg11 : memref<!tpu.dma_semaphore, #tpu.memory_space<semaphore_mem>>)
      } else {
      }
      %ge3A_1040 = arith.constant 1 : i32
      %ge3A_1041 = arith.cmpi sge, %add3A_41, %ge3A_1040 : i32
      %add3A_1042 = arith.constant 2 : i32
      %add3A_1043 = arith.addi %add3A_41, %add3A_1042 : i32
      %lt3A_1044 = arith.constant 48 : i32
      %lt3A_1045 = arith.cmpi slt, %add3A_1043, %lt3A_1044 : i32
      %and3A_1046 = arith.andi %ge3A_1041, %lt3A_1045 : i1
      %convert_element_type3A_1047 = arith.extui %and3A_1046 : i1 to i32
      %cond3A_1048 = arith.constant 0 : i32
      %cond3A_1049 = arith.cmpi ne, %convert_element_type3A_1047, %cond3A_1048 : i32
      scf.if %cond3A_1049 {
        %dma_wait3A_3102 = arith.constant 0 : i32
        %dma_wait3A_3103 = tpu.memref_slice %arg4[%dma_wait3A_3102] : memref<56623104xf32, #tpu.memory_space<hbm>> -> memref<36864xf32, #tpu.memory_space<hbm>>
        %dma_wait3A_3104 = arith.constant 0 : i32
        %dma_wait3A_3105 = tpu.memref_slice %arg4[%dma_wait3A_3104] : memref<56623104xf32, #tpu.memory_space<hbm>> -> memref<36864xf32, #tpu.memory_space<hbm>>
        tpu.wait_dma2 semaphore(%arg14 : memref<!tpu.dma_semaphore, #tpu.memory_space<semaphore_mem>>) src(%arg7 : memref<36864xf32, #tpu.memory_space<vmem>>) dst(%dma_wait3A_3105 : memref<36864xf32, #tpu.memory_space<hbm>>)
        %add3A_3106 = arith.constant 2 : i32
        %add3A_3107 = arith.addi %add3A_41, %add3A_3106 : i32
        %jit3A_3108 = arith.constant 4 : i32
        %div3A_3109 = arith.divsi %add3A_3107, %jit3A_3108 : i32
        %sign3A_3110 = arith.constant 0 : i32
        %sign3A_3111 = arith.cmpi sgt, %add3A_3107, %sign3A_3110 : i32
        %sign3A_3112 = arith.extui %sign3A_3111 : i1 to i32
        %sign3A_3113 = arith.constant 0 : i32
        %sign3A_3114 = arith.cmpi slt, %add3A_3107, %sign3A_3113 : i32
        %sign3A_3115 = arith.extui %sign3A_3114 : i1 to i32
        %sign3A_3116 = arith.subi %sign3A_3112, %sign3A_3115 : i32
        %sign3A_3117 = arith.constant 0 : i32
        %sign3A_3118 = arith.cmpi sgt, %jit3A_3108, %sign3A_3117 : i32
        %sign3A_3119 = arith.extui %sign3A_3118 : i1 to i32
        %sign3A_3120 = arith.constant 0 : i32
        %sign3A_3121 = arith.cmpi slt, %jit3A_3108, %sign3A_3120 : i32
        %sign3A_3122 = arith.extui %sign3A_3121 : i1 to i32
        %sign3A_3123 = arith.subi %sign3A_3119, %sign3A_3122 : i32
        %ne3A_3124 = arith.cmpi ne, %sign3A_3116, %sign3A_3123 : i32
        %rem3A_3125 = arith.remsi %add3A_3107, %jit3A_3108 : i32
        %ne3A_3126 = arith.constant 0 : i32
        %ne3A_3127 = arith.cmpi ne, %rem3A_3125, %ne3A_3126 : i32
        %and3A_3128 = arith.andi %ne3A_3124, %ne3A_3127 : i1
        %sub3A_3129 = arith.constant 1 : i32
        %sub3A_3130 = arith.subi %div3A_3109, %sub3A_3129 : i32
        %select_n3A_3131 = arith.select %and3A_3128, %sub3A_3130, %div3A_3109 : i32
        %add3A_3132 = arith.addi %mul3A_2, %select_n3A_3131 : i32
        %jit3A_3133 = arith.constant 4 : i32
        %eq3A_3134 = arith.constant 0 : i32
        %eq3A_3135 = arith.cmpi eq, %jit3A_3133, %eq3A_3134 : i32
        %jit3A_3136 = arith.constant 1 : i32
        %select_n3A_3137 = arith.select %eq3A_3135, %jit3A_3136, %jit3A_3133 : i32
        %rem3A_3138 = arith.remsi %add3A_3107, %select_n3A_3137 : i32
        %ne3A_3139 = arith.constant 0 : i32
        %ne3A_3140 = arith.cmpi ne, %rem3A_3138, %ne3A_3139 : i32
        %lt3A_3141 = arith.constant 0 : i32
        %lt3A_3142 = arith.cmpi slt, %rem3A_3138, %lt3A_3141 : i32
        %lt3A_3143 = arith.constant 0 : i32
        %lt3A_3144 = arith.cmpi slt, %select_n3A_3137, %lt3A_3143 : i32
        %ne3A_3145 = arith.xori %lt3A_3142, %lt3A_3144 : i1
        %and3A_3146 = arith.andi %ne3A_3145, %ne3A_3140 : i1
        %add3A_3147 = arith.addi %rem3A_3138, %select_n3A_3137 : i32
        %select_n3A_3148 = arith.select %and3A_3146, %add3A_3147, %rem3A_3138 : i32
        %mul3A_3149 = arith.constant 96 : i32
        %mul3A_3150 = arith.muli %select_n3A_3148, %mul3A_3149 : i32
        %mul3A_3151 = arith.constant 147456 : i32
        %mul3A_3152 = arith.muli %add3A_3132, %mul3A_3151 : i32
        %mul3A_3153 = arith.constant 384 : i32
        %mul3A_3154 = arith.muli %mul3A_3150, %mul3A_3153 : i32
        %add3A_3155 = arith.addi %mul3A_3152, %mul3A_3154 : i32
        %dma_start3A_3156 = tpu.memref_slice %arg2[%add3A_3155] : memref<56623104xf32, #tpu.memory_space<hbm>> -> memref<36864xf32, #tpu.memory_space<hbm>>
        %dma_start3A_3157 = tpu.memref_slice %arg2[%add3A_3155] : memref<56623104xf32, #tpu.memory_space<hbm>> -> memref<36864xf32, #tpu.memory_space<hbm>>
        tpu.enqueue_dma source(%dma_start3A_3157 : memref<36864xf32, #tpu.memory_space<hbm>>) target(%arg7 : memref<36864xf32, #tpu.memory_space<vmem>>) target_semaphore(%arg11 : memref<!tpu.dma_semaphore, #tpu.memory_space<semaphore_mem>>)
      } else {
      }
      %mul3A_1050 = arith.constant 3 : i32
      %mul3A_1051 = arith.muli %scan3A_37, %mul3A_1050 : i32
      %add3A_1052 = arith.constant 1 : i32
      %add3A_1053 = arith.addi %mul3A_1051, %add3A_1052 : i32
      %dma_wait3A_1054 = arith.constant 0 : i32
      %dma_wait3A_1055 = tpu.memref_slice %arg2[%dma_wait3A_1054] : memref<56623104xf32, #tpu.memory_space<hbm>> -> memref<36864xf32, #tpu.memory_space<hbm>>
      %dma_wait3A_1056 = arith.constant 0 : i32
      %dma_wait3A_1057 = tpu.memref_slice %arg2[%dma_wait3A_1056] : memref<56623104xf32, #tpu.memory_space<hbm>> -> memref<36864xf32, #tpu.memory_space<hbm>>
      tpu.wait_dma2 semaphore(%arg10 : memref<!tpu.dma_semaphore, #tpu.memory_space<semaphore_mem>>) src(%dma_wait3A_1057 : memref<36864xf32, #tpu.memory_space<hbm>>) dst(%arg6 : memref<36864xf32, #tpu.memory_space<vmem>>)
      %jit3A_1058 = arith.constant 4 : i32
      %div3A_1059 = arith.divsi %add3A_1053, %jit3A_1058 : i32
      %sign3A_1060 = arith.constant 0 : i32
      %sign3A_1061 = arith.cmpi sgt, %add3A_1053, %sign3A_1060 : i32
      %sign3A_1062 = arith.extui %sign3A_1061 : i1 to i32
      %sign3A_1063 = arith.constant 0 : i32
      %sign3A_1064 = arith.cmpi slt, %add3A_1053, %sign3A_1063 : i32
      %sign3A_1065 = arith.extui %sign3A_1064 : i1 to i32
      %sign3A_1066 = arith.subi %sign3A_1062, %sign3A_1065 : i32
      %sign3A_1067 = arith.constant 0 : i32
      %sign3A_1068 = arith.cmpi sgt, %jit3A_1058, %sign3A_1067 : i32
      %sign3A_1069 = arith.extui %sign3A_1068 : i1 to i32
      %sign3A_1070 = arith.constant 0 : i32
      %sign3A_1071 = arith.cmpi slt, %jit3A_1058, %sign3A_1070 : i32
      %sign3A_1072 = arith.extui %sign3A_1071 : i1 to i32
      %sign3A_1073 = arith.subi %sign3A_1069, %sign3A_1072 : i32
      %ne3A_1074 = arith.cmpi ne, %sign3A_1066, %sign3A_1073 : i32
      %rem3A_1075 = arith.remsi %add3A_1053, %jit3A_1058 : i32
      %ne3A_1076 = arith.constant 0 : i32
      %ne3A_1077 = arith.cmpi ne, %rem3A_1075, %ne3A_1076 : i32
      %and3A_1078 = arith.andi %ne3A_1074, %ne3A_1077 : i1
      %sub3A_1079 = arith.constant 1 : i32
      %sub3A_1080 = arith.subi %div3A_1059, %sub3A_1079 : i32
      %select_n3A_1081 = arith.select %and3A_1078, %sub3A_1080, %div3A_1059 : i32
      %jit3A_1082 = arith.constant 4 : i32
      %eq3A_1083 = arith.constant 0 : i32
      %eq3A_1084 = arith.cmpi eq, %jit3A_1082, %eq3A_1083 : i32
      %jit3A_1085 = arith.constant 1 : i32
      %select_n3A_1086 = arith.select %eq3A_1084, %jit3A_1085, %jit3A_1082 : i32
      %rem3A_1087 = arith.remsi %add3A_1053, %select_n3A_1086 : i32
      %ne3A_1088 = arith.constant 0 : i32
      %ne3A_1089 = arith.cmpi ne, %rem3A_1087, %ne3A_1088 : i32
      %lt3A_1090 = arith.constant 0 : i32
      %lt3A_1091 = arith.cmpi slt, %rem3A_1087, %lt3A_1090 : i32
      %lt3A_1092 = arith.constant 0 : i32
      %lt3A_1093 = arith.cmpi slt, %select_n3A_1086, %lt3A_1092 : i32
      %ne3A_1094 = arith.xori %lt3A_1091, %lt3A_1093 : i1
      %and3A_1095 = arith.andi %ne3A_1094, %ne3A_1089 : i1
      %add3A_1096 = arith.addi %rem3A_1087, %select_n3A_1086 : i32
      %select_n3A_1097 = arith.select %and3A_1095, %add3A_1096, %rem3A_1087 : i32
      %mul3A_1098 = arith.constant 96 : i32
      %mul3A_1099 = arith.muli %select_n3A_1097, %mul3A_1098 : i32
      %mul3A_1100 = arith.constant 16 : i32
      %mul3A_1101 = arith.muli %select_n3A_1081, %mul3A_1100 : i32
      %get3A_1102 = arith.index_cast %mul3A_1101 : i32 to index
      %get3A_1103 = tpu.vector_load %arg8[%get3A_1102] {strides = array<i32>} : memref<192xi32, #tpu.memory_space<vmem>>, vector<16xi32>,
      %slice3A_1104 = vector.extract_strided_slice %get3A_1103 {offsets = [0], sizes = [1], strides = [1]} : vector<16xi32> to vector<1xi32>
      %squeeze3A_1105 = vector.extract %slice3A_1104[0] : i32 from vector<1xi32>
      %max3A_1106 = arith.constant 0 : i32
      %max3A_1107 = arith.maxsi %squeeze3A_1105, %max3A_1106 : i32
      %min3A_1108 = arith.constant 383 : i32
      %min3A_1109 = arith.minsi %max3A_1107, %min3A_1108 : i32
      %slice3A_1110 = vector.extract_strided_slice %get3A_1103 {offsets = [8], sizes = [1], strides = [1]} : vector<16xi32> to vector<1xi32>
      %squeeze3A_1111 = vector.extract %slice3A_1110[0] : i32 from vector<1xi32>
      %max3A_1112 = arith.constant 0 : i32
      %max3A_1113 = arith.maxsi %squeeze3A_1111, %max3A_1112 : i32
      %min3A_1114 = arith.constant 383 : i32
      %min3A_1115 = arith.minsi %max3A_1113, %min3A_1114 : i32
      %add3A_1116 = arith.constant 64 : i32
      %add3A_1117 = arith.addi %min3A_1109, %add3A_1116 : i32
      %min3A_1118 = arith.constant 383 : i32
      %min3A_1119 = arith.minsi %add3A_1117, %min3A_1118 : i32
      %add3A_1120 = arith.constant 64 : i32
      %add3A_1121 = arith.addi %min3A_1115, %add3A_1120 : i32
      %min3A_1122 = arith.constant 383 : i32
      %min3A_1123 = arith.minsi %add3A_1121, %min3A_1122 : i32
      %sub3A_1124 = arith.subi %min3A_1109, %mul3A_1099 : i32
      %max3A_1125 = arith.constant 0 : i32
      %max3A_1126 = arith.maxsi %sub3A_1124, %max3A_1125 : i32
      %sub3A_1127 = arith.subi %min3A_1119, %mul3A_1099 : i32
      %min3A_1128 = arith.constant 96 : i32
      %min3A_1129 = arith.minsi %sub3A_1127, %min3A_1128 : i32
      %max3A_1130 = arith.maxsi %min3A_1129, %max3A_1126 : i32
      %jit3A_1131 = arith.constant 16 : i32
      %div3A_1132 = arith.divsi %min3A_1115, %jit3A_1131 : i32
      %sign3A_1133 = arith.constant 0 : i32
      %sign3A_1134 = arith.cmpi sgt, %min3A_1115, %sign3A_1133 : i32
      %sign3A_1135 = arith.extui %sign3A_1134 : i1 to i32
      %sign3A_1136 = arith.constant 0 : i32
      %sign3A_1137 = arith.cmpi slt, %min3A_1115, %sign3A_1136 : i32
      %sign3A_1138 = arith.extui %sign3A_1137 : i1 to i32
      %sign3A_1139 = arith.subi %sign3A_1135, %sign3A_1138 : i32
      %sign3A_1140 = arith.constant 0 : i32
      %sign3A_1141 = arith.cmpi sgt, %jit3A_1131, %sign3A_1140 : i32
      %sign3A_1142 = arith.extui %sign3A_1141 : i1 to i32
      %sign3A_1143 = arith.constant 0 : i32
      %sign3A_1144 = arith.cmpi slt, %jit3A_1131, %sign3A_1143 : i32
      %sign3A_1145 = arith.extui %sign3A_1144 : i1 to i32
      %sign3A_1146 = arith.subi %sign3A_1142, %sign3A_1145 : i32
      %ne3A_1147 = arith.cmpi ne, %sign3A_1139, %sign3A_1146 : i32
      %rem3A_1148 = arith.remsi %min3A_1115, %jit3A_1131 : i32
      %ne3A_1149 = arith.constant 0 : i32
      %ne3A_1150 = arith.cmpi ne, %rem3A_1148, %ne3A_1149 : i32
      %and3A_1151 = arith.andi %ne3A_1147, %ne3A_1150 : i1
      %sub3A_1152 = arith.constant 1 : i32
      %sub3A_1153 = arith.subi %div3A_1132, %sub3A_1152 : i32
      %select_n3A_1154 = arith.select %and3A_1151, %sub3A_1153, %div3A_1132 : i32
      %mul3A_1155 = arith.constant 16 : i32
      %mul3A_1156 = arith.muli %select_n3A_1154, %mul3A_1155 : i32
      %broadcast_in_dim3A_1157 = vector.broadcast %min3A_1115 : i32 to vector<16xi32>
      %broadcast_in_dim3A_1158 = vector.broadcast %min3A_1123 : i32 to vector<16xi32>
      %add3A_1159 = arith.constant 0 : i32
      %add3A_1160 = arith.addi %mul3A_1156, %add3A_1159 : i32
      %add3A_1161 = vector.broadcast %add3A_1160 : i32 to vector<16xi32>
      %add3A_1162 = arith.addi %add3A_1161, %iota3A : vector<16xi32>
      %ge3A_1163 = arith.cmpi sge, %add3A_1162, %broadcast_in_dim3A_1157 : vector<16xi32>
      %lt3A_1164 = arith.cmpi slt, %add3A_1162, %broadcast_in_dim3A_1158 : vector<16xi32>
      %and3A_1165 = arith.andi %ge3A_1163, %lt3A_1164 : vector<16xi1>
      %min3A_1166 = arith.constant 383 : i32
      %min3A_1167 = vector.broadcast %min3A_1166 : i32 to vector<16xi32>
      %min3A_1168 = arith.minsi %add3A_1162, %min3A_1167 : vector<16xi32>
      %add3A_1169 = arith.constant 16 : i32
      %add3A_1170 = arith.addi %mul3A_1156, %add3A_1169 : i32
      %add3A_1171 = vector.broadcast %add3A_1170 : i32 to vector<16xi32>
      %add3A_1172 = arith.addi %add3A_1171, %iota3A : vector<16xi32>
      %ge3A_1173 = arith.cmpi sge, %add3A_1172, %broadcast_in_dim3A_1157 : vector<16xi32>
      %lt3A_1174 = arith.cmpi slt, %add3A_1172, %broadcast_in_dim3A_1158 : vector<16xi32>
      %and3A_1175 = arith.andi %ge3A_1173, %lt3A_1174 : vector<16xi1>
      %min3A_1176 = arith.constant 383 : i32
      %min3A_1177 = vector.broadcast %min3A_1176 : i32 to vector<16xi32>
      %min3A_1178 = arith.minsi %add3A_1172, %min3A_1177 : vector<16xi32>
      %add3A_1179 = arith.constant 32 : i32
      %add3A_1180 = arith.addi %mul3A_1156, %add3A_1179 : i32
      %add3A_1181 = vector.broadcast %add3A_1180 : i32 to vector<16xi32>
      %add3A_1182 = arith.addi %add3A_1181, %iota3A : vector<16xi32>
      %ge3A_1183 = arith.cmpi sge, %add3A_1182, %broadcast_in_dim3A_1157 : vector<16xi32>
      %lt3A_1184 = arith.cmpi slt, %add3A_1182, %broadcast_in_dim3A_1158 : vector<16xi32>
      %and3A_1185 = arith.andi %ge3A_1183, %lt3A_1184 : vector<16xi1>
      %min3A_1186 = arith.constant 383 : i32
      %min3A_1187 = vector.broadcast %min3A_1186 : i32 to vector<16xi32>
      %min3A_1188 = arith.minsi %add3A_1182, %min3A_1187 : vector<16xi32>
      %add3A_1189 = arith.constant 48 : i32
      %add3A_1190 = arith.addi %mul3A_1156, %add3A_1189 : i32
      %add3A_1191 = vector.broadcast %add3A_1190 : i32 to vector<16xi32>
      %add3A_1192 = arith.addi %add3A_1191, %iota3A : vector<16xi32>
      %ge3A_1193 = arith.cmpi sge, %add3A_1192, %broadcast_in_dim3A_1157 : vector<16xi32>
      %lt3A_1194 = arith.cmpi slt, %add3A_1192, %broadcast_in_dim3A_1158 : vector<16xi32>
      %and3A_1195 = arith.andi %ge3A_1193, %lt3A_1194 : vector<16xi1>
      %min3A_1196 = arith.constant 383 : i32
      %min3A_1197 = vector.broadcast %min3A_1196 : i32 to vector<16xi32>
      %min3A_1198 = arith.minsi %add3A_1192, %min3A_1197 : vector<16xi32>
      %add3A_1199 = arith.constant 64 : i32
      %add3A_1200 = arith.addi %mul3A_1156, %add3A_1199 : i32
      %add3A_1201 = vector.broadcast %add3A_1200 : i32 to vector<16xi32>
      %add3A_1202 = arith.addi %add3A_1201, %iota3A : vector<16xi32>
      %ge3A_1203 = arith.cmpi sge, %add3A_1202, %broadcast_in_dim3A_1157 : vector<16xi32>
      %lt3A_1204 = arith.cmpi slt, %add3A_1202, %broadcast_in_dim3A_1158 : vector<16xi32>
      %and3A_1205 = arith.andi %ge3A_1203, %lt3A_1204 : vector<16xi1>
      %min3A_1206 = arith.constant 383 : i32
      %min3A_1207 = vector.broadcast %min3A_1206 : i32 to vector<16xi32>
      %min3A_1208 = arith.minsi %add3A_1202, %min3A_1207 : vector<16xi32>
      %while3A_1209 = arith.constant 0 : i32
      %while3A_1210 = arith.subi %max3A_1130, %max3A_1126 : i32
      %while3A_1211 = arith.addi %max3A_1126, %while3A_1210 : i32
      %while3A_1212 = arith.constant 1 : i32
      %while3A_1213 = arith.divsi %while3A_1210, %while3A_1212 : i32
      %while3A_1214 = arith.muli %while3A_1213, %while3A_1212 : i32
      %while3A_1215 = arith.addi %max3A_1126, %while3A_1214 : i32
      %while3A_1216 = arith.constant 1 : i32
      scf.for %while3A_3102 = %max3A_1126 to %while3A_1215 step %while3A_1216  : i32 {
        %mul3A_3103 = arith.constant 384 : i32
        %mul3A_3104 = arith.muli %while3A_3102, %mul3A_3103 : i32
        %add3A_3105 = vector.broadcast %mul3A_3104 : i32 to vector<16xi32>
        %add3A_3106 = arith.addi %add3A_3105, %min3A_1168 : vector<16xi32>
        tpu.vector_store_idx %arg6[%add3A_3106], %broadcast_in_dim3A_5 masked %and3A_1165 : memref<36864xf32, #tpu.memory_space<vmem>>[vector<16xi32>], vector<16xf32>, vector<16xi1>
        %add3A_3107 = vector.broadcast %mul3A_3104 : i32 to vector<16xi32>
        %add3A_3108 = arith.addi %add3A_3107, %min3A_1178 : vector<16xi32>
        tpu.vector_store_idx %arg6[%add3A_3108], %broadcast_in_dim3A_5 masked %and3A_1175 : memref<36864xf32, #tpu.memory_space<vmem>>[vector<16xi32>], vector<16xf32>, vector<16xi1>
        %add3A_3109 = vector.broadcast %mul3A_3104 : i32 to vector<16xi32>
        %add3A_3110 = arith.addi %add3A_3109, %min3A_1188 : vector<16xi32>
        tpu.vector_store_idx %arg6[%add3A_3110], %broadcast_in_dim3A_5 masked %and3A_1185 : memref<36864xf32, #tpu.memory_space<vmem>>[vector<16xi32>], vector<16xf32>, vector<16xi1>
        %add3A_3111 = vector.broadcast %mul3A_3104 : i32 to vector<16xi32>
        %add3A_3112 = arith.addi %add3A_3111, %min3A_1198 : vector<16xi32>
        tpu.vector_store_idx %arg6[%add3A_3112], %broadcast_in_dim3A_5 masked %and3A_1195 : memref<36864xf32, #tpu.memory_space<vmem>>[vector<16xi32>], vector<16xf32>, vector<16xi1>
        %add3A_3113 = vector.broadcast %mul3A_3104 : i32 to vector<16xi32>
        %add3A_3114 = arith.addi %add3A_3113, %min3A_1208 : vector<16xi32>
        tpu.vector_store_idx %arg6[%add3A_3114], %broadcast_in_dim3A_5 masked %and3A_1205 : memref<36864xf32, #tpu.memory_space<vmem>>[vector<16xi32>], vector<16xf32>, vector<16xi1>
      }
      %while3A_1217 = arith.constant 1 : i32
      scf.for %while3A_3102 = %while3A_1215 to %while3A_1211 step %while3A_1217  : i32 {
        %mul3A_3103 = arith.constant 384 : i32
        %mul3A_3104 = arith.muli %while3A_3102, %mul3A_3103 : i32
        %add3A_3105 = vector.broadcast %mul3A_3104 : i32 to vector<16xi32>
        %add3A_3106 = arith.addi %add3A_3105, %min3A_1168 : vector<16xi32>
        tpu.vector_store_idx %arg6[%add3A_3106], %broadcast_in_dim3A_5 masked %and3A_1165 : memref<36864xf32, #tpu.memory_space<vmem>>[vector<16xi32>], vector<16xf32>, vector<16xi1>
        %add3A_3107 = vector.broadcast %mul3A_3104 : i32 to vector<16xi32>
        %add3A_3108 = arith.addi %add3A_3107, %min3A_1178 : vector<16xi32>
        tpu.vector_store_idx %arg6[%add3A_3108], %broadcast_in_dim3A_5 masked %and3A_1175 : memref<36864xf32, #tpu.memory_space<vmem>>[vector<16xi32>], vector<16xf32>, vector<16xi1>
        %add3A_3109 = vector.broadcast %mul3A_3104 : i32 to vector<16xi32>
        %add3A_3110 = arith.addi %add3A_3109, %min3A_1188 : vector<16xi32>
        tpu.vector_store_idx %arg6[%add3A_3110], %broadcast_in_dim3A_5 masked %and3A_1185 : memref<36864xf32, #tpu.memory_space<vmem>>[vector<16xi32>], vector<16xf32>, vector<16xi1>
        %add3A_3111 = vector.broadcast %mul3A_3104 : i32 to vector<16xi32>
        %add3A_3112 = arith.addi %add3A_3111, %min3A_1198 : vector<16xi32>
        tpu.vector_store_idx %arg6[%add3A_3112], %broadcast_in_dim3A_5 masked %and3A_1195 : memref<36864xf32, #tpu.memory_space<vmem>>[vector<16xi32>], vector<16xf32>, vector<16xi1>
        %add3A_3113 = vector.broadcast %mul3A_3104 : i32 to vector<16xi32>
        %add3A_3114 = arith.addi %add3A_3113, %min3A_1208 : vector<16xi32>
        tpu.vector_store_idx %arg6[%add3A_3114], %broadcast_in_dim3A_5 masked %and3A_1205 : memref<36864xf32, #tpu.memory_space<vmem>>[vector<16xi32>], vector<16xf32>, vector<16xi1>
      }
      %slice3A_1218 = vector.extract_strided_slice %get3A_1103 {offsets = [1], sizes = [1], strides = [1]} : vector<16xi32> to vector<1xi32>
      %squeeze3A_1219 = vector.extract %slice3A_1218[0] : i32 from vector<1xi32>
      %max3A_1220 = arith.constant 0 : i32
      %max3A_1221 = arith.maxsi %squeeze3A_1219, %max3A_1220 : i32
      %min3A_1222 = arith.constant 383 : i32
      %min3A_1223 = arith.minsi %max3A_1221, %min3A_1222 : i32
      %slice3A_1224 = vector.extract_strided_slice %get3A_1103 {offsets = [9], sizes = [1], strides = [1]} : vector<16xi32> to vector<1xi32>
      %squeeze3A_1225 = vector.extract %slice3A_1224[0] : i32 from vector<1xi32>
      %max3A_1226 = arith.constant 0 : i32
      %max3A_1227 = arith.maxsi %squeeze3A_1225, %max3A_1226 : i32
      %min3A_1228 = arith.constant 383 : i32
      %min3A_1229 = arith.minsi %max3A_1227, %min3A_1228 : i32
      %add3A_1230 = arith.constant 64 : i32
      %add3A_1231 = arith.addi %min3A_1223, %add3A_1230 : i32
      %min3A_1232 = arith.constant 383 : i32
      %min3A_1233 = arith.minsi %add3A_1231, %min3A_1232 : i32
      %add3A_1234 = arith.constant 64 : i32
      %add3A_1235 = arith.addi %min3A_1229, %add3A_1234 : i32
      %min3A_1236 = arith.constant 383 : i32
      %min3A_1237 = arith.minsi %add3A_1235, %min3A_1236 : i32
      %sub3A_1238 = arith.subi %min3A_1223, %mul3A_1099 : i32
      %max3A_1239 = arith.constant 0 : i32
      %max3A_1240 = arith.maxsi %sub3A_1238, %max3A_1239 : i32
      %sub3A_1241 = arith.subi %min3A_1233, %mul3A_1099 : i32
      %min3A_1242 = arith.constant 96 : i32
      %min3A_1243 = arith.minsi %sub3A_1241, %min3A_1242 : i32
      %max3A_1244 = arith.maxsi %min3A_1243, %max3A_1240 : i32
      %jit3A_1245 = arith.constant 16 : i32
      %div3A_1246 = arith.divsi %min3A_1229, %jit3A_1245 : i32
      %sign3A_1247 = arith.constant 0 : i32
      %sign3A_1248 = arith.cmpi sgt, %min3A_1229, %sign3A_1247 : i32
      %sign3A_1249 = arith.extui %sign3A_1248 : i1 to i32
      %sign3A_1250 = arith.constant 0 : i32
      %sign3A_1251 = arith.cmpi slt, %min3A_1229, %sign3A_1250 : i32
      %sign3A_1252 = arith.extui %sign3A_1251 : i1 to i32
      %sign3A_1253 = arith.subi %sign3A_1249, %sign3A_1252 : i32
      %sign3A_1254 = arith.constant 0 : i32
      %sign3A_1255 = arith.cmpi sgt, %jit3A_1245, %sign3A_1254 : i32
      %sign3A_1256 = arith.extui %sign3A_1255 : i1 to i32
      %sign3A_1257 = arith.constant 0 : i32
      %sign3A_1258 = arith.cmpi slt, %jit3A_1245, %sign3A_1257 : i32
      %sign3A_1259 = arith.extui %sign3A_1258 : i1 to i32
      %sign3A_1260 = arith.subi %sign3A_1256, %sign3A_1259 : i32
      %ne3A_1261 = arith.cmpi ne, %sign3A_1253, %sign3A_1260 : i32
      %rem3A_1262 = arith.remsi %min3A_1229, %jit3A_1245 : i32
      %ne3A_1263 = arith.constant 0 : i32
      %ne3A_1264 = arith.cmpi ne, %rem3A_1262, %ne3A_1263 : i32
      %and3A_1265 = arith.andi %ne3A_1261, %ne3A_1264 : i1
      %sub3A_1266 = arith.constant 1 : i32
      %sub3A_1267 = arith.subi %div3A_1246, %sub3A_1266 : i32
      %select_n3A_1268 = arith.select %and3A_1265, %sub3A_1267, %div3A_1246 : i32
      %mul3A_1269 = arith.constant 16 : i32
      %mul3A_1270 = arith.muli %select_n3A_1268, %mul3A_1269 : i32
      %broadcast_in_dim3A_1271 = vector.broadcast %min3A_1229 : i32 to vector<16xi32>
      %broadcast_in_dim3A_1272 = vector.broadcast %min3A_1237 : i32 to vector<16xi32>
      %add3A_1273 = arith.constant 0 : i32
      %add3A_1274 = arith.addi %mul3A_1270, %add3A_1273 : i32
      %add3A_1275 = vector.broadcast %add3A_1274 : i32 to vector<16xi32>
      %add3A_1276 = arith.addi %add3A_1275, %iota3A : vector<16xi32>
      %ge3A_1277 = arith.cmpi sge, %add3A_1276, %broadcast_in_dim3A_1271 : vector<16xi32>
      %lt3A_1278 = arith.cmpi slt, %add3A_1276, %broadcast_in_dim3A_1272 : vector<16xi32>
      %and3A_1279 = arith.andi %ge3A_1277, %lt3A_1278 : vector<16xi1>
      %min3A_1280 = arith.constant 383 : i32
      %min3A_1281 = vector.broadcast %min3A_1280 : i32 to vector<16xi32>
      %min3A_1282 = arith.minsi %add3A_1276, %min3A_1281 : vector<16xi32>
      %add3A_1283 = arith.constant 16 : i32
      %add3A_1284 = arith.addi %mul3A_1270, %add3A_1283 : i32
      %add3A_1285 = vector.broadcast %add3A_1284 : i32 to vector<16xi32>
      %add3A_1286 = arith.addi %add3A_1285, %iota3A : vector<16xi32>
      %ge3A_1287 = arith.cmpi sge, %add3A_1286, %broadcast_in_dim3A_1271 : vector<16xi32>
      %lt3A_1288 = arith.cmpi slt, %add3A_1286, %broadcast_in_dim3A_1272 : vector<16xi32>
      %and3A_1289 = arith.andi %ge3A_1287, %lt3A_1288 : vector<16xi1>
      %min3A_1290 = arith.constant 383 : i32
      %min3A_1291 = vector.broadcast %min3A_1290 : i32 to vector<16xi32>
      %min3A_1292 = arith.minsi %add3A_1286, %min3A_1291 : vector<16xi32>
      %add3A_1293 = arith.constant 32 : i32
      %add3A_1294 = arith.addi %mul3A_1270, %add3A_1293 : i32
      %add3A_1295 = vector.broadcast %add3A_1294 : i32 to vector<16xi32>
      %add3A_1296 = arith.addi %add3A_1295, %iota3A : vector<16xi32>
      %ge3A_1297 = arith.cmpi sge, %add3A_1296, %broadcast_in_dim3A_1271 : vector<16xi32>
      %lt3A_1298 = arith.cmpi slt, %add3A_1296, %broadcast_in_dim3A_1272 : vector<16xi32>
      %and3A_1299 = arith.andi %ge3A_1297, %lt3A_1298 : vector<16xi1>
      %min3A_1300 = arith.constant 383 : i32
      %min3A_1301 = vector.broadcast %min3A_1300 : i32 to vector<16xi32>
      %min3A_1302 = arith.minsi %add3A_1296, %min3A_1301 : vector<16xi32>
      %add3A_1303 = arith.constant 48 : i32
      %add3A_1304 = arith.addi %mul3A_1270, %add3A_1303 : i32
      %add3A_1305 = vector.broadcast %add3A_1304 : i32 to vector<16xi32>
      %add3A_1306 = arith.addi %add3A_1305, %iota3A : vector<16xi32>
      %ge3A_1307 = arith.cmpi sge, %add3A_1306, %broadcast_in_dim3A_1271 : vector<16xi32>
      %lt3A_1308 = arith.cmpi slt, %add3A_1306, %broadcast_in_dim3A_1272 : vector<16xi32>
      %and3A_1309 = arith.andi %ge3A_1307, %lt3A_1308 : vector<16xi1>
      %min3A_1310 = arith.constant 383 : i32
      %min3A_1311 = vector.broadcast %min3A_1310 : i32 to vector<16xi32>
      %min3A_1312 = arith.minsi %add3A_1306, %min3A_1311 : vector<16xi32>
      %add3A_1313 = arith.constant 64 : i32
      %add3A_1314 = arith.addi %mul3A_1270, %add3A_1313 : i32
      %add3A_1315 = vector.broadcast %add3A_1314 : i32 to vector<16xi32>
      %add3A_1316 = arith.addi %add3A_1315, %iota3A : vector<16xi32>
      %ge3A_1317 = arith.cmpi sge, %add3A_1316, %broadcast_in_dim3A_1271 : vector<16xi32>
      %lt3A_1318 = arith.cmpi slt, %add3A_1316, %broadcast_in_dim3A_1272 : vector<16xi32>
      %and3A_1319 = arith.andi %ge3A_1317, %lt3A_1318 : vector<16xi1>
      %min3A_1320 = arith.constant 383 : i32
      %min3A_1321 = vector.broadcast %min3A_1320 : i32 to vector<16xi32>
      %min3A_1322 = arith.minsi %add3A_1316, %min3A_1321 : vector<16xi32>
      %while3A_1323 = arith.constant 0 : i32
      %while3A_1324 = arith.subi %max3A_1244, %max3A_1240 : i32
      %while3A_1325 = arith.addi %max3A_1240, %while3A_1324 : i32
      %while3A_1326 = arith.constant 1 : i32
      %while3A_1327 = arith.divsi %while3A_1324, %while3A_1326 : i32
      %while3A_1328 = arith.muli %while3A_1327, %while3A_1326 : i32
      %while3A_1329 = arith.addi %max3A_1240, %while3A_1328 : i32
      %while3A_1330 = arith.constant 1 : i32
      scf.for %while3A_3102 = %max3A_1240 to %while3A_1329 step %while3A_1330  : i32 {
        %mul3A_3103 = arith.constant 384 : i32
        %mul3A_3104 = arith.muli %while3A_3102, %mul3A_3103 : i32
        %add3A_3105 = vector.broadcast %mul3A_3104 : i32 to vector<16xi32>
        %add3A_3106 = arith.addi %add3A_3105, %min3A_1282 : vector<16xi32>
        tpu.vector_store_idx %arg6[%add3A_3106], %broadcast_in_dim3A_5 masked %and3A_1279 : memref<36864xf32, #tpu.memory_space<vmem>>[vector<16xi32>], vector<16xf32>, vector<16xi1>
        %add3A_3107 = vector.broadcast %mul3A_3104 : i32 to vector<16xi32>
        %add3A_3108 = arith.addi %add3A_3107, %min3A_1292 : vector<16xi32>
        tpu.vector_store_idx %arg6[%add3A_3108], %broadcast_in_dim3A_5 masked %and3A_1289 : memref<36864xf32, #tpu.memory_space<vmem>>[vector<16xi32>], vector<16xf32>, vector<16xi1>
        %add3A_3109 = vector.broadcast %mul3A_3104 : i32 to vector<16xi32>
        %add3A_3110 = arith.addi %add3A_3109, %min3A_1302 : vector<16xi32>
        tpu.vector_store_idx %arg6[%add3A_3110], %broadcast_in_dim3A_5 masked %and3A_1299 : memref<36864xf32, #tpu.memory_space<vmem>>[vector<16xi32>], vector<16xf32>, vector<16xi1>
        %add3A_3111 = vector.broadcast %mul3A_3104 : i32 to vector<16xi32>
        %add3A_3112 = arith.addi %add3A_3111, %min3A_1312 : vector<16xi32>
        tpu.vector_store_idx %arg6[%add3A_3112], %broadcast_in_dim3A_5 masked %and3A_1309 : memref<36864xf32, #tpu.memory_space<vmem>>[vector<16xi32>], vector<16xf32>, vector<16xi1>
        %add3A_3113 = vector.broadcast %mul3A_3104 : i32 to vector<16xi32>
        %add3A_3114 = arith.addi %add3A_3113, %min3A_1322 : vector<16xi32>
        tpu.vector_store_idx %arg6[%add3A_3114], %broadcast_in_dim3A_5 masked %and3A_1319 : memref<36864xf32, #tpu.memory_space<vmem>>[vector<16xi32>], vector<16xf32>, vector<16xi1>
      }
      %while3A_1331 = arith.constant 1 : i32
      scf.for %while3A_3102 = %while3A_1329 to %while3A_1325 step %while3A_1331  : i32 {
        %mul3A_3103 = arith.constant 384 : i32
        %mul3A_3104 = arith.muli %while3A_3102, %mul3A_3103 : i32
        %add3A_3105 = vector.broadcast %mul3A_3104 : i32 to vector<16xi32>
        %add3A_3106 = arith.addi %add3A_3105, %min3A_1282 : vector<16xi32>
        tpu.vector_store_idx %arg6[%add3A_3106], %broadcast_in_dim3A_5 masked %and3A_1279 : memref<36864xf32, #tpu.memory_space<vmem>>[vector<16xi32>], vector<16xf32>, vector<16xi1>
        %add3A_3107 = vector.broadcast %mul3A_3104 : i32 to vector<16xi32>
        %add3A_3108 = arith.addi %add3A_3107, %min3A_1292 : vector<16xi32>
        tpu.vector_store_idx %arg6[%add3A_3108], %broadcast_in_dim3A_5 masked %and3A_1289 : memref<36864xf32, #tpu.memory_space<vmem>>[vector<16xi32>], vector<16xf32>, vector<16xi1>
        %add3A_3109 = vector.broadcast %mul3A_3104 : i32 to vector<16xi32>
        %add3A_3110 = arith.addi %add3A_3109, %min3A_1302 : vector<16xi32>
        tpu.vector_store_idx %arg6[%add3A_3110], %broadcast_in_dim3A_5 masked %and3A_1299 : memref<36864xf32, #tpu.memory_space<vmem>>[vector<16xi32>], vector<16xf32>, vector<16xi1>
        %add3A_3111 = vector.broadcast %mul3A_3104 : i32 to vector<16xi32>
        %add3A_3112 = arith.addi %add3A_3111, %min3A_1312 : vector<16xi32>
        tpu.vector_store_idx %arg6[%add3A_3112], %broadcast_in_dim3A_5 masked %and3A_1309 : memref<36864xf32, #tpu.memory_space<vmem>>[vector<16xi32>], vector<16xf32>, vector<16xi1>
        %add3A_3113 = vector.broadcast %mul3A_3104 : i32 to vector<16xi32>
        %add3A_3114 = arith.addi %add3A_3113, %min3A_1322 : vector<16xi32>
        tpu.vector_store_idx %arg6[%add3A_3114], %broadcast_in_dim3A_5 masked %and3A_1319 : memref<36864xf32, #tpu.memory_space<vmem>>[vector<16xi32>], vector<16xf32>, vector<16xi1>
      }
      %slice3A_1332 = vector.extract_strided_slice %get3A_1103 {offsets = [2], sizes = [1], strides = [1]} : vector<16xi32> to vector<1xi32>
      %squeeze3A_1333 = vector.extract %slice3A_1332[0] : i32 from vector<1xi32>
      %max3A_1334 = arith.constant 0 : i32
      %max3A_1335 = arith.maxsi %squeeze3A_1333, %max3A_1334 : i32
      %min3A_1336 = arith.constant 383 : i32
      %min3A_1337 = arith.minsi %max3A_1335, %min3A_1336 : i32
      %slice3A_1338 = vector.extract_strided_slice %get3A_1103 {offsets = [10], sizes = [1], strides = [1]} : vector<16xi32> to vector<1xi32>
      %squeeze3A_1339 = vector.extract %slice3A_1338[0] : i32 from vector<1xi32>
      %max3A_1340 = arith.constant 0 : i32
      %max3A_1341 = arith.maxsi %squeeze3A_1339, %max3A_1340 : i32
      %min3A_1342 = arith.constant 383 : i32
      %min3A_1343 = arith.minsi %max3A_1341, %min3A_1342 : i32
      %add3A_1344 = arith.constant 64 : i32
      %add3A_1345 = arith.addi %min3A_1337, %add3A_1344 : i32
      %min3A_1346 = arith.constant 383 : i32
      %min3A_1347 = arith.minsi %add3A_1345, %min3A_1346 : i32
      %add3A_1348 = arith.constant 64 : i32
      %add3A_1349 = arith.addi %min3A_1343, %add3A_1348 : i32
      %min3A_1350 = arith.constant 383 : i32
      %min3A_1351 = arith.minsi %add3A_1349, %min3A_1350 : i32
      %sub3A_1352 = arith.subi %min3A_1337, %mul3A_1099 : i32
      %max3A_1353 = arith.constant 0 : i32
      %max3A_1354 = arith.maxsi %sub3A_1352, %max3A_1353 : i32
      %sub3A_1355 = arith.subi %min3A_1347, %mul3A_1099 : i32
      %min3A_1356 = arith.constant 96 : i32
      %min3A_1357 = arith.minsi %sub3A_1355, %min3A_1356 : i32
      %max3A_1358 = arith.maxsi %min3A_1357, %max3A_1354 : i32
      %jit3A_1359 = arith.constant 16 : i32
      %div3A_1360 = arith.divsi %min3A_1343, %jit3A_1359 : i32
      %sign3A_1361 = arith.constant 0 : i32
      %sign3A_1362 = arith.cmpi sgt, %min3A_1343, %sign3A_1361 : i32
      %sign3A_1363 = arith.extui %sign3A_1362 : i1 to i32
      %sign3A_1364 = arith.constant 0 : i32
      %sign3A_1365 = arith.cmpi slt, %min3A_1343, %sign3A_1364 : i32
      %sign3A_1366 = arith.extui %sign3A_1365 : i1 to i32
      %sign3A_1367 = arith.subi %sign3A_1363, %sign3A_1366 : i32
      %sign3A_1368 = arith.constant 0 : i32
      %sign3A_1369 = arith.cmpi sgt, %jit3A_1359, %sign3A_1368 : i32
      %sign3A_1370 = arith.extui %sign3A_1369 : i1 to i32
      %sign3A_1371 = arith.constant 0 : i32
      %sign3A_1372 = arith.cmpi slt, %jit3A_1359, %sign3A_1371 : i32
      %sign3A_1373 = arith.extui %sign3A_1372 : i1 to i32
      %sign3A_1374 = arith.subi %sign3A_1370, %sign3A_1373 : i32
      %ne3A_1375 = arith.cmpi ne, %sign3A_1367, %sign3A_1374 : i32
      %rem3A_1376 = arith.remsi %min3A_1343, %jit3A_1359 : i32
      %ne3A_1377 = arith.constant 0 : i32
      %ne3A_1378 = arith.cmpi ne, %rem3A_1376, %ne3A_1377 : i32
      %and3A_1379 = arith.andi %ne3A_1375, %ne3A_1378 : i1
      %sub3A_1380 = arith.constant 1 : i32
      %sub3A_1381 = arith.subi %div3A_1360, %sub3A_1380 : i32
      %select_n3A_1382 = arith.select %and3A_1379, %sub3A_1381, %div3A_1360 : i32
      %mul3A_1383 = arith.constant 16 : i32
      %mul3A_1384 = arith.muli %select_n3A_1382, %mul3A_1383 : i32
      %broadcast_in_dim3A_1385 = vector.broadcast %min3A_1343 : i32 to vector<16xi32>
      %broadcast_in_dim3A_1386 = vector.broadcast %min3A_1351 : i32 to vector<16xi32>
      %add3A_1387 = arith.constant 0 : i32
      %add3A_1388 = arith.addi %mul3A_1384, %add3A_1387 : i32
      %add3A_1389 = vector.broadcast %add3A_1388 : i32 to vector<16xi32>
      %add3A_1390 = arith.addi %add3A_1389, %iota3A : vector<16xi32>
      %ge3A_1391 = arith.cmpi sge, %add3A_1390, %broadcast_in_dim3A_1385 : vector<16xi32>
      %lt3A_1392 = arith.cmpi slt, %add3A_1390, %broadcast_in_dim3A_1386 : vector<16xi32>
      %and3A_1393 = arith.andi %ge3A_1391, %lt3A_1392 : vector<16xi1>
      %min3A_1394 = arith.constant 383 : i32
      %min3A_1395 = vector.broadcast %min3A_1394 : i32 to vector<16xi32>
      %min3A_1396 = arith.minsi %add3A_1390, %min3A_1395 : vector<16xi32>
      %add3A_1397 = arith.constant 16 : i32
      %add3A_1398 = arith.addi %mul3A_1384, %add3A_1397 : i32
      %add3A_1399 = vector.broadcast %add3A_1398 : i32 to vector<16xi32>
      %add3A_1400 = arith.addi %add3A_1399, %iota3A : vector<16xi32>
      %ge3A_1401 = arith.cmpi sge, %add3A_1400, %broadcast_in_dim3A_1385 : vector<16xi32>
      %lt3A_1402 = arith.cmpi slt, %add3A_1400, %broadcast_in_dim3A_1386 : vector<16xi32>
      %and3A_1403 = arith.andi %ge3A_1401, %lt3A_1402 : vector<16xi1>
      %min3A_1404 = arith.constant 383 : i32
      %min3A_1405 = vector.broadcast %min3A_1404 : i32 to vector<16xi32>
      %min3A_1406 = arith.minsi %add3A_1400, %min3A_1405 : vector<16xi32>
      %add3A_1407 = arith.constant 32 : i32
      %add3A_1408 = arith.addi %mul3A_1384, %add3A_1407 : i32
      %add3A_1409 = vector.broadcast %add3A_1408 : i32 to vector<16xi32>
      %add3A_1410 = arith.addi %add3A_1409, %iota3A : vector<16xi32>
      %ge3A_1411 = arith.cmpi sge, %add3A_1410, %broadcast_in_dim3A_1385 : vector<16xi32>
      %lt3A_1412 = arith.cmpi slt, %add3A_1410, %broadcast_in_dim3A_1386 : vector<16xi32>
      %and3A_1413 = arith.andi %ge3A_1411, %lt3A_1412 : vector<16xi1>
      %min3A_1414 = arith.constant 383 : i32
      %min3A_1415 = vector.broadcast %min3A_1414 : i32 to vector<16xi32>
      %min3A_1416 = arith.minsi %add3A_1410, %min3A_1415 : vector<16xi32>
      %add3A_1417 = arith.constant 48 : i32
      %add3A_1418 = arith.addi %mul3A_1384, %add3A_1417 : i32
      %add3A_1419 = vector.broadcast %add3A_1418 : i32 to vector<16xi32>
      %add3A_1420 = arith.addi %add3A_1419, %iota3A : vector<16xi32>
      %ge3A_1421 = arith.cmpi sge, %add3A_1420, %broadcast_in_dim3A_1385 : vector<16xi32>
      %lt3A_1422 = arith.cmpi slt, %add3A_1420, %broadcast_in_dim3A_1386 : vector<16xi32>
      %and3A_1423 = arith.andi %ge3A_1421, %lt3A_1422 : vector<16xi1>
      %min3A_1424 = arith.constant 383 : i32
      %min3A_1425 = vector.broadcast %min3A_1424 : i32 to vector<16xi32>
      %min3A_1426 = arith.minsi %add3A_1420, %min3A_1425 : vector<16xi32>
      %add3A_1427 = arith.constant 64 : i32
      %add3A_1428 = arith.addi %mul3A_1384, %add3A_1427 : i32
      %add3A_1429 = vector.broadcast %add3A_1428 : i32 to vector<16xi32>
      %add3A_1430 = arith.addi %add3A_1429, %iota3A : vector<16xi32>
      %ge3A_1431 = arith.cmpi sge, %add3A_1430, %broadcast_in_dim3A_1385 : vector<16xi32>
      %lt3A_1432 = arith.cmpi slt, %add3A_1430, %broadcast_in_dim3A_1386 : vector<16xi32>
      %and3A_1433 = arith.andi %ge3A_1431, %lt3A_1432 : vector<16xi1>
      %min3A_1434 = arith.constant 383 : i32
      %min3A_1435 = vector.broadcast %min3A_1434 : i32 to vector<16xi32>
      %min3A_1436 = arith.minsi %add3A_1430, %min3A_1435 : vector<16xi32>
      %while3A_1437 = arith.constant 0 : i32
      %while3A_1438 = arith.subi %max3A_1358, %max3A_1354 : i32
      %while3A_1439 = arith.addi %max3A_1354, %while3A_1438 : i32
      %while3A_1440 = arith.constant 1 : i32
      %while3A_1441 = arith.divsi %while3A_1438, %while3A_1440 : i32
      %while3A_1442 = arith.muli %while3A_1441, %while3A_1440 : i32
      %while3A_1443 = arith.addi %max3A_1354, %while3A_1442 : i32
      %while3A_1444 = arith.constant 1 : i32
      scf.for %while3A_3102 = %max3A_1354 to %while3A_1443 step %while3A_1444  : i32 {
        %mul3A_3103 = arith.constant 384 : i32
        %mul3A_3104 = arith.muli %while3A_3102, %mul3A_3103 : i32
        %add3A_3105 = vector.broadcast %mul3A_3104 : i32 to vector<16xi32>
        %add3A_3106 = arith.addi %add3A_3105, %min3A_1396 : vector<16xi32>
        tpu.vector_store_idx %arg6[%add3A_3106], %broadcast_in_dim3A_5 masked %and3A_1393 : memref<36864xf32, #tpu.memory_space<vmem>>[vector<16xi32>], vector<16xf32>, vector<16xi1>
        %add3A_3107 = vector.broadcast %mul3A_3104 : i32 to vector<16xi32>
        %add3A_3108 = arith.addi %add3A_3107, %min3A_1406 : vector<16xi32>
        tpu.vector_store_idx %arg6[%add3A_3108], %broadcast_in_dim3A_5 masked %and3A_1403 : memref<36864xf32, #tpu.memory_space<vmem>>[vector<16xi32>], vector<16xf32>, vector<16xi1>
        %add3A_3109 = vector.broadcast %mul3A_3104 : i32 to vector<16xi32>
        %add3A_3110 = arith.addi %add3A_3109, %min3A_1416 : vector<16xi32>
        tpu.vector_store_idx %arg6[%add3A_3110], %broadcast_in_dim3A_5 masked %and3A_1413 : memref<36864xf32, #tpu.memory_space<vmem>>[vector<16xi32>], vector<16xf32>, vector<16xi1>
        %add3A_3111 = vector.broadcast %mul3A_3104 : i32 to vector<16xi32>
        %add3A_3112 = arith.addi %add3A_3111, %min3A_1426 : vector<16xi32>
        tpu.vector_store_idx %arg6[%add3A_3112], %broadcast_in_dim3A_5 masked %and3A_1423 : memref<36864xf32, #tpu.memory_space<vmem>>[vector<16xi32>], vector<16xf32>, vector<16xi1>
        %add3A_3113 = vector.broadcast %mul3A_3104 : i32 to vector<16xi32>
        %add3A_3114 = arith.addi %add3A_3113, %min3A_1436 : vector<16xi32>
        tpu.vector_store_idx %arg6[%add3A_3114], %broadcast_in_dim3A_5 masked %and3A_1433 : memref<36864xf32, #tpu.memory_space<vmem>>[vector<16xi32>], vector<16xf32>, vector<16xi1>
      }
      %while3A_1445 = arith.constant 1 : i32
      scf.for %while3A_3102 = %while3A_1443 to %while3A_1439 step %while3A_1445  : i32 {
        %mul3A_3103 = arith.constant 384 : i32
        %mul3A_3104 = arith.muli %while3A_3102, %mul3A_3103 : i32
        %add3A_3105 = vector.broadcast %mul3A_3104 : i32 to vector<16xi32>
        %add3A_3106 = arith.addi %add3A_3105, %min3A_1396 : vector<16xi32>
        tpu.vector_store_idx %arg6[%add3A_3106], %broadcast_in_dim3A_5 masked %and3A_1393 : memref<36864xf32, #tpu.memory_space<vmem>>[vector<16xi32>], vector<16xf32>, vector<16xi1>
        %add3A_3107 = vector.broadcast %mul3A_3104 : i32 to vector<16xi32>
        %add3A_3108 = arith.addi %add3A_3107, %min3A_1406 : vector<16xi32>
        tpu.vector_store_idx %arg6[%add3A_3108], %broadcast_in_dim3A_5 masked %and3A_1403 : memref<36864xf32, #tpu.memory_space<vmem>>[vector<16xi32>], vector<16xf32>, vector<16xi1>
        %add3A_3109 = vector.broadcast %mul3A_3104 : i32 to vector<16xi32>
        %add3A_3110 = arith.addi %add3A_3109, %min3A_1416 : vector<16xi32>
        tpu.vector_store_idx %arg6[%add3A_3110], %broadcast_in_dim3A_5 masked %and3A_1413 : memref<36864xf32, #tpu.memory_space<vmem>>[vector<16xi32>], vector<16xf32>, vector<16xi1>
        %add3A_3111 = vector.broadcast %mul3A_3104 : i32 to vector<16xi32>
        %add3A_3112 = arith.addi %add3A_3111, %min3A_1426 : vector<16xi32>
        tpu.vector_store_idx %arg6[%add3A_3112], %broadcast_in_dim3A_5 masked %and3A_1423 : memref<36864xf32, #tpu.memory_space<vmem>>[vector<16xi32>], vector<16xf32>, vector<16xi1>
        %add3A_3113 = vector.broadcast %mul3A_3104 : i32 to vector<16xi32>
        %add3A_3114 = arith.addi %add3A_3113, %min3A_1436 : vector<16xi32>
        tpu.vector_store_idx %arg6[%add3A_3114], %broadcast_in_dim3A_5 masked %and3A_1433 : memref<36864xf32, #tpu.memory_space<vmem>>[vector<16xi32>], vector<16xf32>, vector<16xi1>
      }
      %slice3A_1446 = vector.extract_strided_slice %get3A_1103 {offsets = [3], sizes = [1], strides = [1]} : vector<16xi32> to vector<1xi32>
      %squeeze3A_1447 = vector.extract %slice3A_1446[0] : i32 from vector<1xi32>
      %max3A_1448 = arith.constant 0 : i32
      %max3A_1449 = arith.maxsi %squeeze3A_1447, %max3A_1448 : i32
      %min3A_1450 = arith.constant 383 : i32
      %min3A_1451 = arith.minsi %max3A_1449, %min3A_1450 : i32
      %slice3A_1452 = vector.extract_strided_slice %get3A_1103 {offsets = [11], sizes = [1], strides = [1]} : vector<16xi32> to vector<1xi32>
      %squeeze3A_1453 = vector.extract %slice3A_1452[0] : i32 from vector<1xi32>
      %max3A_1454 = arith.constant 0 : i32
      %max3A_1455 = arith.maxsi %squeeze3A_1453, %max3A_1454 : i32
      %min3A_1456 = arith.constant 383 : i32
      %min3A_1457 = arith.minsi %max3A_1455, %min3A_1456 : i32
      %add3A_1458 = arith.constant 64 : i32
      %add3A_1459 = arith.addi %min3A_1451, %add3A_1458 : i32
      %min3A_1460 = arith.constant 383 : i32
      %min3A_1461 = arith.minsi %add3A_1459, %min3A_1460 : i32
      %add3A_1462 = arith.constant 64 : i32
      %add3A_1463 = arith.addi %min3A_1457, %add3A_1462 : i32
      %min3A_1464 = arith.constant 383 : i32
      %min3A_1465 = arith.minsi %add3A_1463, %min3A_1464 : i32
      %sub3A_1466 = arith.subi %min3A_1451, %mul3A_1099 : i32
      %max3A_1467 = arith.constant 0 : i32
      %max3A_1468 = arith.maxsi %sub3A_1466, %max3A_1467 : i32
      %sub3A_1469 = arith.subi %min3A_1461, %mul3A_1099 : i32
      %min3A_1470 = arith.constant 96 : i32
      %min3A_1471 = arith.minsi %sub3A_1469, %min3A_1470 : i32
      %max3A_1472 = arith.maxsi %min3A_1471, %max3A_1468 : i32
      %jit3A_1473 = arith.constant 16 : i32
      %div3A_1474 = arith.divsi %min3A_1457, %jit3A_1473 : i32
      %sign3A_1475 = arith.constant 0 : i32
      %sign3A_1476 = arith.cmpi sgt, %min3A_1457, %sign3A_1475 : i32
      %sign3A_1477 = arith.extui %sign3A_1476 : i1 to i32
      %sign3A_1478 = arith.constant 0 : i32
      %sign3A_1479 = arith.cmpi slt, %min3A_1457, %sign3A_1478 : i32
      %sign3A_1480 = arith.extui %sign3A_1479 : i1 to i32
      %sign3A_1481 = arith.subi %sign3A_1477, %sign3A_1480 : i32
      %sign3A_1482 = arith.constant 0 : i32
      %sign3A_1483 = arith.cmpi sgt, %jit3A_1473, %sign3A_1482 : i32
      %sign3A_1484 = arith.extui %sign3A_1483 : i1 to i32
      %sign3A_1485 = arith.constant 0 : i32
      %sign3A_1486 = arith.cmpi slt, %jit3A_1473, %sign3A_1485 : i32
      %sign3A_1487 = arith.extui %sign3A_1486 : i1 to i32
      %sign3A_1488 = arith.subi %sign3A_1484, %sign3A_1487 : i32
      %ne3A_1489 = arith.cmpi ne, %sign3A_1481, %sign3A_1488 : i32
      %rem3A_1490 = arith.remsi %min3A_1457, %jit3A_1473 : i32
      %ne3A_1491 = arith.constant 0 : i32
      %ne3A_1492 = arith.cmpi ne, %rem3A_1490, %ne3A_1491 : i32
      %and3A_1493 = arith.andi %ne3A_1489, %ne3A_1492 : i1
      %sub3A_1494 = arith.constant 1 : i32
      %sub3A_1495 = arith.subi %div3A_1474, %sub3A_1494 : i32
      %select_n3A_1496 = arith.select %and3A_1493, %sub3A_1495, %div3A_1474 : i32
      %mul3A_1497 = arith.constant 16 : i32
      %mul3A_1498 = arith.muli %select_n3A_1496, %mul3A_1497 : i32
      %broadcast_in_dim3A_1499 = vector.broadcast %min3A_1457 : i32 to vector<16xi32>
      %broadcast_in_dim3A_1500 = vector.broadcast %min3A_1465 : i32 to vector<16xi32>
      %add3A_1501 = arith.constant 0 : i32
      %add3A_1502 = arith.addi %mul3A_1498, %add3A_1501 : i32
      %add3A_1503 = vector.broadcast %add3A_1502 : i32 to vector<16xi32>
      %add3A_1504 = arith.addi %add3A_1503, %iota3A : vector<16xi32>
      %ge3A_1505 = arith.cmpi sge, %add3A_1504, %broadcast_in_dim3A_1499 : vector<16xi32>
      %lt3A_1506 = arith.cmpi slt, %add3A_1504, %broadcast_in_dim3A_1500 : vector<16xi32>
      %and3A_1507 = arith.andi %ge3A_1505, %lt3A_1506 : vector<16xi1>
      %min3A_1508 = arith.constant 383 : i32
      %min3A_1509 = vector.broadcast %min3A_1508 : i32 to vector<16xi32>
      %min3A_1510 = arith.minsi %add3A_1504, %min3A_1509 : vector<16xi32>
      %add3A_1511 = arith.constant 16 : i32
      %add3A_1512 = arith.addi %mul3A_1498, %add3A_1511 : i32
      %add3A_1513 = vector.broadcast %add3A_1512 : i32 to vector<16xi32>
      %add3A_1514 = arith.addi %add3A_1513, %iota3A : vector<16xi32>
      %ge3A_1515 = arith.cmpi sge, %add3A_1514, %broadcast_in_dim3A_1499 : vector<16xi32>
      %lt3A_1516 = arith.cmpi slt, %add3A_1514, %broadcast_in_dim3A_1500 : vector<16xi32>
      %and3A_1517 = arith.andi %ge3A_1515, %lt3A_1516 : vector<16xi1>
      %min3A_1518 = arith.constant 383 : i32
      %min3A_1519 = vector.broadcast %min3A_1518 : i32 to vector<16xi32>
      %min3A_1520 = arith.minsi %add3A_1514, %min3A_1519 : vector<16xi32>
      %add3A_1521 = arith.constant 32 : i32
      %add3A_1522 = arith.addi %mul3A_1498, %add3A_1521 : i32
      %add3A_1523 = vector.broadcast %add3A_1522 : i32 to vector<16xi32>
      %add3A_1524 = arith.addi %add3A_1523, %iota3A : vector<16xi32>
      %ge3A_1525 = arith.cmpi sge, %add3A_1524, %broadcast_in_dim3A_1499 : vector<16xi32>
      %lt3A_1526 = arith.cmpi slt, %add3A_1524, %broadcast_in_dim3A_1500 : vector<16xi32>
      %and3A_1527 = arith.andi %ge3A_1525, %lt3A_1526 : vector<16xi1>
      %min3A_1528 = arith.constant 383 : i32
      %min3A_1529 = vector.broadcast %min3A_1528 : i32 to vector<16xi32>
      %min3A_1530 = arith.minsi %add3A_1524, %min3A_1529 : vector<16xi32>
      %add3A_1531 = arith.constant 48 : i32
      %add3A_1532 = arith.addi %mul3A_1498, %add3A_1531 : i32
      %add3A_1533 = vector.broadcast %add3A_1532 : i32 to vector<16xi32>
      %add3A_1534 = arith.addi %add3A_1533, %iota3A : vector<16xi32>
      %ge3A_1535 = arith.cmpi sge, %add3A_1534, %broadcast_in_dim3A_1499 : vector<16xi32>
      %lt3A_1536 = arith.cmpi slt, %add3A_1534, %broadcast_in_dim3A_1500 : vector<16xi32>
      %and3A_1537 = arith.andi %ge3A_1535, %lt3A_1536 : vector<16xi1>
      %min3A_1538 = arith.constant 383 : i32
      %min3A_1539 = vector.broadcast %min3A_1538 : i32 to vector<16xi32>
      %min3A_1540 = arith.minsi %add3A_1534, %min3A_1539 : vector<16xi32>
      %add3A_1541 = arith.constant 64 : i32
      %add3A_1542 = arith.addi %mul3A_1498, %add3A_1541 : i32
      %add3A_1543 = vector.broadcast %add3A_1542 : i32 to vector<16xi32>
      %add3A_1544 = arith.addi %add3A_1543, %iota3A : vector<16xi32>
      %ge3A_1545 = arith.cmpi sge, %add3A_1544, %broadcast_in_dim3A_1499 : vector<16xi32>
      %lt3A_1546 = arith.cmpi slt, %add3A_1544, %broadcast_in_dim3A_1500 : vector<16xi32>
      %and3A_1547 = arith.andi %ge3A_1545, %lt3A_1546 : vector<16xi1>
      %min3A_1548 = arith.constant 383 : i32
      %min3A_1549 = vector.broadcast %min3A_1548 : i32 to vector<16xi32>
      %min3A_1550 = arith.minsi %add3A_1544, %min3A_1549 : vector<16xi32>
      %while3A_1551 = arith.constant 0 : i32
      %while3A_1552 = arith.subi %max3A_1472, %max3A_1468 : i32
      %while3A_1553 = arith.addi %max3A_1468, %while3A_1552 : i32
      %while3A_1554 = arith.constant 1 : i32
      %while3A_1555 = arith.divsi %while3A_1552, %while3A_1554 : i32
      %while3A_1556 = arith.muli %while3A_1555, %while3A_1554 : i32
      %while3A_1557 = arith.addi %max3A_1468, %while3A_1556 : i32
      %while3A_1558 = arith.constant 1 : i32
      scf.for %while3A_3102 = %max3A_1468 to %while3A_1557 step %while3A_1558  : i32 {
        %mul3A_3103 = arith.constant 384 : i32
        %mul3A_3104 = arith.muli %while3A_3102, %mul3A_3103 : i32
        %add3A_3105 = vector.broadcast %mul3A_3104 : i32 to vector<16xi32>
        %add3A_3106 = arith.addi %add3A_3105, %min3A_1510 : vector<16xi32>
        tpu.vector_store_idx %arg6[%add3A_3106], %broadcast_in_dim3A_5 masked %and3A_1507 : memref<36864xf32, #tpu.memory_space<vmem>>[vector<16xi32>], vector<16xf32>, vector<16xi1>
        %add3A_3107 = vector.broadcast %mul3A_3104 : i32 to vector<16xi32>
        %add3A_3108 = arith.addi %add3A_3107, %min3A_1520 : vector<16xi32>
        tpu.vector_store_idx %arg6[%add3A_3108], %broadcast_in_dim3A_5 masked %and3A_1517 : memref<36864xf32, #tpu.memory_space<vmem>>[vector<16xi32>], vector<16xf32>, vector<16xi1>
        %add3A_3109 = vector.broadcast %mul3A_3104 : i32 to vector<16xi32>
        %add3A_3110 = arith.addi %add3A_3109, %min3A_1530 : vector<16xi32>
        tpu.vector_store_idx %arg6[%add3A_3110], %broadcast_in_dim3A_5 masked %and3A_1527 : memref<36864xf32, #tpu.memory_space<vmem>>[vector<16xi32>], vector<16xf32>, vector<16xi1>
        %add3A_3111 = vector.broadcast %mul3A_3104 : i32 to vector<16xi32>
        %add3A_3112 = arith.addi %add3A_3111, %min3A_1540 : vector<16xi32>
        tpu.vector_store_idx %arg6[%add3A_3112], %broadcast_in_dim3A_5 masked %and3A_1537 : memref<36864xf32, #tpu.memory_space<vmem>>[vector<16xi32>], vector<16xf32>, vector<16xi1>
        %add3A_3113 = vector.broadcast %mul3A_3104 : i32 to vector<16xi32>
        %add3A_3114 = arith.addi %add3A_3113, %min3A_1550 : vector<16xi32>
        tpu.vector_store_idx %arg6[%add3A_3114], %broadcast_in_dim3A_5 masked %and3A_1547 : memref<36864xf32, #tpu.memory_space<vmem>>[vector<16xi32>], vector<16xf32>, vector<16xi1>
      }
      %while3A_1559 = arith.constant 1 : i32
      scf.for %while3A_3102 = %while3A_1557 to %while3A_1553 step %while3A_1559  : i32 {
        %mul3A_3103 = arith.constant 384 : i32
        %mul3A_3104 = arith.muli %while3A_3102, %mul3A_3103 : i32
        %add3A_3105 = vector.broadcast %mul3A_3104 : i32 to vector<16xi32>
        %add3A_3106 = arith.addi %add3A_3105, %min3A_1510 : vector<16xi32>
        tpu.vector_store_idx %arg6[%add3A_3106], %broadcast_in_dim3A_5 masked %and3A_1507 : memref<36864xf32, #tpu.memory_space<vmem>>[vector<16xi32>], vector<16xf32>, vector<16xi1>
        %add3A_3107 = vector.broadcast %mul3A_3104 : i32 to vector<16xi32>
        %add3A_3108 = arith.addi %add3A_3107, %min3A_1520 : vector<16xi32>
        tpu.vector_store_idx %arg6[%add3A_3108], %broadcast_in_dim3A_5 masked %and3A_1517 : memref<36864xf32, #tpu.memory_space<vmem>>[vector<16xi32>], vector<16xf32>, vector<16xi1>
        %add3A_3109 = vector.broadcast %mul3A_3104 : i32 to vector<16xi32>
        %add3A_3110 = arith.addi %add3A_3109, %min3A_1530 : vector<16xi32>
        tpu.vector_store_idx %arg6[%add3A_3110], %broadcast_in_dim3A_5 masked %and3A_1527 : memref<36864xf32, #tpu.memory_space<vmem>>[vector<16xi32>], vector<16xf32>, vector<16xi1>
        %add3A_3111 = vector.broadcast %mul3A_3104 : i32 to vector<16xi32>
        %add3A_3112 = arith.addi %add3A_3111, %min3A_1540 : vector<16xi32>
        tpu.vector_store_idx %arg6[%add3A_3112], %broadcast_in_dim3A_5 masked %and3A_1537 : memref<36864xf32, #tpu.memory_space<vmem>>[vector<16xi32>], vector<16xf32>, vector<16xi1>
        %add3A_3113 = vector.broadcast %mul3A_3104 : i32 to vector<16xi32>
        %add3A_3114 = arith.addi %add3A_3113, %min3A_1550 : vector<16xi32>
        tpu.vector_store_idx %arg6[%add3A_3114], %broadcast_in_dim3A_5 masked %and3A_1547 : memref<36864xf32, #tpu.memory_space<vmem>>[vector<16xi32>], vector<16xf32>, vector<16xi1>
      }
      %slice3A_1560 = vector.extract_strided_slice %get3A_1103 {offsets = [4], sizes = [1], strides = [1]} : vector<16xi32> to vector<1xi32>
      %squeeze3A_1561 = vector.extract %slice3A_1560[0] : i32 from vector<1xi32>
      %max3A_1562 = arith.constant 0 : i32
      %max3A_1563 = arith.maxsi %squeeze3A_1561, %max3A_1562 : i32
      %min3A_1564 = arith.constant 383 : i32
      %min3A_1565 = arith.minsi %max3A_1563, %min3A_1564 : i32
      %slice3A_1566 = vector.extract_strided_slice %get3A_1103 {offsets = [12], sizes = [1], strides = [1]} : vector<16xi32> to vector<1xi32>
      %squeeze3A_1567 = vector.extract %slice3A_1566[0] : i32 from vector<1xi32>
      %max3A_1568 = arith.constant 0 : i32
      %max3A_1569 = arith.maxsi %squeeze3A_1567, %max3A_1568 : i32
      %min3A_1570 = arith.constant 383 : i32
      %min3A_1571 = arith.minsi %max3A_1569, %min3A_1570 : i32
      %add3A_1572 = arith.constant 64 : i32
      %add3A_1573 = arith.addi %min3A_1565, %add3A_1572 : i32
      %min3A_1574 = arith.constant 383 : i32
      %min3A_1575 = arith.minsi %add3A_1573, %min3A_1574 : i32
      %add3A_1576 = arith.constant 64 : i32
      %add3A_1577 = arith.addi %min3A_1571, %add3A_1576 : i32
      %min3A_1578 = arith.constant 383 : i32
      %min3A_1579 = arith.minsi %add3A_1577, %min3A_1578 : i32
      %sub3A_1580 = arith.subi %min3A_1565, %mul3A_1099 : i32
      %max3A_1581 = arith.constant 0 : i32
      %max3A_1582 = arith.maxsi %sub3A_1580, %max3A_1581 : i32
      %sub3A_1583 = arith.subi %min3A_1575, %mul3A_1099 : i32
      %min3A_1584 = arith.constant 96 : i32
      %min3A_1585 = arith.minsi %sub3A_1583, %min3A_1584 : i32
      %max3A_1586 = arith.maxsi %min3A_1585, %max3A_1582 : i32
      %jit3A_1587 = arith.constant 16 : i32
      %div3A_1588 = arith.divsi %min3A_1571, %jit3A_1587 : i32
      %sign3A_1589 = arith.constant 0 : i32
      %sign3A_1590 = arith.cmpi sgt, %min3A_1571, %sign3A_1589 : i32
      %sign3A_1591 = arith.extui %sign3A_1590 : i1 to i32
      %sign3A_1592 = arith.constant 0 : i32
      %sign3A_1593 = arith.cmpi slt, %min3A_1571, %sign3A_1592 : i32
      %sign3A_1594 = arith.extui %sign3A_1593 : i1 to i32
      %sign3A_1595 = arith.subi %sign3A_1591, %sign3A_1594 : i32
      %sign3A_1596 = arith.constant 0 : i32
      %sign3A_1597 = arith.cmpi sgt, %jit3A_1587, %sign3A_1596 : i32
      %sign3A_1598 = arith.extui %sign3A_1597 : i1 to i32
      %sign3A_1599 = arith.constant 0 : i32
      %sign3A_1600 = arith.cmpi slt, %jit3A_1587, %sign3A_1599 : i32
      %sign3A_1601 = arith.extui %sign3A_1600 : i1 to i32
      %sign3A_1602 = arith.subi %sign3A_1598, %sign3A_1601 : i32
      %ne3A_1603 = arith.cmpi ne, %sign3A_1595, %sign3A_1602 : i32
      %rem3A_1604 = arith.remsi %min3A_1571, %jit3A_1587 : i32
      %ne3A_1605 = arith.constant 0 : i32
      %ne3A_1606 = arith.cmpi ne, %rem3A_1604, %ne3A_1605 : i32
      %and3A_1607 = arith.andi %ne3A_1603, %ne3A_1606 : i1
      %sub3A_1608 = arith.constant 1 : i32
      %sub3A_1609 = arith.subi %div3A_1588, %sub3A_1608 : i32
      %select_n3A_1610 = arith.select %and3A_1607, %sub3A_1609, %div3A_1588 : i32
      %mul3A_1611 = arith.constant 16 : i32
      %mul3A_1612 = arith.muli %select_n3A_1610, %mul3A_1611 : i32
      %broadcast_in_dim3A_1613 = vector.broadcast %min3A_1571 : i32 to vector<16xi32>
      %broadcast_in_dim3A_1614 = vector.broadcast %min3A_1579 : i32 to vector<16xi32>
      %add3A_1615 = arith.constant 0 : i32
      %add3A_1616 = arith.addi %mul3A_1612, %add3A_1615 : i32
      %add3A_1617 = vector.broadcast %add3A_1616 : i32 to vector<16xi32>
      %add3A_1618 = arith.addi %add3A_1617, %iota3A : vector<16xi32>
      %ge3A_1619 = arith.cmpi sge, %add3A_1618, %broadcast_in_dim3A_1613 : vector<16xi32>
      %lt3A_1620 = arith.cmpi slt, %add3A_1618, %broadcast_in_dim3A_1614 : vector<16xi32>
      %and3A_1621 = arith.andi %ge3A_1619, %lt3A_1620 : vector<16xi1>
      %min3A_1622 = arith.constant 383 : i32
      %min3A_1623 = vector.broadcast %min3A_1622 : i32 to vector<16xi32>
      %min3A_1624 = arith.minsi %add3A_1618, %min3A_1623 : vector<16xi32>
      %add3A_1625 = arith.constant 16 : i32
      %add3A_1626 = arith.addi %mul3A_1612, %add3A_1625 : i32
      %add3A_1627 = vector.broadcast %add3A_1626 : i32 to vector<16xi32>
      %add3A_1628 = arith.addi %add3A_1627, %iota3A : vector<16xi32>
      %ge3A_1629 = arith.cmpi sge, %add3A_1628, %broadcast_in_dim3A_1613 : vector<16xi32>
      %lt3A_1630 = arith.cmpi slt, %add3A_1628, %broadcast_in_dim3A_1614 : vector<16xi32>
      %and3A_1631 = arith.andi %ge3A_1629, %lt3A_1630 : vector<16xi1>
      %min3A_1632 = arith.constant 383 : i32
      %min3A_1633 = vector.broadcast %min3A_1632 : i32 to vector<16xi32>
      %min3A_1634 = arith.minsi %add3A_1628, %min3A_1633 : vector<16xi32>
      %add3A_1635 = arith.constant 32 : i32
      %add3A_1636 = arith.addi %mul3A_1612, %add3A_1635 : i32
      %add3A_1637 = vector.broadcast %add3A_1636 : i32 to vector<16xi32>
      %add3A_1638 = arith.addi %add3A_1637, %iota3A : vector<16xi32>
      %ge3A_1639 = arith.cmpi sge, %add3A_1638, %broadcast_in_dim3A_1613 : vector<16xi32>
      %lt3A_1640 = arith.cmpi slt, %add3A_1638, %broadcast_in_dim3A_1614 : vector<16xi32>
      %and3A_1641 = arith.andi %ge3A_1639, %lt3A_1640 : vector<16xi1>
      %min3A_1642 = arith.constant 383 : i32
      %min3A_1643 = vector.broadcast %min3A_1642 : i32 to vector<16xi32>
      %min3A_1644 = arith.minsi %add3A_1638, %min3A_1643 : vector<16xi32>
      %add3A_1645 = arith.constant 48 : i32
      %add3A_1646 = arith.addi %mul3A_1612, %add3A_1645 : i32
      %add3A_1647 = vector.broadcast %add3A_1646 : i32 to vector<16xi32>
      %add3A_1648 = arith.addi %add3A_1647, %iota3A : vector<16xi32>
      %ge3A_1649 = arith.cmpi sge, %add3A_1648, %broadcast_in_dim3A_1613 : vector<16xi32>
      %lt3A_1650 = arith.cmpi slt, %add3A_1648, %broadcast_in_dim3A_1614 : vector<16xi32>
      %and3A_1651 = arith.andi %ge3A_1649, %lt3A_1650 : vector<16xi1>
      %min3A_1652 = arith.constant 383 : i32
      %min3A_1653 = vector.broadcast %min3A_1652 : i32 to vector<16xi32>
      %min3A_1654 = arith.minsi %add3A_1648, %min3A_1653 : vector<16xi32>
      %add3A_1655 = arith.constant 64 : i32
      %add3A_1656 = arith.addi %mul3A_1612, %add3A_1655 : i32
      %add3A_1657 = vector.broadcast %add3A_1656 : i32 to vector<16xi32>
      %add3A_1658 = arith.addi %add3A_1657, %iota3A : vector<16xi32>
      %ge3A_1659 = arith.cmpi sge, %add3A_1658, %broadcast_in_dim3A_1613 : vector<16xi32>
      %lt3A_1660 = arith.cmpi slt, %add3A_1658, %broadcast_in_dim3A_1614 : vector<16xi32>
      %and3A_1661 = arith.andi %ge3A_1659, %lt3A_1660 : vector<16xi1>
      %min3A_1662 = arith.constant 383 : i32
      %min3A_1663 = vector.broadcast %min3A_1662 : i32 to vector<16xi32>
      %min3A_1664 = arith.minsi %add3A_1658, %min3A_1663 : vector<16xi32>
      %while3A_1665 = arith.constant 0 : i32
      %while3A_1666 = arith.subi %max3A_1586, %max3A_1582 : i32
      %while3A_1667 = arith.addi %max3A_1582, %while3A_1666 : i32
      %while3A_1668 = arith.constant 1 : i32
      %while3A_1669 = arith.divsi %while3A_1666, %while3A_1668 : i32
      %while3A_1670 = arith.muli %while3A_1669, %while3A_1668 : i32
      %while3A_1671 = arith.addi %max3A_1582, %while3A_1670 : i32
      %while3A_1672 = arith.constant 1 : i32
      scf.for %while3A_3102 = %max3A_1582 to %while3A_1671 step %while3A_1672  : i32 {
        %mul3A_3103 = arith.constant 384 : i32
        %mul3A_3104 = arith.muli %while3A_3102, %mul3A_3103 : i32
        %add3A_3105 = vector.broadcast %mul3A_3104 : i32 to vector<16xi32>
        %add3A_3106 = arith.addi %add3A_3105, %min3A_1624 : vector<16xi32>
        tpu.vector_store_idx %arg6[%add3A_3106], %broadcast_in_dim3A_5 masked %and3A_1621 : memref<36864xf32, #tpu.memory_space<vmem>>[vector<16xi32>], vector<16xf32>, vector<16xi1>
        %add3A_3107 = vector.broadcast %mul3A_3104 : i32 to vector<16xi32>
        %add3A_3108 = arith.addi %add3A_3107, %min3A_1634 : vector<16xi32>
        tpu.vector_store_idx %arg6[%add3A_3108], %broadcast_in_dim3A_5 masked %and3A_1631 : memref<36864xf32, #tpu.memory_space<vmem>>[vector<16xi32>], vector<16xf32>, vector<16xi1>
        %add3A_3109 = vector.broadcast %mul3A_3104 : i32 to vector<16xi32>
        %add3A_3110 = arith.addi %add3A_3109, %min3A_1644 : vector<16xi32>
        tpu.vector_store_idx %arg6[%add3A_3110], %broadcast_in_dim3A_5 masked %and3A_1641 : memref<36864xf32, #tpu.memory_space<vmem>>[vector<16xi32>], vector<16xf32>, vector<16xi1>
        %add3A_3111 = vector.broadcast %mul3A_3104 : i32 to vector<16xi32>
        %add3A_3112 = arith.addi %add3A_3111, %min3A_1654 : vector<16xi32>
        tpu.vector_store_idx %arg6[%add3A_3112], %broadcast_in_dim3A_5 masked %and3A_1651 : memref<36864xf32, #tpu.memory_space<vmem>>[vector<16xi32>], vector<16xf32>, vector<16xi1>
        %add3A_3113 = vector.broadcast %mul3A_3104 : i32 to vector<16xi32>
        %add3A_3114 = arith.addi %add3A_3113, %min3A_1664 : vector<16xi32>
        tpu.vector_store_idx %arg6[%add3A_3114], %broadcast_in_dim3A_5 masked %and3A_1661 : memref<36864xf32, #tpu.memory_space<vmem>>[vector<16xi32>], vector<16xf32>, vector<16xi1>
      }
      %while3A_1673 = arith.constant 1 : i32
      scf.for %while3A_3102 = %while3A_1671 to %while3A_1667 step %while3A_1673  : i32 {
        %mul3A_3103 = arith.constant 384 : i32
        %mul3A_3104 = arith.muli %while3A_3102, %mul3A_3103 : i32
        %add3A_3105 = vector.broadcast %mul3A_3104 : i32 to vector<16xi32>
        %add3A_3106 = arith.addi %add3A_3105, %min3A_1624 : vector<16xi32>
        tpu.vector_store_idx %arg6[%add3A_3106], %broadcast_in_dim3A_5 masked %and3A_1621 : memref<36864xf32, #tpu.memory_space<vmem>>[vector<16xi32>], vector<16xf32>, vector<16xi1>
        %add3A_3107 = vector.broadcast %mul3A_3104 : i32 to vector<16xi32>
        %add3A_3108 = arith.addi %add3A_3107, %min3A_1634 : vector<16xi32>
        tpu.vector_store_idx %arg6[%add3A_3108], %broadcast_in_dim3A_5 masked %and3A_1631 : memref<36864xf32, #tpu.memory_space<vmem>>[vector<16xi32>], vector<16xf32>, vector<16xi1>
        %add3A_3109 = vector.broadcast %mul3A_3104 : i32 to vector<16xi32>
        %add3A_3110 = arith.addi %add3A_3109, %min3A_1644 : vector<16xi32>
        tpu.vector_store_idx %arg6[%add3A_3110], %broadcast_in_dim3A_5 masked %and3A_1641 : memref<36864xf32, #tpu.memory_space<vmem>>[vector<16xi32>], vector<16xf32>, vector<16xi1>
        %add3A_3111 = vector.broadcast %mul3A_3104 : i32 to vector<16xi32>
        %add3A_3112 = arith.addi %add3A_3111, %min3A_1654 : vector<16xi32>
        tpu.vector_store_idx %arg6[%add3A_3112], %broadcast_in_dim3A_5 masked %and3A_1651 : memref<36864xf32, #tpu.memory_space<vmem>>[vector<16xi32>], vector<16xf32>, vector<16xi1>
        %add3A_3113 = vector.broadcast %mul3A_3104 : i32 to vector<16xi32>
        %add3A_3114 = arith.addi %add3A_3113, %min3A_1664 : vector<16xi32>
        tpu.vector_store_idx %arg6[%add3A_3114], %broadcast_in_dim3A_5 masked %and3A_1661 : memref<36864xf32, #tpu.memory_space<vmem>>[vector<16xi32>], vector<16xf32>, vector<16xi1>
      }
      %slice3A_1674 = vector.extract_strided_slice %get3A_1103 {offsets = [5], sizes = [1], strides = [1]} : vector<16xi32> to vector<1xi32>
      %squeeze3A_1675 = vector.extract %slice3A_1674[0] : i32 from vector<1xi32>
      %max3A_1676 = arith.constant 0 : i32
      %max3A_1677 = arith.maxsi %squeeze3A_1675, %max3A_1676 : i32
      %min3A_1678 = arith.constant 383 : i32
      %min3A_1679 = arith.minsi %max3A_1677, %min3A_1678 : i32
      %slice3A_1680 = vector.extract_strided_slice %get3A_1103 {offsets = [13], sizes = [1], strides = [1]} : vector<16xi32> to vector<1xi32>
      %squeeze3A_1681 = vector.extract %slice3A_1680[0] : i32 from vector<1xi32>
      %max3A_1682 = arith.constant 0 : i32
      %max3A_1683 = arith.maxsi %squeeze3A_1681, %max3A_1682 : i32
      %min3A_1684 = arith.constant 383 : i32
      %min3A_1685 = arith.minsi %max3A_1683, %min3A_1684 : i32
      %add3A_1686 = arith.constant 64 : i32
      %add3A_1687 = arith.addi %min3A_1679, %add3A_1686 : i32
      %min3A_1688 = arith.constant 383 : i32
      %min3A_1689 = arith.minsi %add3A_1687, %min3A_1688 : i32
      %add3A_1690 = arith.constant 64 : i32
      %add3A_1691 = arith.addi %min3A_1685, %add3A_1690 : i32
      %min3A_1692 = arith.constant 383 : i32
      %min3A_1693 = arith.minsi %add3A_1691, %min3A_1692 : i32
      %sub3A_1694 = arith.subi %min3A_1679, %mul3A_1099 : i32
      %max3A_1695 = arith.constant 0 : i32
      %max3A_1696 = arith.maxsi %sub3A_1694, %max3A_1695 : i32
      %sub3A_1697 = arith.subi %min3A_1689, %mul3A_1099 : i32
      %min3A_1698 = arith.constant 96 : i32
      %min3A_1699 = arith.minsi %sub3A_1697, %min3A_1698 : i32
      %max3A_1700 = arith.maxsi %min3A_1699, %max3A_1696 : i32
      %jit3A_1701 = arith.constant 16 : i32
      %div3A_1702 = arith.divsi %min3A_1685, %jit3A_1701 : i32
      %sign3A_1703 = arith.constant 0 : i32
      %sign3A_1704 = arith.cmpi sgt, %min3A_1685, %sign3A_1703 : i32
      %sign3A_1705 = arith.extui %sign3A_1704 : i1 to i32
      %sign3A_1706 = arith.constant 0 : i32
      %sign3A_1707 = arith.cmpi slt, %min3A_1685, %sign3A_1706 : i32
      %sign3A_1708 = arith.extui %sign3A_1707 : i1 to i32
      %sign3A_1709 = arith.subi %sign3A_1705, %sign3A_1708 : i32
      %sign3A_1710 = arith.constant 0 : i32
      %sign3A_1711 = arith.cmpi sgt, %jit3A_1701, %sign3A_1710 : i32
      %sign3A_1712 = arith.extui %sign3A_1711 : i1 to i32
      %sign3A_1713 = arith.constant 0 : i32
      %sign3A_1714 = arith.cmpi slt, %jit3A_1701, %sign3A_1713 : i32
      %sign3A_1715 = arith.extui %sign3A_1714 : i1 to i32
      %sign3A_1716 = arith.subi %sign3A_1712, %sign3A_1715 : i32
      %ne3A_1717 = arith.cmpi ne, %sign3A_1709, %sign3A_1716 : i32
      %rem3A_1718 = arith.remsi %min3A_1685, %jit3A_1701 : i32
      %ne3A_1719 = arith.constant 0 : i32
      %ne3A_1720 = arith.cmpi ne, %rem3A_1718, %ne3A_1719 : i32
      %and3A_1721 = arith.andi %ne3A_1717, %ne3A_1720 : i1
      %sub3A_1722 = arith.constant 1 : i32
      %sub3A_1723 = arith.subi %div3A_1702, %sub3A_1722 : i32
      %select_n3A_1724 = arith.select %and3A_1721, %sub3A_1723, %div3A_1702 : i32
      %mul3A_1725 = arith.constant 16 : i32
      %mul3A_1726 = arith.muli %select_n3A_1724, %mul3A_1725 : i32
      %broadcast_in_dim3A_1727 = vector.broadcast %min3A_1685 : i32 to vector<16xi32>
      %broadcast_in_dim3A_1728 = vector.broadcast %min3A_1693 : i32 to vector<16xi32>
      %add3A_1729 = arith.constant 0 : i32
      %add3A_1730 = arith.addi %mul3A_1726, %add3A_1729 : i32
      %add3A_1731 = vector.broadcast %add3A_1730 : i32 to vector<16xi32>
      %add3A_1732 = arith.addi %add3A_1731, %iota3A : vector<16xi32>
      %ge3A_1733 = arith.cmpi sge, %add3A_1732, %broadcast_in_dim3A_1727 : vector<16xi32>
      %lt3A_1734 = arith.cmpi slt, %add3A_1732, %broadcast_in_dim3A_1728 : vector<16xi32>
      %and3A_1735 = arith.andi %ge3A_1733, %lt3A_1734 : vector<16xi1>
      %min3A_1736 = arith.constant 383 : i32
      %min3A_1737 = vector.broadcast %min3A_1736 : i32 to vector<16xi32>
      %min3A_1738 = arith.minsi %add3A_1732, %min3A_1737 : vector<16xi32>
      %add3A_1739 = arith.constant 16 : i32
      %add3A_1740 = arith.addi %mul3A_1726, %add3A_1739 : i32
      %add3A_1741 = vector.broadcast %add3A_1740 : i32 to vector<16xi32>
      %add3A_1742 = arith.addi %add3A_1741, %iota3A : vector<16xi32>
      %ge3A_1743 = arith.cmpi sge, %add3A_1742, %broadcast_in_dim3A_1727 : vector<16xi32>
      %lt3A_1744 = arith.cmpi slt, %add3A_1742, %broadcast_in_dim3A_1728 : vector<16xi32>
      %and3A_1745 = arith.andi %ge3A_1743, %lt3A_1744 : vector<16xi1>
      %min3A_1746 = arith.constant 383 : i32
      %min3A_1747 = vector.broadcast %min3A_1746 : i32 to vector<16xi32>
      %min3A_1748 = arith.minsi %add3A_1742, %min3A_1747 : vector<16xi32>
      %add3A_1749 = arith.constant 32 : i32
      %add3A_1750 = arith.addi %mul3A_1726, %add3A_1749 : i32
      %add3A_1751 = vector.broadcast %add3A_1750 : i32 to vector<16xi32>
      %add3A_1752 = arith.addi %add3A_1751, %iota3A : vector<16xi32>
      %ge3A_1753 = arith.cmpi sge, %add3A_1752, %broadcast_in_dim3A_1727 : vector<16xi32>
      %lt3A_1754 = arith.cmpi slt, %add3A_1752, %broadcast_in_dim3A_1728 : vector<16xi32>
      %and3A_1755 = arith.andi %ge3A_1753, %lt3A_1754 : vector<16xi1>
      %min3A_1756 = arith.constant 383 : i32
      %min3A_1757 = vector.broadcast %min3A_1756 : i32 to vector<16xi32>
      %min3A_1758 = arith.minsi %add3A_1752, %min3A_1757 : vector<16xi32>
      %add3A_1759 = arith.constant 48 : i32
      %add3A_1760 = arith.addi %mul3A_1726, %add3A_1759 : i32
      %add3A_1761 = vector.broadcast %add3A_1760 : i32 to vector<16xi32>
      %add3A_1762 = arith.addi %add3A_1761, %iota3A : vector<16xi32>
      %ge3A_1763 = arith.cmpi sge, %add3A_1762, %broadcast_in_dim3A_1727 : vector<16xi32>
      %lt3A_1764 = arith.cmpi slt, %add3A_1762, %broadcast_in_dim3A_1728 : vector<16xi32>
      %and3A_1765 = arith.andi %ge3A_1763, %lt3A_1764 : vector<16xi1>
      %min3A_1766 = arith.constant 383 : i32
      %min3A_1767 = vector.broadcast %min3A_1766 : i32 to vector<16xi32>
      %min3A_1768 = arith.minsi %add3A_1762, %min3A_1767 : vector<16xi32>
      %add3A_1769 = arith.constant 64 : i32
      %add3A_1770 = arith.addi %mul3A_1726, %add3A_1769 : i32
      %add3A_1771 = vector.broadcast %add3A_1770 : i32 to vector<16xi32>
      %add3A_1772 = arith.addi %add3A_1771, %iota3A : vector<16xi32>
      %ge3A_1773 = arith.cmpi sge, %add3A_1772, %broadcast_in_dim3A_1727 : vector<16xi32>
      %lt3A_1774 = arith.cmpi slt, %add3A_1772, %broadcast_in_dim3A_1728 : vector<16xi32>
      %and3A_1775 = arith.andi %ge3A_1773, %lt3A_1774 : vector<16xi1>
      %min3A_1776 = arith.constant 383 : i32
      %min3A_1777 = vector.broadcast %min3A_1776 : i32 to vector<16xi32>
      %min3A_1778 = arith.minsi %add3A_1772, %min3A_1777 : vector<16xi32>
      %while3A_1779 = arith.constant 0 : i32
      %while3A_1780 = arith.subi %max3A_1700, %max3A_1696 : i32
      %while3A_1781 = arith.addi %max3A_1696, %while3A_1780 : i32
      %while3A_1782 = arith.constant 1 : i32
      %while3A_1783 = arith.divsi %while3A_1780, %while3A_1782 : i32
      %while3A_1784 = arith.muli %while3A_1783, %while3A_1782 : i32
      %while3A_1785 = arith.addi %max3A_1696, %while3A_1784 : i32
      %while3A_1786 = arith.constant 1 : i32
      scf.for %while3A_3102 = %max3A_1696 to %while3A_1785 step %while3A_1786  : i32 {
        %mul3A_3103 = arith.constant 384 : i32
        %mul3A_3104 = arith.muli %while3A_3102, %mul3A_3103 : i32
        %add3A_3105 = vector.broadcast %mul3A_3104 : i32 to vector<16xi32>
        %add3A_3106 = arith.addi %add3A_3105, %min3A_1738 : vector<16xi32>
        tpu.vector_store_idx %arg6[%add3A_3106], %broadcast_in_dim3A_5 masked %and3A_1735 : memref<36864xf32, #tpu.memory_space<vmem>>[vector<16xi32>], vector<16xf32>, vector<16xi1>
        %add3A_3107 = vector.broadcast %mul3A_3104 : i32 to vector<16xi32>
        %add3A_3108 = arith.addi %add3A_3107, %min3A_1748 : vector<16xi32>
        tpu.vector_store_idx %arg6[%add3A_3108], %broadcast_in_dim3A_5 masked %and3A_1745 : memref<36864xf32, #tpu.memory_space<vmem>>[vector<16xi32>], vector<16xf32>, vector<16xi1>
        %add3A_3109 = vector.broadcast %mul3A_3104 : i32 to vector<16xi32>
        %add3A_3110 = arith.addi %add3A_3109, %min3A_1758 : vector<16xi32>
        tpu.vector_store_idx %arg6[%add3A_3110], %broadcast_in_dim3A_5 masked %and3A_1755 : memref<36864xf32, #tpu.memory_space<vmem>>[vector<16xi32>], vector<16xf32>, vector<16xi1>
        %add3A_3111 = vector.broadcast %mul3A_3104 : i32 to vector<16xi32>
        %add3A_3112 = arith.addi %add3A_3111, %min3A_1768 : vector<16xi32>
        tpu.vector_store_idx %arg6[%add3A_3112], %broadcast_in_dim3A_5 masked %and3A_1765 : memref<36864xf32, #tpu.memory_space<vmem>>[vector<16xi32>], vector<16xf32>, vector<16xi1>
        %add3A_3113 = vector.broadcast %mul3A_3104 : i32 to vector<16xi32>
        %add3A_3114 = arith.addi %add3A_3113, %min3A_1778 : vector<16xi32>
        tpu.vector_store_idx %arg6[%add3A_3114], %broadcast_in_dim3A_5 masked %and3A_1775 : memref<36864xf32, #tpu.memory_space<vmem>>[vector<16xi32>], vector<16xf32>, vector<16xi1>
      }
      %while3A_1787 = arith.constant 1 : i32
      scf.for %while3A_3102 = %while3A_1785 to %while3A_1781 step %while3A_1787  : i32 {
        %mul3A_3103 = arith.constant 384 : i32
        %mul3A_3104 = arith.muli %while3A_3102, %mul3A_3103 : i32
        %add3A_3105 = vector.broadcast %mul3A_3104 : i32 to vector<16xi32>
        %add3A_3106 = arith.addi %add3A_3105, %min3A_1738 : vector<16xi32>
        tpu.vector_store_idx %arg6[%add3A_3106], %broadcast_in_dim3A_5 masked %and3A_1735 : memref<36864xf32, #tpu.memory_space<vmem>>[vector<16xi32>], vector<16xf32>, vector<16xi1>
        %add3A_3107 = vector.broadcast %mul3A_3104 : i32 to vector<16xi32>
        %add3A_3108 = arith.addi %add3A_3107, %min3A_1748 : vector<16xi32>
        tpu.vector_store_idx %arg6[%add3A_3108], %broadcast_in_dim3A_5 masked %and3A_1745 : memref<36864xf32, #tpu.memory_space<vmem>>[vector<16xi32>], vector<16xf32>, vector<16xi1>
        %add3A_3109 = vector.broadcast %mul3A_3104 : i32 to vector<16xi32>
        %add3A_3110 = arith.addi %add3A_3109, %min3A_1758 : vector<16xi32>
        tpu.vector_store_idx %arg6[%add3A_3110], %broadcast_in_dim3A_5 masked %and3A_1755 : memref<36864xf32, #tpu.memory_space<vmem>>[vector<16xi32>], vector<16xf32>, vector<16xi1>
        %add3A_3111 = vector.broadcast %mul3A_3104 : i32 to vector<16xi32>
        %add3A_3112 = arith.addi %add3A_3111, %min3A_1768 : vector<16xi32>
        tpu.vector_store_idx %arg6[%add3A_3112], %broadcast_in_dim3A_5 masked %and3A_1765 : memref<36864xf32, #tpu.memory_space<vmem>>[vector<16xi32>], vector<16xf32>, vector<16xi1>
        %add3A_3113 = vector.broadcast %mul3A_3104 : i32 to vector<16xi32>
        %add3A_3114 = arith.addi %add3A_3113, %min3A_1778 : vector<16xi32>
        tpu.vector_store_idx %arg6[%add3A_3114], %broadcast_in_dim3A_5 masked %and3A_1775 : memref<36864xf32, #tpu.memory_space<vmem>>[vector<16xi32>], vector<16xf32>, vector<16xi1>
      }
      %slice3A_1788 = vector.extract_strided_slice %get3A_1103 {offsets = [6], sizes = [1], strides = [1]} : vector<16xi32> to vector<1xi32>
      %squeeze3A_1789 = vector.extract %slice3A_1788[0] : i32 from vector<1xi32>
      %max3A_1790 = arith.constant 0 : i32
      %max3A_1791 = arith.maxsi %squeeze3A_1789, %max3A_1790 : i32
      %min3A_1792 = arith.constant 383 : i32
      %min3A_1793 = arith.minsi %max3A_1791, %min3A_1792 : i32
      %slice3A_1794 = vector.extract_strided_slice %get3A_1103 {offsets = [14], sizes = [1], strides = [1]} : vector<16xi32> to vector<1xi32>
      %squeeze3A_1795 = vector.extract %slice3A_1794[0] : i32 from vector<1xi32>
      %max3A_1796 = arith.constant 0 : i32
      %max3A_1797 = arith.maxsi %squeeze3A_1795, %max3A_1796 : i32
      %min3A_1798 = arith.constant 383 : i32
      %min3A_1799 = arith.minsi %max3A_1797, %min3A_1798 : i32
      %add3A_1800 = arith.constant 64 : i32
      %add3A_1801 = arith.addi %min3A_1793, %add3A_1800 : i32
      %min3A_1802 = arith.constant 383 : i32
      %min3A_1803 = arith.minsi %add3A_1801, %min3A_1802 : i32
      %add3A_1804 = arith.constant 64 : i32
      %add3A_1805 = arith.addi %min3A_1799, %add3A_1804 : i32
      %min3A_1806 = arith.constant 383 : i32
      %min3A_1807 = arith.minsi %add3A_1805, %min3A_1806 : i32
      %sub3A_1808 = arith.subi %min3A_1793, %mul3A_1099 : i32
      %max3A_1809 = arith.constant 0 : i32
      %max3A_1810 = arith.maxsi %sub3A_1808, %max3A_1809 : i32
      %sub3A_1811 = arith.subi %min3A_1803, %mul3A_1099 : i32
      %min3A_1812 = arith.constant 96 : i32
      %min3A_1813 = arith.minsi %sub3A_1811, %min3A_1812 : i32
      %max3A_1814 = arith.maxsi %min3A_1813, %max3A_1810 : i32
      %jit3A_1815 = arith.constant 16 : i32
      %div3A_1816 = arith.divsi %min3A_1799, %jit3A_1815 : i32
      %sign3A_1817 = arith.constant 0 : i32
      %sign3A_1818 = arith.cmpi sgt, %min3A_1799, %sign3A_1817 : i32
      %sign3A_1819 = arith.extui %sign3A_1818 : i1 to i32
      %sign3A_1820 = arith.constant 0 : i32
      %sign3A_1821 = arith.cmpi slt, %min3A_1799, %sign3A_1820 : i32
      %sign3A_1822 = arith.extui %sign3A_1821 : i1 to i32
      %sign3A_1823 = arith.subi %sign3A_1819, %sign3A_1822 : i32
      %sign3A_1824 = arith.constant 0 : i32
      %sign3A_1825 = arith.cmpi sgt, %jit3A_1815, %sign3A_1824 : i32
      %sign3A_1826 = arith.extui %sign3A_1825 : i1 to i32
      %sign3A_1827 = arith.constant 0 : i32
      %sign3A_1828 = arith.cmpi slt, %jit3A_1815, %sign3A_1827 : i32
      %sign3A_1829 = arith.extui %sign3A_1828 : i1 to i32
      %sign3A_1830 = arith.subi %sign3A_1826, %sign3A_1829 : i32
      %ne3A_1831 = arith.cmpi ne, %sign3A_1823, %sign3A_1830 : i32
      %rem3A_1832 = arith.remsi %min3A_1799, %jit3A_1815 : i32
      %ne3A_1833 = arith.constant 0 : i32
      %ne3A_1834 = arith.cmpi ne, %rem3A_1832, %ne3A_1833 : i32
      %and3A_1835 = arith.andi %ne3A_1831, %ne3A_1834 : i1
      %sub3A_1836 = arith.constant 1 : i32
      %sub3A_1837 = arith.subi %div3A_1816, %sub3A_1836 : i32
      %select_n3A_1838 = arith.select %and3A_1835, %sub3A_1837, %div3A_1816 : i32
      %mul3A_1839 = arith.constant 16 : i32
      %mul3A_1840 = arith.muli %select_n3A_1838, %mul3A_1839 : i32
      %broadcast_in_dim3A_1841 = vector.broadcast %min3A_1799 : i32 to vector<16xi32>
      %broadcast_in_dim3A_1842 = vector.broadcast %min3A_1807 : i32 to vector<16xi32>
      %add3A_1843 = arith.constant 0 : i32
      %add3A_1844 = arith.addi %mul3A_1840, %add3A_1843 : i32
      %add3A_1845 = vector.broadcast %add3A_1844 : i32 to vector<16xi32>
      %add3A_1846 = arith.addi %add3A_1845, %iota3A : vector<16xi32>
      %ge3A_1847 = arith.cmpi sge, %add3A_1846, %broadcast_in_dim3A_1841 : vector<16xi32>
      %lt3A_1848 = arith.cmpi slt, %add3A_1846, %broadcast_in_dim3A_1842 : vector<16xi32>
      %and3A_1849 = arith.andi %ge3A_1847, %lt3A_1848 : vector<16xi1>
      %min3A_1850 = arith.constant 383 : i32
      %min3A_1851 = vector.broadcast %min3A_1850 : i32 to vector<16xi32>
      %min3A_1852 = arith.minsi %add3A_1846, %min3A_1851 : vector<16xi32>
      %add3A_1853 = arith.constant 16 : i32
      %add3A_1854 = arith.addi %mul3A_1840, %add3A_1853 : i32
      %add3A_1855 = vector.broadcast %add3A_1854 : i32 to vector<16xi32>
      %add3A_1856 = arith.addi %add3A_1855, %iota3A : vector<16xi32>
      %ge3A_1857 = arith.cmpi sge, %add3A_1856, %broadcast_in_dim3A_1841 : vector<16xi32>
      %lt3A_1858 = arith.cmpi slt, %add3A_1856, %broadcast_in_dim3A_1842 : vector<16xi32>
      %and3A_1859 = arith.andi %ge3A_1857, %lt3A_1858 : vector<16xi1>
      %min3A_1860 = arith.constant 383 : i32
      %min3A_1861 = vector.broadcast %min3A_1860 : i32 to vector<16xi32>
      %min3A_1862 = arith.minsi %add3A_1856, %min3A_1861 : vector<16xi32>
      %add3A_1863 = arith.constant 32 : i32
      %add3A_1864 = arith.addi %mul3A_1840, %add3A_1863 : i32
      %add3A_1865 = vector.broadcast %add3A_1864 : i32 to vector<16xi32>
      %add3A_1866 = arith.addi %add3A_1865, %iota3A : vector<16xi32>
      %ge3A_1867 = arith.cmpi sge, %add3A_1866, %broadcast_in_dim3A_1841 : vector<16xi32>
      %lt3A_1868 = arith.cmpi slt, %add3A_1866, %broadcast_in_dim3A_1842 : vector<16xi32>
      %and3A_1869 = arith.andi %ge3A_1867, %lt3A_1868 : vector<16xi1>
      %min3A_1870 = arith.constant 383 : i32
      %min3A_1871 = vector.broadcast %min3A_1870 : i32 to vector<16xi32>
      %min3A_1872 = arith.minsi %add3A_1866, %min3A_1871 : vector<16xi32>
      %add3A_1873 = arith.constant 48 : i32
      %add3A_1874 = arith.addi %mul3A_1840, %add3A_1873 : i32
      %add3A_1875 = vector.broadcast %add3A_1874 : i32 to vector<16xi32>
      %add3A_1876 = arith.addi %add3A_1875, %iota3A : vector<16xi32>
      %ge3A_1877 = arith.cmpi sge, %add3A_1876, %broadcast_in_dim3A_1841 : vector<16xi32>
      %lt3A_1878 = arith.cmpi slt, %add3A_1876, %broadcast_in_dim3A_1842 : vector<16xi32>
      %and3A_1879 = arith.andi %ge3A_1877, %lt3A_1878 : vector<16xi1>
      %min3A_1880 = arith.constant 383 : i32
      %min3A_1881 = vector.broadcast %min3A_1880 : i32 to vector<16xi32>
      %min3A_1882 = arith.minsi %add3A_1876, %min3A_1881 : vector<16xi32>
      %add3A_1883 = arith.constant 64 : i32
      %add3A_1884 = arith.addi %mul3A_1840, %add3A_1883 : i32
      %add3A_1885 = vector.broadcast %add3A_1884 : i32 to vector<16xi32>
      %add3A_1886 = arith.addi %add3A_1885, %iota3A : vector<16xi32>
      %ge3A_1887 = arith.cmpi sge, %add3A_1886, %broadcast_in_dim3A_1841 : vector<16xi32>
      %lt3A_1888 = arith.cmpi slt, %add3A_1886, %broadcast_in_dim3A_1842 : vector<16xi32>
      %and3A_1889 = arith.andi %ge3A_1887, %lt3A_1888 : vector<16xi1>
      %min3A_1890 = arith.constant 383 : i32
      %min3A_1891 = vector.broadcast %min3A_1890 : i32 to vector<16xi32>
      %min3A_1892 = arith.minsi %add3A_1886, %min3A_1891 : vector<16xi32>
      %while3A_1893 = arith.constant 0 : i32
      %while3A_1894 = arith.subi %max3A_1814, %max3A_1810 : i32
      %while3A_1895 = arith.addi %max3A_1810, %while3A_1894 : i32
      %while3A_1896 = arith.constant 1 : i32
      %while3A_1897 = arith.divsi %while3A_1894, %while3A_1896 : i32
      %while3A_1898 = arith.muli %while3A_1897, %while3A_1896 : i32
      %while3A_1899 = arith.addi %max3A_1810, %while3A_1898 : i32
      %while3A_1900 = arith.constant 1 : i32
      scf.for %while3A_3102 = %max3A_1810 to %while3A_1899 step %while3A_1900  : i32 {
        %mul3A_3103 = arith.constant 384 : i32
        %mul3A_3104 = arith.muli %while3A_3102, %mul3A_3103 : i32
        %add3A_3105 = vector.broadcast %mul3A_3104 : i32 to vector<16xi32>
        %add3A_3106 = arith.addi %add3A_3105, %min3A_1852 : vector<16xi32>
        tpu.vector_store_idx %arg6[%add3A_3106], %broadcast_in_dim3A_5 masked %and3A_1849 : memref<36864xf32, #tpu.memory_space<vmem>>[vector<16xi32>], vector<16xf32>, vector<16xi1>
        %add3A_3107 = vector.broadcast %mul3A_3104 : i32 to vector<16xi32>
        %add3A_3108 = arith.addi %add3A_3107, %min3A_1862 : vector<16xi32>
        tpu.vector_store_idx %arg6[%add3A_3108], %broadcast_in_dim3A_5 masked %and3A_1859 : memref<36864xf32, #tpu.memory_space<vmem>>[vector<16xi32>], vector<16xf32>, vector<16xi1>
        %add3A_3109 = vector.broadcast %mul3A_3104 : i32 to vector<16xi32>
        %add3A_3110 = arith.addi %add3A_3109, %min3A_1872 : vector<16xi32>
        tpu.vector_store_idx %arg6[%add3A_3110], %broadcast_in_dim3A_5 masked %and3A_1869 : memref<36864xf32, #tpu.memory_space<vmem>>[vector<16xi32>], vector<16xf32>, vector<16xi1>
        %add3A_3111 = vector.broadcast %mul3A_3104 : i32 to vector<16xi32>
        %add3A_3112 = arith.addi %add3A_3111, %min3A_1882 : vector<16xi32>
        tpu.vector_store_idx %arg6[%add3A_3112], %broadcast_in_dim3A_5 masked %and3A_1879 : memref<36864xf32, #tpu.memory_space<vmem>>[vector<16xi32>], vector<16xf32>, vector<16xi1>
        %add3A_3113 = vector.broadcast %mul3A_3104 : i32 to vector<16xi32>
        %add3A_3114 = arith.addi %add3A_3113, %min3A_1892 : vector<16xi32>
        tpu.vector_store_idx %arg6[%add3A_3114], %broadcast_in_dim3A_5 masked %and3A_1889 : memref<36864xf32, #tpu.memory_space<vmem>>[vector<16xi32>], vector<16xf32>, vector<16xi1>
      }
      %while3A_1901 = arith.constant 1 : i32
      scf.for %while3A_3102 = %while3A_1899 to %while3A_1895 step %while3A_1901  : i32 {
        %mul3A_3103 = arith.constant 384 : i32
        %mul3A_3104 = arith.muli %while3A_3102, %mul3A_3103 : i32
        %add3A_3105 = vector.broadcast %mul3A_3104 : i32 to vector<16xi32>
        %add3A_3106 = arith.addi %add3A_3105, %min3A_1852 : vector<16xi32>
        tpu.vector_store_idx %arg6[%add3A_3106], %broadcast_in_dim3A_5 masked %and3A_1849 : memref<36864xf32, #tpu.memory_space<vmem>>[vector<16xi32>], vector<16xf32>, vector<16xi1>
        %add3A_3107 = vector.broadcast %mul3A_3104 : i32 to vector<16xi32>
        %add3A_3108 = arith.addi %add3A_3107, %min3A_1862 : vector<16xi32>
        tpu.vector_store_idx %arg6[%add3A_3108], %broadcast_in_dim3A_5 masked %and3A_1859 : memref<36864xf32, #tpu.memory_space<vmem>>[vector<16xi32>], vector<16xf32>, vector<16xi1>
        %add3A_3109 = vector.broadcast %mul3A_3104 : i32 to vector<16xi32>
        %add3A_3110 = arith.addi %add3A_3109, %min3A_1872 : vector<16xi32>
        tpu.vector_store_idx %arg6[%add3A_3110], %broadcast_in_dim3A_5 masked %and3A_1869 : memref<36864xf32, #tpu.memory_space<vmem>>[vector<16xi32>], vector<16xf32>, vector<16xi1>
        %add3A_3111 = vector.broadcast %mul3A_3104 : i32 to vector<16xi32>
        %add3A_3112 = arith.addi %add3A_3111, %min3A_1882 : vector<16xi32>
        tpu.vector_store_idx %arg6[%add3A_3112], %broadcast_in_dim3A_5 masked %and3A_1879 : memref<36864xf32, #tpu.memory_space<vmem>>[vector<16xi32>], vector<16xf32>, vector<16xi1>
        %add3A_3113 = vector.broadcast %mul3A_3104 : i32 to vector<16xi32>
        %add3A_3114 = arith.addi %add3A_3113, %min3A_1892 : vector<16xi32>
        tpu.vector_store_idx %arg6[%add3A_3114], %broadcast_in_dim3A_5 masked %and3A_1889 : memref<36864xf32, #tpu.memory_space<vmem>>[vector<16xi32>], vector<16xf32>, vector<16xi1>
      }
      %slice3A_1902 = vector.extract_strided_slice %get3A_1103 {offsets = [7], sizes = [1], strides = [1]} : vector<16xi32> to vector<1xi32>
      %squeeze3A_1903 = vector.extract %slice3A_1902[0] : i32 from vector<1xi32>
      %max3A_1904 = arith.constant 0 : i32
      %max3A_1905 = arith.maxsi %squeeze3A_1903, %max3A_1904 : i32
      %min3A_1906 = arith.constant 383 : i32
      %min3A_1907 = arith.minsi %max3A_1905, %min3A_1906 : i32
      %slice3A_1908 = vector.extract_strided_slice %get3A_1103 {offsets = [15], sizes = [1], strides = [1]} : vector<16xi32> to vector<1xi32>
      %squeeze3A_1909 = vector.extract %slice3A_1908[0] : i32 from vector<1xi32>
      %max3A_1910 = arith.constant 0 : i32
      %max3A_1911 = arith.maxsi %squeeze3A_1909, %max3A_1910 : i32
      %min3A_1912 = arith.constant 383 : i32
      %min3A_1913 = arith.minsi %max3A_1911, %min3A_1912 : i32
      %add3A_1914 = arith.constant 64 : i32
      %add3A_1915 = arith.addi %min3A_1907, %add3A_1914 : i32
      %min3A_1916 = arith.constant 383 : i32
      %min3A_1917 = arith.minsi %add3A_1915, %min3A_1916 : i32
      %add3A_1918 = arith.constant 64 : i32
      %add3A_1919 = arith.addi %min3A_1913, %add3A_1918 : i32
      %min3A_1920 = arith.constant 383 : i32
      %min3A_1921 = arith.minsi %add3A_1919, %min3A_1920 : i32
      %sub3A_1922 = arith.subi %min3A_1907, %mul3A_1099 : i32
      %max3A_1923 = arith.constant 0 : i32
      %max3A_1924 = arith.maxsi %sub3A_1922, %max3A_1923 : i32
      %sub3A_1925 = arith.subi %min3A_1917, %mul3A_1099 : i32
      %min3A_1926 = arith.constant 96 : i32
      %min3A_1927 = arith.minsi %sub3A_1925, %min3A_1926 : i32
      %max3A_1928 = arith.maxsi %min3A_1927, %max3A_1924 : i32
      %jit3A_1929 = arith.constant 16 : i32
      %div3A_1930 = arith.divsi %min3A_1913, %jit3A_1929 : i32
      %sign3A_1931 = arith.constant 0 : i32
      %sign3A_1932 = arith.cmpi sgt, %min3A_1913, %sign3A_1931 : i32
      %sign3A_1933 = arith.extui %sign3A_1932 : i1 to i32
      %sign3A_1934 = arith.constant 0 : i32
      %sign3A_1935 = arith.cmpi slt, %min3A_1913, %sign3A_1934 : i32
      %sign3A_1936 = arith.extui %sign3A_1935 : i1 to i32
      %sign3A_1937 = arith.subi %sign3A_1933, %sign3A_1936 : i32
      %sign3A_1938 = arith.constant 0 : i32
      %sign3A_1939 = arith.cmpi sgt, %jit3A_1929, %sign3A_1938 : i32
      %sign3A_1940 = arith.extui %sign3A_1939 : i1 to i32
      %sign3A_1941 = arith.constant 0 : i32
      %sign3A_1942 = arith.cmpi slt, %jit3A_1929, %sign3A_1941 : i32
      %sign3A_1943 = arith.extui %sign3A_1942 : i1 to i32
      %sign3A_1944 = arith.subi %sign3A_1940, %sign3A_1943 : i32
      %ne3A_1945 = arith.cmpi ne, %sign3A_1937, %sign3A_1944 : i32
      %rem3A_1946 = arith.remsi %min3A_1913, %jit3A_1929 : i32
      %ne3A_1947 = arith.constant 0 : i32
      %ne3A_1948 = arith.cmpi ne, %rem3A_1946, %ne3A_1947 : i32
      %and3A_1949 = arith.andi %ne3A_1945, %ne3A_1948 : i1
      %sub3A_1950 = arith.constant 1 : i32
      %sub3A_1951 = arith.subi %div3A_1930, %sub3A_1950 : i32
      %select_n3A_1952 = arith.select %and3A_1949, %sub3A_1951, %div3A_1930 : i32
      %mul3A_1953 = arith.constant 16 : i32
      %mul3A_1954 = arith.muli %select_n3A_1952, %mul3A_1953 : i32
      %broadcast_in_dim3A_1955 = vector.broadcast %min3A_1913 : i32 to vector<16xi32>
      %broadcast_in_dim3A_1956 = vector.broadcast %min3A_1921 : i32 to vector<16xi32>
      %add3A_1957 = arith.constant 0 : i32
      %add3A_1958 = arith.addi %mul3A_1954, %add3A_1957 : i32
      %add3A_1959 = vector.broadcast %add3A_1958 : i32 to vector<16xi32>
      %add3A_1960 = arith.addi %add3A_1959, %iota3A : vector<16xi32>
      %ge3A_1961 = arith.cmpi sge, %add3A_1960, %broadcast_in_dim3A_1955 : vector<16xi32>
      %lt3A_1962 = arith.cmpi slt, %add3A_1960, %broadcast_in_dim3A_1956 : vector<16xi32>
      %and3A_1963 = arith.andi %ge3A_1961, %lt3A_1962 : vector<16xi1>
      %min3A_1964 = arith.constant 383 : i32
      %min3A_1965 = vector.broadcast %min3A_1964 : i32 to vector<16xi32>
      %min3A_1966 = arith.minsi %add3A_1960, %min3A_1965 : vector<16xi32>
      %add3A_1967 = arith.constant 16 : i32
      %add3A_1968 = arith.addi %mul3A_1954, %add3A_1967 : i32
      %add3A_1969 = vector.broadcast %add3A_1968 : i32 to vector<16xi32>
      %add3A_1970 = arith.addi %add3A_1969, %iota3A : vector<16xi32>
      %ge3A_1971 = arith.cmpi sge, %add3A_1970, %broadcast_in_dim3A_1955 : vector<16xi32>
      %lt3A_1972 = arith.cmpi slt, %add3A_1970, %broadcast_in_dim3A_1956 : vector<16xi32>
      %and3A_1973 = arith.andi %ge3A_1971, %lt3A_1972 : vector<16xi1>
      %min3A_1974 = arith.constant 383 : i32
      %min3A_1975 = vector.broadcast %min3A_1974 : i32 to vector<16xi32>
      %min3A_1976 = arith.minsi %add3A_1970, %min3A_1975 : vector<16xi32>
      %add3A_1977 = arith.constant 32 : i32
      %add3A_1978 = arith.addi %mul3A_1954, %add3A_1977 : i32
      %add3A_1979 = vector.broadcast %add3A_1978 : i32 to vector<16xi32>
      %add3A_1980 = arith.addi %add3A_1979, %iota3A : vector<16xi32>
      %ge3A_1981 = arith.cmpi sge, %add3A_1980, %broadcast_in_dim3A_1955 : vector<16xi32>
      %lt3A_1982 = arith.cmpi slt, %add3A_1980, %broadcast_in_dim3A_1956 : vector<16xi32>
      %and3A_1983 = arith.andi %ge3A_1981, %lt3A_1982 : vector<16xi1>
      %min3A_1984 = arith.constant 383 : i32
      %min3A_1985 = vector.broadcast %min3A_1984 : i32 to vector<16xi32>
      %min3A_1986 = arith.minsi %add3A_1980, %min3A_1985 : vector<16xi32>
      %add3A_1987 = arith.constant 48 : i32
      %add3A_1988 = arith.addi %mul3A_1954, %add3A_1987 : i32
      %add3A_1989 = vector.broadcast %add3A_1988 : i32 to vector<16xi32>
      %add3A_1990 = arith.addi %add3A_1989, %iota3A : vector<16xi32>
      %ge3A_1991 = arith.cmpi sge, %add3A_1990, %broadcast_in_dim3A_1955 : vector<16xi32>
      %lt3A_1992 = arith.cmpi slt, %add3A_1990, %broadcast_in_dim3A_1956 : vector<16xi32>
      %and3A_1993 = arith.andi %ge3A_1991, %lt3A_1992 : vector<16xi1>
      %min3A_1994 = arith.constant 383 : i32
      %min3A_1995 = vector.broadcast %min3A_1994 : i32 to vector<16xi32>
      %min3A_1996 = arith.minsi %add3A_1990, %min3A_1995 : vector<16xi32>
      %add3A_1997 = arith.constant 64 : i32
      %add3A_1998 = arith.addi %mul3A_1954, %add3A_1997 : i32
      %add3A_1999 = vector.broadcast %add3A_1998 : i32 to vector<16xi32>
      %add3A_2000 = arith.addi %add3A_1999, %iota3A : vector<16xi32>
      %ge3A_2001 = arith.cmpi sge, %add3A_2000, %broadcast_in_dim3A_1955 : vector<16xi32>
      %lt3A_2002 = arith.cmpi slt, %add3A_2000, %broadcast_in_dim3A_1956 : vector<16xi32>
      %and3A_2003 = arith.andi %ge3A_2001, %lt3A_2002 : vector<16xi1>
      %min3A_2004 = arith.constant 383 : i32
      %min3A_2005 = vector.broadcast %min3A_2004 : i32 to vector<16xi32>
      %min3A_2006 = arith.minsi %add3A_2000, %min3A_2005 : vector<16xi32>
      %while3A_2007 = arith.constant 0 : i32
      %while3A_2008 = arith.subi %max3A_1928, %max3A_1924 : i32
      %while3A_2009 = arith.addi %max3A_1924, %while3A_2008 : i32
      %while3A_2010 = arith.constant 1 : i32
      %while3A_2011 = arith.divsi %while3A_2008, %while3A_2010 : i32
      %while3A_2012 = arith.muli %while3A_2011, %while3A_2010 : i32
      %while3A_2013 = arith.addi %max3A_1924, %while3A_2012 : i32
      %while3A_2014 = arith.constant 1 : i32
      scf.for %while3A_3102 = %max3A_1924 to %while3A_2013 step %while3A_2014  : i32 {
        %mul3A_3103 = arith.constant 384 : i32
        %mul3A_3104 = arith.muli %while3A_3102, %mul3A_3103 : i32
        %add3A_3105 = vector.broadcast %mul3A_3104 : i32 to vector<16xi32>
        %add3A_3106 = arith.addi %add3A_3105, %min3A_1966 : vector<16xi32>
        tpu.vector_store_idx %arg6[%add3A_3106], %broadcast_in_dim3A_5 masked %and3A_1963 : memref<36864xf32, #tpu.memory_space<vmem>>[vector<16xi32>], vector<16xf32>, vector<16xi1>
        %add3A_3107 = vector.broadcast %mul3A_3104 : i32 to vector<16xi32>
        %add3A_3108 = arith.addi %add3A_3107, %min3A_1976 : vector<16xi32>
        tpu.vector_store_idx %arg6[%add3A_3108], %broadcast_in_dim3A_5 masked %and3A_1973 : memref<36864xf32, #tpu.memory_space<vmem>>[vector<16xi32>], vector<16xf32>, vector<16xi1>
        %add3A_3109 = vector.broadcast %mul3A_3104 : i32 to vector<16xi32>
        %add3A_3110 = arith.addi %add3A_3109, %min3A_1986 : vector<16xi32>
        tpu.vector_store_idx %arg6[%add3A_3110], %broadcast_in_dim3A_5 masked %and3A_1983 : memref<36864xf32, #tpu.memory_space<vmem>>[vector<16xi32>], vector<16xf32>, vector<16xi1>
        %add3A_3111 = vector.broadcast %mul3A_3104 : i32 to vector<16xi32>
        %add3A_3112 = arith.addi %add3A_3111, %min3A_1996 : vector<16xi32>
        tpu.vector_store_idx %arg6[%add3A_3112], %broadcast_in_dim3A_5 masked %and3A_1993 : memref<36864xf32, #tpu.memory_space<vmem>>[vector<16xi32>], vector<16xf32>, vector<16xi1>
        %add3A_3113 = vector.broadcast %mul3A_3104 : i32 to vector<16xi32>
        %add3A_3114 = arith.addi %add3A_3113, %min3A_2006 : vector<16xi32>
        tpu.vector_store_idx %arg6[%add3A_3114], %broadcast_in_dim3A_5 masked %and3A_2003 : memref<36864xf32, #tpu.memory_space<vmem>>[vector<16xi32>], vector<16xf32>, vector<16xi1>
      }
      %while3A_2015 = arith.constant 1 : i32
      scf.for %while3A_3102 = %while3A_2013 to %while3A_2009 step %while3A_2015  : i32 {
        %mul3A_3103 = arith.constant 384 : i32
        %mul3A_3104 = arith.muli %while3A_3102, %mul3A_3103 : i32
        %add3A_3105 = vector.broadcast %mul3A_3104 : i32 to vector<16xi32>
        %add3A_3106 = arith.addi %add3A_3105, %min3A_1966 : vector<16xi32>
        tpu.vector_store_idx %arg6[%add3A_3106], %broadcast_in_dim3A_5 masked %and3A_1963 : memref<36864xf32, #tpu.memory_space<vmem>>[vector<16xi32>], vector<16xf32>, vector<16xi1>
        %add3A_3107 = vector.broadcast %mul3A_3104 : i32 to vector<16xi32>
        %add3A_3108 = arith.addi %add3A_3107, %min3A_1976 : vector<16xi32>
        tpu.vector_store_idx %arg6[%add3A_3108], %broadcast_in_dim3A_5 masked %and3A_1973 : memref<36864xf32, #tpu.memory_space<vmem>>[vector<16xi32>], vector<16xf32>, vector<16xi1>
        %add3A_3109 = vector.broadcast %mul3A_3104 : i32 to vector<16xi32>
        %add3A_3110 = arith.addi %add3A_3109, %min3A_1986 : vector<16xi32>
        tpu.vector_store_idx %arg6[%add3A_3110], %broadcast_in_dim3A_5 masked %and3A_1983 : memref<36864xf32, #tpu.memory_space<vmem>>[vector<16xi32>], vector<16xf32>, vector<16xi1>
        %add3A_3111 = vector.broadcast %mul3A_3104 : i32 to vector<16xi32>
        %add3A_3112 = arith.addi %add3A_3111, %min3A_1996 : vector<16xi32>
        tpu.vector_store_idx %arg6[%add3A_3112], %broadcast_in_dim3A_5 masked %and3A_1993 : memref<36864xf32, #tpu.memory_space<vmem>>[vector<16xi32>], vector<16xf32>, vector<16xi1>
        %add3A_3113 = vector.broadcast %mul3A_3104 : i32 to vector<16xi32>
        %add3A_3114 = arith.addi %add3A_3113, %min3A_2006 : vector<16xi32>
        tpu.vector_store_idx %arg6[%add3A_3114], %broadcast_in_dim3A_5 masked %and3A_2003 : memref<36864xf32, #tpu.memory_space<vmem>>[vector<16xi32>], vector<16xf32>, vector<16xi1>
      }
      %jit3A_2016 = arith.constant 4 : i32
      %div3A_2017 = arith.divsi %add3A_1053, %jit3A_2016 : i32
      %sign3A_2018 = arith.constant 0 : i32
      %sign3A_2019 = arith.cmpi sgt, %add3A_1053, %sign3A_2018 : i32
      %sign3A_2020 = arith.extui %sign3A_2019 : i1 to i32
      %sign3A_2021 = arith.constant 0 : i32
      %sign3A_2022 = arith.cmpi slt, %add3A_1053, %sign3A_2021 : i32
      %sign3A_2023 = arith.extui %sign3A_2022 : i1 to i32
      %sign3A_2024 = arith.subi %sign3A_2020, %sign3A_2023 : i32
      %sign3A_2025 = arith.constant 0 : i32
      %sign3A_2026 = arith.cmpi sgt, %jit3A_2016, %sign3A_2025 : i32
      %sign3A_2027 = arith.extui %sign3A_2026 : i1 to i32
      %sign3A_2028 = arith.constant 0 : i32
      %sign3A_2029 = arith.cmpi slt, %jit3A_2016, %sign3A_2028 : i32
      %sign3A_2030 = arith.extui %sign3A_2029 : i1 to i32
      %sign3A_2031 = arith.subi %sign3A_2027, %sign3A_2030 : i32
      %ne3A_2032 = arith.cmpi ne, %sign3A_2024, %sign3A_2031 : i32
      %rem3A_2033 = arith.remsi %add3A_1053, %jit3A_2016 : i32
      %ne3A_2034 = arith.constant 0 : i32
      %ne3A_2035 = arith.cmpi ne, %rem3A_2033, %ne3A_2034 : i32
      %and3A_2036 = arith.andi %ne3A_2032, %ne3A_2035 : i1
      %sub3A_2037 = arith.constant 1 : i32
      %sub3A_2038 = arith.subi %div3A_2017, %sub3A_2037 : i32
      %select_n3A_2039 = arith.select %and3A_2036, %sub3A_2038, %div3A_2017 : i32
      %add3A_2040 = arith.addi %mul3A_2, %select_n3A_2039 : i32
      %jit3A_2041 = arith.constant 4 : i32
      %eq3A_2042 = arith.constant 0 : i32
      %eq3A_2043 = arith.cmpi eq, %jit3A_2041, %eq3A_2042 : i32
      %jit3A_2044 = arith.constant 1 : i32
      %select_n3A_2045 = arith.select %eq3A_2043, %jit3A_2044, %jit3A_2041 : i32
      %rem3A_2046 = arith.remsi %add3A_1053, %select_n3A_2045 : i32
      %ne3A_2047 = arith.constant 0 : i32
      %ne3A_2048 = arith.cmpi ne, %rem3A_2046, %ne3A_2047 : i32
      %lt3A_2049 = arith.constant 0 : i32
      %lt3A_2050 = arith.cmpi slt, %rem3A_2046, %lt3A_2049 : i32
      %lt3A_2051 = arith.constant 0 : i32
      %lt3A_2052 = arith.cmpi slt, %select_n3A_2045, %lt3A_2051 : i32
      %ne3A_2053 = arith.xori %lt3A_2050, %lt3A_2052 : i1
      %and3A_2054 = arith.andi %ne3A_2053, %ne3A_2048 : i1
      %add3A_2055 = arith.addi %rem3A_2046, %select_n3A_2045 : i32
      %select_n3A_2056 = arith.select %and3A_2054, %add3A_2055, %rem3A_2046 : i32
      %mul3A_2057 = arith.constant 96 : i32
      %mul3A_2058 = arith.muli %select_n3A_2056, %mul3A_2057 : i32
      %mul3A_2059 = arith.constant 147456 : i32
      %mul3A_2060 = arith.muli %add3A_2040, %mul3A_2059 : i32
      %mul3A_2061 = arith.constant 384 : i32
      %mul3A_2062 = arith.muli %mul3A_2058, %mul3A_2061 : i32
      %add3A_2063 = arith.addi %mul3A_2060, %mul3A_2062 : i32
      %dma_start3A_2064 = tpu.memref_slice %arg4[%add3A_2063] : memref<56623104xf32, #tpu.memory_space<hbm>> -> memref<36864xf32, #tpu.memory_space<hbm>>
      %dma_start3A_2065 = tpu.memref_slice %arg4[%add3A_2063] : memref<56623104xf32, #tpu.memory_space<hbm>> -> memref<36864xf32, #tpu.memory_space<hbm>>
      tpu.enqueue_dma source(%arg6 : memref<36864xf32, #tpu.memory_space<vmem>>) target(%dma_start3A_2065 : memref<36864xf32, #tpu.memory_space<hbm>>) target_semaphore(%arg13 : memref<!tpu.dma_semaphore, #tpu.memory_space<semaphore_mem>>)
      %ge3A_2066 = arith.constant 1 : i32
      %ge3A_2067 = arith.cmpi sge, %add3A_1053, %ge3A_2066 : i32
      %add3A_2068 = arith.constant 2 : i32
      %add3A_2069 = arith.addi %add3A_1053, %add3A_2068 : i32
      %lt3A_2070 = arith.constant 48 : i32
      %lt3A_2071 = arith.cmpi slt, %add3A_2069, %lt3A_2070 : i32
      %and3A_2072 = arith.andi %ge3A_2067, %lt3A_2071 : i1
      %convert_element_type3A_2073 = arith.extui %and3A_2072 : i1 to i32
      %cond3A_2074 = arith.constant 0 : i32
      %cond3A_2075 = arith.cmpi ne, %convert_element_type3A_2073, %cond3A_2074 : i32
      scf.if %cond3A_2075 {
        %dma_wait3A_3102 = arith.constant 0 : i32
        %dma_wait3A_3103 = tpu.memref_slice %arg4[%dma_wait3A_3102] : memref<56623104xf32, #tpu.memory_space<hbm>> -> memref<36864xf32, #tpu.memory_space<hbm>>
        %dma_wait3A_3104 = arith.constant 0 : i32
        %dma_wait3A_3105 = tpu.memref_slice %arg4[%dma_wait3A_3104] : memref<56623104xf32, #tpu.memory_space<hbm>> -> memref<36864xf32, #tpu.memory_space<hbm>>
        tpu.wait_dma2 semaphore(%arg12 : memref<!tpu.dma_semaphore, #tpu.memory_space<semaphore_mem>>) src(%arg5 : memref<36864xf32, #tpu.memory_space<vmem>>) dst(%dma_wait3A_3105 : memref<36864xf32, #tpu.memory_space<hbm>>)
        %add3A_3106 = arith.constant 2 : i32
        %add3A_3107 = arith.addi %add3A_1053, %add3A_3106 : i32
        %jit3A_3108 = arith.constant 4 : i32
        %div3A_3109 = arith.divsi %add3A_3107, %jit3A_3108 : i32
        %sign3A_3110 = arith.constant 0 : i32
        %sign3A_3111 = arith.cmpi sgt, %add3A_3107, %sign3A_3110 : i32
        %sign3A_3112 = arith.extui %sign3A_3111 : i1 to i32
        %sign3A_3113 = arith.constant 0 : i32
        %sign3A_3114 = arith.cmpi slt, %add3A_3107, %sign3A_3113 : i32
        %sign3A_3115 = arith.extui %sign3A_3114 : i1 to i32
        %sign3A_3116 = arith.subi %sign3A_3112, %sign3A_3115 : i32
        %sign3A_3117 = arith.constant 0 : i32
        %sign3A_3118 = arith.cmpi sgt, %jit3A_3108, %sign3A_3117 : i32
        %sign3A_3119 = arith.extui %sign3A_3118 : i1 to i32
        %sign3A_3120 = arith.constant 0 : i32
        %sign3A_3121 = arith.cmpi slt, %jit3A_3108, %sign3A_3120 : i32
        %sign3A_3122 = arith.extui %sign3A_3121 : i1 to i32
        %sign3A_3123 = arith.subi %sign3A_3119, %sign3A_3122 : i32
        %ne3A_3124 = arith.cmpi ne, %sign3A_3116, %sign3A_3123 : i32
        %rem3A_3125 = arith.remsi %add3A_3107, %jit3A_3108 : i32
        %ne3A_3126 = arith.constant 0 : i32
        %ne3A_3127 = arith.cmpi ne, %rem3A_3125, %ne3A_3126 : i32
        %and3A_3128 = arith.andi %ne3A_3124, %ne3A_3127 : i1
        %sub3A_3129 = arith.constant 1 : i32
        %sub3A_3130 = arith.subi %div3A_3109, %sub3A_3129 : i32
        %select_n3A_3131 = arith.select %and3A_3128, %sub3A_3130, %div3A_3109 : i32
        %add3A_3132 = arith.addi %mul3A_2, %select_n3A_3131 : i32
        %jit3A_3133 = arith.constant 4 : i32
        %eq3A_3134 = arith.constant 0 : i32
        %eq3A_3135 = arith.cmpi eq, %jit3A_3133, %eq3A_3134 : i32
        %jit3A_3136 = arith.constant 1 : i32
        %select_n3A_3137 = arith.select %eq3A_3135, %jit3A_3136, %jit3A_3133 : i32
        %rem3A_3138 = arith.remsi %add3A_3107, %select_n3A_3137 : i32
        %ne3A_3139 = arith.constant 0 : i32
        %ne3A_3140 = arith.cmpi ne, %rem3A_3138, %ne3A_3139 : i32
        %lt3A_3141 = arith.constant 0 : i32
        %lt3A_3142 = arith.cmpi slt, %rem3A_3138, %lt3A_3141 : i32
        %lt3A_3143 = arith.constant 0 : i32
        %lt3A_3144 = arith.cmpi slt, %select_n3A_3137, %lt3A_3143 : i32
        %ne3A_3145 = arith.xori %lt3A_3142, %lt3A_3144 : i1
        %and3A_3146 = arith.andi %ne3A_3145, %ne3A_3140 : i1
        %add3A_3147 = arith.addi %rem3A_3138, %select_n3A_3137 : i32
        %select_n3A_3148 = arith.select %and3A_3146, %add3A_3147, %rem3A_3138 : i32
        %mul3A_3149 = arith.constant 96 : i32
        %mul3A_3150 = arith.muli %select_n3A_3148, %mul3A_3149 : i32
        %mul3A_3151 = arith.constant 147456 : i32
        %mul3A_3152 = arith.muli %add3A_3132, %mul3A_3151 : i32
        %mul3A_3153 = arith.constant 384 : i32
        %mul3A_3154 = arith.muli %mul3A_3150, %mul3A_3153 : i32
        %add3A_3155 = arith.addi %mul3A_3152, %mul3A_3154 : i32
        %dma_start3A_3156 = tpu.memref_slice %arg2[%add3A_3155] : memref<56623104xf32, #tpu.memory_space<hbm>> -> memref<36864xf32, #tpu.memory_space<hbm>>
        %dma_start3A_3157 = tpu.memref_slice %arg2[%add3A_3155] : memref<56623104xf32, #tpu.memory_space<hbm>> -> memref<36864xf32, #tpu.memory_space<hbm>>
        tpu.enqueue_dma source(%dma_start3A_3157 : memref<36864xf32, #tpu.memory_space<hbm>>) target(%arg5 : memref<36864xf32, #tpu.memory_space<vmem>>) target_semaphore(%arg9 : memref<!tpu.dma_semaphore, #tpu.memory_space<semaphore_mem>>)
      } else {
      }
      %mul3A_2076 = arith.constant 3 : i32
      %mul3A_2077 = arith.muli %scan3A_37, %mul3A_2076 : i32
      %add3A_2078 = arith.constant 2 : i32
      %add3A_2079 = arith.addi %mul3A_2077, %add3A_2078 : i32
      %dma_wait3A_2080 = arith.constant 0 : i32
      %dma_wait3A_2081 = tpu.memref_slice %arg2[%dma_wait3A_2080] : memref<56623104xf32, #tpu.memory_space<hbm>> -> memref<36864xf32, #tpu.memory_space<hbm>>
      %dma_wait3A_2082 = arith.constant 0 : i32
      %dma_wait3A_2083 = tpu.memref_slice %arg2[%dma_wait3A_2082] : memref<56623104xf32, #tpu.memory_space<hbm>> -> memref<36864xf32, #tpu.memory_space<hbm>>
      tpu.wait_dma2 semaphore(%arg11 : memref<!tpu.dma_semaphore, #tpu.memory_space<semaphore_mem>>) src(%dma_wait3A_2083 : memref<36864xf32, #tpu.memory_space<hbm>>) dst(%arg7 : memref<36864xf32, #tpu.memory_space<vmem>>)
      %jit3A_2084 = arith.constant 4 : i32
      %div3A_2085 = arith.divsi %add3A_2079, %jit3A_2084 : i32
      %sign3A_2086 = arith.constant 0 : i32
      %sign3A_2087 = arith.cmpi sgt, %add3A_2079, %sign3A_2086 : i32
      %sign3A_2088 = arith.extui %sign3A_2087 : i1 to i32
      %sign3A_2089 = arith.constant 0 : i32
      %sign3A_2090 = arith.cmpi slt, %add3A_2079, %sign3A_2089 : i32
      %sign3A_2091 = arith.extui %sign3A_2090 : i1 to i32
      %sign3A_2092 = arith.subi %sign3A_2088, %sign3A_2091 : i32
      %sign3A_2093 = arith.constant 0 : i32
      %sign3A_2094 = arith.cmpi sgt, %jit3A_2084, %sign3A_2093 : i32
      %sign3A_2095 = arith.extui %sign3A_2094 : i1 to i32
      %sign3A_2096 = arith.constant 0 : i32
      %sign3A_2097 = arith.cmpi slt, %jit3A_2084, %sign3A_2096 : i32
      %sign3A_2098 = arith.extui %sign3A_2097 : i1 to i32
      %sign3A_2099 = arith.subi %sign3A_2095, %sign3A_2098 : i32
      %ne3A_2100 = arith.cmpi ne, %sign3A_2092, %sign3A_2099 : i32
      %rem3A_2101 = arith.remsi %add3A_2079, %jit3A_2084 : i32
      %ne3A_2102 = arith.constant 0 : i32
      %ne3A_2103 = arith.cmpi ne, %rem3A_2101, %ne3A_2102 : i32
      %and3A_2104 = arith.andi %ne3A_2100, %ne3A_2103 : i1
      %sub3A_2105 = arith.constant 1 : i32
      %sub3A_2106 = arith.subi %div3A_2085, %sub3A_2105 : i32
      %select_n3A_2107 = arith.select %and3A_2104, %sub3A_2106, %div3A_2085 : i32
      %jit3A_2108 = arith.constant 4 : i32
      %eq3A_2109 = arith.constant 0 : i32
      %eq3A_2110 = arith.cmpi eq, %jit3A_2108, %eq3A_2109 : i32
      %jit3A_2111 = arith.constant 1 : i32
      %select_n3A_2112 = arith.select %eq3A_2110, %jit3A_2111, %jit3A_2108 : i32
      %rem3A_2113 = arith.remsi %add3A_2079, %select_n3A_2112 : i32
      %ne3A_2114 = arith.constant 0 : i32
      %ne3A_2115 = arith.cmpi ne, %rem3A_2113, %ne3A_2114 : i32
      %lt3A_2116 = arith.constant 0 : i32
      %lt3A_2117 = arith.cmpi slt, %rem3A_2113, %lt3A_2116 : i32
      %lt3A_2118 = arith.constant 0 : i32
      %lt3A_2119 = arith.cmpi slt, %select_n3A_2112, %lt3A_2118 : i32
      %ne3A_2120 = arith.xori %lt3A_2117, %lt3A_2119 : i1
      %and3A_2121 = arith.andi %ne3A_2120, %ne3A_2115 : i1
      %add3A_2122 = arith.addi %rem3A_2113, %select_n3A_2112 : i32
      %select_n3A_2123 = arith.select %and3A_2121, %add3A_2122, %rem3A_2113 : i32
      %mul3A_2124 = arith.constant 96 : i32
      %mul3A_2125 = arith.muli %select_n3A_2123, %mul3A_2124 : i32
      %mul3A_2126 = arith.constant 16 : i32
      %mul3A_2127 = arith.muli %select_n3A_2107, %mul3A_2126 : i32
      %get3A_2128 = arith.index_cast %mul3A_2127 : i32 to index
      %get3A_2129 = tpu.vector_load %arg8[%get3A_2128] {strides = array<i32>} : memref<192xi32, #tpu.memory_space<vmem>>, vector<16xi32>,
      %slice3A_2130 = vector.extract_strided_slice %get3A_2129 {offsets = [0], sizes = [1], strides = [1]} : vector<16xi32> to vector<1xi32>
      %squeeze3A_2131 = vector.extract %slice3A_2130[0] : i32 from vector<1xi32>
      %max3A_2132 = arith.constant 0 : i32
      %max3A_2133 = arith.maxsi %squeeze3A_2131, %max3A_2132 : i32
      %min3A_2134 = arith.constant 383 : i32
      %min3A_2135 = arith.minsi %max3A_2133, %min3A_2134 : i32
      %slice3A_2136 = vector.extract_strided_slice %get3A_2129 {offsets = [8], sizes = [1], strides = [1]} : vector<16xi32> to vector<1xi32>
      %squeeze3A_2137 = vector.extract %slice3A_2136[0] : i32 from vector<1xi32>
      %max3A_2138 = arith.constant 0 : i32
      %max3A_2139 = arith.maxsi %squeeze3A_2137, %max3A_2138 : i32
      %min3A_2140 = arith.constant 383 : i32
      %min3A_2141 = arith.minsi %max3A_2139, %min3A_2140 : i32
      %add3A_2142 = arith.constant 64 : i32
      %add3A_2143 = arith.addi %min3A_2135, %add3A_2142 : i32
      %min3A_2144 = arith.constant 383 : i32
      %min3A_2145 = arith.minsi %add3A_2143, %min3A_2144 : i32
      %add3A_2146 = arith.constant 64 : i32
      %add3A_2147 = arith.addi %min3A_2141, %add3A_2146 : i32
      %min3A_2148 = arith.constant 383 : i32
      %min3A_2149 = arith.minsi %add3A_2147, %min3A_2148 : i32
      %sub3A_2150 = arith.subi %min3A_2135, %mul3A_2125 : i32
      %max3A_2151 = arith.constant 0 : i32
      %max3A_2152 = arith.maxsi %sub3A_2150, %max3A_2151 : i32
      %sub3A_2153 = arith.subi %min3A_2145, %mul3A_2125 : i32
      %min3A_2154 = arith.constant 96 : i32
      %min3A_2155 = arith.minsi %sub3A_2153, %min3A_2154 : i32
      %max3A_2156 = arith.maxsi %min3A_2155, %max3A_2152 : i32
      %jit3A_2157 = arith.constant 16 : i32
      %div3A_2158 = arith.divsi %min3A_2141, %jit3A_2157 : i32
      %sign3A_2159 = arith.constant 0 : i32
      %sign3A_2160 = arith.cmpi sgt, %min3A_2141, %sign3A_2159 : i32
      %sign3A_2161 = arith.extui %sign3A_2160 : i1 to i32
      %sign3A_2162 = arith.constant 0 : i32
      %sign3A_2163 = arith.cmpi slt, %min3A_2141, %sign3A_2162 : i32
      %sign3A_2164 = arith.extui %sign3A_2163 : i1 to i32
      %sign3A_2165 = arith.subi %sign3A_2161, %sign3A_2164 : i32
      %sign3A_2166 = arith.constant 0 : i32
      %sign3A_2167 = arith.cmpi sgt, %jit3A_2157, %sign3A_2166 : i32
      %sign3A_2168 = arith.extui %sign3A_2167 : i1 to i32
      %sign3A_2169 = arith.constant 0 : i32
      %sign3A_2170 = arith.cmpi slt, %jit3A_2157, %sign3A_2169 : i32
      %sign3A_2171 = arith.extui %sign3A_2170 : i1 to i32
      %sign3A_2172 = arith.subi %sign3A_2168, %sign3A_2171 : i32
      %ne3A_2173 = arith.cmpi ne, %sign3A_2165, %sign3A_2172 : i32
      %rem3A_2174 = arith.remsi %min3A_2141, %jit3A_2157 : i32
      %ne3A_2175 = arith.constant 0 : i32
      %ne3A_2176 = arith.cmpi ne, %rem3A_2174, %ne3A_2175 : i32
      %and3A_2177 = arith.andi %ne3A_2173, %ne3A_2176 : i1
      %sub3A_2178 = arith.constant 1 : i32
      %sub3A_2179 = arith.subi %div3A_2158, %sub3A_2178 : i32
      %select_n3A_2180 = arith.select %and3A_2177, %sub3A_2179, %div3A_2158 : i32
      %mul3A_2181 = arith.constant 16 : i32
      %mul3A_2182 = arith.muli %select_n3A_2180, %mul3A_2181 : i32
      %broadcast_in_dim3A_2183 = vector.broadcast %min3A_2141 : i32 to vector<16xi32>
      %broadcast_in_dim3A_2184 = vector.broadcast %min3A_2149 : i32 to vector<16xi32>
      %add3A_2185 = arith.constant 0 : i32
      %add3A_2186 = arith.addi %mul3A_2182, %add3A_2185 : i32
      %add3A_2187 = vector.broadcast %add3A_2186 : i32 to vector<16xi32>
      %add3A_2188 = arith.addi %add3A_2187, %iota3A : vector<16xi32>
      %ge3A_2189 = arith.cmpi sge, %add3A_2188, %broadcast_in_dim3A_2183 : vector<16xi32>
      %lt3A_2190 = arith.cmpi slt, %add3A_2188, %broadcast_in_dim3A_2184 : vector<16xi32>
      %and3A_2191 = arith.andi %ge3A_2189, %lt3A_2190 : vector<16xi1>
      %min3A_2192 = arith.constant 383 : i32
      %min3A_2193 = vector.broadcast %min3A_2192 : i32 to vector<16xi32>
      %min3A_2194 = arith.minsi %add3A_2188, %min3A_2193 : vector<16xi32>
      %add3A_2195 = arith.constant 16 : i32
      %add3A_2196 = arith.addi %mul3A_2182, %add3A_2195 : i32
      %add3A_2197 = vector.broadcast %add3A_2196 : i32 to vector<16xi32>
      %add3A_2198 = arith.addi %add3A_2197, %iota3A : vector<16xi32>
      %ge3A_2199 = arith.cmpi sge, %add3A_2198, %broadcast_in_dim3A_2183 : vector<16xi32>
      %lt3A_2200 = arith.cmpi slt, %add3A_2198, %broadcast_in_dim3A_2184 : vector<16xi32>
      %and3A_2201 = arith.andi %ge3A_2199, %lt3A_2200 : vector<16xi1>
      %min3A_2202 = arith.constant 383 : i32
      %min3A_2203 = vector.broadcast %min3A_2202 : i32 to vector<16xi32>
      %min3A_2204 = arith.minsi %add3A_2198, %min3A_2203 : vector<16xi32>
      %add3A_2205 = arith.constant 32 : i32
      %add3A_2206 = arith.addi %mul3A_2182, %add3A_2205 : i32
      %add3A_2207 = vector.broadcast %add3A_2206 : i32 to vector<16xi32>
      %add3A_2208 = arith.addi %add3A_2207, %iota3A : vector<16xi32>
      %ge3A_2209 = arith.cmpi sge, %add3A_2208, %broadcast_in_dim3A_2183 : vector<16xi32>
      %lt3A_2210 = arith.cmpi slt, %add3A_2208, %broadcast_in_dim3A_2184 : vector<16xi32>
      %and3A_2211 = arith.andi %ge3A_2209, %lt3A_2210 : vector<16xi1>
      %min3A_2212 = arith.constant 383 : i32
      %min3A_2213 = vector.broadcast %min3A_2212 : i32 to vector<16xi32>
      %min3A_2214 = arith.minsi %add3A_2208, %min3A_2213 : vector<16xi32>
      %add3A_2215 = arith.constant 48 : i32
      %add3A_2216 = arith.addi %mul3A_2182, %add3A_2215 : i32
      %add3A_2217 = vector.broadcast %add3A_2216 : i32 to vector<16xi32>
      %add3A_2218 = arith.addi %add3A_2217, %iota3A : vector<16xi32>
      %ge3A_2219 = arith.cmpi sge, %add3A_2218, %broadcast_in_dim3A_2183 : vector<16xi32>
      %lt3A_2220 = arith.cmpi slt, %add3A_2218, %broadcast_in_dim3A_2184 : vector<16xi32>
      %and3A_2221 = arith.andi %ge3A_2219, %lt3A_2220 : vector<16xi1>
      %min3A_2222 = arith.constant 383 : i32
      %min3A_2223 = vector.broadcast %min3A_2222 : i32 to vector<16xi32>
      %min3A_2224 = arith.minsi %add3A_2218, %min3A_2223 : vector<16xi32>
      %add3A_2225 = arith.constant 64 : i32
      %add3A_2226 = arith.addi %mul3A_2182, %add3A_2225 : i32
      %add3A_2227 = vector.broadcast %add3A_2226 : i32 to vector<16xi32>
      %add3A_2228 = arith.addi %add3A_2227, %iota3A : vector<16xi32>
      %ge3A_2229 = arith.cmpi sge, %add3A_2228, %broadcast_in_dim3A_2183 : vector<16xi32>
      %lt3A_2230 = arith.cmpi slt, %add3A_2228, %broadcast_in_dim3A_2184 : vector<16xi32>
      %and3A_2231 = arith.andi %ge3A_2229, %lt3A_2230 : vector<16xi1>
      %min3A_2232 = arith.constant 383 : i32
      %min3A_2233 = vector.broadcast %min3A_2232 : i32 to vector<16xi32>
      %min3A_2234 = arith.minsi %add3A_2228, %min3A_2233 : vector<16xi32>
      %while3A_2235 = arith.constant 0 : i32
      %while3A_2236 = arith.subi %max3A_2156, %max3A_2152 : i32
      %while3A_2237 = arith.addi %max3A_2152, %while3A_2236 : i32
      %while3A_2238 = arith.constant 1 : i32
      %while3A_2239 = arith.divsi %while3A_2236, %while3A_2238 : i32
      %while3A_2240 = arith.muli %while3A_2239, %while3A_2238 : i32
      %while3A_2241 = arith.addi %max3A_2152, %while3A_2240 : i32
      %while3A_2242 = arith.constant 1 : i32
      scf.for %while3A_3102 = %max3A_2152 to %while3A_2241 step %while3A_2242  : i32 {
        %mul3A_3103 = arith.constant 384 : i32
        %mul3A_3104 = arith.muli %while3A_3102, %mul3A_3103 : i32
        %add3A_3105 = vector.broadcast %mul3A_3104 : i32 to vector<16xi32>
        %add3A_3106 = arith.addi %add3A_3105, %min3A_2194 : vector<16xi32>
        tpu.vector_store_idx %arg7[%add3A_3106], %broadcast_in_dim3A_5 masked %and3A_2191 : memref<36864xf32, #tpu.memory_space<vmem>>[vector<16xi32>], vector<16xf32>, vector<16xi1>
        %add3A_3107 = vector.broadcast %mul3A_3104 : i32 to vector<16xi32>
        %add3A_3108 = arith.addi %add3A_3107, %min3A_2204 : vector<16xi32>
        tpu.vector_store_idx %arg7[%add3A_3108], %broadcast_in_dim3A_5 masked %and3A_2201 : memref<36864xf32, #tpu.memory_space<vmem>>[vector<16xi32>], vector<16xf32>, vector<16xi1>
        %add3A_3109 = vector.broadcast %mul3A_3104 : i32 to vector<16xi32>
        %add3A_3110 = arith.addi %add3A_3109, %min3A_2214 : vector<16xi32>
        tpu.vector_store_idx %arg7[%add3A_3110], %broadcast_in_dim3A_5 masked %and3A_2211 : memref<36864xf32, #tpu.memory_space<vmem>>[vector<16xi32>], vector<16xf32>, vector<16xi1>
        %add3A_3111 = vector.broadcast %mul3A_3104 : i32 to vector<16xi32>
        %add3A_3112 = arith.addi %add3A_3111, %min3A_2224 : vector<16xi32>
        tpu.vector_store_idx %arg7[%add3A_3112], %broadcast_in_dim3A_5 masked %and3A_2221 : memref<36864xf32, #tpu.memory_space<vmem>>[vector<16xi32>], vector<16xf32>, vector<16xi1>
        %add3A_3113 = vector.broadcast %mul3A_3104 : i32 to vector<16xi32>
        %add3A_3114 = arith.addi %add3A_3113, %min3A_2234 : vector<16xi32>
        tpu.vector_store_idx %arg7[%add3A_3114], %broadcast_in_dim3A_5 masked %and3A_2231 : memref<36864xf32, #tpu.memory_space<vmem>>[vector<16xi32>], vector<16xf32>, vector<16xi1>
      }
      %while3A_2243 = arith.constant 1 : i32
      scf.for %while3A_3102 = %while3A_2241 to %while3A_2237 step %while3A_2243  : i32 {
        %mul3A_3103 = arith.constant 384 : i32
        %mul3A_3104 = arith.muli %while3A_3102, %mul3A_3103 : i32
        %add3A_3105 = vector.broadcast %mul3A_3104 : i32 to vector<16xi32>
        %add3A_3106 = arith.addi %add3A_3105, %min3A_2194 : vector<16xi32>
        tpu.vector_store_idx %arg7[%add3A_3106], %broadcast_in_dim3A_5 masked %and3A_2191 : memref<36864xf32, #tpu.memory_space<vmem>>[vector<16xi32>], vector<16xf32>, vector<16xi1>
        %add3A_3107 = vector.broadcast %mul3A_3104 : i32 to vector<16xi32>
        %add3A_3108 = arith.addi %add3A_3107, %min3A_2204 : vector<16xi32>
        tpu.vector_store_idx %arg7[%add3A_3108], %broadcast_in_dim3A_5 masked %and3A_2201 : memref<36864xf32, #tpu.memory_space<vmem>>[vector<16xi32>], vector<16xf32>, vector<16xi1>
        %add3A_3109 = vector.broadcast %mul3A_3104 : i32 to vector<16xi32>
        %add3A_3110 = arith.addi %add3A_3109, %min3A_2214 : vector<16xi32>
        tpu.vector_store_idx %arg7[%add3A_3110], %broadcast_in_dim3A_5 masked %and3A_2211 : memref<36864xf32, #tpu.memory_space<vmem>>[vector<16xi32>], vector<16xf32>, vector<16xi1>
        %add3A_3111 = vector.broadcast %mul3A_3104 : i32 to vector<16xi32>
        %add3A_3112 = arith.addi %add3A_3111, %min3A_2224 : vector<16xi32>
        tpu.vector_store_idx %arg7[%add3A_3112], %broadcast_in_dim3A_5 masked %and3A_2221 : memref<36864xf32, #tpu.memory_space<vmem>>[vector<16xi32>], vector<16xf32>, vector<16xi1>
        %add3A_3113 = vector.broadcast %mul3A_3104 : i32 to vector<16xi32>
        %add3A_3114 = arith.addi %add3A_3113, %min3A_2234 : vector<16xi32>
        tpu.vector_store_idx %arg7[%add3A_3114], %broadcast_in_dim3A_5 masked %and3A_2231 : memref<36864xf32, #tpu.memory_space<vmem>>[vector<16xi32>], vector<16xf32>, vector<16xi1>
      }
      %slice3A_2244 = vector.extract_strided_slice %get3A_2129 {offsets = [1], sizes = [1], strides = [1]} : vector<16xi32> to vector<1xi32>
      %squeeze3A_2245 = vector.extract %slice3A_2244[0] : i32 from vector<1xi32>
      %max3A_2246 = arith.constant 0 : i32
      %max3A_2247 = arith.maxsi %squeeze3A_2245, %max3A_2246 : i32
      %min3A_2248 = arith.constant 383 : i32
      %min3A_2249 = arith.minsi %max3A_2247, %min3A_2248 : i32
      %slice3A_2250 = vector.extract_strided_slice %get3A_2129 {offsets = [9], sizes = [1], strides = [1]} : vector<16xi32> to vector<1xi32>
      %squeeze3A_2251 = vector.extract %slice3A_2250[0] : i32 from vector<1xi32>
      %max3A_2252 = arith.constant 0 : i32
      %max3A_2253 = arith.maxsi %squeeze3A_2251, %max3A_2252 : i32
      %min3A_2254 = arith.constant 383 : i32
      %min3A_2255 = arith.minsi %max3A_2253, %min3A_2254 : i32
      %add3A_2256 = arith.constant 64 : i32
      %add3A_2257 = arith.addi %min3A_2249, %add3A_2256 : i32
      %min3A_2258 = arith.constant 383 : i32
      %min3A_2259 = arith.minsi %add3A_2257, %min3A_2258 : i32
      %add3A_2260 = arith.constant 64 : i32
      %add3A_2261 = arith.addi %min3A_2255, %add3A_2260 : i32
      %min3A_2262 = arith.constant 383 : i32
      %min3A_2263 = arith.minsi %add3A_2261, %min3A_2262 : i32
      %sub3A_2264 = arith.subi %min3A_2249, %mul3A_2125 : i32
      %max3A_2265 = arith.constant 0 : i32
      %max3A_2266 = arith.maxsi %sub3A_2264, %max3A_2265 : i32
      %sub3A_2267 = arith.subi %min3A_2259, %mul3A_2125 : i32
      %min3A_2268 = arith.constant 96 : i32
      %min3A_2269 = arith.minsi %sub3A_2267, %min3A_2268 : i32
      %max3A_2270 = arith.maxsi %min3A_2269, %max3A_2266 : i32
      %jit3A_2271 = arith.constant 16 : i32
      %div3A_2272 = arith.divsi %min3A_2255, %jit3A_2271 : i32
      %sign3A_2273 = arith.constant 0 : i32
      %sign3A_2274 = arith.cmpi sgt, %min3A_2255, %sign3A_2273 : i32
      %sign3A_2275 = arith.extui %sign3A_2274 : i1 to i32
      %sign3A_2276 = arith.constant 0 : i32
      %sign3A_2277 = arith.cmpi slt, %min3A_2255, %sign3A_2276 : i32
      %sign3A_2278 = arith.extui %sign3A_2277 : i1 to i32
      %sign3A_2279 = arith.subi %sign3A_2275, %sign3A_2278 : i32
      %sign3A_2280 = arith.constant 0 : i32
      %sign3A_2281 = arith.cmpi sgt, %jit3A_2271, %sign3A_2280 : i32
      %sign3A_2282 = arith.extui %sign3A_2281 : i1 to i32
      %sign3A_2283 = arith.constant 0 : i32
      %sign3A_2284 = arith.cmpi slt, %jit3A_2271, %sign3A_2283 : i32
      %sign3A_2285 = arith.extui %sign3A_2284 : i1 to i32
      %sign3A_2286 = arith.subi %sign3A_2282, %sign3A_2285 : i32
      %ne3A_2287 = arith.cmpi ne, %sign3A_2279, %sign3A_2286 : i32
      %rem3A_2288 = arith.remsi %min3A_2255, %jit3A_2271 : i32
      %ne3A_2289 = arith.constant 0 : i32
      %ne3A_2290 = arith.cmpi ne, %rem3A_2288, %ne3A_2289 : i32
      %and3A_2291 = arith.andi %ne3A_2287, %ne3A_2290 : i1
      %sub3A_2292 = arith.constant 1 : i32
      %sub3A_2293 = arith.subi %div3A_2272, %sub3A_2292 : i32
      %select_n3A_2294 = arith.select %and3A_2291, %sub3A_2293, %div3A_2272 : i32
      %mul3A_2295 = arith.constant 16 : i32
      %mul3A_2296 = arith.muli %select_n3A_2294, %mul3A_2295 : i32
      %broadcast_in_dim3A_2297 = vector.broadcast %min3A_2255 : i32 to vector<16xi32>
      %broadcast_in_dim3A_2298 = vector.broadcast %min3A_2263 : i32 to vector<16xi32>
      %add3A_2299 = arith.constant 0 : i32
      %add3A_2300 = arith.addi %mul3A_2296, %add3A_2299 : i32
      %add3A_2301 = vector.broadcast %add3A_2300 : i32 to vector<16xi32>
      %add3A_2302 = arith.addi %add3A_2301, %iota3A : vector<16xi32>
      %ge3A_2303 = arith.cmpi sge, %add3A_2302, %broadcast_in_dim3A_2297 : vector<16xi32>
      %lt3A_2304 = arith.cmpi slt, %add3A_2302, %broadcast_in_dim3A_2298 : vector<16xi32>
      %and3A_2305 = arith.andi %ge3A_2303, %lt3A_2304 : vector<16xi1>
      %min3A_2306 = arith.constant 383 : i32
      %min3A_2307 = vector.broadcast %min3A_2306 : i32 to vector<16xi32>
      %min3A_2308 = arith.minsi %add3A_2302, %min3A_2307 : vector<16xi32>
      %add3A_2309 = arith.constant 16 : i32
      %add3A_2310 = arith.addi %mul3A_2296, %add3A_2309 : i32
      %add3A_2311 = vector.broadcast %add3A_2310 : i32 to vector<16xi32>
      %add3A_2312 = arith.addi %add3A_2311, %iota3A : vector<16xi32>
      %ge3A_2313 = arith.cmpi sge, %add3A_2312, %broadcast_in_dim3A_2297 : vector<16xi32>
      %lt3A_2314 = arith.cmpi slt, %add3A_2312, %broadcast_in_dim3A_2298 : vector<16xi32>
      %and3A_2315 = arith.andi %ge3A_2313, %lt3A_2314 : vector<16xi1>
      %min3A_2316 = arith.constant 383 : i32
      %min3A_2317 = vector.broadcast %min3A_2316 : i32 to vector<16xi32>
      %min3A_2318 = arith.minsi %add3A_2312, %min3A_2317 : vector<16xi32>
      %add3A_2319 = arith.constant 32 : i32
      %add3A_2320 = arith.addi %mul3A_2296, %add3A_2319 : i32
      %add3A_2321 = vector.broadcast %add3A_2320 : i32 to vector<16xi32>
      %add3A_2322 = arith.addi %add3A_2321, %iota3A : vector<16xi32>
      %ge3A_2323 = arith.cmpi sge, %add3A_2322, %broadcast_in_dim3A_2297 : vector<16xi32>
      %lt3A_2324 = arith.cmpi slt, %add3A_2322, %broadcast_in_dim3A_2298 : vector<16xi32>
      %and3A_2325 = arith.andi %ge3A_2323, %lt3A_2324 : vector<16xi1>
      %min3A_2326 = arith.constant 383 : i32
      %min3A_2327 = vector.broadcast %min3A_2326 : i32 to vector<16xi32>
      %min3A_2328 = arith.minsi %add3A_2322, %min3A_2327 : vector<16xi32>
      %add3A_2329 = arith.constant 48 : i32
      %add3A_2330 = arith.addi %mul3A_2296, %add3A_2329 : i32
      %add3A_2331 = vector.broadcast %add3A_2330 : i32 to vector<16xi32>
      %add3A_2332 = arith.addi %add3A_2331, %iota3A : vector<16xi32>
      %ge3A_2333 = arith.cmpi sge, %add3A_2332, %broadcast_in_dim3A_2297 : vector<16xi32>
      %lt3A_2334 = arith.cmpi slt, %add3A_2332, %broadcast_in_dim3A_2298 : vector<16xi32>
      %and3A_2335 = arith.andi %ge3A_2333, %lt3A_2334 : vector<16xi1>
      %min3A_2336 = arith.constant 383 : i32
      %min3A_2337 = vector.broadcast %min3A_2336 : i32 to vector<16xi32>
      %min3A_2338 = arith.minsi %add3A_2332, %min3A_2337 : vector<16xi32>
      %add3A_2339 = arith.constant 64 : i32
      %add3A_2340 = arith.addi %mul3A_2296, %add3A_2339 : i32
      %add3A_2341 = vector.broadcast %add3A_2340 : i32 to vector<16xi32>
      %add3A_2342 = arith.addi %add3A_2341, %iota3A : vector<16xi32>
      %ge3A_2343 = arith.cmpi sge, %add3A_2342, %broadcast_in_dim3A_2297 : vector<16xi32>
      %lt3A_2344 = arith.cmpi slt, %add3A_2342, %broadcast_in_dim3A_2298 : vector<16xi32>
      %and3A_2345 = arith.andi %ge3A_2343, %lt3A_2344 : vector<16xi1>
      %min3A_2346 = arith.constant 383 : i32
      %min3A_2347 = vector.broadcast %min3A_2346 : i32 to vector<16xi32>
      %min3A_2348 = arith.minsi %add3A_2342, %min3A_2347 : vector<16xi32>
      %while3A_2349 = arith.constant 0 : i32
      %while3A_2350 = arith.subi %max3A_2270, %max3A_2266 : i32
      %while3A_2351 = arith.addi %max3A_2266, %while3A_2350 : i32
      %while3A_2352 = arith.constant 1 : i32
      %while3A_2353 = arith.divsi %while3A_2350, %while3A_2352 : i32
      %while3A_2354 = arith.muli %while3A_2353, %while3A_2352 : i32
      %while3A_2355 = arith.addi %max3A_2266, %while3A_2354 : i32
      %while3A_2356 = arith.constant 1 : i32
      scf.for %while3A_3102 = %max3A_2266 to %while3A_2355 step %while3A_2356  : i32 {
        %mul3A_3103 = arith.constant 384 : i32
        %mul3A_3104 = arith.muli %while3A_3102, %mul3A_3103 : i32
        %add3A_3105 = vector.broadcast %mul3A_3104 : i32 to vector<16xi32>
        %add3A_3106 = arith.addi %add3A_3105, %min3A_2308 : vector<16xi32>
        tpu.vector_store_idx %arg7[%add3A_3106], %broadcast_in_dim3A_5 masked %and3A_2305 : memref<36864xf32, #tpu.memory_space<vmem>>[vector<16xi32>], vector<16xf32>, vector<16xi1>
        %add3A_3107 = vector.broadcast %mul3A_3104 : i32 to vector<16xi32>
        %add3A_3108 = arith.addi %add3A_3107, %min3A_2318 : vector<16xi32>
        tpu.vector_store_idx %arg7[%add3A_3108], %broadcast_in_dim3A_5 masked %and3A_2315 : memref<36864xf32, #tpu.memory_space<vmem>>[vector<16xi32>], vector<16xf32>, vector<16xi1>
        %add3A_3109 = vector.broadcast %mul3A_3104 : i32 to vector<16xi32>
        %add3A_3110 = arith.addi %add3A_3109, %min3A_2328 : vector<16xi32>
        tpu.vector_store_idx %arg7[%add3A_3110], %broadcast_in_dim3A_5 masked %and3A_2325 : memref<36864xf32, #tpu.memory_space<vmem>>[vector<16xi32>], vector<16xf32>, vector<16xi1>
        %add3A_3111 = vector.broadcast %mul3A_3104 : i32 to vector<16xi32>
        %add3A_3112 = arith.addi %add3A_3111, %min3A_2338 : vector<16xi32>
        tpu.vector_store_idx %arg7[%add3A_3112], %broadcast_in_dim3A_5 masked %and3A_2335 : memref<36864xf32, #tpu.memory_space<vmem>>[vector<16xi32>], vector<16xf32>, vector<16xi1>
        %add3A_3113 = vector.broadcast %mul3A_3104 : i32 to vector<16xi32>
        %add3A_3114 = arith.addi %add3A_3113, %min3A_2348 : vector<16xi32>
        tpu.vector_store_idx %arg7[%add3A_3114], %broadcast_in_dim3A_5 masked %and3A_2345 : memref<36864xf32, #tpu.memory_space<vmem>>[vector<16xi32>], vector<16xf32>, vector<16xi1>
      }
      %while3A_2357 = arith.constant 1 : i32
      scf.for %while3A_3102 = %while3A_2355 to %while3A_2351 step %while3A_2357  : i32 {
        %mul3A_3103 = arith.constant 384 : i32
        %mul3A_3104 = arith.muli %while3A_3102, %mul3A_3103 : i32
        %add3A_3105 = vector.broadcast %mul3A_3104 : i32 to vector<16xi32>
        %add3A_3106 = arith.addi %add3A_3105, %min3A_2308 : vector<16xi32>
        tpu.vector_store_idx %arg7[%add3A_3106], %broadcast_in_dim3A_5 masked %and3A_2305 : memref<36864xf32, #tpu.memory_space<vmem>>[vector<16xi32>], vector<16xf32>, vector<16xi1>
        %add3A_3107 = vector.broadcast %mul3A_3104 : i32 to vector<16xi32>
        %add3A_3108 = arith.addi %add3A_3107, %min3A_2318 : vector<16xi32>
        tpu.vector_store_idx %arg7[%add3A_3108], %broadcast_in_dim3A_5 masked %and3A_2315 : memref<36864xf32, #tpu.memory_space<vmem>>[vector<16xi32>], vector<16xf32>, vector<16xi1>
        %add3A_3109 = vector.broadcast %mul3A_3104 : i32 to vector<16xi32>
        %add3A_3110 = arith.addi %add3A_3109, %min3A_2328 : vector<16xi32>
        tpu.vector_store_idx %arg7[%add3A_3110], %broadcast_in_dim3A_5 masked %and3A_2325 : memref<36864xf32, #tpu.memory_space<vmem>>[vector<16xi32>], vector<16xf32>, vector<16xi1>
        %add3A_3111 = vector.broadcast %mul3A_3104 : i32 to vector<16xi32>
        %add3A_3112 = arith.addi %add3A_3111, %min3A_2338 : vector<16xi32>
        tpu.vector_store_idx %arg7[%add3A_3112], %broadcast_in_dim3A_5 masked %and3A_2335 : memref<36864xf32, #tpu.memory_space<vmem>>[vector<16xi32>], vector<16xf32>, vector<16xi1>
        %add3A_3113 = vector.broadcast %mul3A_3104 : i32 to vector<16xi32>
        %add3A_3114 = arith.addi %add3A_3113, %min3A_2348 : vector<16xi32>
        tpu.vector_store_idx %arg7[%add3A_3114], %broadcast_in_dim3A_5 masked %and3A_2345 : memref<36864xf32, #tpu.memory_space<vmem>>[vector<16xi32>], vector<16xf32>, vector<16xi1>
      }
      %slice3A_2358 = vector.extract_strided_slice %get3A_2129 {offsets = [2], sizes = [1], strides = [1]} : vector<16xi32> to vector<1xi32>
      %squeeze3A_2359 = vector.extract %slice3A_2358[0] : i32 from vector<1xi32>
      %max3A_2360 = arith.constant 0 : i32
      %max3A_2361 = arith.maxsi %squeeze3A_2359, %max3A_2360 : i32
      %min3A_2362 = arith.constant 383 : i32
      %min3A_2363 = arith.minsi %max3A_2361, %min3A_2362 : i32
      %slice3A_2364 = vector.extract_strided_slice %get3A_2129 {offsets = [10], sizes = [1], strides = [1]} : vector<16xi32> to vector<1xi32>
      %squeeze3A_2365 = vector.extract %slice3A_2364[0] : i32 from vector<1xi32>
      %max3A_2366 = arith.constant 0 : i32
      %max3A_2367 = arith.maxsi %squeeze3A_2365, %max3A_2366 : i32
      %min3A_2368 = arith.constant 383 : i32
      %min3A_2369 = arith.minsi %max3A_2367, %min3A_2368 : i32
      %add3A_2370 = arith.constant 64 : i32
      %add3A_2371 = arith.addi %min3A_2363, %add3A_2370 : i32
      %min3A_2372 = arith.constant 383 : i32
      %min3A_2373 = arith.minsi %add3A_2371, %min3A_2372 : i32
      %add3A_2374 = arith.constant 64 : i32
      %add3A_2375 = arith.addi %min3A_2369, %add3A_2374 : i32
      %min3A_2376 = arith.constant 383 : i32
      %min3A_2377 = arith.minsi %add3A_2375, %min3A_2376 : i32
      %sub3A_2378 = arith.subi %min3A_2363, %mul3A_2125 : i32
      %max3A_2379 = arith.constant 0 : i32
      %max3A_2380 = arith.maxsi %sub3A_2378, %max3A_2379 : i32
      %sub3A_2381 = arith.subi %min3A_2373, %mul3A_2125 : i32
      %min3A_2382 = arith.constant 96 : i32
      %min3A_2383 = arith.minsi %sub3A_2381, %min3A_2382 : i32
      %max3A_2384 = arith.maxsi %min3A_2383, %max3A_2380 : i32
      %jit3A_2385 = arith.constant 16 : i32
      %div3A_2386 = arith.divsi %min3A_2369, %jit3A_2385 : i32
      %sign3A_2387 = arith.constant 0 : i32
      %sign3A_2388 = arith.cmpi sgt, %min3A_2369, %sign3A_2387 : i32
      %sign3A_2389 = arith.extui %sign3A_2388 : i1 to i32
      %sign3A_2390 = arith.constant 0 : i32
      %sign3A_2391 = arith.cmpi slt, %min3A_2369, %sign3A_2390 : i32
      %sign3A_2392 = arith.extui %sign3A_2391 : i1 to i32
      %sign3A_2393 = arith.subi %sign3A_2389, %sign3A_2392 : i32
      %sign3A_2394 = arith.constant 0 : i32
      %sign3A_2395 = arith.cmpi sgt, %jit3A_2385, %sign3A_2394 : i32
      %sign3A_2396 = arith.extui %sign3A_2395 : i1 to i32
      %sign3A_2397 = arith.constant 0 : i32
      %sign3A_2398 = arith.cmpi slt, %jit3A_2385, %sign3A_2397 : i32
      %sign3A_2399 = arith.extui %sign3A_2398 : i1 to i32
      %sign3A_2400 = arith.subi %sign3A_2396, %sign3A_2399 : i32
      %ne3A_2401 = arith.cmpi ne, %sign3A_2393, %sign3A_2400 : i32
      %rem3A_2402 = arith.remsi %min3A_2369, %jit3A_2385 : i32
      %ne3A_2403 = arith.constant 0 : i32
      %ne3A_2404 = arith.cmpi ne, %rem3A_2402, %ne3A_2403 : i32
      %and3A_2405 = arith.andi %ne3A_2401, %ne3A_2404 : i1
      %sub3A_2406 = arith.constant 1 : i32
      %sub3A_2407 = arith.subi %div3A_2386, %sub3A_2406 : i32
      %select_n3A_2408 = arith.select %and3A_2405, %sub3A_2407, %div3A_2386 : i32
      %mul3A_2409 = arith.constant 16 : i32
      %mul3A_2410 = arith.muli %select_n3A_2408, %mul3A_2409 : i32
      %broadcast_in_dim3A_2411 = vector.broadcast %min3A_2369 : i32 to vector<16xi32>
      %broadcast_in_dim3A_2412 = vector.broadcast %min3A_2377 : i32 to vector<16xi32>
      %add3A_2413 = arith.constant 0 : i32
      %add3A_2414 = arith.addi %mul3A_2410, %add3A_2413 : i32
      %add3A_2415 = vector.broadcast %add3A_2414 : i32 to vector<16xi32>
      %add3A_2416 = arith.addi %add3A_2415, %iota3A : vector<16xi32>
      %ge3A_2417 = arith.cmpi sge, %add3A_2416, %broadcast_in_dim3A_2411 : vector<16xi32>
      %lt3A_2418 = arith.cmpi slt, %add3A_2416, %broadcast_in_dim3A_2412 : vector<16xi32>
      %and3A_2419 = arith.andi %ge3A_2417, %lt3A_2418 : vector<16xi1>
      %min3A_2420 = arith.constant 383 : i32
      %min3A_2421 = vector.broadcast %min3A_2420 : i32 to vector<16xi32>
      %min3A_2422 = arith.minsi %add3A_2416, %min3A_2421 : vector<16xi32>
      %add3A_2423 = arith.constant 16 : i32
      %add3A_2424 = arith.addi %mul3A_2410, %add3A_2423 : i32
      %add3A_2425 = vector.broadcast %add3A_2424 : i32 to vector<16xi32>
      %add3A_2426 = arith.addi %add3A_2425, %iota3A : vector<16xi32>
      %ge3A_2427 = arith.cmpi sge, %add3A_2426, %broadcast_in_dim3A_2411 : vector<16xi32>
      %lt3A_2428 = arith.cmpi slt, %add3A_2426, %broadcast_in_dim3A_2412 : vector<16xi32>
      %and3A_2429 = arith.andi %ge3A_2427, %lt3A_2428 : vector<16xi1>
      %min3A_2430 = arith.constant 383 : i32
      %min3A_2431 = vector.broadcast %min3A_2430 : i32 to vector<16xi32>
      %min3A_2432 = arith.minsi %add3A_2426, %min3A_2431 : vector<16xi32>
      %add3A_2433 = arith.constant 32 : i32
      %add3A_2434 = arith.addi %mul3A_2410, %add3A_2433 : i32
      %add3A_2435 = vector.broadcast %add3A_2434 : i32 to vector<16xi32>
      %add3A_2436 = arith.addi %add3A_2435, %iota3A : vector<16xi32>
      %ge3A_2437 = arith.cmpi sge, %add3A_2436, %broadcast_in_dim3A_2411 : vector<16xi32>
      %lt3A_2438 = arith.cmpi slt, %add3A_2436, %broadcast_in_dim3A_2412 : vector<16xi32>
      %and3A_2439 = arith.andi %ge3A_2437, %lt3A_2438 : vector<16xi1>
      %min3A_2440 = arith.constant 383 : i32
      %min3A_2441 = vector.broadcast %min3A_2440 : i32 to vector<16xi32>
      %min3A_2442 = arith.minsi %add3A_2436, %min3A_2441 : vector<16xi32>
      %add3A_2443 = arith.constant 48 : i32
      %add3A_2444 = arith.addi %mul3A_2410, %add3A_2443 : i32
      %add3A_2445 = vector.broadcast %add3A_2444 : i32 to vector<16xi32>
      %add3A_2446 = arith.addi %add3A_2445, %iota3A : vector<16xi32>
      %ge3A_2447 = arith.cmpi sge, %add3A_2446, %broadcast_in_dim3A_2411 : vector<16xi32>
      %lt3A_2448 = arith.cmpi slt, %add3A_2446, %broadcast_in_dim3A_2412 : vector<16xi32>
      %and3A_2449 = arith.andi %ge3A_2447, %lt3A_2448 : vector<16xi1>
      %min3A_2450 = arith.constant 383 : i32
      %min3A_2451 = vector.broadcast %min3A_2450 : i32 to vector<16xi32>
      %min3A_2452 = arith.minsi %add3A_2446, %min3A_2451 : vector<16xi32>
      %add3A_2453 = arith.constant 64 : i32
      %add3A_2454 = arith.addi %mul3A_2410, %add3A_2453 : i32
      %add3A_2455 = vector.broadcast %add3A_2454 : i32 to vector<16xi32>
      %add3A_2456 = arith.addi %add3A_2455, %iota3A : vector<16xi32>
      %ge3A_2457 = arith.cmpi sge, %add3A_2456, %broadcast_in_dim3A_2411 : vector<16xi32>
      %lt3A_2458 = arith.cmpi slt, %add3A_2456, %broadcast_in_dim3A_2412 : vector<16xi32>
      %and3A_2459 = arith.andi %ge3A_2457, %lt3A_2458 : vector<16xi1>
      %min3A_2460 = arith.constant 383 : i32
      %min3A_2461 = vector.broadcast %min3A_2460 : i32 to vector<16xi32>
      %min3A_2462 = arith.minsi %add3A_2456, %min3A_2461 : vector<16xi32>
      %while3A_2463 = arith.constant 0 : i32
      %while3A_2464 = arith.subi %max3A_2384, %max3A_2380 : i32
      %while3A_2465 = arith.addi %max3A_2380, %while3A_2464 : i32
      %while3A_2466 = arith.constant 1 : i32
      %while3A_2467 = arith.divsi %while3A_2464, %while3A_2466 : i32
      %while3A_2468 = arith.muli %while3A_2467, %while3A_2466 : i32
      %while3A_2469 = arith.addi %max3A_2380, %while3A_2468 : i32
      %while3A_2470 = arith.constant 1 : i32
      scf.for %while3A_3102 = %max3A_2380 to %while3A_2469 step %while3A_2470  : i32 {
        %mul3A_3103 = arith.constant 384 : i32
        %mul3A_3104 = arith.muli %while3A_3102, %mul3A_3103 : i32
        %add3A_3105 = vector.broadcast %mul3A_3104 : i32 to vector<16xi32>
        %add3A_3106 = arith.addi %add3A_3105, %min3A_2422 : vector<16xi32>
        tpu.vector_store_idx %arg7[%add3A_3106], %broadcast_in_dim3A_5 masked %and3A_2419 : memref<36864xf32, #tpu.memory_space<vmem>>[vector<16xi32>], vector<16xf32>, vector<16xi1>
        %add3A_3107 = vector.broadcast %mul3A_3104 : i32 to vector<16xi32>
        %add3A_3108 = arith.addi %add3A_3107, %min3A_2432 : vector<16xi32>
        tpu.vector_store_idx %arg7[%add3A_3108], %broadcast_in_dim3A_5 masked %and3A_2429 : memref<36864xf32, #tpu.memory_space<vmem>>[vector<16xi32>], vector<16xf32>, vector<16xi1>
        %add3A_3109 = vector.broadcast %mul3A_3104 : i32 to vector<16xi32>
        %add3A_3110 = arith.addi %add3A_3109, %min3A_2442 : vector<16xi32>
        tpu.vector_store_idx %arg7[%add3A_3110], %broadcast_in_dim3A_5 masked %and3A_2439 : memref<36864xf32, #tpu.memory_space<vmem>>[vector<16xi32>], vector<16xf32>, vector<16xi1>
        %add3A_3111 = vector.broadcast %mul3A_3104 : i32 to vector<16xi32>
        %add3A_3112 = arith.addi %add3A_3111, %min3A_2452 : vector<16xi32>
        tpu.vector_store_idx %arg7[%add3A_3112], %broadcast_in_dim3A_5 masked %and3A_2449 : memref<36864xf32, #tpu.memory_space<vmem>>[vector<16xi32>], vector<16xf32>, vector<16xi1>
        %add3A_3113 = vector.broadcast %mul3A_3104 : i32 to vector<16xi32>
        %add3A_3114 = arith.addi %add3A_3113, %min3A_2462 : vector<16xi32>
        tpu.vector_store_idx %arg7[%add3A_3114], %broadcast_in_dim3A_5 masked %and3A_2459 : memref<36864xf32, #tpu.memory_space<vmem>>[vector<16xi32>], vector<16xf32>, vector<16xi1>
      }
      %while3A_2471 = arith.constant 1 : i32
      scf.for %while3A_3102 = %while3A_2469 to %while3A_2465 step %while3A_2471  : i32 {
        %mul3A_3103 = arith.constant 384 : i32
        %mul3A_3104 = arith.muli %while3A_3102, %mul3A_3103 : i32
        %add3A_3105 = vector.broadcast %mul3A_3104 : i32 to vector<16xi32>
        %add3A_3106 = arith.addi %add3A_3105, %min3A_2422 : vector<16xi32>
        tpu.vector_store_idx %arg7[%add3A_3106], %broadcast_in_dim3A_5 masked %and3A_2419 : memref<36864xf32, #tpu.memory_space<vmem>>[vector<16xi32>], vector<16xf32>, vector<16xi1>
        %add3A_3107 = vector.broadcast %mul3A_3104 : i32 to vector<16xi32>
        %add3A_3108 = arith.addi %add3A_3107, %min3A_2432 : vector<16xi32>
        tpu.vector_store_idx %arg7[%add3A_3108], %broadcast_in_dim3A_5 masked %and3A_2429 : memref<36864xf32, #tpu.memory_space<vmem>>[vector<16xi32>], vector<16xf32>, vector<16xi1>
        %add3A_3109 = vector.broadcast %mul3A_3104 : i32 to vector<16xi32>
        %add3A_3110 = arith.addi %add3A_3109, %min3A_2442 : vector<16xi32>
        tpu.vector_store_idx %arg7[%add3A_3110], %broadcast_in_dim3A_5 masked %and3A_2439 : memref<36864xf32, #tpu.memory_space<vmem>>[vector<16xi32>], vector<16xf32>, vector<16xi1>
        %add3A_3111 = vector.broadcast %mul3A_3104 : i32 to vector<16xi32>
        %add3A_3112 = arith.addi %add3A_3111, %min3A_2452 : vector<16xi32>
        tpu.vector_store_idx %arg7[%add3A_3112], %broadcast_in_dim3A_5 masked %and3A_2449 : memref<36864xf32, #tpu.memory_space<vmem>>[vector<16xi32>], vector<16xf32>, vector<16xi1>
        %add3A_3113 = vector.broadcast %mul3A_3104 : i32 to vector<16xi32>
        %add3A_3114 = arith.addi %add3A_3113, %min3A_2462 : vector<16xi32>
        tpu.vector_store_idx %arg7[%add3A_3114], %broadcast_in_dim3A_5 masked %and3A_2459 : memref<36864xf32, #tpu.memory_space<vmem>>[vector<16xi32>], vector<16xf32>, vector<16xi1>
      }
      %slice3A_2472 = vector.extract_strided_slice %get3A_2129 {offsets = [3], sizes = [1], strides = [1]} : vector<16xi32> to vector<1xi32>
      %squeeze3A_2473 = vector.extract %slice3A_2472[0] : i32 from vector<1xi32>
      %max3A_2474 = arith.constant 0 : i32
      %max3A_2475 = arith.maxsi %squeeze3A_2473, %max3A_2474 : i32
      %min3A_2476 = arith.constant 383 : i32
      %min3A_2477 = arith.minsi %max3A_2475, %min3A_2476 : i32
      %slice3A_2478 = vector.extract_strided_slice %get3A_2129 {offsets = [11], sizes = [1], strides = [1]} : vector<16xi32> to vector<1xi32>
      %squeeze3A_2479 = vector.extract %slice3A_2478[0] : i32 from vector<1xi32>
      %max3A_2480 = arith.constant 0 : i32
      %max3A_2481 = arith.maxsi %squeeze3A_2479, %max3A_2480 : i32
      %min3A_2482 = arith.constant 383 : i32
      %min3A_2483 = arith.minsi %max3A_2481, %min3A_2482 : i32
      %add3A_2484 = arith.constant 64 : i32
      %add3A_2485 = arith.addi %min3A_2477, %add3A_2484 : i32
      %min3A_2486 = arith.constant 383 : i32
      %min3A_2487 = arith.minsi %add3A_2485, %min3A_2486 : i32
      %add3A_2488 = arith.constant 64 : i32
      %add3A_2489 = arith.addi %min3A_2483, %add3A_2488 : i32
      %min3A_2490 = arith.constant 383 : i32
      %min3A_2491 = arith.minsi %add3A_2489, %min3A_2490 : i32
      %sub3A_2492 = arith.subi %min3A_2477, %mul3A_2125 : i32
      %max3A_2493 = arith.constant 0 : i32
      %max3A_2494 = arith.maxsi %sub3A_2492, %max3A_2493 : i32
      %sub3A_2495 = arith.subi %min3A_2487, %mul3A_2125 : i32
      %min3A_2496 = arith.constant 96 : i32
      %min3A_2497 = arith.minsi %sub3A_2495, %min3A_2496 : i32
      %max3A_2498 = arith.maxsi %min3A_2497, %max3A_2494 : i32
      %jit3A_2499 = arith.constant 16 : i32
      %div3A_2500 = arith.divsi %min3A_2483, %jit3A_2499 : i32
      %sign3A_2501 = arith.constant 0 : i32
      %sign3A_2502 = arith.cmpi sgt, %min3A_2483, %sign3A_2501 : i32
      %sign3A_2503 = arith.extui %sign3A_2502 : i1 to i32
      %sign3A_2504 = arith.constant 0 : i32
      %sign3A_2505 = arith.cmpi slt, %min3A_2483, %sign3A_2504 : i32
      %sign3A_2506 = arith.extui %sign3A_2505 : i1 to i32
      %sign3A_2507 = arith.subi %sign3A_2503, %sign3A_2506 : i32
      %sign3A_2508 = arith.constant 0 : i32
      %sign3A_2509 = arith.cmpi sgt, %jit3A_2499, %sign3A_2508 : i32
      %sign3A_2510 = arith.extui %sign3A_2509 : i1 to i32
      %sign3A_2511 = arith.constant 0 : i32
      %sign3A_2512 = arith.cmpi slt, %jit3A_2499, %sign3A_2511 : i32
      %sign3A_2513 = arith.extui %sign3A_2512 : i1 to i32
      %sign3A_2514 = arith.subi %sign3A_2510, %sign3A_2513 : i32
      %ne3A_2515 = arith.cmpi ne, %sign3A_2507, %sign3A_2514 : i32
      %rem3A_2516 = arith.remsi %min3A_2483, %jit3A_2499 : i32
      %ne3A_2517 = arith.constant 0 : i32
      %ne3A_2518 = arith.cmpi ne, %rem3A_2516, %ne3A_2517 : i32
      %and3A_2519 = arith.andi %ne3A_2515, %ne3A_2518 : i1
      %sub3A_2520 = arith.constant 1 : i32
      %sub3A_2521 = arith.subi %div3A_2500, %sub3A_2520 : i32
      %select_n3A_2522 = arith.select %and3A_2519, %sub3A_2521, %div3A_2500 : i32
      %mul3A_2523 = arith.constant 16 : i32
      %mul3A_2524 = arith.muli %select_n3A_2522, %mul3A_2523 : i32
      %broadcast_in_dim3A_2525 = vector.broadcast %min3A_2483 : i32 to vector<16xi32>
      %broadcast_in_dim3A_2526 = vector.broadcast %min3A_2491 : i32 to vector<16xi32>
      %add3A_2527 = arith.constant 0 : i32
      %add3A_2528 = arith.addi %mul3A_2524, %add3A_2527 : i32
      %add3A_2529 = vector.broadcast %add3A_2528 : i32 to vector<16xi32>
      %add3A_2530 = arith.addi %add3A_2529, %iota3A : vector<16xi32>
      %ge3A_2531 = arith.cmpi sge, %add3A_2530, %broadcast_in_dim3A_2525 : vector<16xi32>
      %lt3A_2532 = arith.cmpi slt, %add3A_2530, %broadcast_in_dim3A_2526 : vector<16xi32>
      %and3A_2533 = arith.andi %ge3A_2531, %lt3A_2532 : vector<16xi1>
      %min3A_2534 = arith.constant 383 : i32
      %min3A_2535 = vector.broadcast %min3A_2534 : i32 to vector<16xi32>
      %min3A_2536 = arith.minsi %add3A_2530, %min3A_2535 : vector<16xi32>
      %add3A_2537 = arith.constant 16 : i32
      %add3A_2538 = arith.addi %mul3A_2524, %add3A_2537 : i32
      %add3A_2539 = vector.broadcast %add3A_2538 : i32 to vector<16xi32>
      %add3A_2540 = arith.addi %add3A_2539, %iota3A : vector<16xi32>
      %ge3A_2541 = arith.cmpi sge, %add3A_2540, %broadcast_in_dim3A_2525 : vector<16xi32>
      %lt3A_2542 = arith.cmpi slt, %add3A_2540, %broadcast_in_dim3A_2526 : vector<16xi32>
      %and3A_2543 = arith.andi %ge3A_2541, %lt3A_2542 : vector<16xi1>
      %min3A_2544 = arith.constant 383 : i32
      %min3A_2545 = vector.broadcast %min3A_2544 : i32 to vector<16xi32>
      %min3A_2546 = arith.minsi %add3A_2540, %min3A_2545 : vector<16xi32>
      %add3A_2547 = arith.constant 32 : i32
      %add3A_2548 = arith.addi %mul3A_2524, %add3A_2547 : i32
      %add3A_2549 = vector.broadcast %add3A_2548 : i32 to vector<16xi32>
      %add3A_2550 = arith.addi %add3A_2549, %iota3A : vector<16xi32>
      %ge3A_2551 = arith.cmpi sge, %add3A_2550, %broadcast_in_dim3A_2525 : vector<16xi32>
      %lt3A_2552 = arith.cmpi slt, %add3A_2550, %broadcast_in_dim3A_2526 : vector<16xi32>
      %and3A_2553 = arith.andi %ge3A_2551, %lt3A_2552 : vector<16xi1>
      %min3A_2554 = arith.constant 383 : i32
      %min3A_2555 = vector.broadcast %min3A_2554 : i32 to vector<16xi32>
      %min3A_2556 = arith.minsi %add3A_2550, %min3A_2555 : vector<16xi32>
      %add3A_2557 = arith.constant 48 : i32
      %add3A_2558 = arith.addi %mul3A_2524, %add3A_2557 : i32
      %add3A_2559 = vector.broadcast %add3A_2558 : i32 to vector<16xi32>
      %add3A_2560 = arith.addi %add3A_2559, %iota3A : vector<16xi32>
      %ge3A_2561 = arith.cmpi sge, %add3A_2560, %broadcast_in_dim3A_2525 : vector<16xi32>
      %lt3A_2562 = arith.cmpi slt, %add3A_2560, %broadcast_in_dim3A_2526 : vector<16xi32>
      %and3A_2563 = arith.andi %ge3A_2561, %lt3A_2562 : vector<16xi1>
      %min3A_2564 = arith.constant 383 : i32
      %min3A_2565 = vector.broadcast %min3A_2564 : i32 to vector<16xi32>
      %min3A_2566 = arith.minsi %add3A_2560, %min3A_2565 : vector<16xi32>
      %add3A_2567 = arith.constant 64 : i32
      %add3A_2568 = arith.addi %mul3A_2524, %add3A_2567 : i32
      %add3A_2569 = vector.broadcast %add3A_2568 : i32 to vector<16xi32>
      %add3A_2570 = arith.addi %add3A_2569, %iota3A : vector<16xi32>
      %ge3A_2571 = arith.cmpi sge, %add3A_2570, %broadcast_in_dim3A_2525 : vector<16xi32>
      %lt3A_2572 = arith.cmpi slt, %add3A_2570, %broadcast_in_dim3A_2526 : vector<16xi32>
      %and3A_2573 = arith.andi %ge3A_2571, %lt3A_2572 : vector<16xi1>
      %min3A_2574 = arith.constant 383 : i32
      %min3A_2575 = vector.broadcast %min3A_2574 : i32 to vector<16xi32>
      %min3A_2576 = arith.minsi %add3A_2570, %min3A_2575 : vector<16xi32>
      %while3A_2577 = arith.constant 0 : i32
      %while3A_2578 = arith.subi %max3A_2498, %max3A_2494 : i32
      %while3A_2579 = arith.addi %max3A_2494, %while3A_2578 : i32
      %while3A_2580 = arith.constant 1 : i32
      %while3A_2581 = arith.divsi %while3A_2578, %while3A_2580 : i32
      %while3A_2582 = arith.muli %while3A_2581, %while3A_2580 : i32
      %while3A_2583 = arith.addi %max3A_2494, %while3A_2582 : i32
      %while3A_2584 = arith.constant 1 : i32
      scf.for %while3A_3102 = %max3A_2494 to %while3A_2583 step %while3A_2584  : i32 {
        %mul3A_3103 = arith.constant 384 : i32
        %mul3A_3104 = arith.muli %while3A_3102, %mul3A_3103 : i32
        %add3A_3105 = vector.broadcast %mul3A_3104 : i32 to vector<16xi32>
        %add3A_3106 = arith.addi %add3A_3105, %min3A_2536 : vector<16xi32>
        tpu.vector_store_idx %arg7[%add3A_3106], %broadcast_in_dim3A_5 masked %and3A_2533 : memref<36864xf32, #tpu.memory_space<vmem>>[vector<16xi32>], vector<16xf32>, vector<16xi1>
        %add3A_3107 = vector.broadcast %mul3A_3104 : i32 to vector<16xi32>
        %add3A_3108 = arith.addi %add3A_3107, %min3A_2546 : vector<16xi32>
        tpu.vector_store_idx %arg7[%add3A_3108], %broadcast_in_dim3A_5 masked %and3A_2543 : memref<36864xf32, #tpu.memory_space<vmem>>[vector<16xi32>], vector<16xf32>, vector<16xi1>
        %add3A_3109 = vector.broadcast %mul3A_3104 : i32 to vector<16xi32>
        %add3A_3110 = arith.addi %add3A_3109, %min3A_2556 : vector<16xi32>
        tpu.vector_store_idx %arg7[%add3A_3110], %broadcast_in_dim3A_5 masked %and3A_2553 : memref<36864xf32, #tpu.memory_space<vmem>>[vector<16xi32>], vector<16xf32>, vector<16xi1>
        %add3A_3111 = vector.broadcast %mul3A_3104 : i32 to vector<16xi32>
        %add3A_3112 = arith.addi %add3A_3111, %min3A_2566 : vector<16xi32>
        tpu.vector_store_idx %arg7[%add3A_3112], %broadcast_in_dim3A_5 masked %and3A_2563 : memref<36864xf32, #tpu.memory_space<vmem>>[vector<16xi32>], vector<16xf32>, vector<16xi1>
        %add3A_3113 = vector.broadcast %mul3A_3104 : i32 to vector<16xi32>
        %add3A_3114 = arith.addi %add3A_3113, %min3A_2576 : vector<16xi32>
        tpu.vector_store_idx %arg7[%add3A_3114], %broadcast_in_dim3A_5 masked %and3A_2573 : memref<36864xf32, #tpu.memory_space<vmem>>[vector<16xi32>], vector<16xf32>, vector<16xi1>
      }
      %while3A_2585 = arith.constant 1 : i32
      scf.for %while3A_3102 = %while3A_2583 to %while3A_2579 step %while3A_2585  : i32 {
        %mul3A_3103 = arith.constant 384 : i32
        %mul3A_3104 = arith.muli %while3A_3102, %mul3A_3103 : i32
        %add3A_3105 = vector.broadcast %mul3A_3104 : i32 to vector<16xi32>
        %add3A_3106 = arith.addi %add3A_3105, %min3A_2536 : vector<16xi32>
        tpu.vector_store_idx %arg7[%add3A_3106], %broadcast_in_dim3A_5 masked %and3A_2533 : memref<36864xf32, #tpu.memory_space<vmem>>[vector<16xi32>], vector<16xf32>, vector<16xi1>
        %add3A_3107 = vector.broadcast %mul3A_3104 : i32 to vector<16xi32>
        %add3A_3108 = arith.addi %add3A_3107, %min3A_2546 : vector<16xi32>
        tpu.vector_store_idx %arg7[%add3A_3108], %broadcast_in_dim3A_5 masked %and3A_2543 : memref<36864xf32, #tpu.memory_space<vmem>>[vector<16xi32>], vector<16xf32>, vector<16xi1>
        %add3A_3109 = vector.broadcast %mul3A_3104 : i32 to vector<16xi32>
        %add3A_3110 = arith.addi %add3A_3109, %min3A_2556 : vector<16xi32>
        tpu.vector_store_idx %arg7[%add3A_3110], %broadcast_in_dim3A_5 masked %and3A_2553 : memref<36864xf32, #tpu.memory_space<vmem>>[vector<16xi32>], vector<16xf32>, vector<16xi1>
        %add3A_3111 = vector.broadcast %mul3A_3104 : i32 to vector<16xi32>
        %add3A_3112 = arith.addi %add3A_3111, %min3A_2566 : vector<16xi32>
        tpu.vector_store_idx %arg7[%add3A_3112], %broadcast_in_dim3A_5 masked %and3A_2563 : memref<36864xf32, #tpu.memory_space<vmem>>[vector<16xi32>], vector<16xf32>, vector<16xi1>
        %add3A_3113 = vector.broadcast %mul3A_3104 : i32 to vector<16xi32>
        %add3A_3114 = arith.addi %add3A_3113, %min3A_2576 : vector<16xi32>
        tpu.vector_store_idx %arg7[%add3A_3114], %broadcast_in_dim3A_5 masked %and3A_2573 : memref<36864xf32, #tpu.memory_space<vmem>>[vector<16xi32>], vector<16xf32>, vector<16xi1>
      }
      %slice3A_2586 = vector.extract_strided_slice %get3A_2129 {offsets = [4], sizes = [1], strides = [1]} : vector<16xi32> to vector<1xi32>
      %squeeze3A_2587 = vector.extract %slice3A_2586[0] : i32 from vector<1xi32>
      %max3A_2588 = arith.constant 0 : i32
      %max3A_2589 = arith.maxsi %squeeze3A_2587, %max3A_2588 : i32
      %min3A_2590 = arith.constant 383 : i32
      %min3A_2591 = arith.minsi %max3A_2589, %min3A_2590 : i32
      %slice3A_2592 = vector.extract_strided_slice %get3A_2129 {offsets = [12], sizes = [1], strides = [1]} : vector<16xi32> to vector<1xi32>
      %squeeze3A_2593 = vector.extract %slice3A_2592[0] : i32 from vector<1xi32>
      %max3A_2594 = arith.constant 0 : i32
      %max3A_2595 = arith.maxsi %squeeze3A_2593, %max3A_2594 : i32
      %min3A_2596 = arith.constant 383 : i32
      %min3A_2597 = arith.minsi %max3A_2595, %min3A_2596 : i32
      %add3A_2598 = arith.constant 64 : i32
      %add3A_2599 = arith.addi %min3A_2591, %add3A_2598 : i32
      %min3A_2600 = arith.constant 383 : i32
      %min3A_2601 = arith.minsi %add3A_2599, %min3A_2600 : i32
      %add3A_2602 = arith.constant 64 : i32
      %add3A_2603 = arith.addi %min3A_2597, %add3A_2602 : i32
      %min3A_2604 = arith.constant 383 : i32
      %min3A_2605 = arith.minsi %add3A_2603, %min3A_2604 : i32
      %sub3A_2606 = arith.subi %min3A_2591, %mul3A_2125 : i32
      %max3A_2607 = arith.constant 0 : i32
      %max3A_2608 = arith.maxsi %sub3A_2606, %max3A_2607 : i32
      %sub3A_2609 = arith.subi %min3A_2601, %mul3A_2125 : i32
      %min3A_2610 = arith.constant 96 : i32
      %min3A_2611 = arith.minsi %sub3A_2609, %min3A_2610 : i32
      %max3A_2612 = arith.maxsi %min3A_2611, %max3A_2608 : i32
      %jit3A_2613 = arith.constant 16 : i32
      %div3A_2614 = arith.divsi %min3A_2597, %jit3A_2613 : i32
      %sign3A_2615 = arith.constant 0 : i32
      %sign3A_2616 = arith.cmpi sgt, %min3A_2597, %sign3A_2615 : i32
      %sign3A_2617 = arith.extui %sign3A_2616 : i1 to i32
      %sign3A_2618 = arith.constant 0 : i32
      %sign3A_2619 = arith.cmpi slt, %min3A_2597, %sign3A_2618 : i32
      %sign3A_2620 = arith.extui %sign3A_2619 : i1 to i32
      %sign3A_2621 = arith.subi %sign3A_2617, %sign3A_2620 : i32
      %sign3A_2622 = arith.constant 0 : i32
      %sign3A_2623 = arith.cmpi sgt, %jit3A_2613, %sign3A_2622 : i32
      %sign3A_2624 = arith.extui %sign3A_2623 : i1 to i32
      %sign3A_2625 = arith.constant 0 : i32
      %sign3A_2626 = arith.cmpi slt, %jit3A_2613, %sign3A_2625 : i32
      %sign3A_2627 = arith.extui %sign3A_2626 : i1 to i32
      %sign3A_2628 = arith.subi %sign3A_2624, %sign3A_2627 : i32
      %ne3A_2629 = arith.cmpi ne, %sign3A_2621, %sign3A_2628 : i32
      %rem3A_2630 = arith.remsi %min3A_2597, %jit3A_2613 : i32
      %ne3A_2631 = arith.constant 0 : i32
      %ne3A_2632 = arith.cmpi ne, %rem3A_2630, %ne3A_2631 : i32
      %and3A_2633 = arith.andi %ne3A_2629, %ne3A_2632 : i1
      %sub3A_2634 = arith.constant 1 : i32
      %sub3A_2635 = arith.subi %div3A_2614, %sub3A_2634 : i32
      %select_n3A_2636 = arith.select %and3A_2633, %sub3A_2635, %div3A_2614 : i32
      %mul3A_2637 = arith.constant 16 : i32
      %mul3A_2638 = arith.muli %select_n3A_2636, %mul3A_2637 : i32
      %broadcast_in_dim3A_2639 = vector.broadcast %min3A_2597 : i32 to vector<16xi32>
      %broadcast_in_dim3A_2640 = vector.broadcast %min3A_2605 : i32 to vector<16xi32>
      %add3A_2641 = arith.constant 0 : i32
      %add3A_2642 = arith.addi %mul3A_2638, %add3A_2641 : i32
      %add3A_2643 = vector.broadcast %add3A_2642 : i32 to vector<16xi32>
      %add3A_2644 = arith.addi %add3A_2643, %iota3A : vector<16xi32>
      %ge3A_2645 = arith.cmpi sge, %add3A_2644, %broadcast_in_dim3A_2639 : vector<16xi32>
      %lt3A_2646 = arith.cmpi slt, %add3A_2644, %broadcast_in_dim3A_2640 : vector<16xi32>
      %and3A_2647 = arith.andi %ge3A_2645, %lt3A_2646 : vector<16xi1>
      %min3A_2648 = arith.constant 383 : i32
      %min3A_2649 = vector.broadcast %min3A_2648 : i32 to vector<16xi32>
      %min3A_2650 = arith.minsi %add3A_2644, %min3A_2649 : vector<16xi32>
      %add3A_2651 = arith.constant 16 : i32
      %add3A_2652 = arith.addi %mul3A_2638, %add3A_2651 : i32
      %add3A_2653 = vector.broadcast %add3A_2652 : i32 to vector<16xi32>
      %add3A_2654 = arith.addi %add3A_2653, %iota3A : vector<16xi32>
      %ge3A_2655 = arith.cmpi sge, %add3A_2654, %broadcast_in_dim3A_2639 : vector<16xi32>
      %lt3A_2656 = arith.cmpi slt, %add3A_2654, %broadcast_in_dim3A_2640 : vector<16xi32>
      %and3A_2657 = arith.andi %ge3A_2655, %lt3A_2656 : vector<16xi1>
      %min3A_2658 = arith.constant 383 : i32
      %min3A_2659 = vector.broadcast %min3A_2658 : i32 to vector<16xi32>
      %min3A_2660 = arith.minsi %add3A_2654, %min3A_2659 : vector<16xi32>
      %add3A_2661 = arith.constant 32 : i32
      %add3A_2662 = arith.addi %mul3A_2638, %add3A_2661 : i32
      %add3A_2663 = vector.broadcast %add3A_2662 : i32 to vector<16xi32>
      %add3A_2664 = arith.addi %add3A_2663, %iota3A : vector<16xi32>
      %ge3A_2665 = arith.cmpi sge, %add3A_2664, %broadcast_in_dim3A_2639 : vector<16xi32>
      %lt3A_2666 = arith.cmpi slt, %add3A_2664, %broadcast_in_dim3A_2640 : vector<16xi32>
      %and3A_2667 = arith.andi %ge3A_2665, %lt3A_2666 : vector<16xi1>
      %min3A_2668 = arith.constant 383 : i32
      %min3A_2669 = vector.broadcast %min3A_2668 : i32 to vector<16xi32>
      %min3A_2670 = arith.minsi %add3A_2664, %min3A_2669 : vector<16xi32>
      %add3A_2671 = arith.constant 48 : i32
      %add3A_2672 = arith.addi %mul3A_2638, %add3A_2671 : i32
      %add3A_2673 = vector.broadcast %add3A_2672 : i32 to vector<16xi32>
      %add3A_2674 = arith.addi %add3A_2673, %iota3A : vector<16xi32>
      %ge3A_2675 = arith.cmpi sge, %add3A_2674, %broadcast_in_dim3A_2639 : vector<16xi32>
      %lt3A_2676 = arith.cmpi slt, %add3A_2674, %broadcast_in_dim3A_2640 : vector<16xi32>
      %and3A_2677 = arith.andi %ge3A_2675, %lt3A_2676 : vector<16xi1>
      %min3A_2678 = arith.constant 383 : i32
      %min3A_2679 = vector.broadcast %min3A_2678 : i32 to vector<16xi32>
      %min3A_2680 = arith.minsi %add3A_2674, %min3A_2679 : vector<16xi32>
      %add3A_2681 = arith.constant 64 : i32
      %add3A_2682 = arith.addi %mul3A_2638, %add3A_2681 : i32
      %add3A_2683 = vector.broadcast %add3A_2682 : i32 to vector<16xi32>
      %add3A_2684 = arith.addi %add3A_2683, %iota3A : vector<16xi32>
      %ge3A_2685 = arith.cmpi sge, %add3A_2684, %broadcast_in_dim3A_2639 : vector<16xi32>
      %lt3A_2686 = arith.cmpi slt, %add3A_2684, %broadcast_in_dim3A_2640 : vector<16xi32>
      %and3A_2687 = arith.andi %ge3A_2685, %lt3A_2686 : vector<16xi1>
      %min3A_2688 = arith.constant 383 : i32
      %min3A_2689 = vector.broadcast %min3A_2688 : i32 to vector<16xi32>
      %min3A_2690 = arith.minsi %add3A_2684, %min3A_2689 : vector<16xi32>
      %while3A_2691 = arith.constant 0 : i32
      %while3A_2692 = arith.subi %max3A_2612, %max3A_2608 : i32
      %while3A_2693 = arith.addi %max3A_2608, %while3A_2692 : i32
      %while3A_2694 = arith.constant 1 : i32
      %while3A_2695 = arith.divsi %while3A_2692, %while3A_2694 : i32
      %while3A_2696 = arith.muli %while3A_2695, %while3A_2694 : i32
      %while3A_2697 = arith.addi %max3A_2608, %while3A_2696 : i32
      %while3A_2698 = arith.constant 1 : i32
      scf.for %while3A_3102 = %max3A_2608 to %while3A_2697 step %while3A_2698  : i32 {
        %mul3A_3103 = arith.constant 384 : i32
        %mul3A_3104 = arith.muli %while3A_3102, %mul3A_3103 : i32
        %add3A_3105 = vector.broadcast %mul3A_3104 : i32 to vector<16xi32>
        %add3A_3106 = arith.addi %add3A_3105, %min3A_2650 : vector<16xi32>
        tpu.vector_store_idx %arg7[%add3A_3106], %broadcast_in_dim3A_5 masked %and3A_2647 : memref<36864xf32, #tpu.memory_space<vmem>>[vector<16xi32>], vector<16xf32>, vector<16xi1>
        %add3A_3107 = vector.broadcast %mul3A_3104 : i32 to vector<16xi32>
        %add3A_3108 = arith.addi %add3A_3107, %min3A_2660 : vector<16xi32>
        tpu.vector_store_idx %arg7[%add3A_3108], %broadcast_in_dim3A_5 masked %and3A_2657 : memref<36864xf32, #tpu.memory_space<vmem>>[vector<16xi32>], vector<16xf32>, vector<16xi1>
        %add3A_3109 = vector.broadcast %mul3A_3104 : i32 to vector<16xi32>
        %add3A_3110 = arith.addi %add3A_3109, %min3A_2670 : vector<16xi32>
        tpu.vector_store_idx %arg7[%add3A_3110], %broadcast_in_dim3A_5 masked %and3A_2667 : memref<36864xf32, #tpu.memory_space<vmem>>[vector<16xi32>], vector<16xf32>, vector<16xi1>
        %add3A_3111 = vector.broadcast %mul3A_3104 : i32 to vector<16xi32>
        %add3A_3112 = arith.addi %add3A_3111, %min3A_2680 : vector<16xi32>
        tpu.vector_store_idx %arg7[%add3A_3112], %broadcast_in_dim3A_5 masked %and3A_2677 : memref<36864xf32, #tpu.memory_space<vmem>>[vector<16xi32>], vector<16xf32>, vector<16xi1>
        %add3A_3113 = vector.broadcast %mul3A_3104 : i32 to vector<16xi32>
        %add3A_3114 = arith.addi %add3A_3113, %min3A_2690 : vector<16xi32>
        tpu.vector_store_idx %arg7[%add3A_3114], %broadcast_in_dim3A_5 masked %and3A_2687 : memref<36864xf32, #tpu.memory_space<vmem>>[vector<16xi32>], vector<16xf32>, vector<16xi1>
      }
      %while3A_2699 = arith.constant 1 : i32
      scf.for %while3A_3102 = %while3A_2697 to %while3A_2693 step %while3A_2699  : i32 {
        %mul3A_3103 = arith.constant 384 : i32
        %mul3A_3104 = arith.muli %while3A_3102, %mul3A_3103 : i32
        %add3A_3105 = vector.broadcast %mul3A_3104 : i32 to vector<16xi32>
        %add3A_3106 = arith.addi %add3A_3105, %min3A_2650 : vector<16xi32>
        tpu.vector_store_idx %arg7[%add3A_3106], %broadcast_in_dim3A_5 masked %and3A_2647 : memref<36864xf32, #tpu.memory_space<vmem>>[vector<16xi32>], vector<16xf32>, vector<16xi1>
        %add3A_3107 = vector.broadcast %mul3A_3104 : i32 to vector<16xi32>
        %add3A_3108 = arith.addi %add3A_3107, %min3A_2660 : vector<16xi32>
        tpu.vector_store_idx %arg7[%add3A_3108], %broadcast_in_dim3A_5 masked %and3A_2657 : memref<36864xf32, #tpu.memory_space<vmem>>[vector<16xi32>], vector<16xf32>, vector<16xi1>
        %add3A_3109 = vector.broadcast %mul3A_3104 : i32 to vector<16xi32>
        %add3A_3110 = arith.addi %add3A_3109, %min3A_2670 : vector<16xi32>
        tpu.vector_store_idx %arg7[%add3A_3110], %broadcast_in_dim3A_5 masked %and3A_2667 : memref<36864xf32, #tpu.memory_space<vmem>>[vector<16xi32>], vector<16xf32>, vector<16xi1>
        %add3A_3111 = vector.broadcast %mul3A_3104 : i32 to vector<16xi32>
        %add3A_3112 = arith.addi %add3A_3111, %min3A_2680 : vector<16xi32>
        tpu.vector_store_idx %arg7[%add3A_3112], %broadcast_in_dim3A_5 masked %and3A_2677 : memref<36864xf32, #tpu.memory_space<vmem>>[vector<16xi32>], vector<16xf32>, vector<16xi1>
        %add3A_3113 = vector.broadcast %mul3A_3104 : i32 to vector<16xi32>
        %add3A_3114 = arith.addi %add3A_3113, %min3A_2690 : vector<16xi32>
        tpu.vector_store_idx %arg7[%add3A_3114], %broadcast_in_dim3A_5 masked %and3A_2687 : memref<36864xf32, #tpu.memory_space<vmem>>[vector<16xi32>], vector<16xf32>, vector<16xi1>
      }
      %slice3A_2700 = vector.extract_strided_slice %get3A_2129 {offsets = [5], sizes = [1], strides = [1]} : vector<16xi32> to vector<1xi32>
      %squeeze3A_2701 = vector.extract %slice3A_2700[0] : i32 from vector<1xi32>
      %max3A_2702 = arith.constant 0 : i32
      %max3A_2703 = arith.maxsi %squeeze3A_2701, %max3A_2702 : i32
      %min3A_2704 = arith.constant 383 : i32
      %min3A_2705 = arith.minsi %max3A_2703, %min3A_2704 : i32
      %slice3A_2706 = vector.extract_strided_slice %get3A_2129 {offsets = [13], sizes = [1], strides = [1]} : vector<16xi32> to vector<1xi32>
      %squeeze3A_2707 = vector.extract %slice3A_2706[0] : i32 from vector<1xi32>
      %max3A_2708 = arith.constant 0 : i32
      %max3A_2709 = arith.maxsi %squeeze3A_2707, %max3A_2708 : i32
      %min3A_2710 = arith.constant 383 : i32
      %min3A_2711 = arith.minsi %max3A_2709, %min3A_2710 : i32
      %add3A_2712 = arith.constant 64 : i32
      %add3A_2713 = arith.addi %min3A_2705, %add3A_2712 : i32
      %min3A_2714 = arith.constant 383 : i32
      %min3A_2715 = arith.minsi %add3A_2713, %min3A_2714 : i32
      %add3A_2716 = arith.constant 64 : i32
      %add3A_2717 = arith.addi %min3A_2711, %add3A_2716 : i32
      %min3A_2718 = arith.constant 383 : i32
      %min3A_2719 = arith.minsi %add3A_2717, %min3A_2718 : i32
      %sub3A_2720 = arith.subi %min3A_2705, %mul3A_2125 : i32
      %max3A_2721 = arith.constant 0 : i32
      %max3A_2722 = arith.maxsi %sub3A_2720, %max3A_2721 : i32
      %sub3A_2723 = arith.subi %min3A_2715, %mul3A_2125 : i32
      %min3A_2724 = arith.constant 96 : i32
      %min3A_2725 = arith.minsi %sub3A_2723, %min3A_2724 : i32
      %max3A_2726 = arith.maxsi %min3A_2725, %max3A_2722 : i32
      %jit3A_2727 = arith.constant 16 : i32
      %div3A_2728 = arith.divsi %min3A_2711, %jit3A_2727 : i32
      %sign3A_2729 = arith.constant 0 : i32
      %sign3A_2730 = arith.cmpi sgt, %min3A_2711, %sign3A_2729 : i32
      %sign3A_2731 = arith.extui %sign3A_2730 : i1 to i32
      %sign3A_2732 = arith.constant 0 : i32
      %sign3A_2733 = arith.cmpi slt, %min3A_2711, %sign3A_2732 : i32
      %sign3A_2734 = arith.extui %sign3A_2733 : i1 to i32
      %sign3A_2735 = arith.subi %sign3A_2731, %sign3A_2734 : i32
      %sign3A_2736 = arith.constant 0 : i32
      %sign3A_2737 = arith.cmpi sgt, %jit3A_2727, %sign3A_2736 : i32
      %sign3A_2738 = arith.extui %sign3A_2737 : i1 to i32
      %sign3A_2739 = arith.constant 0 : i32
      %sign3A_2740 = arith.cmpi slt, %jit3A_2727, %sign3A_2739 : i32
      %sign3A_2741 = arith.extui %sign3A_2740 : i1 to i32
      %sign3A_2742 = arith.subi %sign3A_2738, %sign3A_2741 : i32
      %ne3A_2743 = arith.cmpi ne, %sign3A_2735, %sign3A_2742 : i32
      %rem3A_2744 = arith.remsi %min3A_2711, %jit3A_2727 : i32
      %ne3A_2745 = arith.constant 0 : i32
      %ne3A_2746 = arith.cmpi ne, %rem3A_2744, %ne3A_2745 : i32
      %and3A_2747 = arith.andi %ne3A_2743, %ne3A_2746 : i1
      %sub3A_2748 = arith.constant 1 : i32
      %sub3A_2749 = arith.subi %div3A_2728, %sub3A_2748 : i32
      %select_n3A_2750 = arith.select %and3A_2747, %sub3A_2749, %div3A_2728 : i32
      %mul3A_2751 = arith.constant 16 : i32
      %mul3A_2752 = arith.muli %select_n3A_2750, %mul3A_2751 : i32
      %broadcast_in_dim3A_2753 = vector.broadcast %min3A_2711 : i32 to vector<16xi32>
      %broadcast_in_dim3A_2754 = vector.broadcast %min3A_2719 : i32 to vector<16xi32>
      %add3A_2755 = arith.constant 0 : i32
      %add3A_2756 = arith.addi %mul3A_2752, %add3A_2755 : i32
      %add3A_2757 = vector.broadcast %add3A_2756 : i32 to vector<16xi32>
      %add3A_2758 = arith.addi %add3A_2757, %iota3A : vector<16xi32>
      %ge3A_2759 = arith.cmpi sge, %add3A_2758, %broadcast_in_dim3A_2753 : vector<16xi32>
      %lt3A_2760 = arith.cmpi slt, %add3A_2758, %broadcast_in_dim3A_2754 : vector<16xi32>
      %and3A_2761 = arith.andi %ge3A_2759, %lt3A_2760 : vector<16xi1>
      %min3A_2762 = arith.constant 383 : i32
      %min3A_2763 = vector.broadcast %min3A_2762 : i32 to vector<16xi32>
      %min3A_2764 = arith.minsi %add3A_2758, %min3A_2763 : vector<16xi32>
      %add3A_2765 = arith.constant 16 : i32
      %add3A_2766 = arith.addi %mul3A_2752, %add3A_2765 : i32
      %add3A_2767 = vector.broadcast %add3A_2766 : i32 to vector<16xi32>
      %add3A_2768 = arith.addi %add3A_2767, %iota3A : vector<16xi32>
      %ge3A_2769 = arith.cmpi sge, %add3A_2768, %broadcast_in_dim3A_2753 : vector<16xi32>
      %lt3A_2770 = arith.cmpi slt, %add3A_2768, %broadcast_in_dim3A_2754 : vector<16xi32>
      %and3A_2771 = arith.andi %ge3A_2769, %lt3A_2770 : vector<16xi1>
      %min3A_2772 = arith.constant 383 : i32
      %min3A_2773 = vector.broadcast %min3A_2772 : i32 to vector<16xi32>
      %min3A_2774 = arith.minsi %add3A_2768, %min3A_2773 : vector<16xi32>
      %add3A_2775 = arith.constant 32 : i32
      %add3A_2776 = arith.addi %mul3A_2752, %add3A_2775 : i32
      %add3A_2777 = vector.broadcast %add3A_2776 : i32 to vector<16xi32>
      %add3A_2778 = arith.addi %add3A_2777, %iota3A : vector<16xi32>
      %ge3A_2779 = arith.cmpi sge, %add3A_2778, %broadcast_in_dim3A_2753 : vector<16xi32>
      %lt3A_2780 = arith.cmpi slt, %add3A_2778, %broadcast_in_dim3A_2754 : vector<16xi32>
      %and3A_2781 = arith.andi %ge3A_2779, %lt3A_2780 : vector<16xi1>
      %min3A_2782 = arith.constant 383 : i32
      %min3A_2783 = vector.broadcast %min3A_2782 : i32 to vector<16xi32>
      %min3A_2784 = arith.minsi %add3A_2778, %min3A_2783 : vector<16xi32>
      %add3A_2785 = arith.constant 48 : i32
      %add3A_2786 = arith.addi %mul3A_2752, %add3A_2785 : i32
      %add3A_2787 = vector.broadcast %add3A_2786 : i32 to vector<16xi32>
      %add3A_2788 = arith.addi %add3A_2787, %iota3A : vector<16xi32>
      %ge3A_2789 = arith.cmpi sge, %add3A_2788, %broadcast_in_dim3A_2753 : vector<16xi32>
      %lt3A_2790 = arith.cmpi slt, %add3A_2788, %broadcast_in_dim3A_2754 : vector<16xi32>
      %and3A_2791 = arith.andi %ge3A_2789, %lt3A_2790 : vector<16xi1>
      %min3A_2792 = arith.constant 383 : i32
      %min3A_2793 = vector.broadcast %min3A_2792 : i32 to vector<16xi32>
      %min3A_2794 = arith.minsi %add3A_2788, %min3A_2793 : vector<16xi32>
      %add3A_2795 = arith.constant 64 : i32
      %add3A_2796 = arith.addi %mul3A_2752, %add3A_2795 : i32
      %add3A_2797 = vector.broadcast %add3A_2796 : i32 to vector<16xi32>
      %add3A_2798 = arith.addi %add3A_2797, %iota3A : vector<16xi32>
      %ge3A_2799 = arith.cmpi sge, %add3A_2798, %broadcast_in_dim3A_2753 : vector<16xi32>
      %lt3A_2800 = arith.cmpi slt, %add3A_2798, %broadcast_in_dim3A_2754 : vector<16xi32>
      %and3A_2801 = arith.andi %ge3A_2799, %lt3A_2800 : vector<16xi1>
      %min3A_2802 = arith.constant 383 : i32
      %min3A_2803 = vector.broadcast %min3A_2802 : i32 to vector<16xi32>
      %min3A_2804 = arith.minsi %add3A_2798, %min3A_2803 : vector<16xi32>
      %while3A_2805 = arith.constant 0 : i32
      %while3A_2806 = arith.subi %max3A_2726, %max3A_2722 : i32
      %while3A_2807 = arith.addi %max3A_2722, %while3A_2806 : i32
      %while3A_2808 = arith.constant 1 : i32
      %while3A_2809 = arith.divsi %while3A_2806, %while3A_2808 : i32
      %while3A_2810 = arith.muli %while3A_2809, %while3A_2808 : i32
      %while3A_2811 = arith.addi %max3A_2722, %while3A_2810 : i32
      %while3A_2812 = arith.constant 1 : i32
      scf.for %while3A_3102 = %max3A_2722 to %while3A_2811 step %while3A_2812  : i32 {
        %mul3A_3103 = arith.constant 384 : i32
        %mul3A_3104 = arith.muli %while3A_3102, %mul3A_3103 : i32
        %add3A_3105 = vector.broadcast %mul3A_3104 : i32 to vector<16xi32>
        %add3A_3106 = arith.addi %add3A_3105, %min3A_2764 : vector<16xi32>
        tpu.vector_store_idx %arg7[%add3A_3106], %broadcast_in_dim3A_5 masked %and3A_2761 : memref<36864xf32, #tpu.memory_space<vmem>>[vector<16xi32>], vector<16xf32>, vector<16xi1>
        %add3A_3107 = vector.broadcast %mul3A_3104 : i32 to vector<16xi32>
        %add3A_3108 = arith.addi %add3A_3107, %min3A_2774 : vector<16xi32>
        tpu.vector_store_idx %arg7[%add3A_3108], %broadcast_in_dim3A_5 masked %and3A_2771 : memref<36864xf32, #tpu.memory_space<vmem>>[vector<16xi32>], vector<16xf32>, vector<16xi1>
        %add3A_3109 = vector.broadcast %mul3A_3104 : i32 to vector<16xi32>
        %add3A_3110 = arith.addi %add3A_3109, %min3A_2784 : vector<16xi32>
        tpu.vector_store_idx %arg7[%add3A_3110], %broadcast_in_dim3A_5 masked %and3A_2781 : memref<36864xf32, #tpu.memory_space<vmem>>[vector<16xi32>], vector<16xf32>, vector<16xi1>
        %add3A_3111 = vector.broadcast %mul3A_3104 : i32 to vector<16xi32>
        %add3A_3112 = arith.addi %add3A_3111, %min3A_2794 : vector<16xi32>
        tpu.vector_store_idx %arg7[%add3A_3112], %broadcast_in_dim3A_5 masked %and3A_2791 : memref<36864xf32, #tpu.memory_space<vmem>>[vector<16xi32>], vector<16xf32>, vector<16xi1>
        %add3A_3113 = vector.broadcast %mul3A_3104 : i32 to vector<16xi32>
        %add3A_3114 = arith.addi %add3A_3113, %min3A_2804 : vector<16xi32>
        tpu.vector_store_idx %arg7[%add3A_3114], %broadcast_in_dim3A_5 masked %and3A_2801 : memref<36864xf32, #tpu.memory_space<vmem>>[vector<16xi32>], vector<16xf32>, vector<16xi1>
      }
      %while3A_2813 = arith.constant 1 : i32
      scf.for %while3A_3102 = %while3A_2811 to %while3A_2807 step %while3A_2813  : i32 {
        %mul3A_3103 = arith.constant 384 : i32
        %mul3A_3104 = arith.muli %while3A_3102, %mul3A_3103 : i32
        %add3A_3105 = vector.broadcast %mul3A_3104 : i32 to vector<16xi32>
        %add3A_3106 = arith.addi %add3A_3105, %min3A_2764 : vector<16xi32>
        tpu.vector_store_idx %arg7[%add3A_3106], %broadcast_in_dim3A_5 masked %and3A_2761 : memref<36864xf32, #tpu.memory_space<vmem>>[vector<16xi32>], vector<16xf32>, vector<16xi1>
        %add3A_3107 = vector.broadcast %mul3A_3104 : i32 to vector<16xi32>
        %add3A_3108 = arith.addi %add3A_3107, %min3A_2774 : vector<16xi32>
        tpu.vector_store_idx %arg7[%add3A_3108], %broadcast_in_dim3A_5 masked %and3A_2771 : memref<36864xf32, #tpu.memory_space<vmem>>[vector<16xi32>], vector<16xf32>, vector<16xi1>
        %add3A_3109 = vector.broadcast %mul3A_3104 : i32 to vector<16xi32>
        %add3A_3110 = arith.addi %add3A_3109, %min3A_2784 : vector<16xi32>
        tpu.vector_store_idx %arg7[%add3A_3110], %broadcast_in_dim3A_5 masked %and3A_2781 : memref<36864xf32, #tpu.memory_space<vmem>>[vector<16xi32>], vector<16xf32>, vector<16xi1>
        %add3A_3111 = vector.broadcast %mul3A_3104 : i32 to vector<16xi32>
        %add3A_3112 = arith.addi %add3A_3111, %min3A_2794 : vector<16xi32>
        tpu.vector_store_idx %arg7[%add3A_3112], %broadcast_in_dim3A_5 masked %and3A_2791 : memref<36864xf32, #tpu.memory_space<vmem>>[vector<16xi32>], vector<16xf32>, vector<16xi1>
        %add3A_3113 = vector.broadcast %mul3A_3104 : i32 to vector<16xi32>
        %add3A_3114 = arith.addi %add3A_3113, %min3A_2804 : vector<16xi32>
        tpu.vector_store_idx %arg7[%add3A_3114], %broadcast_in_dim3A_5 masked %and3A_2801 : memref<36864xf32, #tpu.memory_space<vmem>>[vector<16xi32>], vector<16xf32>, vector<16xi1>
      }
      %slice3A_2814 = vector.extract_strided_slice %get3A_2129 {offsets = [6], sizes = [1], strides = [1]} : vector<16xi32> to vector<1xi32>
      %squeeze3A_2815 = vector.extract %slice3A_2814[0] : i32 from vector<1xi32>
      %max3A_2816 = arith.constant 0 : i32
      %max3A_2817 = arith.maxsi %squeeze3A_2815, %max3A_2816 : i32
      %min3A_2818 = arith.constant 383 : i32
      %min3A_2819 = arith.minsi %max3A_2817, %min3A_2818 : i32
      %slice3A_2820 = vector.extract_strided_slice %get3A_2129 {offsets = [14], sizes = [1], strides = [1]} : vector<16xi32> to vector<1xi32>
      %squeeze3A_2821 = vector.extract %slice3A_2820[0] : i32 from vector<1xi32>
      %max3A_2822 = arith.constant 0 : i32
      %max3A_2823 = arith.maxsi %squeeze3A_2821, %max3A_2822 : i32
      %min3A_2824 = arith.constant 383 : i32
      %min3A_2825 = arith.minsi %max3A_2823, %min3A_2824 : i32
      %add3A_2826 = arith.constant 64 : i32
      %add3A_2827 = arith.addi %min3A_2819, %add3A_2826 : i32
      %min3A_2828 = arith.constant 383 : i32
      %min3A_2829 = arith.minsi %add3A_2827, %min3A_2828 : i32
      %add3A_2830 = arith.constant 64 : i32
      %add3A_2831 = arith.addi %min3A_2825, %add3A_2830 : i32
      %min3A_2832 = arith.constant 383 : i32
      %min3A_2833 = arith.minsi %add3A_2831, %min3A_2832 : i32
      %sub3A_2834 = arith.subi %min3A_2819, %mul3A_2125 : i32
      %max3A_2835 = arith.constant 0 : i32
      %max3A_2836 = arith.maxsi %sub3A_2834, %max3A_2835 : i32
      %sub3A_2837 = arith.subi %min3A_2829, %mul3A_2125 : i32
      %min3A_2838 = arith.constant 96 : i32
      %min3A_2839 = arith.minsi %sub3A_2837, %min3A_2838 : i32
      %max3A_2840 = arith.maxsi %min3A_2839, %max3A_2836 : i32
      %jit3A_2841 = arith.constant 16 : i32
      %div3A_2842 = arith.divsi %min3A_2825, %jit3A_2841 : i32
      %sign3A_2843 = arith.constant 0 : i32
      %sign3A_2844 = arith.cmpi sgt, %min3A_2825, %sign3A_2843 : i32
      %sign3A_2845 = arith.extui %sign3A_2844 : i1 to i32
      %sign3A_2846 = arith.constant 0 : i32
      %sign3A_2847 = arith.cmpi slt, %min3A_2825, %sign3A_2846 : i32
      %sign3A_2848 = arith.extui %sign3A_2847 : i1 to i32
      %sign3A_2849 = arith.subi %sign3A_2845, %sign3A_2848 : i32
      %sign3A_2850 = arith.constant 0 : i32
      %sign3A_2851 = arith.cmpi sgt, %jit3A_2841, %sign3A_2850 : i32
      %sign3A_2852 = arith.extui %sign3A_2851 : i1 to i32
      %sign3A_2853 = arith.constant 0 : i32
      %sign3A_2854 = arith.cmpi slt, %jit3A_2841, %sign3A_2853 : i32
      %sign3A_2855 = arith.extui %sign3A_2854 : i1 to i32
      %sign3A_2856 = arith.subi %sign3A_2852, %sign3A_2855 : i32
      %ne3A_2857 = arith.cmpi ne, %sign3A_2849, %sign3A_2856 : i32
      %rem3A_2858 = arith.remsi %min3A_2825, %jit3A_2841 : i32
      %ne3A_2859 = arith.constant 0 : i32
      %ne3A_2860 = arith.cmpi ne, %rem3A_2858, %ne3A_2859 : i32
      %and3A_2861 = arith.andi %ne3A_2857, %ne3A_2860 : i1
      %sub3A_2862 = arith.constant 1 : i32
      %sub3A_2863 = arith.subi %div3A_2842, %sub3A_2862 : i32
      %select_n3A_2864 = arith.select %and3A_2861, %sub3A_2863, %div3A_2842 : i32
      %mul3A_2865 = arith.constant 16 : i32
      %mul3A_2866 = arith.muli %select_n3A_2864, %mul3A_2865 : i32
      %broadcast_in_dim3A_2867 = vector.broadcast %min3A_2825 : i32 to vector<16xi32>
      %broadcast_in_dim3A_2868 = vector.broadcast %min3A_2833 : i32 to vector<16xi32>
      %add3A_2869 = arith.constant 0 : i32
      %add3A_2870 = arith.addi %mul3A_2866, %add3A_2869 : i32
      %add3A_2871 = vector.broadcast %add3A_2870 : i32 to vector<16xi32>
      %add3A_2872 = arith.addi %add3A_2871, %iota3A : vector<16xi32>
      %ge3A_2873 = arith.cmpi sge, %add3A_2872, %broadcast_in_dim3A_2867 : vector<16xi32>
      %lt3A_2874 = arith.cmpi slt, %add3A_2872, %broadcast_in_dim3A_2868 : vector<16xi32>
      %and3A_2875 = arith.andi %ge3A_2873, %lt3A_2874 : vector<16xi1>
      %min3A_2876 = arith.constant 383 : i32
      %min3A_2877 = vector.broadcast %min3A_2876 : i32 to vector<16xi32>
      %min3A_2878 = arith.minsi %add3A_2872, %min3A_2877 : vector<16xi32>
      %add3A_2879 = arith.constant 16 : i32
      %add3A_2880 = arith.addi %mul3A_2866, %add3A_2879 : i32
      %add3A_2881 = vector.broadcast %add3A_2880 : i32 to vector<16xi32>
      %add3A_2882 = arith.addi %add3A_2881, %iota3A : vector<16xi32>
      %ge3A_2883 = arith.cmpi sge, %add3A_2882, %broadcast_in_dim3A_2867 : vector<16xi32>
      %lt3A_2884 = arith.cmpi slt, %add3A_2882, %broadcast_in_dim3A_2868 : vector<16xi32>
      %and3A_2885 = arith.andi %ge3A_2883, %lt3A_2884 : vector<16xi1>
      %min3A_2886 = arith.constant 383 : i32
      %min3A_2887 = vector.broadcast %min3A_2886 : i32 to vector<16xi32>
      %min3A_2888 = arith.minsi %add3A_2882, %min3A_2887 : vector<16xi32>
      %add3A_2889 = arith.constant 32 : i32
      %add3A_2890 = arith.addi %mul3A_2866, %add3A_2889 : i32
      %add3A_2891 = vector.broadcast %add3A_2890 : i32 to vector<16xi32>
      %add3A_2892 = arith.addi %add3A_2891, %iota3A : vector<16xi32>
      %ge3A_2893 = arith.cmpi sge, %add3A_2892, %broadcast_in_dim3A_2867 : vector<16xi32>
      %lt3A_2894 = arith.cmpi slt, %add3A_2892, %broadcast_in_dim3A_2868 : vector<16xi32>
      %and3A_2895 = arith.andi %ge3A_2893, %lt3A_2894 : vector<16xi1>
      %min3A_2896 = arith.constant 383 : i32
      %min3A_2897 = vector.broadcast %min3A_2896 : i32 to vector<16xi32>
      %min3A_2898 = arith.minsi %add3A_2892, %min3A_2897 : vector<16xi32>
      %add3A_2899 = arith.constant 48 : i32
      %add3A_2900 = arith.addi %mul3A_2866, %add3A_2899 : i32
      %add3A_2901 = vector.broadcast %add3A_2900 : i32 to vector<16xi32>
      %add3A_2902 = arith.addi %add3A_2901, %iota3A : vector<16xi32>
      %ge3A_2903 = arith.cmpi sge, %add3A_2902, %broadcast_in_dim3A_2867 : vector<16xi32>
      %lt3A_2904 = arith.cmpi slt, %add3A_2902, %broadcast_in_dim3A_2868 : vector<16xi32>
      %and3A_2905 = arith.andi %ge3A_2903, %lt3A_2904 : vector<16xi1>
      %min3A_2906 = arith.constant 383 : i32
      %min3A_2907 = vector.broadcast %min3A_2906 : i32 to vector<16xi32>
      %min3A_2908 = arith.minsi %add3A_2902, %min3A_2907 : vector<16xi32>
      %add3A_2909 = arith.constant 64 : i32
      %add3A_2910 = arith.addi %mul3A_2866, %add3A_2909 : i32
      %add3A_2911 = vector.broadcast %add3A_2910 : i32 to vector<16xi32>
      %add3A_2912 = arith.addi %add3A_2911, %iota3A : vector<16xi32>
      %ge3A_2913 = arith.cmpi sge, %add3A_2912, %broadcast_in_dim3A_2867 : vector<16xi32>
      %lt3A_2914 = arith.cmpi slt, %add3A_2912, %broadcast_in_dim3A_2868 : vector<16xi32>
      %and3A_2915 = arith.andi %ge3A_2913, %lt3A_2914 : vector<16xi1>
      %min3A_2916 = arith.constant 383 : i32
      %min3A_2917 = vector.broadcast %min3A_2916 : i32 to vector<16xi32>
      %min3A_2918 = arith.minsi %add3A_2912, %min3A_2917 : vector<16xi32>
      %while3A_2919 = arith.constant 0 : i32
      %while3A_2920 = arith.subi %max3A_2840, %max3A_2836 : i32
      %while3A_2921 = arith.addi %max3A_2836, %while3A_2920 : i32
      %while3A_2922 = arith.constant 1 : i32
      %while3A_2923 = arith.divsi %while3A_2920, %while3A_2922 : i32
      %while3A_2924 = arith.muli %while3A_2923, %while3A_2922 : i32
      %while3A_2925 = arith.addi %max3A_2836, %while3A_2924 : i32
      %while3A_2926 = arith.constant 1 : i32
      scf.for %while3A_3102 = %max3A_2836 to %while3A_2925 step %while3A_2926  : i32 {
        %mul3A_3103 = arith.constant 384 : i32
        %mul3A_3104 = arith.muli %while3A_3102, %mul3A_3103 : i32
        %add3A_3105 = vector.broadcast %mul3A_3104 : i32 to vector<16xi32>
        %add3A_3106 = arith.addi %add3A_3105, %min3A_2878 : vector<16xi32>
        tpu.vector_store_idx %arg7[%add3A_3106], %broadcast_in_dim3A_5 masked %and3A_2875 : memref<36864xf32, #tpu.memory_space<vmem>>[vector<16xi32>], vector<16xf32>, vector<16xi1>
        %add3A_3107 = vector.broadcast %mul3A_3104 : i32 to vector<16xi32>
        %add3A_3108 = arith.addi %add3A_3107, %min3A_2888 : vector<16xi32>
        tpu.vector_store_idx %arg7[%add3A_3108], %broadcast_in_dim3A_5 masked %and3A_2885 : memref<36864xf32, #tpu.memory_space<vmem>>[vector<16xi32>], vector<16xf32>, vector<16xi1>
        %add3A_3109 = vector.broadcast %mul3A_3104 : i32 to vector<16xi32>
        %add3A_3110 = arith.addi %add3A_3109, %min3A_2898 : vector<16xi32>
        tpu.vector_store_idx %arg7[%add3A_3110], %broadcast_in_dim3A_5 masked %and3A_2895 : memref<36864xf32, #tpu.memory_space<vmem>>[vector<16xi32>], vector<16xf32>, vector<16xi1>
        %add3A_3111 = vector.broadcast %mul3A_3104 : i32 to vector<16xi32>
        %add3A_3112 = arith.addi %add3A_3111, %min3A_2908 : vector<16xi32>
        tpu.vector_store_idx %arg7[%add3A_3112], %broadcast_in_dim3A_5 masked %and3A_2905 : memref<36864xf32, #tpu.memory_space<vmem>>[vector<16xi32>], vector<16xf32>, vector<16xi1>
        %add3A_3113 = vector.broadcast %mul3A_3104 : i32 to vector<16xi32>
        %add3A_3114 = arith.addi %add3A_3113, %min3A_2918 : vector<16xi32>
        tpu.vector_store_idx %arg7[%add3A_3114], %broadcast_in_dim3A_5 masked %and3A_2915 : memref<36864xf32, #tpu.memory_space<vmem>>[vector<16xi32>], vector<16xf32>, vector<16xi1>
      }
      %while3A_2927 = arith.constant 1 : i32
      scf.for %while3A_3102 = %while3A_2925 to %while3A_2921 step %while3A_2927  : i32 {
        %mul3A_3103 = arith.constant 384 : i32
        %mul3A_3104 = arith.muli %while3A_3102, %mul3A_3103 : i32
        %add3A_3105 = vector.broadcast %mul3A_3104 : i32 to vector<16xi32>
        %add3A_3106 = arith.addi %add3A_3105, %min3A_2878 : vector<16xi32>
        tpu.vector_store_idx %arg7[%add3A_3106], %broadcast_in_dim3A_5 masked %and3A_2875 : memref<36864xf32, #tpu.memory_space<vmem>>[vector<16xi32>], vector<16xf32>, vector<16xi1>
        %add3A_3107 = vector.broadcast %mul3A_3104 : i32 to vector<16xi32>
        %add3A_3108 = arith.addi %add3A_3107, %min3A_2888 : vector<16xi32>
        tpu.vector_store_idx %arg7[%add3A_3108], %broadcast_in_dim3A_5 masked %and3A_2885 : memref<36864xf32, #tpu.memory_space<vmem>>[vector<16xi32>], vector<16xf32>, vector<16xi1>
        %add3A_3109 = vector.broadcast %mul3A_3104 : i32 to vector<16xi32>
        %add3A_3110 = arith.addi %add3A_3109, %min3A_2898 : vector<16xi32>
        tpu.vector_store_idx %arg7[%add3A_3110], %broadcast_in_dim3A_5 masked %and3A_2895 : memref<36864xf32, #tpu.memory_space<vmem>>[vector<16xi32>], vector<16xf32>, vector<16xi1>
        %add3A_3111 = vector.broadcast %mul3A_3104 : i32 to vector<16xi32>
        %add3A_3112 = arith.addi %add3A_3111, %min3A_2908 : vector<16xi32>
        tpu.vector_store_idx %arg7[%add3A_3112], %broadcast_in_dim3A_5 masked %and3A_2905 : memref<36864xf32, #tpu.memory_space<vmem>>[vector<16xi32>], vector<16xf32>, vector<16xi1>
        %add3A_3113 = vector.broadcast %mul3A_3104 : i32 to vector<16xi32>
        %add3A_3114 = arith.addi %add3A_3113, %min3A_2918 : vector<16xi32>
        tpu.vector_store_idx %arg7[%add3A_3114], %broadcast_in_dim3A_5 masked %and3A_2915 : memref<36864xf32, #tpu.memory_space<vmem>>[vector<16xi32>], vector<16xf32>, vector<16xi1>
      }
      %slice3A_2928 = vector.extract_strided_slice %get3A_2129 {offsets = [7], sizes = [1], strides = [1]} : vector<16xi32> to vector<1xi32>
      %squeeze3A_2929 = vector.extract %slice3A_2928[0] : i32 from vector<1xi32>
      %max3A_2930 = arith.constant 0 : i32
      %max3A_2931 = arith.maxsi %squeeze3A_2929, %max3A_2930 : i32
      %min3A_2932 = arith.constant 383 : i32
      %min3A_2933 = arith.minsi %max3A_2931, %min3A_2932 : i32
      %slice3A_2934 = vector.extract_strided_slice %get3A_2129 {offsets = [15], sizes = [1], strides = [1]} : vector<16xi32> to vector<1xi32>
      %squeeze3A_2935 = vector.extract %slice3A_2934[0] : i32 from vector<1xi32>
      %max3A_2936 = arith.constant 0 : i32
      %max3A_2937 = arith.maxsi %squeeze3A_2935, %max3A_2936 : i32
      %min3A_2938 = arith.constant 383 : i32
      %min3A_2939 = arith.minsi %max3A_2937, %min3A_2938 : i32
      %add3A_2940 = arith.constant 64 : i32
      %add3A_2941 = arith.addi %min3A_2933, %add3A_2940 : i32
      %min3A_2942 = arith.constant 383 : i32
      %min3A_2943 = arith.minsi %add3A_2941, %min3A_2942 : i32
      %add3A_2944 = arith.constant 64 : i32
      %add3A_2945 = arith.addi %min3A_2939, %add3A_2944 : i32
      %min3A_2946 = arith.constant 383 : i32
      %min3A_2947 = arith.minsi %add3A_2945, %min3A_2946 : i32
      %sub3A_2948 = arith.subi %min3A_2933, %mul3A_2125 : i32
      %max3A_2949 = arith.constant 0 : i32
      %max3A_2950 = arith.maxsi %sub3A_2948, %max3A_2949 : i32
      %sub3A_2951 = arith.subi %min3A_2943, %mul3A_2125 : i32
      %min3A_2952 = arith.constant 96 : i32
      %min3A_2953 = arith.minsi %sub3A_2951, %min3A_2952 : i32
      %max3A_2954 = arith.maxsi %min3A_2953, %max3A_2950 : i32
      %jit3A_2955 = arith.constant 16 : i32
      %div3A_2956 = arith.divsi %min3A_2939, %jit3A_2955 : i32
      %sign3A_2957 = arith.constant 0 : i32
      %sign3A_2958 = arith.cmpi sgt, %min3A_2939, %sign3A_2957 : i32
      %sign3A_2959 = arith.extui %sign3A_2958 : i1 to i32
      %sign3A_2960 = arith.constant 0 : i32
      %sign3A_2961 = arith.cmpi slt, %min3A_2939, %sign3A_2960 : i32
      %sign3A_2962 = arith.extui %sign3A_2961 : i1 to i32
      %sign3A_2963 = arith.subi %sign3A_2959, %sign3A_2962 : i32
      %sign3A_2964 = arith.constant 0 : i32
      %sign3A_2965 = arith.cmpi sgt, %jit3A_2955, %sign3A_2964 : i32
      %sign3A_2966 = arith.extui %sign3A_2965 : i1 to i32
      %sign3A_2967 = arith.constant 0 : i32
      %sign3A_2968 = arith.cmpi slt, %jit3A_2955, %sign3A_2967 : i32
      %sign3A_2969 = arith.extui %sign3A_2968 : i1 to i32
      %sign3A_2970 = arith.subi %sign3A_2966, %sign3A_2969 : i32
      %ne3A_2971 = arith.cmpi ne, %sign3A_2963, %sign3A_2970 : i32
      %rem3A_2972 = arith.remsi %min3A_2939, %jit3A_2955 : i32
      %ne3A_2973 = arith.constant 0 : i32
      %ne3A_2974 = arith.cmpi ne, %rem3A_2972, %ne3A_2973 : i32
      %and3A_2975 = arith.andi %ne3A_2971, %ne3A_2974 : i1
      %sub3A_2976 = arith.constant 1 : i32
      %sub3A_2977 = arith.subi %div3A_2956, %sub3A_2976 : i32
      %select_n3A_2978 = arith.select %and3A_2975, %sub3A_2977, %div3A_2956 : i32
      %mul3A_2979 = arith.constant 16 : i32
      %mul3A_2980 = arith.muli %select_n3A_2978, %mul3A_2979 : i32
      %broadcast_in_dim3A_2981 = vector.broadcast %min3A_2939 : i32 to vector<16xi32>
      %broadcast_in_dim3A_2982 = vector.broadcast %min3A_2947 : i32 to vector<16xi32>
      %add3A_2983 = arith.constant 0 : i32
      %add3A_2984 = arith.addi %mul3A_2980, %add3A_2983 : i32
      %add3A_2985 = vector.broadcast %add3A_2984 : i32 to vector<16xi32>
      %add3A_2986 = arith.addi %add3A_2985, %iota3A : vector<16xi32>
      %ge3A_2987 = arith.cmpi sge, %add3A_2986, %broadcast_in_dim3A_2981 : vector<16xi32>
      %lt3A_2988 = arith.cmpi slt, %add3A_2986, %broadcast_in_dim3A_2982 : vector<16xi32>
      %and3A_2989 = arith.andi %ge3A_2987, %lt3A_2988 : vector<16xi1>
      %min3A_2990 = arith.constant 383 : i32
      %min3A_2991 = vector.broadcast %min3A_2990 : i32 to vector<16xi32>
      %min3A_2992 = arith.minsi %add3A_2986, %min3A_2991 : vector<16xi32>
      %add3A_2993 = arith.constant 16 : i32
      %add3A_2994 = arith.addi %mul3A_2980, %add3A_2993 : i32
      %add3A_2995 = vector.broadcast %add3A_2994 : i32 to vector<16xi32>
      %add3A_2996 = arith.addi %add3A_2995, %iota3A : vector<16xi32>
      %ge3A_2997 = arith.cmpi sge, %add3A_2996, %broadcast_in_dim3A_2981 : vector<16xi32>
      %lt3A_2998 = arith.cmpi slt, %add3A_2996, %broadcast_in_dim3A_2982 : vector<16xi32>
      %and3A_2999 = arith.andi %ge3A_2997, %lt3A_2998 : vector<16xi1>
      %min3A_3000 = arith.constant 383 : i32
      %min3A_3001 = vector.broadcast %min3A_3000 : i32 to vector<16xi32>
      %min3A_3002 = arith.minsi %add3A_2996, %min3A_3001 : vector<16xi32>
      %add3A_3003 = arith.constant 32 : i32
      %add3A_3004 = arith.addi %mul3A_2980, %add3A_3003 : i32
      %add3A_3005 = vector.broadcast %add3A_3004 : i32 to vector<16xi32>
      %add3A_3006 = arith.addi %add3A_3005, %iota3A : vector<16xi32>
      %ge3A_3007 = arith.cmpi sge, %add3A_3006, %broadcast_in_dim3A_2981 : vector<16xi32>
      %lt3A_3008 = arith.cmpi slt, %add3A_3006, %broadcast_in_dim3A_2982 : vector<16xi32>
      %and3A_3009 = arith.andi %ge3A_3007, %lt3A_3008 : vector<16xi1>
      %min3A_3010 = arith.constant 383 : i32
      %min3A_3011 = vector.broadcast %min3A_3010 : i32 to vector<16xi32>
      %min3A_3012 = arith.minsi %add3A_3006, %min3A_3011 : vector<16xi32>
      %add3A_3013 = arith.constant 48 : i32
      %add3A_3014 = arith.addi %mul3A_2980, %add3A_3013 : i32
      %add3A_3015 = vector.broadcast %add3A_3014 : i32 to vector<16xi32>
      %add3A_3016 = arith.addi %add3A_3015, %iota3A : vector<16xi32>
      %ge3A_3017 = arith.cmpi sge, %add3A_3016, %broadcast_in_dim3A_2981 : vector<16xi32>
      %lt3A_3018 = arith.cmpi slt, %add3A_3016, %broadcast_in_dim3A_2982 : vector<16xi32>
      %and3A_3019 = arith.andi %ge3A_3017, %lt3A_3018 : vector<16xi1>
      %min3A_3020 = arith.constant 383 : i32
      %min3A_3021 = vector.broadcast %min3A_3020 : i32 to vector<16xi32>
      %min3A_3022 = arith.minsi %add3A_3016, %min3A_3021 : vector<16xi32>
      %add3A_3023 = arith.constant 64 : i32
      %add3A_3024 = arith.addi %mul3A_2980, %add3A_3023 : i32
      %add3A_3025 = vector.broadcast %add3A_3024 : i32 to vector<16xi32>
      %add3A_3026 = arith.addi %add3A_3025, %iota3A : vector<16xi32>
      %ge3A_3027 = arith.cmpi sge, %add3A_3026, %broadcast_in_dim3A_2981 : vector<16xi32>
      %lt3A_3028 = arith.cmpi slt, %add3A_3026, %broadcast_in_dim3A_2982 : vector<16xi32>
      %and3A_3029 = arith.andi %ge3A_3027, %lt3A_3028 : vector<16xi1>
      %min3A_3030 = arith.constant 383 : i32
      %min3A_3031 = vector.broadcast %min3A_3030 : i32 to vector<16xi32>
      %min3A_3032 = arith.minsi %add3A_3026, %min3A_3031 : vector<16xi32>
      %while3A_3033 = arith.constant 0 : i32
      %while3A_3034 = arith.subi %max3A_2954, %max3A_2950 : i32
      %while3A_3035 = arith.addi %max3A_2950, %while3A_3034 : i32
      %while3A_3036 = arith.constant 1 : i32
      %while3A_3037 = arith.divsi %while3A_3034, %while3A_3036 : i32
      %while3A_3038 = arith.muli %while3A_3037, %while3A_3036 : i32
      %while3A_3039 = arith.addi %max3A_2950, %while3A_3038 : i32
      %while3A_3040 = arith.constant 1 : i32
      scf.for %while3A_3102 = %max3A_2950 to %while3A_3039 step %while3A_3040  : i32 {
        %mul3A_3103 = arith.constant 384 : i32
        %mul3A_3104 = arith.muli %while3A_3102, %mul3A_3103 : i32
        %add3A_3105 = vector.broadcast %mul3A_3104 : i32 to vector<16xi32>
        %add3A_3106 = arith.addi %add3A_3105, %min3A_2992 : vector<16xi32>
        tpu.vector_store_idx %arg7[%add3A_3106], %broadcast_in_dim3A_5 masked %and3A_2989 : memref<36864xf32, #tpu.memory_space<vmem>>[vector<16xi32>], vector<16xf32>, vector<16xi1>
        %add3A_3107 = vector.broadcast %mul3A_3104 : i32 to vector<16xi32>
        %add3A_3108 = arith.addi %add3A_3107, %min3A_3002 : vector<16xi32>
        tpu.vector_store_idx %arg7[%add3A_3108], %broadcast_in_dim3A_5 masked %and3A_2999 : memref<36864xf32, #tpu.memory_space<vmem>>[vector<16xi32>], vector<16xf32>, vector<16xi1>
        %add3A_3109 = vector.broadcast %mul3A_3104 : i32 to vector<16xi32>
        %add3A_3110 = arith.addi %add3A_3109, %min3A_3012 : vector<16xi32>
        tpu.vector_store_idx %arg7[%add3A_3110], %broadcast_in_dim3A_5 masked %and3A_3009 : memref<36864xf32, #tpu.memory_space<vmem>>[vector<16xi32>], vector<16xf32>, vector<16xi1>
        %add3A_3111 = vector.broadcast %mul3A_3104 : i32 to vector<16xi32>
        %add3A_3112 = arith.addi %add3A_3111, %min3A_3022 : vector<16xi32>
        tpu.vector_store_idx %arg7[%add3A_3112], %broadcast_in_dim3A_5 masked %and3A_3019 : memref<36864xf32, #tpu.memory_space<vmem>>[vector<16xi32>], vector<16xf32>, vector<16xi1>
        %add3A_3113 = vector.broadcast %mul3A_3104 : i32 to vector<16xi32>
        %add3A_3114 = arith.addi %add3A_3113, %min3A_3032 : vector<16xi32>
        tpu.vector_store_idx %arg7[%add3A_3114], %broadcast_in_dim3A_5 masked %and3A_3029 : memref<36864xf32, #tpu.memory_space<vmem>>[vector<16xi32>], vector<16xf32>, vector<16xi1>
      }
      %while3A_3041 = arith.constant 1 : i32
      scf.for %while3A_3102 = %while3A_3039 to %while3A_3035 step %while3A_3041  : i32 {
        %mul3A_3103 = arith.constant 384 : i32
        %mul3A_3104 = arith.muli %while3A_3102, %mul3A_3103 : i32
        %add3A_3105 = vector.broadcast %mul3A_3104 : i32 to vector<16xi32>
        %add3A_3106 = arith.addi %add3A_3105, %min3A_2992 : vector<16xi32>
        tpu.vector_store_idx %arg7[%add3A_3106], %broadcast_in_dim3A_5 masked %and3A_2989 : memref<36864xf32, #tpu.memory_space<vmem>>[vector<16xi32>], vector<16xf32>, vector<16xi1>
        %add3A_3107 = vector.broadcast %mul3A_3104 : i32 to vector<16xi32>
        %add3A_3108 = arith.addi %add3A_3107, %min3A_3002 : vector<16xi32>
        tpu.vector_store_idx %arg7[%add3A_3108], %broadcast_in_dim3A_5 masked %and3A_2999 : memref<36864xf32, #tpu.memory_space<vmem>>[vector<16xi32>], vector<16xf32>, vector<16xi1>
        %add3A_3109 = vector.broadcast %mul3A_3104 : i32 to vector<16xi32>
        %add3A_3110 = arith.addi %add3A_3109, %min3A_3012 : vector<16xi32>
        tpu.vector_store_idx %arg7[%add3A_3110], %broadcast_in_dim3A_5 masked %and3A_3009 : memref<36864xf32, #tpu.memory_space<vmem>>[vector<16xi32>], vector<16xf32>, vector<16xi1>
        %add3A_3111 = vector.broadcast %mul3A_3104 : i32 to vector<16xi32>
        %add3A_3112 = arith.addi %add3A_3111, %min3A_3022 : vector<16xi32>
        tpu.vector_store_idx %arg7[%add3A_3112], %broadcast_in_dim3A_5 masked %and3A_3019 : memref<36864xf32, #tpu.memory_space<vmem>>[vector<16xi32>], vector<16xf32>, vector<16xi1>
        %add3A_3113 = vector.broadcast %mul3A_3104 : i32 to vector<16xi32>
        %add3A_3114 = arith.addi %add3A_3113, %min3A_3032 : vector<16xi32>
        tpu.vector_store_idx %arg7[%add3A_3114], %broadcast_in_dim3A_5 masked %and3A_3029 : memref<36864xf32, #tpu.memory_space<vmem>>[vector<16xi32>], vector<16xf32>, vector<16xi1>
      }
      %jit3A_3042 = arith.constant 4 : i32
      %div3A_3043 = arith.divsi %add3A_2079, %jit3A_3042 : i32
      %sign3A_3044 = arith.constant 0 : i32
      %sign3A_3045 = arith.cmpi sgt, %add3A_2079, %sign3A_3044 : i32
      %sign3A_3046 = arith.extui %sign3A_3045 : i1 to i32
      %sign3A_3047 = arith.constant 0 : i32
      %sign3A_3048 = arith.cmpi slt, %add3A_2079, %sign3A_3047 : i32
      %sign3A_3049 = arith.extui %sign3A_3048 : i1 to i32
      %sign3A_3050 = arith.subi %sign3A_3046, %sign3A_3049 : i32
      %sign3A_3051 = arith.constant 0 : i32
      %sign3A_3052 = arith.cmpi sgt, %jit3A_3042, %sign3A_3051 : i32
      %sign3A_3053 = arith.extui %sign3A_3052 : i1 to i32
      %sign3A_3054 = arith.constant 0 : i32
      %sign3A_3055 = arith.cmpi slt, %jit3A_3042, %sign3A_3054 : i32
      %sign3A_3056 = arith.extui %sign3A_3055 : i1 to i32
      %sign3A_3057 = arith.subi %sign3A_3053, %sign3A_3056 : i32
      %ne3A_3058 = arith.cmpi ne, %sign3A_3050, %sign3A_3057 : i32
      %rem3A_3059 = arith.remsi %add3A_2079, %jit3A_3042 : i32
      %ne3A_3060 = arith.constant 0 : i32
      %ne3A_3061 = arith.cmpi ne, %rem3A_3059, %ne3A_3060 : i32
      %and3A_3062 = arith.andi %ne3A_3058, %ne3A_3061 : i1
      %sub3A_3063 = arith.constant 1 : i32
      %sub3A_3064 = arith.subi %div3A_3043, %sub3A_3063 : i32
      %select_n3A_3065 = arith.select %and3A_3062, %sub3A_3064, %div3A_3043 : i32
      %add3A_3066 = arith.addi %mul3A_2, %select_n3A_3065 : i32
      %jit3A_3067 = arith.constant 4 : i32
      %eq3A_3068 = arith.constant 0 : i32
      %eq3A_3069 = arith.cmpi eq, %jit3A_3067, %eq3A_3068 : i32
      %jit3A_3070 = arith.constant 1 : i32
      %select_n3A_3071 = arith.select %eq3A_3069, %jit3A_3070, %jit3A_3067 : i32
      %rem3A_3072 = arith.remsi %add3A_2079, %select_n3A_3071 : i32
      %ne3A_3073 = arith.constant 0 : i32
      %ne3A_3074 = arith.cmpi ne, %rem3A_3072, %ne3A_3073 : i32
      %lt3A_3075 = arith.constant 0 : i32
      %lt3A_3076 = arith.cmpi slt, %rem3A_3072, %lt3A_3075 : i32
      %lt3A_3077 = arith.constant 0 : i32
      %lt3A_3078 = arith.cmpi slt, %select_n3A_3071, %lt3A_3077 : i32
      %ne3A_3079 = arith.xori %lt3A_3076, %lt3A_3078 : i1
      %and3A_3080 = arith.andi %ne3A_3079, %ne3A_3074 : i1
      %add3A_3081 = arith.addi %rem3A_3072, %select_n3A_3071 : i32
      %select_n3A_3082 = arith.select %and3A_3080, %add3A_3081, %rem3A_3072 : i32
      %mul3A_3083 = arith.constant 96 : i32
      %mul3A_3084 = arith.muli %select_n3A_3082, %mul3A_3083 : i32
      %mul3A_3085 = arith.constant 147456 : i32
      %mul3A_3086 = arith.muli %add3A_3066, %mul3A_3085 : i32
      %mul3A_3087 = arith.constant 384 : i32
      %mul3A_3088 = arith.muli %mul3A_3084, %mul3A_3087 : i32
      %add3A_3089 = arith.addi %mul3A_3086, %mul3A_3088 : i32
      %dma_start3A_3090 = tpu.memref_slice %arg4[%add3A_3089] : memref<56623104xf32, #tpu.memory_space<hbm>> -> memref<36864xf32, #tpu.memory_space<hbm>>
      %dma_start3A_3091 = tpu.memref_slice %arg4[%add3A_3089] : memref<56623104xf32, #tpu.memory_space<hbm>> -> memref<36864xf32, #tpu.memory_space<hbm>>
      tpu.enqueue_dma source(%arg7 : memref<36864xf32, #tpu.memory_space<vmem>>) target(%dma_start3A_3091 : memref<36864xf32, #tpu.memory_space<hbm>>) target_semaphore(%arg14 : memref<!tpu.dma_semaphore, #tpu.memory_space<semaphore_mem>>)
      %ge3A_3092 = arith.constant 1 : i32
      %ge3A_3093 = arith.cmpi sge, %add3A_2079, %ge3A_3092 : i32
      %add3A_3094 = arith.constant 2 : i32
      %add3A_3095 = arith.addi %add3A_2079, %add3A_3094 : i32
      %lt3A_3096 = arith.constant 48 : i32
      %lt3A_3097 = arith.cmpi slt, %add3A_3095, %lt3A_3096 : i32
      %and3A_3098 = arith.andi %ge3A_3093, %lt3A_3097 : i1
      %convert_element_type3A_3099 = arith.extui %and3A_3098 : i1 to i32
      %cond3A_3100 = arith.constant 0 : i32
      %cond3A_3101 = arith.cmpi ne, %convert_element_type3A_3099, %cond3A_3100 : i32
      scf.if %cond3A_3101 {
        %dma_wait3A_3102 = arith.constant 0 : i32
        %dma_wait3A_3103 = tpu.memref_slice %arg4[%dma_wait3A_3102] : memref<56623104xf32, #tpu.memory_space<hbm>> -> memref<36864xf32, #tpu.memory_space<hbm>>
        %dma_wait3A_3104 = arith.constant 0 : i32
        %dma_wait3A_3105 = tpu.memref_slice %arg4[%dma_wait3A_3104] : memref<56623104xf32, #tpu.memory_space<hbm>> -> memref<36864xf32, #tpu.memory_space<hbm>>
        tpu.wait_dma2 semaphore(%arg13 : memref<!tpu.dma_semaphore, #tpu.memory_space<semaphore_mem>>) src(%arg6 : memref<36864xf32, #tpu.memory_space<vmem>>) dst(%dma_wait3A_3105 : memref<36864xf32, #tpu.memory_space<hbm>>)
        %add3A_3106 = arith.constant 2 : i32
        %add3A_3107 = arith.addi %add3A_2079, %add3A_3106 : i32
        %jit3A_3108 = arith.constant 4 : i32
        %div3A_3109 = arith.divsi %add3A_3107, %jit3A_3108 : i32
        %sign3A_3110 = arith.constant 0 : i32
        %sign3A_3111 = arith.cmpi sgt, %add3A_3107, %sign3A_3110 : i32
        %sign3A_3112 = arith.extui %sign3A_3111 : i1 to i32
        %sign3A_3113 = arith.constant 0 : i32
        %sign3A_3114 = arith.cmpi slt, %add3A_3107, %sign3A_3113 : i32
        %sign3A_3115 = arith.extui %sign3A_3114 : i1 to i32
        %sign3A_3116 = arith.subi %sign3A_3112, %sign3A_3115 : i32
        %sign3A_3117 = arith.constant 0 : i32
        %sign3A_3118 = arith.cmpi sgt, %jit3A_3108, %sign3A_3117 : i32
        %sign3A_3119 = arith.extui %sign3A_3118 : i1 to i32
        %sign3A_3120 = arith.constant 0 : i32
        %sign3A_3121 = arith.cmpi slt, %jit3A_3108, %sign3A_3120 : i32
        %sign3A_3122 = arith.extui %sign3A_3121 : i1 to i32
        %sign3A_3123 = arith.subi %sign3A_3119, %sign3A_3122 : i32
        %ne3A_3124 = arith.cmpi ne, %sign3A_3116, %sign3A_3123 : i32
        %rem3A_3125 = arith.remsi %add3A_3107, %jit3A_3108 : i32
        %ne3A_3126 = arith.constant 0 : i32
        %ne3A_3127 = arith.cmpi ne, %rem3A_3125, %ne3A_3126 : i32
        %and3A_3128 = arith.andi %ne3A_3124, %ne3A_3127 : i1
        %sub3A_3129 = arith.constant 1 : i32
        %sub3A_3130 = arith.subi %div3A_3109, %sub3A_3129 : i32
        %select_n3A_3131 = arith.select %and3A_3128, %sub3A_3130, %div3A_3109 : i32
        %add3A_3132 = arith.addi %mul3A_2, %select_n3A_3131 : i32
        %jit3A_3133 = arith.constant 4 : i32
        %eq3A_3134 = arith.constant 0 : i32
        %eq3A_3135 = arith.cmpi eq, %jit3A_3133, %eq3A_3134 : i32
        %jit3A_3136 = arith.constant 1 : i32
        %select_n3A_3137 = arith.select %eq3A_3135, %jit3A_3136, %jit3A_3133 : i32
        %rem3A_3138 = arith.remsi %add3A_3107, %select_n3A_3137 : i32
        %ne3A_3139 = arith.constant 0 : i32
        %ne3A_3140 = arith.cmpi ne, %rem3A_3138, %ne3A_3139 : i32
        %lt3A_3141 = arith.constant 0 : i32
        %lt3A_3142 = arith.cmpi slt, %rem3A_3138, %lt3A_3141 : i32
        %lt3A_3143 = arith.constant 0 : i32
        %lt3A_3144 = arith.cmpi slt, %select_n3A_3137, %lt3A_3143 : i32
        %ne3A_3145 = arith.xori %lt3A_3142, %lt3A_3144 : i1
        %and3A_3146 = arith.andi %ne3A_3145, %ne3A_3140 : i1
        %add3A_3147 = arith.addi %rem3A_3138, %select_n3A_3137 : i32
        %select_n3A_3148 = arith.select %and3A_3146, %add3A_3147, %rem3A_3138 : i32
        %mul3A_3149 = arith.constant 96 : i32
        %mul3A_3150 = arith.muli %select_n3A_3148, %mul3A_3149 : i32
        %mul3A_3151 = arith.constant 147456 : i32
        %mul3A_3152 = arith.muli %add3A_3132, %mul3A_3151 : i32
        %mul3A_3153 = arith.constant 384 : i32
        %mul3A_3154 = arith.muli %mul3A_3150, %mul3A_3153 : i32
        %add3A_3155 = arith.addi %mul3A_3152, %mul3A_3154 : i32
        %dma_start3A_3156 = tpu.memref_slice %arg2[%add3A_3155] : memref<56623104xf32, #tpu.memory_space<hbm>> -> memref<36864xf32, #tpu.memory_space<hbm>>
        %dma_start3A_3157 = tpu.memref_slice %arg2[%add3A_3155] : memref<56623104xf32, #tpu.memory_space<hbm>> -> memref<36864xf32, #tpu.memory_space<hbm>>
        tpu.enqueue_dma source(%dma_start3A_3157 : memref<36864xf32, #tpu.memory_space<hbm>>) target(%arg6 : memref<36864xf32, #tpu.memory_space<vmem>>) target_semaphore(%arg10 : memref<!tpu.dma_semaphore, #tpu.memory_space<semaphore_mem>>)
      } else {
      }
    }
    %scan3A_25 = arith.constant 16 : i32
    %dma_wait3A = arith.constant 0 : i32
    %dma_wait3A_26 = tpu.memref_slice %arg4[%dma_wait3A] : memref<56623104xf32, #tpu.memory_space<hbm>> -> memref<36864xf32, #tpu.memory_space<hbm>>
    %dma_wait3A_27 = arith.constant 0 : i32
    %dma_wait3A_28 = tpu.memref_slice %arg4[%dma_wait3A_27] : memref<56623104xf32, #tpu.memory_space<hbm>> -> memref<36864xf32, #tpu.memory_space<hbm>>
    tpu.wait_dma2 semaphore(%arg12 : memref<!tpu.dma_semaphore, #tpu.memory_space<semaphore_mem>>) src(%arg5 : memref<36864xf32, #tpu.memory_space<vmem>>) dst(%dma_wait3A_28 : memref<36864xf32, #tpu.memory_space<hbm>>)
    %dma_wait3A_29 = arith.constant 0 : i32
    %dma_wait3A_30 = tpu.memref_slice %arg4[%dma_wait3A_29] : memref<56623104xf32, #tpu.memory_space<hbm>> -> memref<36864xf32, #tpu.memory_space<hbm>>
    %dma_wait3A_31 = arith.constant 0 : i32
    %dma_wait3A_32 = tpu.memref_slice %arg4[%dma_wait3A_31] : memref<56623104xf32, #tpu.memory_space<hbm>> -> memref<36864xf32, #tpu.memory_space<hbm>>
    tpu.wait_dma2 semaphore(%arg13 : memref<!tpu.dma_semaphore, #tpu.memory_space<semaphore_mem>>) src(%arg6 : memref<36864xf32, #tpu.memory_space<vmem>>) dst(%dma_wait3A_32 : memref<36864xf32, #tpu.memory_space<hbm>>)
    %dma_wait3A_33 = arith.constant 0 : i32
    %dma_wait3A_34 = tpu.memref_slice %arg4[%dma_wait3A_33] : memref<56623104xf32, #tpu.memory_space<hbm>> -> memref<36864xf32, #tpu.memory_space<hbm>>
    %dma_wait3A_35 = arith.constant 0 : i32
    %dma_wait3A_36 = tpu.memref_slice %arg4[%dma_wait3A_35] : memref<56623104xf32, #tpu.memory_space<hbm>> -> memref<36864xf32, #tpu.memory_space<hbm>>
    tpu.wait_dma2 semaphore(%arg14 : memref<!tpu.dma_semaphore, #tpu.memory_space<semaphore_mem>>) src(%arg7 : memref<36864xf32, #tpu.memory_space<vmem>>) dst(%dma_wait3A_36 : memref<36864xf32, #tpu.memory_space<hbm>>)
    return
  }
}

</mosaic_0001>

<sc_bundles>
// kernel: kernel.3.cloned.1.call-start
scs
__scs_entry_jumppad:
0x0: {  	(pc) =	sbr.rel $0x88, $3  }
0x1: {  	(tag) =	ssettag $0x0;
	lr =	simm.s32 $0x1  }
0x2: {  	[smem:$0x3F9E] =	sst lr;
	_ =	strace $0xD0000000  }
0x3: {  	_ = 	snop  }
0x4: {  	_ = 	snop  }
0x5: {  	_ = 	snop  }
0x6: {  	_ = 	snop  }
0x7: {  	_ = 	snop  }
__scs_overlays_trampoline_lowered:
0x8: {  	[smem:$0x3FAD] =	sst s0  }
0x9: {  	[smem:$0x3FAE] =	sst s1  }
0xa: {  	[smem:$0x3FAF] =	sst s2  }
0xb: {  	[smem:$0x3FB0] =	sst s3  }
0xc: {  	[smem:$0x3FB1] =	sst s4  }
0xd: {  	[smem:$0x3FB2] =	sst s5  }
0xe: {  	[smem:$0x3FB3] =	sst s6  }
0xf: {  	[smem:$0x3FB4] =	sst s7  }
0x10: {  	[smem:$0x3FB5] =	sst s8  }
0x11: {  	[smem:$0x3FB6] =	sst s9;
	s0 =	simm.s32 @!p0 $0x0  }
0x12: {  	s1 =	sld [smem:$0x3F9C];
	s0 =	simm.s32 @p0 $0x1  }
0x13: {  	[smem:$0x3FB7] =	sst s0;
	s0 =	simm.s32 @!p1 $0x0  }
0x14: {  	s2 =	sld [smem:$0x3F9B];
	s0 =	simm.s32 @p1 $0x1  }
0x15: {  	[smem:$0x3FB8] =	sst s0;
	s0 =	simm.s32 @!p2 $0x0  }
0x16: {  	s3 =	sld [smem:$0x3FDB];
	s0 =	simm.s32 @p2 $0x1  }
0x17: {  	s4 =	simm.s32 $0x1BF5;
	[smem:$0x3FBA] =	sst s0  }
0x18: {  	s0 =	sld [smem:$0x3F9D];
	_ =	swait.ge [sflag:s4], $0x0  }
0x19: {  	s7 =	sld [smem:$0x3F9E]  }
0x1a: {  	s8 =	sadd.s32 $0xFFFFE003, lr  }
0x1b: {  	s9 =	sadd.s32 $0xFFFFFEF7, lr;
	s5 =	simm.s32 $0xFFFFFFFF;
	p2 =	slt.u32 s8, $0xFFFFF086  }
0x1c: {  	p1 =	slt.u32 s9, $0xF7A;
	s5 =	simm.s32 @!p2 $0x0  }
0x1d: {  	s5 =	simm.s32 @p1 $0x1;
	p0 =	seq.s32 s7, s2  }
0x1e: {  	s7 =	smul.u32 @!p0 $0xF7A, s2;
	p2 =	seq.s32 @!p0 s5, $0x0  }
0x1f: {  	s9 =	smul.u32 $0xF7A, s1;
	s8 =	simm.s32 @!p0 $0x1BF5;
	p2 =	por !p2, p0  }
0x20: {  	[sflag:s8] =	ssyncset.s32 @!p0 $0xFFFFF086;
	s6 =	sadd.s32 @!p0 s3, s7;
	s7 =	simm.s32 @!p0 $0x108  }
0x21: {  	s3 =	sadd.s32 s3, s9;
	s6 =	sadd.s32 @!p0 $0x88, s6;
	s7 =	simm.s32 @p2 $0x1082  }
0x22: {  	[simem:s7], [sflag:s8] =	dma.local @!p0 [hbm:s6], $0xF7A  }
0x23: {  	s9 =	sor.u32 $0xD0000000, s2;
	s6 =	simm.s32 $0x108;
	_ =	swait.ge @!p0 [sflag:s8], $0x0  }
0x24: {  	s3 =	sadd.s32 $0x88, s3;
	s6 =	simm.s32 @!p1 $0x1082;
	[sflag:s4] =	ssyncset.s32 $0xFFFFF086  }
0x25: {  	[simem:s6], [sflag:s4] =	dma.local [hbm:s3], $0xF7A  }
0x26: {  	[smem:$0x3F9E] =	sst s1;
	(tag) =	ssettag s2;
	_ =	strace s9  }
0x27: {  	s1 =	sld [smem:$0x3FAE]  }
0x28: {  	s2 =	sld [smem:$0x3FAF]  }
0x29: {  	s4 =	sld [smem:$0x3FB1]  }
0x2a: {  	p0 =	seq.s32 s5, $0x0;
	s5 =	sld [smem:$0x3FB2]  }
0x2b: {  	s6 =	sld [smem:$0x3FB3]  }
0x2c: {  	s7 =	sld [smem:$0x3FB4]  }
0x2d: {  	s3 =	simm.s32 $0x108;
	s8 =	sld [smem:$0x3FB5]  }
0x2e: {  	s3 =	simm.s32 @!p0 $0x1082;
	s9 =	sld [smem:$0x3FB6]  }
0x2f: {  	lr =	sadd.s32 s0, s3;
	s0 =	sld [smem:$0x3FAD]  }
0x30: {  	s3 =	sld [smem:$0x3FB0]  }
0x31: {  	[smem:$0x3FB9] =	sst s10  }
0x32: {  	s10 =	sld [smem:$0x3FB7];
	_ =	sdelay $0x3  }
0x33: {  	p0 =	seq.s32 s10, $0x1;
	s10 =	sld [smem:$0x3FB9];
	_ =	sdelay $0x3  }
0x34: {  	[smem:$0x3FB9] =	sst s10  }
0x35: {  	s10 =	sld [smem:$0x3FB8];
	_ =	sdelay $0x3  }
0x36: {  	p1 =	seq.s32 s10, $0x1;
	s10 =	sld [smem:$0x3FB9];
	_ =	sdelay $0x3  }
0x37: {  	[smem:$0x3FB9] =	sst s10  }
0x38: {  	s10 =	sld [smem:$0x3FBA]  }
0x39: {  	_ = 	snop;
	(pc) =	sbr.ind lr, $3  }
0x3a: {  	_ = 	snop  }
0x3b: {  	_ = 	snop  }
0x3c: {  	p2 =	seq.s32 s10, $0x1;
	s10 =	sld [smem:$0x3FB9]  }
0x3d: {  	_ =	shalt  }
0x3e: {  	_ =	shalt  }
0x3f: {  	_ =	shalt  }
0x40: {  	_ =	shalt  }
0x41: {  	_ =	shalt  }
0x42: {  	_ =	shalt  }
0x43: {  	_ =	shalt  }
0x44: {  	_ =	shalt  }
0x45: {  	_ =	shalt  }
0x46: {  	_ =	shalt  }
0x47: {  	_ =	shalt  }
0x48: {  	_ =	shalt  }
0x49: {  	_ =	shalt  }
0x4a: {  	_ =	shalt  }
0x4b: {  	_ =	shalt  }
0x4c: {  	_ =	shalt  }
0x4d: {  	_ =	shalt  }
0x4e: {  	_ =	shalt  }
0x4f: {  	_ =	shalt  }
0x50: {  	_ =	shalt  }
0x51: {  	_ =	shalt  }
0x52: {  	_ =	shalt  }
0x53: {  	_ =	shalt  }
0x54: {  	_ =	shalt  }
0x55: {  	_ =	shalt  }
0x56: {  	_ =	shalt  }
0x57: {  	_ =	shalt  }
0x58: {  	_ =	shalt  }
0x59: {  	_ =	shalt  }
0x5a: {  	_ =	shalt  }
0x5b: {  	_ =	shalt  }
0x5c: {  	_ =	shalt  }
0x5d: {  	_ =	shalt  }
0x5e: {  	_ =	shalt  }
0x5f: {  	_ =	shalt  }
0x60: {  	_ =	shalt  }
0x61: {  	_ =	shalt  }
0x62: {  	_ =	shalt  }
0x63: {  	_ =	shalt  }
0x64: {  	_ =	shalt  }
0x65: {  	_ =	shalt  }
0x66: {  	_ =	shalt  }
0x67: {  	_ =	shalt  }
0x68: {  	_ =	shalt  }
0x69: {  	_ =	shalt  }
0x6a: {  	_ =	shalt  }
0x6b: {  	_ =	shalt  }
0x6c: {  	_ =	shalt  }
0x6d: {  	_ =	shalt  }
0x6e: {  	_ =	shalt  }
0x6f: {  	_ =	shalt  }
0x70: {  	_ =	shalt  }
0x71: {  	_ =	shalt  }
0x72: {  	_ =	shalt  }
0x73: {  	_ =	shalt  }
0x74: {  	_ =	shalt  }
0x75: {  	_ =	shalt  }
0x76: {  	_ =	shalt  }
0x77: {  	_ =	shalt  }
0x78: {  	_ =	shalt  }
0x79: {  	_ =	shalt  }
0x7a: {  	_ =	shalt  }
0x7b: {  	_ =	shalt  }
0x7c: {  	_ =	shalt  }
0x7d: {  	_ =	shalt  }
0x7e: {  	_ =	shalt  }
0x7f: {  	_ =	shalt  }
0x80: {  	_ =	shalt  }
0x81: {  	_ =	shalt  }
0x82: {  	_ =	shalt  }
0x83: {  	_ =	shalt  }
0x84: {  	_ =	shalt  }
0x85: {  	_ =	shalt  }
0x86: {  	_ =	shalt  }
0x87: {  	_ =	shalt  }
.Lfunc_end0:
.L_simem_size_0:
called_computation_lowered:
.L_overlay_start_0:
0x88: {  	s2 =	sld [smem:$0x3FD9]  }
0x89: {  	s3 =	sld [smem:$0x3FFE];
	_ =	sdelay $0x1  }
0x8a: {  	s1 =	srdreg.scid  }
0x8b: {  	s0 =	sand.u32 $0x1, s1  }
0x8c: {  	s17 =	sshll.u32 s0, $0xA;
	s2 =	sadd.s32 s3, s2  }
0x8d: {  	s2 =	sadd.s32 s2, s17  }
0x8e: {  	[smem:$0x3FC5] =	sst s2  }
0x8f: {  	_ = 	snop  }
0x90: {  	s2 =	sld [smem:$0x3FD0];
	(tm) =	ssettm $0x1  }
0x91: {  	s18 =	sld [smem:$0x3FFB];
	_ =	sdelay $0x3  }
0x92: {  	_ =	strace s18  }
0x93: {  	s3 =	sld [smem:$0x3FFC];
	_ =	sdelay $0x3  }
0x94: {  	_ =	strace s3  }
0x95: {  	s3 =	sld [smem:$0x3FFD];
	_ =	sdelay $0x3  }
0x96: {  	_ =	strace s3  }
0x97: {  	_ =	strace $0x8FFFFFFF  }
0x98: {  	s19 =	sld [smem:$0x3FDB];
	_ =	sdelay $0x1  }
0x99: {  	s4 =	simm.s32 $_scs_section_size  }
0x9a: {  	s5 =	simm.s32 $_size__tile_overlayer_lowered;
	s6 =	simm.s32 $_tile_overlayer_lowered  }
0x9b: {  	s22 =	simm.s32 $0x1BFF;
	s21 =	sshll.u32 s6, $0x1;
	s3 =	sadd.s32 s4, s19  }
0x9c: {  	s7 =	simm.s32 $0x0;
	s20 =	sshll.u32 s5, $0x1;
	s5 =	sadd.s32 s21, s3  }
0x9d: {  	[timem:s7], [sflag:s22] =	dma.local [hbm:s5], s20  }
0x9e: {  	_ =	swait.ge [sflag:s22], s20  }
0x9f: {  	s4 =	ssub.s32 $0x0, s20;
	[sflag:s22] =	ssyncset.done $0x0  }
0xa0: {  	[sflag:s22] =	ssyncadd.s32 s4;
	_ =	sdelay $0x1  }
0xa1: {  	s23 =	simm.s32 $0x1B8B  }
0xa2: {  	_ =	swait.ge [sflag:s23], $0x1  }
0xa3: {  	[sflag:s23] =	ssyncset.done $0x0  }
0xa4: {  	s25 =	simm.s32 $0x1B8E;
	s24 =	sld [smem:$0x3FFE];
	[sflag:s23] =	ssyncadd.s32 $0xFFFFFFFF  }
0xa5: {  	s26 =	simm.s32 $execute0_lowered;
	[smem:$0x3FD2] =	sst s25  }
0xa6: {  	s5 =	sshll.u32 s26, $0x1;
	_ =	strace $0x80000046;
	[dreg:$0x1] =	wrdreg $0xFFFFFFFF  }
0xa7: {  	s28 =	simm.s32 $_size_execute0_lowered;
	s3 =	sadd.s32 s3, s5;
	[dreg:$0x0] =	wrdreg $0x0  }
0xa8: {  	s5 =	sshll.u32 s28, $0x1;
	[dreg:$0x2] =	wrdreg s3  }
0xa9: {  	[dreg:$0x3] =	wrdreg s5  }
0xaa: {  	[dreg:$0x4] =	wrdreg $0xC0  }
0xab: {  	_ =	task [dreg:s7], $0x5FFFF  }
0xac: {  	[dreg:$0x1] =	wrdreg $0xFFFFFFFF  }
0xad: {  	[dreg:$0x0] =	wrdreg $0x60  }
0xae: {  	[dreg:$0x2] =	wrdreg s2  }
0xaf: {  	[dreg:$0x3] =	wrdreg s24  }
0xb0: {  	[dreg:$0x4] =	wrdreg $0x9  }
0xb1: {  	_ =	task.clear_ibuf [dreg:s7], $0x5FFFF;
	_ =	strace $0x90000046  }
0xb2: {  	s29 =	simm.s32 $0x9;
	_ =	strace $0x80000048  }
0xb3: {  	_ =	swait.ge [sflag:s29], $0x1  }
0xb4: {  	[sflag:s29] =	ssyncadd.s32 $0xFFFFFFFF  }
0xb5: {  	_ =	strace $0x90000048  }
0xb6: {  	_ =	sfence  }
0xb7: {  	s30 =	sld [smem:$0x0];
	_ =	sdelay $0x2  }
0xb8: {  	s31 =	sshll.u32 s1, $0xD;
	s1 =	sshrl.u32 s1, $0x2  }
0xb9: {  	s3 =	sand.u32 $0x4000, s31;
	s1 =	sadd.s32 s1, s30  }
0xba: {  	s0 =	sor.u32 s3, s0;
	s1 =	sshll.u32 s1, $0x11  }
0xbb: {  	s0 =	sor.u32 s1, s0  }
0xbc: {  	s0 =	sadd.s32 $0x8F2B, s0  }
0xbd: {  	[sflag:s0] =	ssyncadd.remote.s32 $0x1  }
0xbe: {  	_ =	sfence.sel $0xFFFF  }
0xbf: {  	[dreg:$0x0] =	wrdreg $0xFFFFFFFF;
	(pc) =	sbr.abs _section_cstart, $3  }
0xc0: {  	[dreg:$0x1] =	wrdreg $0xFFFFFFFF  }
0xc1: {  	_ =	task.clear_ibuf [dreg:s7], $0x2FFFF;
	_ =	strace $0x9FFFFFFF  }
0xc2: {  	(tm) =	ssettm $0x7FFFFFFF  }
0xc3: {  	_ =	shalt  }
tec
execute0_lowered:
.L_overlay_start_1:
0x0: {  	(tag) =	ssettag $0x1  }
0x1: {  	s0 =	srdreg.scid;
	s2 =	rddreg [dreg:$0x0]  }
0x2: {  	s1 =	stileid.u32;
	s4 =	rddreg [dreg:$0x1]  }
0x3: {  	s3 =	simm.s32 $0x0;
	s13 =	simm.s32 $0x9000;
	s14 =	simm.s32 $0x1  }
0x4: {  	s15 =	simm.s32 $0x2;
	s16 =	simm.s32 $0x12000;
	s17 =	simm.s32 $0x3  }
0x5: {  	s19 =	simm.s32 $0x5;
	s0 =	sand.u32 $0x1, s0;
	s1 =	sshll.u32 s1, $0x1  }
0x6: {  	s20 =	simm.s32 $0x6;
	s1 =	sor.u32 s0, s1;
	s0 =	ssub.s32 $0x2, s0  }
0x7: {  	[smem:$0x7FF] =	sst s3;
	s5 =	smul.u32 $0x18, s1;
	s29 =	sshrl.u32 s0, $0x1  }
0x8: {  	_ =	strace $0x80000047;
	s7 =	smul.u32 $0x1B0000, s1;
	s0 =	ssub.s32 s0, s29  }
.Ltmp0:
0x9: {  	s8 =	sadd.s32 s5, s4;
	s0 =	smax.u32 s0, $0x1;
	(pc) =	sbr.rel .LBB2_1-.Ltmp0, $4  }
0xa: {  	s6 =	sshrl.u32 s7, $0x3;
	s31 =	sadd.s32 $0x400, s8;
	[dreg:$0x6] =	wrdreg s0  }
0xb: {  	s21 =	simm.s32 $0x0;
	s30 =	sadd.s32 s2, s6;
	[dreg:$0x4] =	wrdreg s31  }
0xc: {  	s5 =	smul.u32 $0xC, s1;
	[dreg:$0x3] =	wrdreg s30;
	s1 =	sadd.s32 $0x1200, s30  }
0xd: {  	v0 =	vlaneseq.u32;
	v1 =	vimm.f32 $0.0e+00;
	s4 =	sadd.s32 $0x800, s4;
	s9 =	sadd.s32 $0x12000, s7;
	[dreg:$0x5] =	wrdreg s1  }
.LBB2_196:
0xe: {  	s0 =	simm.s32 $0x4  }
0xf: {  	_ =	swait.ge [sflag:s0], $0x9000  }
0x10: {  	[sflag:s0] =	ssyncset.done $0x0  }
0x11: {  	[sflag:s0] =	ssyncadd.s32 $0xFFFF7000  }
0x12: {  	_ =	swait.ge [sflag:s19], $0x9000  }
0x13: {  	[sflag:s19] =	ssyncset.done $0x0  }
0x14: {  	[sflag:s19] =	ssyncadd.s32 $0xFFFF7000  }
0x15: {  	_ =	swait.ge [sflag:s20], $0x9000  }
0x16: {  	s21 =	sadd.s32 $0x1, s21;
	s31 =	rddreg [dreg:$0x6]  }
0x17: {  	p0 =	sne.s32 s21, s31  }
.Ltmp1:
0x18: {  	_ = 	snop;
	(pc) =	sbr.rel @!p0 .LBB2_197-.Ltmp1, $3  }
0x19: {  	_ =	sdelay $0x1  }
0x1a: {  	[sflag:s20] =	ssyncset.done $0x0  }
0x1b: {  	[sflag:s20] =	ssyncadd.s32 $0xFFFF7000  }
.LBB2_1:
0x1c: {  	s0 =	rddreg [dreg:$0x4];
	s1 =	simm.s32 $0x1B000;
	s29 =	simm.s32 $0x7  }
0x1d: {  	[tilespmem:s1], [sflag:$0x7] =	stream.linear.gather [hbm4b:s0+s3], $0xC0, $0x38;
	[tilespmem:$0x1B100] =	vst v63  }
0x1e: {  	_ =	swait.ge [sflag:s29], $0xC0  }
0x1f: {  	[sflag:s29] =	ssyncset.done $0x0  }
0x20: {  	s22 =	simm.s32 $0x1;
	s30 =	rddreg [dreg:$0x3];
	[sflag:s29] =	ssyncadd.s32 $0xFFFFFF40  }
0x21: {  	[tilespmem:s3], [sflag:$0x1] =	stream.linear.gather [hbm4b:s30+s3], $0x9000, $0x38;
	[tilespmem:$0x1B100] =	vst v63  }
0x22: {  	s23 =	simm.s32 $0x0;
	s24 =	simm.s32 $0x0;
	s31 =	rddreg [dreg:$0x5]  }
0x23: {  	[tilespmem:s13], [sflag:$0x2] =	stream.linear.gather [hbm4b:s31+s3], $0x9000, $0x38;
	[tilespmem:$0x1B100] =	vst v63  }
.LBB2_2:
0x24: {  	s25 =	smul.u32 $0x3, s24  }
0x25: {  	_ =	swait.ge [sflag:s14], $0x9000  }
0x26: {  	[sflag:s14] =	ssyncset.done $0x0;
	s0 =	sshll.u32 s25, $0x2  }
0x27: {  	[sflag:s14] =	ssyncadd.s32 $0xFFFF7000;
	s0 =	sand.u32 $0x3FFFFFF0, s0  }
0x28: {  	v2 =	vld [tilespmem:s0+$0x1B000];
	_ =	sdelay $0x4  }
0x29: {  	(v2sf) =	vpush v2, $0x0;
	_ =	sdelay $0xc  }
0x2a: {  	(v2sf) =	vpush v2, $0x8;
	_ =	sdelay $0x1  }
0x2b: {  	s0 =	spop (v2sf)  }
0x2c: {  	s26 =	sand.u32 $0x3, s25;
	p0 =	sgt.s32 s0, $0x0  }
0x2d: {  	s29 =	smul.u32 $0x60, s26;
	s0 =	simm.s32 @!p0 $0x0  }
0x2e: {  	s1 =	smin.u32 s0, $0x13F  }
0x2f: {  	s7 =	smin.u32 s0, $0x17F;
	s0 =	ssub.s32 s1, s29  }
0x30: {  	s1 =	ssub.s32 s7, s29;
	p0 =	slt.s32 s0, $0x20  }
0x31: {  	s0 =	simm.s32 @!p0 $0x20;
	p0 =	sgt.s32 s1, $0x0  }
0x32: {  	s1 =	simm.s32 @!p0 $0x0;
	s0 =	sadd.s32 $0x40, s0  }
0x33: {  	p0 =	sle.s32 s0, s1  }
.Ltmp2:
0x34: {  	_ = 	snop;
	(pc) =	sbr.rel @p0 .LBB2_10-.Ltmp2, $3  }
0x35: {  	_ =	sdelay $0x1  }
0x36: {  	s8 =	sand.u32 $0x3, s23  }
0x37: {  	s28 =	smul.u32 $0x60, s8;
	s8 =	spop (v2sf)  }
0x38: {  	p0 =	sgt.s32 s8, $0x0  }
0x39: {  	p1 =	slt.s32 s8, $0x1;
	s8 =	simm.s32 @!p0 $0x0  }
0x3a: {  	s30 =	smin.u32 s8, $0x17F  }
0x3b: {  	s11 =	sand.u32 $0xF, s30  }
0x3c: {  	p6 =	sne.s32 s11, $0x0  }
0x3d: {  	p0 =	por !p1, !p6  }
0x3e: {  	s11 =	simm.s32 $0xFFFFFFFF;
	p0 =	por !p0, !p0  }
0x3f: {  	s11 =	simm.s32 @!p0 $0x0  }
0x40: {  	s11 =	sshll.u32 s11, $0x4  }
0x41: {  	s11 =	sadd.s32 s30, s11  }
0x42: {  	s8 =	smin.u32 s8, $0x13F;
	s11 =	sand.u32 $0xFFFFFFF0, s11  }
0x43: {  	s8 =	sadd.s32 $0x40, s8;
	v3 =	vor.u32 s11, v0  }
0x44: {  	s31 =	sadd.s32 $0x10, s11;
	s10 =	sadd.s32 $0x20, s11;
	vm0 =	vge.s32 v3, s30;
	vm1 =	vlt.s32 v3, s8  }
0x45: {  	s12 =	sadd.s32 $0x30, s11;
	vm2 =	vlt.s32 v3, $0x17F;
	v4 =	vor.u32 s31, v0;
	v5 =	vor.u32 s10, v0  }
0x46: {  	v6 =	vor.u32 s12, v0;
	vm0 =	vmand vm0, vm1;
	v3 =	vnsel vm2, $0x17F, v3  }
0x47: {  	s7 =	ssub.s32 s7, s28;
	vm1 =	vge.s32 v4, s30;
	vm2 =	vlt.s32 v4, s8;
	vm3 =	vlt.s32 v4, $0x17F  }
0x48: {  	p0 =	sgt.s32 s7, $0x0;
	vm4 =	vlt.s32 v5, $0x17F;
	vm5 =	vlt.s32 v6, $0x17F;
	vm1 =	vmand vm1, vm2  }
0x49: {  	s7 =	simm.s32 @!p0 $0x0;
	v4 =	vnsel vm3, $0x17F, v4;
	vm2 =	vge.s32 v5, s30;
	vm3 =	vlt.s32 v5, s8  }
0x4a: {  	p0 =	sgt.s32 s0, s1;
	s18 =	sadd.s32 $0x40, s11;
	s11 =	smov.u32 s1;
	v5 =	vnsel vm4, $0x17F, v5;
	vm4 =	vlt.s32 v6, s8;
	v7 =	vnsel vm5, $0x17F, v6  }
0x4b: {  	s1 =	sadd.s32 $0x1, s1;
	s11 =	smov.u32 @p0 s0;
	vm2 =	vmand vm2, vm3;
	vm3 =	vge.s32 v6, s30;
	v6 =	vor.u32 s18, v0  }
0x4c: {  	p1 =	slt.u32 s1, s11;
	vm3 =	vmand vm3, vm4;
	vm4 =	vge.s32 v6, s30;
	vm5 =	vlt.s32 v6, s8  }
.Ltmp3:
0x4d: {  	vm4 =	vmand vm4, vm5;
	(pc) =	sbr.rel @!p1 .LBB2_4-.Ltmp3, $3  }
0x4e: {  	s7 =	smul.u32 $0x180, s7;
	_ =	sdelay $0x1  }
0x4f: {  	v10 =	vadd.s32 s7, v3;
	v13 =	vadd.s32 s7, v7;
	vm6 =	vlt.s32 v6, $0x17F  }
0x50: {  	s0 =	sadd.s32 $0x180, s7;
	p0 =	por $0x0, $0x0;
	v9 =	vadd.s32 s7, v4;
	v8 =	vadd.s32 s7, v5;
	v6 =	vnsel vm6, $0x17F, v6  }
0x51: {  	_ =	sdelay $0x1  }
0x52: {  	s1 =	sadd.s32 $0x1, s1  }
0x53: {  	p1 =	slt.u32 s1, s11  }
.Ltmp4:
0x54: {  	_ = 	snop;
	(pc) =	sbr.rel @!p1 .LBB2_6-.Ltmp4, $4  }
0x55: {  	[tilespmem:v10+s3+$0x0] =	vst.idx.msk vm0, v1;
	v11 =	vadd.s32 s7, v6  }
0x56: {  	[tilespmem:v9+s3+$0x0] =	vst.idx.msk vm1, v1  }
0x57: {  	v10 =	vadd.s32 s0, v3;
	[tilespmem:v8+s3+$0x0] =	vst.idx.msk vm2, v1  }
0x58: {  	v12 =	vadd.s32 s0, v7;
	s7 =	sadd.s32 $0x180, s0;
	p0 =	por $0x1, $0x1;
	v9 =	vadd.s32 s0, v4;
	v8 =	vadd.s32 s0, v5;
	[tilespmem:v13+s3+$0x0] =	vst.idx.msk vm3, v1  }
.LBB2_7:
0x59: {  	s1 =	sadd.s32 $0x1, s1  }
0x5a: {  	v13 =	vadd.s32 s7, v7;
	[tilespmem:v11+s3+$0x0] =	vst.idx.msk vm4, v1;
	p1 =	slt.u32 s1, s11  }
.Ltmp5:
0x5b: {  	v11 =	vadd.s32 s0, v6;
	s0 =	smov.u32 s7;
	(pc) =	sbr.rel @p1 .LBB2_7-.Ltmp5, $4  }
0x5c: {  	[tilespmem:v10+s3+$0x0] =	vst.idx.msk vm0, v1  }
0x5d: {  	v10 =	vadd.s32 s7, v3;
	[tilespmem:v9+s3+$0x0] =	vst.idx.msk vm1, v1  }
0x5e: {  	v9 =	vadd.s32 s7, v4;
	[tilespmem:v8+s3+$0x0] =	vst.idx.msk vm2, v1  }
0x5f: {  	s7 =	sadd.s32 $0x180, s7;
	v8 =	vadd.s32 s0, v5;
	[tilespmem:v12+s3+$0x0] =	vst.idx.msk vm3, v1;
	v12 =	vmov v13  }
0x60: {  	s7 =	smov.u32 s0;
	v13 =	vmov v12  }
.LBB2_9:
0x61: {  	_ =	sdelay $0x4  }
0x62: {  	[tilespmem:v11+s3+$0x0] =	vst.idx.msk @p0 vm4, v1;
	v3 =	vadd.s32 s7, v6  }
0x63: {  	[tilespmem:v10+s3+$0x0] =	vst.idx.msk vm0, v1  }
0x64: {  	[tilespmem:v9+s3+$0x0] =	vst.idx.msk vm1, v1  }
0x65: {  	[tilespmem:v8+s3+$0x0] =	vst.idx.msk vm2, v1  }
0x66: {  	[tilespmem:v13+s3+$0x0] =	vst.idx.msk vm3, v1  }
0x67: {  	[tilespmem:v3+s3+$0x0] =	vst.idx.msk vm4, v1  }
.LBB2_10:
0x68: {  	(v2sf) =	vpush v2, $0x1;
	_ =	sdelay $0xc  }
0x69: {  	(v2sf) =	vpush v2, $0x9;
	_ =	sdelay $0x1  }
0x6a: {  	s0 =	spop (v2sf)  }
0x6b: {  	p0 =	sgt.s32 s0, $0x0  }
0x6c: {  	s0 =	simm.s32 @!p0 $0x0  }
0x6d: {  	s7 =	smin.u32 s0, $0x13F  }
0x6e: {  	s1 =	smin.u32 s0, $0x17F;
	s7 =	ssub.s32 s7, s29  }
0x6f: {  	s0 =	ssub.s32 s1, s29;
	p0 =	slt.s32 s7, $0x20  }
0x70: {  	s7 =	simm.s32 @!p0 $0x20;
	p0 =	sgt.s32 s0, $0x0  }
0x71: {  	s0 =	simm.s32 @!p0 $0x0;
	s7 =	sadd.s32 $0x40, s7  }
0x72: {  	p0 =	sle.s32 s7, s0  }
.Ltmp6:
0x73: {  	_ = 	snop;
	(pc) =	sbr.rel @p0 .LBB2_18-.Ltmp6, $2  }
0x74: {  	_ =	sdelay $0x2  }
0x75: {  	s8 =	spop (v2sf)  }
0x76: {  	p0 =	sgt.s32 s8, $0x0  }
0x77: {  	p1 =	slt.s32 s8, $0x1;
	s8 =	simm.s32 @!p0 $0x0  }
0x78: {  	s30 =	smin.u32 s8, $0x17F  }
0x79: {  	s11 =	sand.u32 $0xF, s30  }
0x7a: {  	p6 =	sne.s32 s11, $0x0  }
0x7b: {  	p0 =	por !p1, !p6  }
0x7c: {  	s11 =	simm.s32 $0xFFFFFFFF;
	p0 =	por !p0, !p0  }
0x7d: {  	s11 =	simm.s32 @!p0 $0x0  }
0x7e: {  	s11 =	sshll.u32 s11, $0x4  }
0x7f: {  	s11 =	sadd.s32 s30, s11  }
0x80: {  	s8 =	smin.u32 s8, $0x13F;
	s11 =	sand.u32 $0xFFFFFFF0, s11  }
0x81: {  	s8 =	sadd.s32 $0x40, s8;
	v3 =	vor.u32 s11, v0  }
0x82: {  	s31 =	sadd.s32 $0x10, s11;
	s12 =	sadd.s32 $0x20, s11;
	vm0 =	vge.s32 v3, s30;
	vm1 =	vlt.s32 v3, s8  }
0x83: {  	s18 =	sadd.s32 $0x30, s11;
	vm2 =	vlt.s32 v3, $0x17F;
	v4 =	vor.u32 s31, v0;
	v5 =	vor.u32 s12, v0  }
0x84: {  	v6 =	vor.u32 s18, v0;
	vm0 =	vmand vm0, vm1;
	v3 =	vnsel vm2, $0x17F, v3  }
0x85: {  	vm1 =	vge.s32 v4, s30;
	vm2 =	vlt.s32 v4, s8;
	vm3 =	vlt.s32 v4, $0x17F  }
0x86: {  	s10 =	ssub.s32 s1, s28;
	vm4 =	vlt.s32 v5, $0x17F;
	vm5 =	vlt.s32 v6, $0x17F;
	vm1 =	vmand vm1, vm2  }
0x87: {  	s1 =	smov.u32 s0;
	p0 =	sgt.s32 s10, $0x0;
	v4 =	vnsel vm3, $0x17F, v4;
	vm2 =	vge.s32 v5, s30;
	vm3 =	vlt.s32 v5, s8  }
0x88: {  	s10 =	simm.s32 @!p0 $0x0;
	p0 =	sgt.s32 s7, s0;
	s11 =	sadd.s32 $0x40, s11;
	v5 =	vnsel vm4, $0x17F, v5;
	vm4 =	vlt.s32 v6, s8;
	v7 =	vnsel vm5, $0x17F, v6  }
0x89: {  	s1 =	smov.u32 @p0 s7;
	s7 =	sadd.s32 $0x1, s0;
	vm2 =	vmand vm2, vm3;
	vm3 =	vge.s32 v6, s30;
	v6 =	vor.u32 s11, v0  }
0x8a: {  	p1 =	slt.u32 s7, s1;
	vm3 =	vmand vm3, vm4;
	vm4 =	vge.s32 v6, s30;
	vm5 =	vlt.s32 v6, s8  }
.Ltmp7:
0x8b: {  	vm4 =	vmand vm4, vm5;
	(pc) =	sbr.rel @!p1 .LBB2_12-.Ltmp7, $4  }
0x8c: {  	s11 =	smul.u32 $0x180, s10  }
0x8d: {  	vm6 =	vlt.s32 v6, $0x17F  }
0x8e: {  	v6 =	vnsel vm6, $0x17F, v6;
	v13 =	vadd.s32 s11, v7  }
0x8f: {  	p0 =	por $0x0, $0x0;
	v10 =	vadd.s32 s11, v3;
	v9 =	vadd.s32 s11, v4;
	v8 =	vadd.s32 s11, v5;
	s0 =	sadd.s32 $0x180, s11  }
0x90: {  	_ =	sdelay $0x1  }
0x91: {  	s7 =	sadd.s32 $0x1, s7  }
0x92: {  	p1 =	slt.u32 s7, s1  }
.Ltmp8:
0x93: {  	_ = 	snop;
	(pc) =	sbr.rel @!p1 .LBB2_14-.Ltmp8, $4  }
0x94: {  	[tilespmem:v10+s3+$0x0] =	vst.idx.msk vm0, v1;
	v11 =	vadd.s32 s11, v6  }
0x95: {  	[tilespmem:v9+s3+$0x0] =	vst.idx.msk vm1, v1  }
0x96: {  	v10 =	vadd.s32 s0, v3;
	[tilespmem:v8+s3+$0x0] =	vst.idx.msk vm2, v1  }
0x97: {  	v12 =	vadd.s32 s0, v7;
	s8 =	sadd.s32 $0x180, s0;
	p0 =	por $0x1, $0x1;
	v9 =	vadd.s32 s0, v4;
	v8 =	vadd.s32 s0, v5;
	[tilespmem:v13+s3+$0x0] =	vst.idx.msk vm3, v1  }
.LBB2_15:
0x98: {  	s7 =	sadd.s32 $0x1, s7  }
0x99: {  	v13 =	vadd.s32 s8, v7;
	[tilespmem:v11+s3+$0x0] =	vst.idx.msk vm4, v1;
	p1 =	slt.u32 s7, s1  }
.Ltmp9:
0x9a: {  	v11 =	vadd.s32 s0, v6;
	s0 =	smov.u32 s8;
	(pc) =	sbr.rel @p1 .LBB2_15-.Ltmp9, $4  }
0x9b: {  	[tilespmem:v10+s3+$0x0] =	vst.idx.msk vm0, v1  }
0x9c: {  	v10 =	vadd.s32 s8, v3;
	[tilespmem:v9+s3+$0x0] =	vst.idx.msk vm1, v1  }
0x9d: {  	v9 =	vadd.s32 s8, v4;
	[tilespmem:v8+s3+$0x0] =	vst.idx.msk vm2, v1  }
0x9e: {  	s8 =	sadd.s32 $0x180, s8;
	v8 =	vadd.s32 s0, v5;
	[tilespmem:v12+s3+$0x0] =	vst.idx.msk vm3, v1;
	v12 =	vmov v13  }
0x9f: {  	s11 =	smov.u32 s0;
	v13 =	vmov v12  }
.LBB2_17:
0xa0: {  	_ =	sdelay $0x4  }
0xa1: {  	[tilespmem:v11+s3+$0x0] =	vst.idx.msk @p0 vm4, v1;
	v3 =	vadd.s32 s11, v6  }
0xa2: {  	[tilespmem:v10+s3+$0x0] =	vst.idx.msk vm0, v1  }
0xa3: {  	[tilespmem:v9+s3+$0x0] =	vst.idx.msk vm1, v1  }
0xa4: {  	[tilespmem:v8+s3+$0x0] =	vst.idx.msk vm2, v1  }
0xa5: {  	[tilespmem:v13+s3+$0x0] =	vst.idx.msk vm3, v1  }
0xa6: {  	[tilespmem:v3+s3+$0x0] =	vst.idx.msk vm4, v1  }
.LBB2_18:
0xa7: {  	(v2sf) =	vpush v2, $0x2;
	_ =	sdelay $0xc  }
0xa8: {  	(v2sf) =	vpush v2, $0xA;
	_ =	sdelay $0x1  }
0xa9: {  	s0 =	spop (v2sf)  }
0xaa: {  	p0 =	sgt.s32 s0, $0x0  }
0xab: {  	s0 =	simm.s32 @!p0 $0x0  }
0xac: {  	s7 =	smin.u32 s0, $0x13F  }
0xad: {  	s1 =	smin.u32 s0, $0x17F;
	s7 =	ssub.s32 s7, s29  }
0xae: {  	s0 =	ssub.s32 s1, s29;
	p0 =	slt.s32 s7, $0x20  }
0xaf: {  	s7 =	simm.s32 @!p0 $0x20;
	p0 =	sgt.s32 s0, $0x0  }
0xb0: {  	s0 =	simm.s32 @!p0 $0x0;
	s7 =	sadd.s32 $0x40, s7  }
0xb1: {  	p0 =	sle.s32 s7, s0  }
.Ltmp10:
0xb2: {  	_ = 	snop;
	(pc) =	sbr.rel @p0 .LBB2_26-.Ltmp10, $2  }
0xb3: {  	_ =	sdelay $0x2  }
0xb4: {  	s8 =	spop (v2sf)  }
0xb5: {  	p0 =	sgt.s32 s8, $0x0  }
0xb6: {  	p1 =	slt.s32 s8, $0x1;
	s8 =	simm.s32 @!p0 $0x0  }
0xb7: {  	s10 =	smin.u32 s8, $0x17F  }
0xb8: {  	s11 =	sand.u32 $0xF, s10  }
0xb9: {  	p6 =	sne.s32 s11, $0x0  }
0xba: {  	p0 =	por !p1, !p6  }
0xbb: {  	s11 =	simm.s32 $0xFFFFFFFF;
	p0 =	por !p0, !p0  }
0xbc: {  	s11 =	simm.s32 @!p0 $0x0  }
0xbd: {  	s11 =	sshll.u32 s11, $0x4  }
0xbe: {  	s11 =	sadd.s32 s10, s11  }
0xbf: {  	s8 =	smin.u32 s8, $0x13F;
	s11 =	sand.u32 $0xFFFFFFF0, s11  }
0xc0: {  	s8 =	sadd.s32 $0x40, s8;
	v3 =	vor.u32 s11, v0  }
0xc1: {  	s30 =	sadd.s32 $0x10, s11;
	s12 =	sadd.s32 $0x20, s11;
	vm0 =	vge.s32 v3, s10;
	vm1 =	vlt.s32 v3, s8  }
0xc2: {  	s18 =	sadd.s32 $0x30, s11;
	vm2 =	vlt.s32 v3, $0x17F;
	v4 =	vor.u32 s30, v0;
	v5 =	vor.u32 s12, v0  }
0xc3: {  	v6 =	vor.u32 s18, v0;
	vm0 =	vmand vm0, vm1;
	v3 =	vnsel vm2, $0x17F, v3  }
0xc4: {  	vm1 =	vge.s32 v4, s10;
	vm2 =	vlt.s32 v4, s8;
	vm3 =	vlt.s32 v4, $0x17F  }
0xc5: {  	s31 =	ssub.s32 s1, s28;
	vm4 =	vlt.s32 v5, $0x17F;
	vm5 =	vlt.s32 v6, $0x17F;
	vm1 =	vmand vm1, vm2  }
0xc6: {  	s1 =	smov.u32 s0;
	p0 =	sgt.s32 s31, $0x0;
	v4 =	vnsel vm3, $0x17F, v4;
	vm2 =	vge.s32 v5, s10;
	vm3 =	vlt.s32 v5, s8  }
0xc7: {  	s31 =	simm.s32 @!p0 $0x0;
	p0 =	sgt.s32 s7, s0;
	s11 =	sadd.s32 $0x40, s11;
	v5 =	vnsel vm4, $0x17F, v5;
	vm4 =	vlt.s32 v6, s8;
	v7 =	vnsel vm5, $0x17F, v6  }
0xc8: {  	s1 =	smov.u32 @p0 s7;
	s7 =	sadd.s32 $0x1, s0;
	vm2 =	vmand vm2, vm3;
	vm3 =	vge.s32 v6, s10;
	v6 =	vor.u32 s11, v0  }
0xc9: {  	p1 =	slt.u32 s7, s1;
	vm3 =	vmand vm3, vm4;
	vm4 =	vge.s32 v6, s10;
	vm5 =	vlt.s32 v6, s8  }
.Ltmp11:
0xca: {  	vm4 =	vmand vm4, vm5;
	(pc) =	sbr.rel @!p1 .LBB2_20-.Ltmp11, $4  }
0xcb: {  	s11 =	smul.u32 $0x180, s31  }
0xcc: {  	vm6 =	vlt.s32 v6, $0x17F  }
0xcd: {  	v6 =	vnsel vm6, $0x17F, v6;
	v13 =	vadd.s32 s11, v7  }
0xce: {  	p0 =	por $0x0, $0x0;
	v10 =	vadd.s32 s11, v3;
	v9 =	vadd.s32 s11, v4;
	v8 =	vadd.s32 s11, v5;
	s0 =	sadd.s32 $0x180, s11  }
0xcf: {  	_ =	sdelay $0x1  }
0xd0: {  	s7 =	sadd.s32 $0x1, s7  }
0xd1: {  	p1 =	slt.u32 s7, s1  }
.Ltmp12:
0xd2: {  	_ = 	snop;
	(pc) =	sbr.rel @!p1 .LBB2_22-.Ltmp12, $4  }
0xd3: {  	[tilespmem:v10+s3+$0x0] =	vst.idx.msk vm0, v1;
	v11 =	vadd.s32 s11, v6  }
0xd4: {  	[tilespmem:v9+s3+$0x0] =	vst.idx.msk vm1, v1  }
0xd5: {  	v10 =	vadd.s32 s0, v3;
	[tilespmem:v8+s3+$0x0] =	vst.idx.msk vm2, v1  }
0xd6: {  	v12 =	vadd.s32 s0, v7;
	s8 =	sadd.s32 $0x180, s0;
	p0 =	por $0x1, $0x1;
	v9 =	vadd.s32 s0, v4;
	v8 =	vadd.s32 s0, v5;
	[tilespmem:v13+s3+$0x0] =	vst.idx.msk vm3, v1  }
.LBB2_23:
0xd7: {  	s7 =	sadd.s32 $0x1, s7  }
0xd8: {  	v13 =	vadd.s32 s8, v7;
	[tilespmem:v11+s3+$0x0] =	vst.idx.msk vm4, v1;
	p1 =	slt.u32 s7, s1  }
.Ltmp13:
0xd9: {  	v11 =	vadd.s32 s0, v6;
	s0 =	smov.u32 s8;
	(pc) =	sbr.rel @p1 .LBB2_23-.Ltmp13, $4  }
0xda: {  	[tilespmem:v10+s3+$0x0] =	vst.idx.msk vm0, v1  }
0xdb: {  	v10 =	vadd.s32 s8, v3;
	[tilespmem:v9+s3+$0x0] =	vst.idx.msk vm1, v1  }
0xdc: {  	v9 =	vadd.s32 s8, v4;
	[tilespmem:v8+s3+$0x0] =	vst.idx.msk vm2, v1  }
0xdd: {  	s8 =	sadd.s32 $0x180, s8;
	v8 =	vadd.s32 s0, v5;
	[tilespmem:v12+s3+$0x0] =	vst.idx.msk vm3, v1;
	v12 =	vmov v13  }
0xde: {  	s11 =	smov.u32 s0;
	v13 =	vmov v12  }
.LBB2_25:
0xdf: {  	_ =	sdelay $0x4  }
0xe0: {  	[tilespmem:v11+s3+$0x0] =	vst.idx.msk @p0 vm4, v1;
	v3 =	vadd.s32 s11, v6  }
0xe1: {  	[tilespmem:v10+s3+$0x0] =	vst.idx.msk vm0, v1  }
0xe2: {  	[tilespmem:v9+s3+$0x0] =	vst.idx.msk vm1, v1  }
0xe3: {  	[tilespmem:v8+s3+$0x0] =	vst.idx.msk vm2, v1  }
0xe4: {  	[tilespmem:v13+s3+$0x0] =	vst.idx.msk vm3, v1  }
0xe5: {  	[tilespmem:v3+s3+$0x0] =	vst.idx.msk vm4, v1  }
.LBB2_26:
0xe6: {  	(v2sf) =	vpush v2, $0x3;
	_ =	sdelay $0xc  }
0xe7: {  	(v2sf) =	vpush v2, $0xB;
	_ =	sdelay $0x1  }
0xe8: {  	s0 =	spop (v2sf)  }
0xe9: {  	p0 =	sgt.s32 s0, $0x0  }
0xea: {  	s0 =	simm.s32 @!p0 $0x0  }
0xeb: {  	s7 =	smin.u32 s0, $0x13F  }
0xec: {  	s1 =	smin.u32 s0, $0x17F;
	s7 =	ssub.s32 s7, s29  }
0xed: {  	s0 =	ssub.s32 s1, s29;
	p0 =	slt.s32 s7, $0x20  }
0xee: {  	s7 =	simm.s32 @!p0 $0x20;
	p0 =	sgt.s32 s0, $0x0  }
0xef: {  	s0 =	simm.s32 @!p0 $0x0;
	s7 =	sadd.s32 $0x40, s7  }
0xf0: {  	p0 =	sle.s32 s7, s0  }
.Ltmp14:
0xf1: {  	_ = 	snop;
	(pc) =	sbr.rel @p0 .LBB2_34-.Ltmp14, $2  }
0xf2: {  	_ =	sdelay $0x2  }
0xf3: {  	s8 =	spop (v2sf)  }
0xf4: {  	p0 =	sgt.s32 s8, $0x0  }
0xf5: {  	p1 =	slt.s32 s8, $0x1;
	s8 =	simm.s32 @!p0 $0x0  }
0xf6: {  	s10 =	smin.u32 s8, $0x17F  }
0xf7: {  	s11 =	sand.u32 $0xF, s10  }
0xf8: {  	p6 =	sne.s32 s11, $0x0  }
0xf9: {  	p0 =	por !p1, !p6  }
0xfa: {  	s11 =	simm.s32 $0xFFFFFFFF;
	p0 =	por !p0, !p0  }
0xfb: {  	s11 =	simm.s32 @!p0 $0x0  }
0xfc: {  	s11 =	sshll.u32 s11, $0x4  }
0xfd: {  	s11 =	sadd.s32 s10, s11  }
0xfe: {  	s8 =	smin.u32 s8, $0x13F;
	s11 =	sand.u32 $0xFFFFFFF0, s11  }
0xff: {  	s8 =	sadd.s32 $0x40, s8;
	v3 =	vor.u32 s11, v0  }
0x100: {  	s30 =	sadd.s32 $0x10, s11;
	s12 =	sadd.s32 $0x20, s11;
	vm0 =	vge.s32 v3, s10;
	vm1 =	vlt.s32 v3, s8  }
0x101: {  	s18 =	sadd.s32 $0x30, s11;
	vm2 =	vlt.s32 v3, $0x17F;
	v4 =	vor.u32 s30, v0;
	v5 =	vor.u32 s12, v0  }
0x102: {  	v6 =	vor.u32 s18, v0;
	vm0 =	vmand vm0, vm1;
	v3 =	vnsel vm2, $0x17F, v3  }
0x103: {  	vm1 =	vge.s32 v4, s10;
	vm2 =	vlt.s32 v4, s8;
	vm3 =	vlt.s32 v4, $0x17F  }
0x104: {  	s31 =	ssub.s32 s1, s28;
	vm4 =	vlt.s32 v5, $0x17F;
	vm5 =	vlt.s32 v6, $0x17F;
	vm1 =	vmand vm1, vm2  }
0x105: {  	s1 =	smov.u32 s0;
	p0 =	sgt.s32 s31, $0x0;
	v4 =	vnsel vm3, $0x17F, v4;
	vm2 =	vge.s32 v5, s10;
	vm3 =	vlt.s32 v5, s8  }
0x106: {  	s31 =	simm.s32 @!p0 $0x0;
	p0 =	sgt.s32 s7, s0;
	s11 =	sadd.s32 $0x40, s11;
	v5 =	vnsel vm4, $0x17F, v5;
	vm4 =	vlt.s32 v6, s8;
	v7 =	vnsel vm5, $0x17F, v6  }
0x107: {  	s1 =	smov.u32 @p0 s7;
	s7 =	sadd.s32 $0x1, s0;
	vm2 =	vmand vm2, vm3;
	vm3 =	vge.s32 v6, s10;
	v6 =	vor.u32 s11, v0  }
0x108: {  	p1 =	slt.u32 s7, s1;
	vm3 =	vmand vm3, vm4;
	vm4 =	vge.s32 v6, s10;
	vm5 =	vlt.s32 v6, s8  }
.Ltmp15:
0x109: {  	vm4 =	vmand vm4, vm5;
	(pc) =	sbr.rel @!p1 .LBB2_28-.Ltmp15, $4  }
0x10a: {  	s11 =	smul.u32 $0x180, s31  }
0x10b: {  	vm6 =	vlt.s32 v6, $0x17F  }
0x10c: {  	v6 =	vnsel vm6, $0x17F, v6;
	v13 =	vadd.s32 s11, v7  }
0x10d: {  	p0 =	por $0x0, $0x0;
	v10 =	vadd.s32 s11, v3;
	v9 =	vadd.s32 s11, v4;
	v8 =	vadd.s32 s11, v5;
	s0 =	sadd.s32 $0x180, s11  }
0x10e: {  	_ =	sdelay $0x1  }
0x10f: {  	s7 =	sadd.s32 $0x1, s7  }
0x110: {  	p1 =	slt.u32 s7, s1  }
.Ltmp16:
0x111: {  	_ = 	snop;
	(pc) =	sbr.rel @!p1 .LBB2_30-.Ltmp16, $4  }
0x112: {  	[tilespmem:v10+s3+$0x0] =	vst.idx.msk vm0, v1;
	v11 =	vadd.s32 s11, v6  }
0x113: {  	[tilespmem:v9+s3+$0x0] =	vst.idx.msk vm1, v1  }
0x114: {  	v10 =	vadd.s32 s0, v3;
	[tilespmem:v8+s3+$0x0] =	vst.idx.msk vm2, v1  }
0x115: {  	v12 =	vadd.s32 s0, v7;
	s8 =	sadd.s32 $0x180, s0;
	p0 =	por $0x1, $0x1;
	v9 =	vadd.s32 s0, v4;
	v8 =	vadd.s32 s0, v5;
	[tilespmem:v13+s3+$0x0] =	vst.idx.msk vm3, v1  }
.LBB2_31:
0x116: {  	s7 =	sadd.s32 $0x1, s7  }
0x117: {  	v13 =	vadd.s32 s8, v7;
	[tilespmem:v11+s3+$0x0] =	vst.idx.msk vm4, v1;
	p1 =	slt.u32 s7, s1  }
.Ltmp17:
0x118: {  	v11 =	vadd.s32 s0, v6;
	s0 =	smov.u32 s8;
	(pc) =	sbr.rel @p1 .LBB2_31-.Ltmp17, $4  }
0x119: {  	[tilespmem:v10+s3+$0x0] =	vst.idx.msk vm0, v1  }
0x11a: {  	v10 =	vadd.s32 s8, v3;
	[tilespmem:v9+s3+$0x0] =	vst.idx.msk vm1, v1  }
0x11b: {  	v9 =	vadd.s32 s8, v4;
	[tilespmem:v8+s3+$0x0] =	vst.idx.msk vm2, v1  }
0x11c: {  	s8 =	sadd.s32 $0x180, s8;
	v8 =	vadd.s32 s0, v5;
	[tilespmem:v12+s3+$0x0] =	vst.idx.msk vm3, v1;
	v12 =	vmov v13  }
0x11d: {  	s11 =	smov.u32 s0;
	v13 =	vmov v12  }
.LBB2_33:
0x11e: {  	_ =	sdelay $0x4  }
0x11f: {  	[tilespmem:v11+s3+$0x0] =	vst.idx.msk @p0 vm4, v1;
	v3 =	vadd.s32 s11, v6  }
0x120: {  	[tilespmem:v10+s3+$0x0] =	vst.idx.msk vm0, v1  }
0x121: {  	[tilespmem:v9+s3+$0x0] =	vst.idx.msk vm1, v1  }
0x122: {  	[tilespmem:v8+s3+$0x0] =	vst.idx.msk vm2, v1  }
0x123: {  	[tilespmem:v13+s3+$0x0] =	vst.idx.msk vm3, v1  }
0x124: {  	[tilespmem:v3+s3+$0x0] =	vst.idx.msk vm4, v1  }
.LBB2_34:
0x125: {  	(v2sf) =	vpush v2, $0x4;
	_ =	sdelay $0xc  }
0x126: {  	(v2sf) =	vpush v2, $0xC;
	_ =	sdelay $0x1  }
0x127: {  	s0 =	spop (v2sf)  }
0x128: {  	p0 =	sgt.s32 s0, $0x0  }
0x129: {  	s0 =	simm.s32 @!p0 $0x0  }
0x12a: {  	s7 =	smin.u32 s0, $0x13F  }
0x12b: {  	s1 =	smin.u32 s0, $0x17F;
	s7 =	ssub.s32 s7, s29  }
0x12c: {  	s0 =	ssub.s32 s1, s29;
	p0 =	slt.s32 s7, $0x20  }
0x12d: {  	s7 =	simm.s32 @!p0 $0x20;
	p0 =	sgt.s32 s0, $0x0  }
0x12e: {  	s0 =	simm.s32 @!p0 $0x0;
	s7 =	sadd.s32 $0x40, s7  }
0x12f: {  	p0 =	sle.s32 s7, s0  }
.Ltmp18:
0x130: {  	_ = 	snop;
	(pc) =	sbr.rel @p0 .LBB2_42-.Ltmp18, $2  }
0x131: {  	_ =	sdelay $0x2  }
0x132: {  	s8 =	spop (v2sf)  }
0x133: {  	p0 =	sgt.s32 s8, $0x0  }
0x134: {  	p1 =	slt.s32 s8, $0x1;
	s8 =	simm.s32 @!p0 $0x0  }
0x135: {  	s10 =	smin.u32 s8, $0x17F  }
0x136: {  	s11 =	sand.u32 $0xF, s10  }
0x137: {  	p6 =	sne.s32 s11, $0x0  }
0x138: {  	p0 =	por !p1, !p6  }
0x139: {  	s11 =	simm.s32 $0xFFFFFFFF;
	p0 =	por !p0, !p0  }
0x13a: {  	s11 =	simm.s32 @!p0 $0x0  }
0x13b: {  	s11 =	sshll.u32 s11, $0x4  }
0x13c: {  	s11 =	sadd.s32 s10, s11  }
0x13d: {  	s8 =	smin.u32 s8, $0x13F;
	s11 =	sand.u32 $0xFFFFFFF0, s11  }
0x13e: {  	s8 =	sadd.s32 $0x40, s8;
	v3 =	vor.u32 s11, v0  }
0x13f: {  	s30 =	sadd.s32 $0x10, s11;
	s12 =	sadd.s32 $0x20, s11;
	vm0 =	vge.s32 v3, s10;
	vm1 =	vlt.s32 v3, s8  }
0x140: {  	s18 =	sadd.s32 $0x30, s11;
	vm2 =	vlt.s32 v3, $0x17F;
	v4 =	vor.u32 s30, v0;
	v5 =	vor.u32 s12, v0  }
0x141: {  	v6 =	vor.u32 s18, v0;
	vm0 =	vmand vm0, vm1;
	v3 =	vnsel vm2, $0x17F, v3  }
0x142: {  	vm1 =	vge.s32 v4, s10;
	vm2 =	vlt.s32 v4, s8;
	vm3 =	vlt.s32 v4, $0x17F  }
0x143: {  	s31 =	ssub.s32 s1, s28;
	vm4 =	vlt.s32 v5, $0x17F;
	vm5 =	vlt.s32 v6, $0x17F;
	vm1 =	vmand vm1, vm2  }
0x144: {  	s1 =	smov.u32 s0;
	p0 =	sgt.s32 s31, $0x0;
	v4 =	vnsel vm3, $0x17F, v4;
	vm2 =	vge.s32 v5, s10;
	vm3 =	vlt.s32 v5, s8  }
0x145: {  	s31 =	simm.s32 @!p0 $0x0;
	p0 =	sgt.s32 s7, s0;
	s11 =	sadd.s32 $0x40, s11;
	v5 =	vnsel vm4, $0x17F, v5;
	vm4 =	vlt.s32 v6, s8;
	v7 =	vnsel vm5, $0x17F, v6  }
0x146: {  	s1 =	smov.u32 @p0 s7;
	s7 =	sadd.s32 $0x1, s0;
	vm2 =	vmand vm2, vm3;
	vm3 =	vge.s32 v6, s10;
	v6 =	vor.u32 s11, v0  }
0x147: {  	p1 =	slt.u32 s7, s1;
	vm3 =	vmand vm3, vm4;
	vm4 =	vge.s32 v6, s10;
	vm5 =	vlt.s32 v6, s8  }
.Ltmp19:
0x148: {  	vm4 =	vmand vm4, vm5;
	(pc) =	sbr.rel @!p1 .LBB2_36-.Ltmp19, $4  }
0x149: {  	s11 =	smul.u32 $0x180, s31  }
0x14a: {  	vm6 =	vlt.s32 v6, $0x17F  }
0x14b: {  	v6 =	vnsel vm6, $0x17F, v6;
	v13 =	vadd.s32 s11, v7  }
0x14c: {  	p0 =	por $0x0, $0x0;
	v10 =	vadd.s32 s11, v3;
	v9 =	vadd.s32 s11, v4;
	v8 =	vadd.s32 s11, v5;
	s0 =	sadd.s32 $0x180, s11  }
0x14d: {  	_ =	sdelay $0x1  }
0x14e: {  	s7 =	sadd.s32 $0x1, s7  }
0x14f: {  	p1 =	slt.u32 s7, s1  }
.Ltmp20:
0x150: {  	_ = 	snop;
	(pc) =	sbr.rel @!p1 .LBB2_38-.Ltmp20, $4  }
0x151: {  	[tilespmem:v10+s3+$0x0] =	vst.idx.msk vm0, v1;
	v11 =	vadd.s32 s11, v6  }
0x152: {  	[tilespmem:v9+s3+$0x0] =	vst.idx.msk vm1, v1  }
0x153: {  	v10 =	vadd.s32 s0, v3;
	[tilespmem:v8+s3+$0x0] =	vst.idx.msk vm2, v1  }
0x154: {  	v12 =	vadd.s32 s0, v7;
	s8 =	sadd.s32 $0x180, s0;
	p0 =	por $0x1, $0x1;
	v9 =	vadd.s32 s0, v4;
	v8 =	vadd.s32 s0, v5;
	[tilespmem:v13+s3+$0x0] =	vst.idx.msk vm3, v1  }
.LBB2_39:
0x155: {  	s7 =	sadd.s32 $0x1, s7  }
0x156: {  	v13 =	vadd.s32 s8, v7;
	[tilespmem:v11+s3+$0x0] =	vst.idx.msk vm4, v1;
	p1 =	slt.u32 s7, s1  }
.Ltmp21:
0x157: {  	v11 =	vadd.s32 s0, v6;
	s0 =	smov.u32 s8;
	(pc) =	sbr.rel @p1 .LBB2_39-.Ltmp21, $4  }
0x158: {  	[tilespmem:v10+s3+$0x0] =	vst.idx.msk vm0, v1  }
0x159: {  	v10 =	vadd.s32 s8, v3;
	[tilespmem:v9+s3+$0x0] =	vst.idx.msk vm1, v1  }
0x15a: {  	v9 =	vadd.s32 s8, v4;
	[tilespmem:v8+s3+$0x0] =	vst.idx.msk vm2, v1  }
0x15b: {  	s8 =	sadd.s32 $0x180, s8;
	v8 =	vadd.s32 s0, v5;
	[tilespmem:v12+s3+$0x0] =	vst.idx.msk vm3, v1;
	v12 =	vmov v13  }
0x15c: {  	s11 =	smov.u32 s0;
	v13 =	vmov v12  }
.LBB2_41:
0x15d: {  	_ =	sdelay $0x4  }
0x15e: {  	[tilespmem:v11+s3+$0x0] =	vst.idx.msk @p0 vm4, v1;
	v3 =	vadd.s32 s11, v6  }
0x15f: {  	[tilespmem:v10+s3+$0x0] =	vst.idx.msk vm0, v1  }
0x160: {  	[tilespmem:v9+s3+$0x0] =	vst.idx.msk vm1, v1  }
0x161: {  	[tilespmem:v8+s3+$0x0] =	vst.idx.msk vm2, v1  }
0x162: {  	[tilespmem:v13+s3+$0x0] =	vst.idx.msk vm3, v1  }
0x163: {  	[tilespmem:v3+s3+$0x0] =	vst.idx.msk vm4, v1  }
.LBB2_42:
0x164: {  	(v2sf) =	vpush v2, $0x5;
	_ =	sdelay $0xc  }
0x165: {  	(v2sf) =	vpush v2, $0xD;
	_ =	sdelay $0x1  }
0x166: {  	s0 =	spop (v2sf)  }
0x167: {  	p0 =	sgt.s32 s0, $0x0  }
0x168: {  	s0 =	simm.s32 @!p0 $0x0  }
0x169: {  	s7 =	smin.u32 s0, $0x13F  }
0x16a: {  	s1 =	smin.u32 s0, $0x17F;
	s7 =	ssub.s32 s7, s29  }
0x16b: {  	s0 =	ssub.s32 s1, s29;
	p0 =	slt.s32 s7, $0x20  }
0x16c: {  	s7 =	simm.s32 @!p0 $0x20;
	p0 =	sgt.s32 s0, $0x0  }
0x16d: {  	s0 =	simm.s32 @!p0 $0x0;
	s7 =	sadd.s32 $0x40, s7  }
0x16e: {  	p0 =	sle.s32 s7, s0  }
.Ltmp22:
0x16f: {  	_ = 	snop;
	(pc) =	sbr.rel @p0 .LBB2_50-.Ltmp22, $2  }
0x170: {  	_ =	sdelay $0x2  }
0x171: {  	s8 =	spop (v2sf)  }
0x172: {  	p0 =	sgt.s32 s8, $0x0  }
0x173: {  	p1 =	slt.s32 s8, $0x1;
	s8 =	simm.s32 @!p0 $0x0  }
0x174: {  	s10 =	smin.u32 s8, $0x17F  }
0x175: {  	s11 =	sand.u32 $0xF, s10  }
0x176: {  	p6 =	sne.s32 s11, $0x0  }
0x177: {  	p0 =	por !p1, !p6  }
0x178: {  	s11 =	simm.s32 $0xFFFFFFFF;
	p0 =	por !p0, !p0  }
0x179: {  	s11 =	simm.s32 @!p0 $0x0  }
0x17a: {  	s11 =	sshll.u32 s11, $0x4  }
0x17b: {  	s11 =	sadd.s32 s10, s11  }
0x17c: {  	s8 =	smin.u32 s8, $0x13F;
	s11 =	sand.u32 $0xFFFFFFF0, s11  }
0x17d: {  	s8 =	sadd.s32 $0x40, s8;
	v3 =	vor.u32 s11, v0  }
0x17e: {  	s30 =	sadd.s32 $0x10, s11;
	s12 =	sadd.s32 $0x20, s11;
	vm0 =	vge.s32 v3, s10;
	vm1 =	vlt.s32 v3, s8  }
0x17f: {  	s18 =	sadd.s32 $0x30, s11;
	vm2 =	vlt.s32 v3, $0x17F;
	v4 =	vor.u32 s30, v0;
	v5 =	vor.u32 s12, v0  }
0x180: {  	v6 =	vor.u32 s18, v0;
	vm0 =	vmand vm0, vm1;
	v3 =	vnsel vm2, $0x17F, v3  }
0x181: {  	vm1 =	vge.s32 v4, s10;
	vm2 =	vlt.s32 v4, s8;
	vm3 =	vlt.s32 v4, $0x17F  }
0x182: {  	s31 =	ssub.s32 s1, s28;
	vm4 =	vlt.s32 v5, $0x17F;
	vm5 =	vlt.s32 v6, $0x17F;
	vm1 =	vmand vm1, vm2  }
0x183: {  	s1 =	smov.u32 s0;
	p0 =	sgt.s32 s31, $0x0;
	v4 =	vnsel vm3, $0x17F, v4;
	vm2 =	vge.s32 v5, s10;
	vm3 =	vlt.s32 v5, s8  }
0x184: {  	s31 =	simm.s32 @!p0 $0x0;
	p0 =	sgt.s32 s7, s0;
	s11 =	sadd.s32 $0x40, s11;
	v5 =	vnsel vm4, $0x17F, v5;
	vm4 =	vlt.s32 v6, s8;
	v7 =	vnsel vm5, $0x17F, v6  }
0x185: {  	s1 =	smov.u32 @p0 s7;
	s7 =	sadd.s32 $0x1, s0;
	vm2 =	vmand vm2, vm3;
	vm3 =	vge.s32 v6, s10;
	v6 =	vor.u32 s11, v0  }
0x186: {  	p1 =	slt.u32 s7, s1;
	vm3 =	vmand vm3, vm4;
	vm4 =	vge.s32 v6, s10;
	vm5 =	vlt.s32 v6, s8  }
.Ltmp23:
0x187: {  	vm4 =	vmand vm4, vm5;
	(pc) =	sbr.rel @!p1 .LBB2_44-.Ltmp23, $4  }
0x188: {  	s11 =	smul.u32 $0x180, s31  }
0x189: {  	vm6 =	vlt.s32 v6, $0x17F  }
0x18a: {  	v6 =	vnsel vm6, $0x17F, v6;
	v13 =	vadd.s32 s11, v7  }
0x18b: {  	p0 =	por $0x0, $0x0;
	v10 =	vadd.s32 s11, v3;
	v9 =	vadd.s32 s11, v4;
	v8 =	vadd.s32 s11, v5;
	s0 =	sadd.s32 $0x180, s11  }
0x18c: {  	_ =	sdelay $0x1  }
0x18d: {  	s7 =	sadd.s32 $0x1, s7  }
0x18e: {  	p1 =	slt.u32 s7, s1  }
.Ltmp24:
0x18f: {  	_ = 	snop;
	(pc) =	sbr.rel @!p1 .LBB2_46-.Ltmp24, $4  }
0x190: {  	[tilespmem:v10+s3+$0x0] =	vst.idx.msk vm0, v1;
	v11 =	vadd.s32 s11, v6  }
0x191: {  	[tilespmem:v9+s3+$0x0] =	vst.idx.msk vm1, v1  }
0x192: {  	v10 =	vadd.s32 s0, v3;
	[tilespmem:v8+s3+$0x0] =	vst.idx.msk vm2, v1  }
0x193: {  	v12 =	vadd.s32 s0, v7;
	s8 =	sadd.s32 $0x180, s0;
	p0 =	por $0x1, $0x1;
	v9 =	vadd.s32 s0, v4;
	v8 =	vadd.s32 s0, v5;
	[tilespmem:v13+s3+$0x0] =	vst.idx.msk vm3, v1  }
.LBB2_47:
0x194: {  	s7 =	sadd.s32 $0x1, s7  }
0x195: {  	v13 =	vadd.s32 s8, v7;
	[tilespmem:v11+s3+$0x0] =	vst.idx.msk vm4, v1;
	p1 =	slt.u32 s7, s1  }
.Ltmp25:
0x196: {  	v11 =	vadd.s32 s0, v6;
	s0 =	smov.u32 s8;
	(pc) =	sbr.rel @p1 .LBB2_47-.Ltmp25, $4  }
0x197: {  	[tilespmem:v10+s3+$0x0] =	vst.idx.msk vm0, v1  }
0x198: {  	v10 =	vadd.s32 s8, v3;
	[tilespmem:v9+s3+$0x0] =	vst.idx.msk vm1, v1  }
0x199: {  	v9 =	vadd.s32 s8, v4;
	[tilespmem:v8+s3+$0x0] =	vst.idx.msk vm2, v1  }
0x19a: {  	s8 =	sadd.s32 $0x180, s8;
	v8 =	vadd.s32 s0, v5;
	[tilespmem:v12+s3+$0x0] =	vst.idx.msk vm3, v1;
	v12 =	vmov v13  }
0x19b: {  	s11 =	smov.u32 s0;
	v13 =	vmov v12  }
.LBB2_49:
0x19c: {  	_ =	sdelay $0x4  }
0x19d: {  	[tilespmem:v11+s3+$0x0] =	vst.idx.msk @p0 vm4, v1;
	v3 =	vadd.s32 s11, v6  }
0x19e: {  	[tilespmem:v10+s3+$0x0] =	vst.idx.msk vm0, v1  }
0x19f: {  	[tilespmem:v9+s3+$0x0] =	vst.idx.msk vm1, v1  }
0x1a0: {  	[tilespmem:v8+s3+$0x0] =	vst.idx.msk vm2, v1  }
0x1a1: {  	[tilespmem:v13+s3+$0x0] =	vst.idx.msk vm3, v1  }
0x1a2: {  	[tilespmem:v3+s3+$0x0] =	vst.idx.msk vm4, v1  }
.LBB2_50:
0x1a3: {  	(v2sf) =	vpush v2, $0x6;
	_ =	sdelay $0xc  }
0x1a4: {  	(v2sf) =	vpush v2, $0xE;
	_ =	sdelay $0x1  }
0x1a5: {  	s0 =	spop (v2sf)  }
0x1a6: {  	p0 =	sgt.s32 s0, $0x0  }
0x1a7: {  	s0 =	simm.s32 @!p0 $0x0  }
0x1a8: {  	s7 =	smin.u32 s0, $0x13F  }
0x1a9: {  	s1 =	smin.u32 s0, $0x17F;
	s7 =	ssub.s32 s7, s29  }
0x1aa: {  	s0 =	ssub.s32 s1, s29;
	p0 =	slt.s32 s7, $0x20  }
0x1ab: {  	s7 =	simm.s32 @!p0 $0x20;
	p0 =	sgt.s32 s0, $0x0  }
0x1ac: {  	s0 =	simm.s32 @!p0 $0x0;
	s7 =	sadd.s32 $0x40, s7  }
0x1ad: {  	p0 =	sle.s32 s7, s0  }
.Ltmp26:
0x1ae: {  	_ = 	snop;
	(pc) =	sbr.rel @p0 .LBB2_58-.Ltmp26, $2  }
0x1af: {  	_ =	sdelay $0x2  }
0x1b0: {  	s8 =	spop (v2sf)  }
0x1b1: {  	p0 =	sgt.s32 s8, $0x0  }
0x1b2: {  	p1 =	slt.s32 s8, $0x1;
	s8 =	simm.s32 @!p0 $0x0  }
0x1b3: {  	s10 =	smin.u32 s8, $0x17F  }
0x1b4: {  	s11 =	sand.u32 $0xF, s10  }
0x1b5: {  	p6 =	sne.s32 s11, $0x0  }
0x1b6: {  	p0 =	por !p1, !p6  }
0x1b7: {  	s11 =	simm.s32 $0xFFFFFFFF;
	p0 =	por !p0, !p0  }
0x1b8: {  	s11 =	simm.s32 @!p0 $0x0  }
0x1b9: {  	s11 =	sshll.u32 s11, $0x4  }
0x1ba: {  	s11 =	sadd.s32 s10, s11  }
0x1bb: {  	s8 =	smin.u32 s8, $0x13F;
	s11 =	sand.u32 $0xFFFFFFF0, s11  }
0x1bc: {  	s8 =	sadd.s32 $0x40, s8;
	v3 =	vor.u32 s11, v0  }
0x1bd: {  	s30 =	sadd.s32 $0x10, s11;
	s12 =	sadd.s32 $0x20, s11;
	vm0 =	vge.s32 v3, s10;
	vm1 =	vlt.s32 v3, s8  }
0x1be: {  	s18 =	sadd.s32 $0x30, s11;
	vm2 =	vlt.s32 v3, $0x17F;
	v4 =	vor.u32 s30, v0;
	v5 =	vor.u32 s12, v0  }
0x1bf: {  	v6 =	vor.u32 s18, v0;
	vm0 =	vmand vm0, vm1;
	v3 =	vnsel vm2, $0x17F, v3  }
0x1c0: {  	vm1 =	vge.s32 v4, s10;
	vm2 =	vlt.s32 v4, s8;
	vm3 =	vlt.s32 v4, $0x17F  }
0x1c1: {  	s31 =	ssub.s32 s1, s28;
	vm4 =	vlt.s32 v5, $0x17F;
	vm5 =	vlt.s32 v6, $0x17F;
	vm1 =	vmand vm1, vm2  }
0x1c2: {  	s1 =	smov.u32 s0;
	p0 =	sgt.s32 s31, $0x0;
	v4 =	vnsel vm3, $0x17F, v4;
	vm2 =	vge.s32 v5, s10;
	vm3 =	vlt.s32 v5, s8  }
0x1c3: {  	s31 =	simm.s32 @!p0 $0x0;
	p0 =	sgt.s32 s7, s0;
	s11 =	sadd.s32 $0x40, s11;
	v5 =	vnsel vm4, $0x17F, v5;
	vm4 =	vlt.s32 v6, s8;
	v7 =	vnsel vm5, $0x17F, v6  }
0x1c4: {  	s1 =	smov.u32 @p0 s7;
	s7 =	sadd.s32 $0x1, s0;
	vm2 =	vmand vm2, vm3;
	vm3 =	vge.s32 v6, s10;
	v6 =	vor.u32 s11, v0  }
0x1c5: {  	p1 =	slt.u32 s7, s1;
	vm3 =	vmand vm3, vm4;
	vm4 =	vge.s32 v6, s10;
	vm5 =	vlt.s32 v6, s8  }
.Ltmp27:
0x1c6: {  	vm4 =	vmand vm4, vm5;
	(pc) =	sbr.rel @!p1 .LBB2_52-.Ltmp27, $4  }
0x1c7: {  	s11 =	smul.u32 $0x180, s31  }
0x1c8: {  	vm6 =	vlt.s32 v6, $0x17F  }
0x1c9: {  	v6 =	vnsel vm6, $0x17F, v6;
	v13 =	vadd.s32 s11, v7  }
0x1ca: {  	p0 =	por $0x0, $0x0;
	v10 =	vadd.s32 s11, v3;
	v9 =	vadd.s32 s11, v4;
	v8 =	vadd.s32 s11, v5;
	s0 =	sadd.s32 $0x180, s11  }
0x1cb: {  	_ =	sdelay $0x1  }
0x1cc: {  	s7 =	sadd.s32 $0x1, s7  }
0x1cd: {  	p1 =	slt.u32 s7, s1  }
.Ltmp28:
0x1ce: {  	_ = 	snop;
	(pc) =	sbr.rel @!p1 .LBB2_54-.Ltmp28, $4  }
0x1cf: {  	[tilespmem:v10+s3+$0x0] =	vst.idx.msk vm0, v1;
	v11 =	vadd.s32 s11, v6  }
0x1d0: {  	[tilespmem:v9+s3+$0x0] =	vst.idx.msk vm1, v1  }
0x1d1: {  	v10 =	vadd.s32 s0, v3;
	[tilespmem:v8+s3+$0x0] =	vst.idx.msk vm2, v1  }
0x1d2: {  	v12 =	vadd.s32 s0, v7;
	s8 =	sadd.s32 $0x180, s0;
	p0 =	por $0x1, $0x1;
	v9 =	vadd.s32 s0, v4;
	v8 =	vadd.s32 s0, v5;
	[tilespmem:v13+s3+$0x0] =	vst.idx.msk vm3, v1  }
.LBB2_55:
0x1d3: {  	s7 =	sadd.s32 $0x1, s7  }
0x1d4: {  	v13 =	vadd.s32 s8, v7;
	[tilespmem:v11+s3+$0x0] =	vst.idx.msk vm4, v1;
	p1 =	slt.u32 s7, s1  }
.Ltmp29:
0x1d5: {  	v11 =	vadd.s32 s0, v6;
	s0 =	smov.u32 s8;
	(pc) =	sbr.rel @p1 .LBB2_55-.Ltmp29, $4  }
0x1d6: {  	[tilespmem:v10+s3+$0x0] =	vst.idx.msk vm0, v1  }
0x1d7: {  	v10 =	vadd.s32 s8, v3;
	[tilespmem:v9+s3+$0x0] =	vst.idx.msk vm1, v1  }
0x1d8: {  	v9 =	vadd.s32 s8, v4;
	[tilespmem:v8+s3+$0x0] =	vst.idx.msk vm2, v1  }
0x1d9: {  	s8 =	sadd.s32 $0x180, s8;
	v8 =	vadd.s32 s0, v5;
	[tilespmem:v12+s3+$0x0] =	vst.idx.msk vm3, v1;
	v12 =	vmov v13  }
0x1da: {  	s11 =	smov.u32 s0;
	v13 =	vmov v12  }
.LBB2_57:
0x1db: {  	_ =	sdelay $0x4  }
0x1dc: {  	[tilespmem:v11+s3+$0x0] =	vst.idx.msk @p0 vm4, v1;
	v3 =	vadd.s32 s11, v6  }
0x1dd: {  	[tilespmem:v10+s3+$0x0] =	vst.idx.msk vm0, v1  }
0x1de: {  	[tilespmem:v9+s3+$0x0] =	vst.idx.msk vm1, v1  }
0x1df: {  	[tilespmem:v8+s3+$0x0] =	vst.idx.msk vm2, v1  }
0x1e0: {  	[tilespmem:v13+s3+$0x0] =	vst.idx.msk vm3, v1  }
0x1e1: {  	[tilespmem:v3+s3+$0x0] =	vst.idx.msk vm4, v1  }
.LBB2_58:
0x1e2: {  	(v2sf) =	vpush v2, $0x7;
	_ =	sdelay $0xc  }
0x1e3: {  	(v2sf) =	vpush v2, $0xF;
	_ =	sdelay $0x1  }
0x1e4: {  	s0 =	spop (v2sf)  }
0x1e5: {  	p0 =	sgt.s32 s0, $0x0  }
0x1e6: {  	s0 =	simm.s32 @!p0 $0x0  }
0x1e7: {  	s7 =	smin.u32 s0, $0x13F  }
0x1e8: {  	s1 =	smin.u32 s0, $0x17F;
	s7 =	ssub.s32 s7, s29  }
0x1e9: {  	s0 =	ssub.s32 s1, s29;
	p0 =	slt.s32 s7, $0x20  }
0x1ea: {  	s7 =	simm.s32 @!p0 $0x20;
	p0 =	sgt.s32 s0, $0x0  }
0x1eb: {  	s0 =	simm.s32 @!p0 $0x0;
	s7 =	sadd.s32 $0x40, s7  }
0x1ec: {  	p0 =	sle.s32 s7, s0  }
.Ltmp30:
0x1ed: {  	_ = 	snop;
	(pc) =	sbr.rel @p0 .LBB2_66-.Ltmp30, $2  }
0x1ee: {  	_ =	sdelay $0x2  }
0x1ef: {  	s8 =	spop (v2sf)  }
0x1f0: {  	p0 =	sgt.s32 s8, $0x0  }
0x1f1: {  	p1 =	slt.s32 s8, $0x1;
	s8 =	simm.s32 @!p0 $0x0  }
0x1f2: {  	s10 =	smin.u32 s8, $0x17F  }
0x1f3: {  	s11 =	sand.u32 $0xF, s10  }
0x1f4: {  	p6 =	sne.s32 s11, $0x0  }
0x1f5: {  	p0 =	por !p1, !p6  }
0x1f6: {  	s11 =	simm.s32 $0xFFFFFFFF;
	p0 =	por !p0, !p0  }
0x1f7: {  	s11 =	simm.s32 @!p0 $0x0  }
0x1f8: {  	s11 =	sshll.u32 s11, $0x4  }
0x1f9: {  	s11 =	sadd.s32 s10, s11  }
0x1fa: {  	s8 =	smin.u32 s8, $0x13F;
	s11 =	sand.u32 $0xFFFFFFF0, s11  }
0x1fb: {  	s8 =	sadd.s32 $0x40, s8;
	v2 =	vor.u32 s11, v0  }
0x1fc: {  	s29 =	sadd.s32 $0x10, s11;
	s30 =	sadd.s32 $0x20, s11;
	vm0 =	vge.s32 v2, s10;
	vm1 =	vlt.s32 v2, s8  }
0x1fd: {  	s31 =	sadd.s32 $0x30, s11;
	vm2 =	vlt.s32 v2, $0x17F;
	v3 =	vor.u32 s29, v0;
	v4 =	vor.u32 s30, v0  }
0x1fe: {  	v5 =	vor.u32 s31, v0;
	vm0 =	vmand vm0, vm1;
	v2 =	vnsel vm2, $0x17F, v2  }
0x1ff: {  	vm1 =	vge.s32 v3, s10;
	vm2 =	vlt.s32 v3, s8;
	vm3 =	vlt.s32 v3, $0x17F  }
0x200: {  	s28 =	ssub.s32 s1, s28;
	vm4 =	vlt.s32 v4, $0x17F;
	vm5 =	vlt.s32 v5, $0x17F;
	vm1 =	vmand vm1, vm2  }
0x201: {  	s1 =	smov.u32 s0;
	p0 =	sgt.s32 s28, $0x0;
	v3 =	vnsel vm3, $0x17F, v3;
	vm2 =	vge.s32 v4, s10;
	vm3 =	vlt.s32 v4, s8  }
0x202: {  	s28 =	simm.s32 @!p0 $0x0;
	p0 =	sgt.s32 s7, s0;
	s11 =	sadd.s32 $0x40, s11;
	v4 =	vnsel vm4, $0x17F, v4;
	vm4 =	vlt.s32 v5, s8;
	v6 =	vnsel vm5, $0x17F, v5  }
0x203: {  	s1 =	smov.u32 @p0 s7;
	s7 =	sadd.s32 $0x1, s0;
	vm2 =	vmand vm2, vm3;
	vm3 =	vge.s32 v5, s10;
	v5 =	vor.u32 s11, v0  }
0x204: {  	p1 =	slt.u32 s7, s1;
	vm3 =	vmand vm3, vm4;
	vm4 =	vge.s32 v5, s10;
	vm5 =	vlt.s32 v5, s8  }
.Ltmp31:
0x205: {  	vm4 =	vmand vm4, vm5;
	(pc) =	sbr.rel @!p1 .LBB2_60-.Ltmp31, $4  }
0x206: {  	s11 =	smul.u32 $0x180, s28  }
0x207: {  	vm6 =	vlt.s32 v5, $0x17F  }
0x208: {  	v5 =	vnsel vm6, $0x17F, v5;
	v12 =	vadd.s32 s11, v6  }
0x209: {  	p0 =	por $0x0, $0x0;
	v9 =	vadd.s32 s11, v2;
	v8 =	vadd.s32 s11, v3;
	v7 =	vadd.s32 s11, v4;
	s0 =	sadd.s32 $0x180, s11  }
0x20a: {  	_ =	sdelay $0x1  }
0x20b: {  	s7 =	sadd.s32 $0x1, s7  }
0x20c: {  	p1 =	slt.u32 s7, s1  }
.Ltmp32:
0x20d: {  	_ = 	snop;
	(pc) =	sbr.rel @!p1 .LBB2_62-.Ltmp32, $4  }
0x20e: {  	[tilespmem:v9+s3+$0x0] =	vst.idx.msk vm0, v1;
	v10 =	vadd.s32 s11, v5  }
0x20f: {  	[tilespmem:v8+s3+$0x0] =	vst.idx.msk vm1, v1  }
0x210: {  	v9 =	vadd.s32 s0, v2;
	[tilespmem:v7+s3+$0x0] =	vst.idx.msk vm2, v1  }
0x211: {  	v11 =	vadd.s32 s0, v6;
	s8 =	sadd.s32 $0x180, s0;
	p0 =	por $0x1, $0x1;
	v8 =	vadd.s32 s0, v3;
	v7 =	vadd.s32 s0, v4;
	[tilespmem:v12+s3+$0x0] =	vst.idx.msk vm3, v1  }
.LBB2_63:
0x212: {  	s7 =	sadd.s32 $0x1, s7  }
0x213: {  	v12 =	vadd.s32 s8, v6;
	[tilespmem:v10+s3+$0x0] =	vst.idx.msk vm4, v1;
	p1 =	slt.u32 s7, s1  }
.Ltmp33:
0x214: {  	v10 =	vadd.s32 s0, v5;
	s0 =	smov.u32 s8;
	(pc) =	sbr.rel @p1 .LBB2_63-.Ltmp33, $4  }
0x215: {  	[tilespmem:v9+s3+$0x0] =	vst.idx.msk vm0, v1  }
0x216: {  	v9 =	vadd.s32 s8, v2;
	[tilespmem:v8+s3+$0x0] =	vst.idx.msk vm1, v1  }
0x217: {  	v8 =	vadd.s32 s8, v3;
	[tilespmem:v7+s3+$0x0] =	vst.idx.msk vm2, v1  }
0x218: {  	s8 =	sadd.s32 $0x180, s8;
	v7 =	vadd.s32 s0, v4;
	[tilespmem:v11+s3+$0x0] =	vst.idx.msk vm3, v1;
	v11 =	vmov v12  }
0x219: {  	s11 =	smov.u32 s0;
	v12 =	vmov v11  }
.LBB2_65:
0x21a: {  	_ =	sdelay $0x4  }
0x21b: {  	[tilespmem:v10+s3+$0x0] =	vst.idx.msk @p0 vm4, v1;
	v2 =	vadd.s32 s11, v5  }
0x21c: {  	[tilespmem:v9+s3+$0x0] =	vst.idx.msk vm0, v1  }
0x21d: {  	[tilespmem:v8+s3+$0x0] =	vst.idx.msk vm1, v1  }
0x21e: {  	[tilespmem:v7+s3+$0x0] =	vst.idx.msk vm2, v1  }
0x21f: {  	[tilespmem:v12+s3+$0x0] =	vst.idx.msk vm3, v1  }
0x220: {  	[tilespmem:v2+s3+$0x0] =	vst.idx.msk vm4, v1  }
.LBB2_66:
0x221: {  	s0 =	sshrl.u32 s25, $0x2  }
0x222: {  	s26 =	smul.u32 $0x9000, s26;
	s0 =	sadd.s32 s5, s0  }
0x223: {  	p0 =	seq.s32 s24, $0x0;
	s0 =	smul.u32 $0x24000, s0  }
0x224: {  	s28 =	sadd.s32 @!p0 $0x2, s25  }
0x225: {  	s1 =	sshrl.u32 @!p0 s28, $0x2;
	s7 =	sand.u32 @!p0 $0x3, s28;
	s0 =	sadd.s32 s26, s0  }
0x226: {  	s1 =	sadd.s32 @!p0 s5, s1;
	s7 =	smul.u32 @!p0 $0x9000, s7;
	s0 =	sshrl.u32 s0, $0x3  }
0x227: {  	s1 =	smul.u32 @!p0 $0x24000, s1;
	s0 =	sadd.s32 s4, s0  }
0x228: {  	[hbm4b:s0+s3] =	stream.linear.scatter [tilespmem:s3], [sflag:$0x4], $0x9000, $0x38;
	[tilespmem:$0x1B100] =	vst v63  }
0x229: {  	s1 =	sadd.s32 @!p0 s7, s1;
	s0 =	simm.s32 @!p0 $0x6  }
0x22a: {  	s1 =	smov.u32 @p0 s9;
	_ =	swait.ge @!p0 [sflag:s0], $0x9000  }
0x22b: {  	s1 =	sshrl.u32 s1, $0x3;
	[sflag:s0] =	ssyncset.done @!p0 $0x0  }
0x22c: {  	s10 =	sadd.s32 s2, s1;
	[sflag:s0] =	ssyncadd.s32 @!p0 $0xFFFF7000  }
0x22d: {  	[tilespmem:s16], [sflag:$0x3] =	stream.linear.gather [hbm4b:s10+s3], $0x9000, $0x38;
	[tilespmem:$0x1B100] =	vst v63  }
0x22e: {  	s29 =	sadd.s32 $0x1, s25;
	_ =	swait.ge [sflag:s15], $0x9000  }
0x22f: {  	s11 =	sshll.u32 s29, $0x2;
	[sflag:s15] =	ssyncset.done $0x0  }
0x230: {  	s0 =	sand.u32 $0x3FFFFFF0, s11;
	[sflag:s15] =	ssyncadd.s32 $0xFFFF7000  }
0x231: {  	v2 =	vld [tilespmem:s0+$0x1B000];
	_ =	sdelay $0x4  }
0x232: {  	(v2sf) =	vpush v2, $0x0;
	_ =	sdelay $0xc  }
0x233: {  	(v2sf) =	vpush v2, $0x8;
	_ =	sdelay $0x1  }
0x234: {  	s0 =	spop (v2sf)  }
0x235: {  	s30 =	sand.u32 $0x3, s29;
	p1 =	sgt.s32 s0, $0x0  }
0x236: {  	s1 =	smul.u32 $0x60, s30;
	s0 =	simm.s32 @!p1 $0x0  }
0x237: {  	s12 =	smin.u32 s0, $0x13F  }
0x238: {  	s0 =	smin.u32 s0, $0x17F;
	s8 =	ssub.s32 s12, s1  }
0x239: {  	s7 =	ssub.s32 s0, s1;
	p1 =	slt.s32 s8, $0x20  }
0x23a: {  	s8 =	simm.s32 @!p1 $0x20;
	p1 =	sgt.s32 s7, $0x0  }
0x23b: {  	s7 =	simm.s32 @!p1 $0x0;
	s11 =	sadd.s32 $0x40, s8  }
0x23c: {  	p1 =	sle.s32 s11, s7  }
.Ltmp34:
0x23d: {  	_ = 	snop;
	(pc) =	sbr.rel @p1 .LBB2_74-.Ltmp34, $3  }
0x23e: {  	_ =	sdelay $0x1  }
0x23f: {  	s18 =	sand.u32 $0x3, s22  }
0x240: {  	s31 =	smul.u32 $0x60, s18;
	s8 =	spop (v2sf)  }
0x241: {  	p1 =	sgt.s32 s8, $0x0  }
0x242: {  	p2 =	slt.s32 s8, $0x1;
	s8 =	simm.s32 @!p1 $0x0  }
0x243: {  	s10 =	smin.u32 s8, $0x17F  }
0x244: {  	s6 =	sand.u32 $0xF, s10  }
0x245: {  	p6 =	sne.s32 s6, $0x0  }
0x246: {  	p1 =	por !p2, !p6  }
0x247: {  	s6 =	simm.s32 $0xFFFFFFFF;
	p1 =	por !p1, !p1  }
0x248: {  	s6 =	simm.s32 @!p1 $0x0  }
0x249: {  	s6 =	sshll.u32 s6, $0x4  }
0x24a: {  	s6 =	sadd.s32 s10, s6  }
0x24b: {  	s8 =	smin.u32 s8, $0x13F;
	s6 =	sand.u32 $0xFFFFFFF0, s6  }
0x24c: {  	s12 =	sadd.s32 $0x40, s8;
	v3 =	vor.u32 s6, v0  }
0x24d: {  	s18 =	sadd.s32 $0x10, s6;
	s8 =	sadd.s32 $0x30, s6;
	vm0 =	vge.s32 v3, s10;
	vm1 =	vlt.s32 v3, s12  }
0x24e: {  	vm2 =	vlt.s32 v3, $0x17F;
	v4 =	vor.u32 s18, v0;
	v6 =	vor.u32 s8, v0  }
0x24f: {  	s18 =	sadd.s32 $0x20, s6;
	vm0 =	vmand vm0, vm1;
	v3 =	vnsel vm2, $0x17F, v3;
	vm1 =	vge.s32 v4, s10  }
0x250: {  	vm2 =	vlt.s32 v4, s12;
	vm3 =	vlt.s32 v4, $0x17F;
	v5 =	vor.u32 s18, v0  }
0x251: {  	s18 =	ssub.s32 s0, s31;
	vm5 =	vlt.s32 v6, $0x17F;
	vm1 =	vmand vm1, vm2;
	v4 =	vnsel vm3, $0x17F, v4  }
0x252: {  	s6 =	sadd.s32 $0x40, s6;
	vm2 =	vge.s32 v5, s10;
	vm3 =	vlt.s32 v5, s12;
	vm4 =	vlt.s32 v5, $0x17F;
	p1 =	sgt.s32 s18, $0x0  }
0x253: {  	s0 =	smov.u32 s7;
	v7 =	vnsel vm5, $0x17F, v6;
	vm2 =	vmand vm2, vm3;
	v5 =	vnsel vm4, $0x17F, v5;
	s18 =	simm.s32 @!p1 $0x0;
	p1 =	sgt.s32 s11, s7  }
0x254: {  	vm3 =	vge.s32 v6, s10;
	vm4 =	vlt.s32 v6, s12;
	v6 =	vor.u32 s6, v0;
	s0 =	smov.u32 @p1 s11;
	s11 =	sadd.s32 $0x1, s7  }
0x255: {  	vm3 =	vmand vm3, vm4;
	vm4 =	vge.s32 v6, s10;
	vm5 =	vlt.s32 v6, s12;
	p2 =	slt.u32 s11, s0  }
.Ltmp35:
0x256: {  	vm4 =	vmand vm4, vm5;
	(pc) =	sbr.rel @!p2 .LBB2_68-.Ltmp35, $4  }
0x257: {  	s8 =	smul.u32 $0x180, s18  }
0x258: {  	vm6 =	vlt.s32 v6, $0x17F  }
0x259: {  	v6 =	vnsel vm6, $0x17F, v6;
	v13 =	vadd.s32 s8, v7  }
0x25a: {  	p1 =	por $0x0, $0x0;
	v10 =	vadd.s32 s8, v3;
	v9 =	vadd.s32 s8, v4;
	v8 =	vadd.s32 s8, v5;
	s7 =	sadd.s32 $0x180, s8  }
0x25b: {  	_ =	sdelay $0x1  }
0x25c: {  	s11 =	sadd.s32 $0x1, s11  }
0x25d: {  	p2 =	slt.u32 s11, s0  }
.Ltmp36:
0x25e: {  	_ = 	snop;
	(pc) =	sbr.rel @!p2 .LBB2_70-.Ltmp36, $4  }
0x25f: {  	[tilespmem:v10+s13+$0x0] =	vst.idx.msk vm0, v1;
	v11 =	vadd.s32 s8, v6  }
0x260: {  	[tilespmem:v9+s13+$0x0] =	vst.idx.msk vm1, v1  }
0x261: {  	v10 =	vadd.s32 s7, v3;
	[tilespmem:v8+s13+$0x0] =	vst.idx.msk vm2, v1  }
0x262: {  	v12 =	vadd.s32 s7, v7;
	s8 =	sadd.s32 $0x180, s7;
	p1 =	por $0x1, $0x1;
	v9 =	vadd.s32 s7, v4;
	v8 =	vadd.s32 s7, v5;
	[tilespmem:v13+s13+$0x0] =	vst.idx.msk vm3, v1  }
.LBB2_71:
0x263: {  	s11 =	sadd.s32 $0x1, s11  }
0x264: {  	v13 =	vadd.s32 s8, v7;
	[tilespmem:v11+s13+$0x0] =	vst.idx.msk vm4, v1;
	p2 =	slt.u32 s11, s0  }
.Ltmp37:
0x265: {  	v11 =	vadd.s32 s7, v6;
	s7 =	smov.u32 s8;
	(pc) =	sbr.rel @p2 .LBB2_71-.Ltmp37, $4  }
0x266: {  	[tilespmem:v10+s13+$0x0] =	vst.idx.msk vm0, v1  }
0x267: {  	v10 =	vadd.s32 s8, v3;
	[tilespmem:v9+s13+$0x0] =	vst.idx.msk vm1, v1  }
0x268: {  	v9 =	vadd.s32 s8, v4;
	[tilespmem:v8+s13+$0x0] =	vst.idx.msk vm2, v1  }
0x269: {  	s8 =	sadd.s32 $0x180, s8;
	v8 =	vadd.s32 s7, v5;
	[tilespmem:v12+s13+$0x0] =	vst.idx.msk vm3, v1;
	v12 =	vmov v13  }
0x26a: {  	s8 =	smov.u32 s7;
	v13 =	vmov v12  }
.LBB2_73:
0x26b: {  	_ =	sdelay $0x4  }
0x26c: {  	[tilespmem:v11+s13+$0x0] =	vst.idx.msk @p1 vm4, v1;
	v3 =	vadd.s32 s8, v6  }
0x26d: {  	[tilespmem:v10+s13+$0x0] =	vst.idx.msk vm0, v1  }
0x26e: {  	[tilespmem:v9+s13+$0x0] =	vst.idx.msk vm1, v1  }
0x26f: {  	[tilespmem:v8+s13+$0x0] =	vst.idx.msk vm2, v1  }
0x270: {  	[tilespmem:v13+s13+$0x0] =	vst.idx.msk vm3, v1  }
0x271: {  	[tilespmem:v3+s13+$0x0] =	vst.idx.msk vm4, v1  }
.LBB2_74:
0x272: {  	(v2sf) =	vpush v2, $0x1;
	_ =	sdelay $0xc  }
0x273: {  	(v2sf) =	vpush v2, $0x9;
	_ =	sdelay $0x1  }
0x274: {  	s0 =	spop (v2sf)  }
0x275: {  	p1 =	sgt.s32 s0, $0x0  }
0x276: {  	s0 =	simm.s32 @!p1 $0x0  }
0x277: {  	s6 =	smin.u32 s0, $0x13F  }
0x278: {  	s7 =	smin.u32 s0, $0x17F;
	s6 =	ssub.s32 s6, s1  }
0x279: {  	s0 =	ssub.s32 s7, s1;
	p1 =	slt.s32 s6, $0x20  }
0x27a: {  	s6 =	simm.s32 @!p1 $0x20;
	p1 =	sgt.s32 s0, $0x0  }
0x27b: {  	s0 =	simm.s32 @!p1 $0x0;
	s11 =	sadd.s32 $0x40, s6  }
0x27c: {  	p1 =	sle.s32 s11, s0  }
.Ltmp38:
0x27d: {  	_ = 	snop;
	(pc) =	sbr.rel @p1 .LBB2_82-.Ltmp38, $2  }
0x27e: {  	_ =	sdelay $0x2  }
0x27f: {  	s8 =	spop (v2sf)  }
0x280: {  	p1 =	sgt.s32 s8, $0x0  }
0x281: {  	p2 =	slt.s32 s8, $0x1;
	s8 =	simm.s32 @!p1 $0x0  }
0x282: {  	s6 =	smin.u32 s8, $0x17F  }
0x283: {  	s10 =	sand.u32 $0xF, s6  }
0x284: {  	p6 =	sne.s32 s10, $0x0  }
0x285: {  	p1 =	por !p2, !p6  }
0x286: {  	s10 =	simm.s32 $0xFFFFFFFF;
	p1 =	por !p1, !p1  }
0x287: {  	s10 =	simm.s32 @!p1 $0x0  }
0x288: {  	s10 =	sshll.u32 s10, $0x4  }
0x289: {  	s10 =	sadd.s32 s6, s10  }
0x28a: {  	s8 =	smin.u32 s8, $0x13F;
	s10 =	sand.u32 $0xFFFFFFF0, s10  }
0x28b: {  	s12 =	sadd.s32 $0x40, s8;
	v3 =	vor.u32 s10, v0  }
0x28c: {  	s18 =	sadd.s32 $0x10, s10;
	s8 =	sadd.s32 $0x30, s10;
	vm0 =	vge.s32 v3, s6;
	vm1 =	vlt.s32 v3, s12  }
0x28d: {  	vm2 =	vlt.s32 v3, $0x17F;
	v4 =	vor.u32 s18, v0;
	v6 =	vor.u32 s8, v0  }
0x28e: {  	s18 =	sadd.s32 $0x20, s10;
	vm0 =	vmand vm0, vm1;
	v3 =	vnsel vm2, $0x17F, v3;
	vm1 =	vge.s32 v4, s6  }
0x28f: {  	vm2 =	vlt.s32 v4, s12;
	vm3 =	vlt.s32 v4, $0x17F;
	v5 =	vor.u32 s18, v0  }
0x290: {  	s18 =	ssub.s32 s7, s31;
	vm5 =	vlt.s32 v6, $0x17F;
	vm1 =	vmand vm1, vm2;
	v4 =	vnsel vm3, $0x17F, v4  }
0x291: {  	s10 =	sadd.s32 $0x40, s10;
	vm2 =	vge.s32 v5, s6;
	vm3 =	vlt.s32 v5, s12;
	vm4 =	vlt.s32 v5, $0x17F;
	p1 =	sgt.s32 s18, $0x0  }
0x292: {  	s7 =	smov.u32 s0;
	v7 =	vnsel vm5, $0x17F, v6;
	vm2 =	vmand vm2, vm3;
	v5 =	vnsel vm4, $0x17F, v5;
	s18 =	simm.s32 @!p1 $0x0;
	p1 =	sgt.s32 s11, s0  }
0x293: {  	vm3 =	vge.s32 v6, s6;
	vm4 =	vlt.s32 v6, s12;
	v6 =	vor.u32 s10, v0;
	s7 =	smov.u32 @p1 s11;
	s11 =	sadd.s32 $0x1, s0  }
0x294: {  	vm3 =	vmand vm3, vm4;
	vm4 =	vge.s32 v6, s6;
	vm5 =	vlt.s32 v6, s12;
	p2 =	slt.u32 s11, s7  }
.Ltmp39:
0x295: {  	vm4 =	vmand vm4, vm5;
	(pc) =	sbr.rel @!p2 .LBB2_76-.Ltmp39, $4  }
0x296: {  	s8 =	smul.u32 $0x180, s18  }
0x297: {  	vm6 =	vlt.s32 v6, $0x17F  }
0x298: {  	v6 =	vnsel vm6, $0x17F, v6;
	v13 =	vadd.s32 s8, v7  }
0x299: {  	p1 =	por $0x0, $0x0;
	v10 =	vadd.s32 s8, v3;
	v9 =	vadd.s32 s8, v4;
	v8 =	vadd.s32 s8, v5;
	s0 =	sadd.s32 $0x180, s8  }
0x29a: {  	_ =	sdelay $0x1  }
0x29b: {  	s11 =	sadd.s32 $0x1, s11  }
0x29c: {  	p2 =	slt.u32 s11, s7  }
.Ltmp40:
0x29d: {  	_ = 	snop;
	(pc) =	sbr.rel @!p2 .LBB2_78-.Ltmp40, $4  }
0x29e: {  	[tilespmem:v10+s13+$0x0] =	vst.idx.msk vm0, v1;
	v11 =	vadd.s32 s8, v6  }
0x29f: {  	[tilespmem:v9+s13+$0x0] =	vst.idx.msk vm1, v1  }
0x2a0: {  	v10 =	vadd.s32 s0, v3;
	[tilespmem:v8+s13+$0x0] =	vst.idx.msk vm2, v1  }
0x2a1: {  	v12 =	vadd.s32 s0, v7;
	s8 =	sadd.s32 $0x180, s0;
	p1 =	por $0x1, $0x1;
	v9 =	vadd.s32 s0, v4;
	v8 =	vadd.s32 s0, v5;
	[tilespmem:v13+s13+$0x0] =	vst.idx.msk vm3, v1  }
.LBB2_79:
0x2a2: {  	s11 =	sadd.s32 $0x1, s11  }
0x2a3: {  	v13 =	vadd.s32 s8, v7;
	[tilespmem:v11+s13+$0x0] =	vst.idx.msk vm4, v1;
	p2 =	slt.u32 s11, s7  }
.Ltmp41:
0x2a4: {  	v11 =	vadd.s32 s0, v6;
	s0 =	smov.u32 s8;
	(pc) =	sbr.rel @p2 .LBB2_79-.Ltmp41, $4  }
0x2a5: {  	[tilespmem:v10+s13+$0x0] =	vst.idx.msk vm0, v1  }
0x2a6: {  	v10 =	vadd.s32 s8, v3;
	[tilespmem:v9+s13+$0x0] =	vst.idx.msk vm1, v1  }
0x2a7: {  	v9 =	vadd.s32 s8, v4;
	[tilespmem:v8+s13+$0x0] =	vst.idx.msk vm2, v1  }
0x2a8: {  	s8 =	sadd.s32 $0x180, s8;
	v8 =	vadd.s32 s0, v5;
	[tilespmem:v12+s13+$0x0] =	vst.idx.msk vm3, v1;
	v12 =	vmov v13  }
0x2a9: {  	s8 =	smov.u32 s0;
	v13 =	vmov v12  }
.LBB2_81:
0x2aa: {  	_ =	sdelay $0x4  }
0x2ab: {  	[tilespmem:v11+s13+$0x0] =	vst.idx.msk @p1 vm4, v1;
	v3 =	vadd.s32 s8, v6  }
0x2ac: {  	[tilespmem:v10+s13+$0x0] =	vst.idx.msk vm0, v1  }
0x2ad: {  	[tilespmem:v9+s13+$0x0] =	vst.idx.msk vm1, v1  }
0x2ae: {  	[tilespmem:v8+s13+$0x0] =	vst.idx.msk vm2, v1  }
0x2af: {  	[tilespmem:v13+s13+$0x0] =	vst.idx.msk vm3, v1  }
0x2b0: {  	[tilespmem:v3+s13+$0x0] =	vst.idx.msk vm4, v1  }
.LBB2_82:
0x2b1: {  	(v2sf) =	vpush v2, $0x2;
	_ =	sdelay $0xc  }
0x2b2: {  	(v2sf) =	vpush v2, $0xA;
	_ =	sdelay $0x1  }
0x2b3: {  	s0 =	spop (v2sf)  }
0x2b4: {  	p1 =	sgt.s32 s0, $0x0  }
0x2b5: {  	s0 =	simm.s32 @!p1 $0x0  }
0x2b6: {  	s6 =	smin.u32 s0, $0x13F  }
0x2b7: {  	s7 =	smin.u32 s0, $0x17F;
	s6 =	ssub.s32 s6, s1  }
0x2b8: {  	s0 =	ssub.s32 s7, s1;
	p1 =	slt.s32 s6, $0x20  }
0x2b9: {  	s6 =	simm.s32 @!p1 $0x20;
	p1 =	sgt.s32 s0, $0x0  }
0x2ba: {  	s0 =	simm.s32 @!p1 $0x0;
	s11 =	sadd.s32 $0x40, s6  }
0x2bb: {  	p1 =	sle.s32 s11, s0  }
.Ltmp42:
0x2bc: {  	_ = 	snop;
	(pc) =	sbr.rel @p1 .LBB2_90-.Ltmp42, $2  }
0x2bd: {  	_ =	sdelay $0x2  }
0x2be: {  	s8 =	spop (v2sf)  }
0x2bf: {  	p1 =	sgt.s32 s8, $0x0  }
0x2c0: {  	p2 =	slt.s32 s8, $0x1;
	s8 =	simm.s32 @!p1 $0x0  }
0x2c1: {  	s6 =	smin.u32 s8, $0x17F  }
0x2c2: {  	s10 =	sand.u32 $0xF, s6  }
0x2c3: {  	p6 =	sne.s32 s10, $0x0  }
0x2c4: {  	p1 =	por !p2, !p6  }
0x2c5: {  	s10 =	simm.s32 $0xFFFFFFFF;
	p1 =	por !p1, !p1  }
0x2c6: {  	s10 =	simm.s32 @!p1 $0x0  }
0x2c7: {  	s10 =	sshll.u32 s10, $0x4  }
0x2c8: {  	s10 =	sadd.s32 s6, s10  }
0x2c9: {  	s8 =	smin.u32 s8, $0x13F;
	s10 =	sand.u32 $0xFFFFFFF0, s10  }
0x2ca: {  	s12 =	sadd.s32 $0x40, s8;
	v3 =	vor.u32 s10, v0  }
0x2cb: {  	s18 =	sadd.s32 $0x10, s10;
	s8 =	sadd.s32 $0x30, s10;
	vm0 =	vge.s32 v3, s6;
	vm1 =	vlt.s32 v3, s12  }
0x2cc: {  	vm2 =	vlt.s32 v3, $0x17F;
	v4 =	vor.u32 s18, v0;
	v6 =	vor.u32 s8, v0  }
0x2cd: {  	s18 =	sadd.s32 $0x20, s10;
	vm0 =	vmand vm0, vm1;
	v3 =	vnsel vm2, $0x17F, v3;
	vm1 =	vge.s32 v4, s6  }
0x2ce: {  	vm2 =	vlt.s32 v4, s12;
	vm3 =	vlt.s32 v4, $0x17F;
	v5 =	vor.u32 s18, v0  }
0x2cf: {  	s18 =	ssub.s32 s7, s31;
	vm5 =	vlt.s32 v6, $0x17F;
	vm1 =	vmand vm1, vm2;
	v4 =	vnsel vm3, $0x17F, v4  }
0x2d0: {  	s10 =	sadd.s32 $0x40, s10;
	vm2 =	vge.s32 v5, s6;
	vm3 =	vlt.s32 v5, s12;
	vm4 =	vlt.s32 v5, $0x17F;
	p1 =	sgt.s32 s18, $0x0  }
0x2d1: {  	s7 =	smov.u32 s0;
	v7 =	vnsel vm5, $0x17F, v6;
	vm2 =	vmand vm2, vm3;
	v5 =	vnsel vm4, $0x17F, v5;
	s18 =	simm.s32 @!p1 $0x0;
	p1 =	sgt.s32 s11, s0  }
0x2d2: {  	vm3 =	vge.s32 v6, s6;
	vm4 =	vlt.s32 v6, s12;
	v6 =	vor.u32 s10, v0;
	s7 =	smov.u32 @p1 s11;
	s11 =	sadd.s32 $0x1, s0  }
0x2d3: {  	vm3 =	vmand vm3, vm4;
	vm4 =	vge.s32 v6, s6;
	vm5 =	vlt.s32 v6, s12;
	p2 =	slt.u32 s11, s7  }
.Ltmp43:
0x2d4: {  	vm4 =	vmand vm4, vm5;
	(pc) =	sbr.rel @!p2 .LBB2_84-.Ltmp43, $4  }
0x2d5: {  	s8 =	smul.u32 $0x180, s18  }
0x2d6: {  	vm6 =	vlt.s32 v6, $0x17F  }
0x2d7: {  	v6 =	vnsel vm6, $0x17F, v6;
	v13 =	vadd.s32 s8, v7  }
0x2d8: {  	p1 =	por $0x0, $0x0;
	v10 =	vadd.s32 s8, v3;
	v9 =	vadd.s32 s8, v4;
	v8 =	vadd.s32 s8, v5;
	s0 =	sadd.s32 $0x180, s8  }
0x2d9: {  	_ =	sdelay $0x1  }
0x2da: {  	s11 =	sadd.s32 $0x1, s11  }
0x2db: {  	p2 =	slt.u32 s11, s7  }
.Ltmp44:
0x2dc: {  	_ = 	snop;
	(pc) =	sbr.rel @!p2 .LBB2_86-.Ltmp44, $4  }
0x2dd: {  	[tilespmem:v10+s13+$0x0] =	vst.idx.msk vm0, v1;
	v11 =	vadd.s32 s8, v6  }
0x2de: {  	[tilespmem:v9+s13+$0x0] =	vst.idx.msk vm1, v1  }
0x2df: {  	v10 =	vadd.s32 s0, v3;
	[tilespmem:v8+s13+$0x0] =	vst.idx.msk vm2, v1  }
0x2e0: {  	v12 =	vadd.s32 s0, v7;
	s8 =	sadd.s32 $0x180, s0;
	p1 =	por $0x1, $0x1;
	v9 =	vadd.s32 s0, v4;
	v8 =	vadd.s32 s0, v5;
	[tilespmem:v13+s13+$0x0] =	vst.idx.msk vm3, v1  }
.LBB2_87:
0x2e1: {  	s11 =	sadd.s32 $0x1, s11  }
0x2e2: {  	v13 =	vadd.s32 s8, v7;
	[tilespmem:v11+s13+$0x0] =	vst.idx.msk vm4, v1;
	p2 =	slt.u32 s11, s7  }
.Ltmp45:
0x2e3: {  	v11 =	vadd.s32 s0, v6;
	s0 =	smov.u32 s8;
	(pc) =	sbr.rel @p2 .LBB2_87-.Ltmp45, $4  }
0x2e4: {  	[tilespmem:v10+s13+$0x0] =	vst.idx.msk vm0, v1  }
0x2e5: {  	v10 =	vadd.s32 s8, v3;
	[tilespmem:v9+s13+$0x0] =	vst.idx.msk vm1, v1  }
0x2e6: {  	v9 =	vadd.s32 s8, v4;
	[tilespmem:v8+s13+$0x0] =	vst.idx.msk vm2, v1  }
0x2e7: {  	s8 =	sadd.s32 $0x180, s8;
	v8 =	vadd.s32 s0, v5;
	[tilespmem:v12+s13+$0x0] =	vst.idx.msk vm3, v1;
	v12 =	vmov v13  }
0x2e8: {  	s8 =	smov.u32 s0;
	v13 =	vmov v12  }
.LBB2_89:
0x2e9: {  	_ =	sdelay $0x4  }
0x2ea: {  	[tilespmem:v11+s13+$0x0] =	vst.idx.msk @p1 vm4, v1;
	v3 =	vadd.s32 s8, v6  }
0x2eb: {  	[tilespmem:v10+s13+$0x0] =	vst.idx.msk vm0, v1  }
0x2ec: {  	[tilespmem:v9+s13+$0x0] =	vst.idx.msk vm1, v1  }
0x2ed: {  	[tilespmem:v8+s13+$0x0] =	vst.idx.msk vm2, v1  }
0x2ee: {  	[tilespmem:v13+s13+$0x0] =	vst.idx.msk vm3, v1  }
0x2ef: {  	[tilespmem:v3+s13+$0x0] =	vst.idx.msk vm4, v1  }
.LBB2_90:
0x2f0: {  	(v2sf) =	vpush v2, $0x3;
	_ =	sdelay $0xc  }
0x2f1: {  	(v2sf) =	vpush v2, $0xB;
	_ =	sdelay $0x1  }
0x2f2: {  	s0 =	spop (v2sf)  }
0x2f3: {  	p1 =	sgt.s32 s0, $0x0  }
0x2f4: {  	s0 =	simm.s32 @!p1 $0x0  }
0x2f5: {  	s6 =	smin.u32 s0, $0x13F  }
0x2f6: {  	s7 =	smin.u32 s0, $0x17F;
	s6 =	ssub.s32 s6, s1  }
0x2f7: {  	s0 =	ssub.s32 s7, s1;
	p1 =	slt.s32 s6, $0x20  }
0x2f8: {  	s6 =	simm.s32 @!p1 $0x20;
	p1 =	sgt.s32 s0, $0x0  }
0x2f9: {  	s0 =	simm.s32 @!p1 $0x0;
	s11 =	sadd.s32 $0x40, s6  }
0x2fa: {  	p1 =	sle.s32 s11, s0  }
.Ltmp46:
0x2fb: {  	_ = 	snop;
	(pc) =	sbr.rel @p1 .LBB2_98-.Ltmp46, $2  }
0x2fc: {  	_ =	sdelay $0x2  }
0x2fd: {  	s8 =	spop (v2sf)  }
0x2fe: {  	p1 =	sgt.s32 s8, $0x0  }
0x2ff: {  	p2 =	slt.s32 s8, $0x1;
	s8 =	simm.s32 @!p1 $0x0  }
0x300: {  	s6 =	smin.u32 s8, $0x17F  }
0x301: {  	s10 =	sand.u32 $0xF, s6  }
0x302: {  	p6 =	sne.s32 s10, $0x0  }
0x303: {  	p1 =	por !p2, !p6  }
0x304: {  	s10 =	simm.s32 $0xFFFFFFFF;
	p1 =	por !p1, !p1  }
0x305: {  	s10 =	simm.s32 @!p1 $0x0  }
0x306: {  	s10 =	sshll.u32 s10, $0x4  }
0x307: {  	s10 =	sadd.s32 s6, s10  }
0x308: {  	s8 =	smin.u32 s8, $0x13F;
	s10 =	sand.u32 $0xFFFFFFF0, s10  }
0x309: {  	s12 =	sadd.s32 $0x40, s8;
	v3 =	vor.u32 s10, v0  }
0x30a: {  	s18 =	sadd.s32 $0x10, s10;
	s8 =	sadd.s32 $0x30, s10;
	vm0 =	vge.s32 v3, s6;
	vm1 =	vlt.s32 v3, s12  }
0x30b: {  	vm2 =	vlt.s32 v3, $0x17F;
	v4 =	vor.u32 s18, v0;
	v6 =	vor.u32 s8, v0  }
0x30c: {  	s18 =	sadd.s32 $0x20, s10;
	vm0 =	vmand vm0, vm1;
	v3 =	vnsel vm2, $0x17F, v3;
	vm1 =	vge.s32 v4, s6  }
0x30d: {  	vm2 =	vlt.s32 v4, s12;
	vm3 =	vlt.s32 v4, $0x17F;
	v5 =	vor.u32 s18, v0  }
0x30e: {  	s18 =	ssub.s32 s7, s31;
	vm5 =	vlt.s32 v6, $0x17F;
	vm1 =	vmand vm1, vm2;
	v4 =	vnsel vm3, $0x17F, v4  }
0x30f: {  	s10 =	sadd.s32 $0x40, s10;
	vm2 =	vge.s32 v5, s6;
	vm3 =	vlt.s32 v5, s12;
	vm4 =	vlt.s32 v5, $0x17F;
	p1 =	sgt.s32 s18, $0x0  }
0x310: {  	s7 =	smov.u32 s0;
	v7 =	vnsel vm5, $0x17F, v6;
	vm2 =	vmand vm2, vm3;
	v5 =	vnsel vm4, $0x17F, v5;
	s18 =	simm.s32 @!p1 $0x0;
	p1 =	sgt.s32 s11, s0  }
0x311: {  	vm3 =	vge.s32 v6, s6;
	vm4 =	vlt.s32 v6, s12;
	v6 =	vor.u32 s10, v0;
	s7 =	smov.u32 @p1 s11;
	s11 =	sadd.s32 $0x1, s0  }
0x312: {  	vm3 =	vmand vm3, vm4;
	vm4 =	vge.s32 v6, s6;
	vm5 =	vlt.s32 v6, s12;
	p2 =	slt.u32 s11, s7  }
.Ltmp47:
0x313: {  	vm4 =	vmand vm4, vm5;
	(pc) =	sbr.rel @!p2 .LBB2_92-.Ltmp47, $4  }
0x314: {  	s8 =	smul.u32 $0x180, s18  }
0x315: {  	vm6 =	vlt.s32 v6, $0x17F  }
0x316: {  	v6 =	vnsel vm6, $0x17F, v6;
	v13 =	vadd.s32 s8, v7  }
0x317: {  	p1 =	por $0x0, $0x0;
	v10 =	vadd.s32 s8, v3;
	v9 =	vadd.s32 s8, v4;
	v8 =	vadd.s32 s8, v5;
	s0 =	sadd.s32 $0x180, s8  }
0x318: {  	_ =	sdelay $0x1  }
0x319: {  	s11 =	sadd.s32 $0x1, s11  }
0x31a: {  	p2 =	slt.u32 s11, s7  }
.Ltmp48:
0x31b: {  	_ = 	snop;
	(pc) =	sbr.rel @!p2 .LBB2_94-.Ltmp48, $4  }
0x31c: {  	[tilespmem:v10+s13+$0x0] =	vst.idx.msk vm0, v1;
	v11 =	vadd.s32 s8, v6  }
0x31d: {  	[tilespmem:v9+s13+$0x0] =	vst.idx.msk vm1, v1  }
0x31e: {  	v10 =	vadd.s32 s0, v3;
	[tilespmem:v8+s13+$0x0] =	vst.idx.msk vm2, v1  }
0x31f: {  	v12 =	vadd.s32 s0, v7;
	s8 =	sadd.s32 $0x180, s0;
	p1 =	por $0x1, $0x1;
	v9 =	vadd.s32 s0, v4;
	v8 =	vadd.s32 s0, v5;
	[tilespmem:v13+s13+$0x0] =	vst.idx.msk vm3, v1  }
.LBB2_95:
0x320: {  	s11 =	sadd.s32 $0x1, s11  }
0x321: {  	v13 =	vadd.s32 s8, v7;
	[tilespmem:v11+s13+$0x0] =	vst.idx.msk vm4, v1;
	p2 =	slt.u32 s11, s7  }
.Ltmp49:
0x322: {  	v11 =	vadd.s32 s0, v6;
	s0 =	smov.u32 s8;
	(pc) =	sbr.rel @p2 .LBB2_95-.Ltmp49, $4  }
0x323: {  	[tilespmem:v10+s13+$0x0] =	vst.idx.msk vm0, v1  }
0x324: {  	v10 =	vadd.s32 s8, v3;
	[tilespmem:v9+s13+$0x0] =	vst.idx.msk vm1, v1  }
0x325: {  	v9 =	vadd.s32 s8, v4;
	[tilespmem:v8+s13+$0x0] =	vst.idx.msk vm2, v1  }
0x326: {  	s8 =	sadd.s32 $0x180, s8;
	v8 =	vadd.s32 s0, v5;
	[tilespmem:v12+s13+$0x0] =	vst.idx.msk vm3, v1;
	v12 =	vmov v13  }
0x327: {  	s8 =	smov.u32 s0;
	v13 =	vmov v12  }
.LBB2_97:
0x328: {  	_ =	sdelay $0x4  }
0x329: {  	[tilespmem:v11+s13+$0x0] =	vst.idx.msk @p1 vm4, v1;
	v3 =	vadd.s32 s8, v6  }
0x32a: {  	[tilespmem:v10+s13+$0x0] =	vst.idx.msk vm0, v1  }
0x32b: {  	[tilespmem:v9+s13+$0x0] =	vst.idx.msk vm1, v1  }
0x32c: {  	[tilespmem:v8+s13+$0x0] =	vst.idx.msk vm2, v1  }
0x32d: {  	[tilespmem:v13+s13+$0x0] =	vst.idx.msk vm3, v1  }
0x32e: {  	[tilespmem:v3+s13+$0x0] =	vst.idx.msk vm4, v1  }
.LBB2_98:
0x32f: {  	(v2sf) =	vpush v2, $0x4;
	_ =	sdelay $0xc  }
0x330: {  	(v2sf) =	vpush v2, $0xC;
	_ =	sdelay $0x1  }
0x331: {  	s0 =	spop (v2sf)  }
0x332: {  	p1 =	sgt.s32 s0, $0x0  }
0x333: {  	s0 =	simm.s32 @!p1 $0x0  }
0x334: {  	s6 =	smin.u32 s0, $0x13F  }
0x335: {  	s7 =	smin.u32 s0, $0x17F;
	s6 =	ssub.s32 s6, s1  }
0x336: {  	s0 =	ssub.s32 s7, s1;
	p1 =	slt.s32 s6, $0x20  }
0x337: {  	s6 =	simm.s32 @!p1 $0x20;
	p1 =	sgt.s32 s0, $0x0  }
0x338: {  	s0 =	simm.s32 @!p1 $0x0;
	s11 =	sadd.s32 $0x40, s6  }
0x339: {  	p1 =	sle.s32 s11, s0  }
.Ltmp50:
0x33a: {  	_ = 	snop;
	(pc) =	sbr.rel @p1 .LBB2_106-.Ltmp50, $2  }
0x33b: {  	_ =	sdelay $0x2  }
0x33c: {  	s8 =	spop (v2sf)  }
0x33d: {  	p1 =	sgt.s32 s8, $0x0  }
0x33e: {  	p2 =	slt.s32 s8, $0x1;
	s8 =	simm.s32 @!p1 $0x0  }
0x33f: {  	s6 =	smin.u32 s8, $0x17F  }
0x340: {  	s10 =	sand.u32 $0xF, s6  }
0x341: {  	p6 =	sne.s32 s10, $0x0  }
0x342: {  	p1 =	por !p2, !p6  }
0x343: {  	s10 =	simm.s32 $0xFFFFFFFF;
	p1 =	por !p1, !p1  }
0x344: {  	s10 =	simm.s32 @!p1 $0x0  }
0x345: {  	s10 =	sshll.u32 s10, $0x4  }
0x346: {  	s10 =	sadd.s32 s6, s10  }
0x347: {  	s8 =	smin.u32 s8, $0x13F;
	s10 =	sand.u32 $0xFFFFFFF0, s10  }
0x348: {  	s12 =	sadd.s32 $0x40, s8;
	v3 =	vor.u32 s10, v0  }
0x349: {  	s18 =	sadd.s32 $0x10, s10;
	s8 =	sadd.s32 $0x30, s10;
	vm0 =	vge.s32 v3, s6;
	vm1 =	vlt.s32 v3, s12  }
0x34a: {  	vm2 =	vlt.s32 v3, $0x17F;
	v4 =	vor.u32 s18, v0;
	v6 =	vor.u32 s8, v0  }
0x34b: {  	s18 =	sadd.s32 $0x20, s10;
	vm0 =	vmand vm0, vm1;
	v3 =	vnsel vm2, $0x17F, v3;
	vm1 =	vge.s32 v4, s6  }
0x34c: {  	vm2 =	vlt.s32 v4, s12;
	vm3 =	vlt.s32 v4, $0x17F;
	v5 =	vor.u32 s18, v0  }
0x34d: {  	s18 =	ssub.s32 s7, s31;
	vm5 =	vlt.s32 v6, $0x17F;
	vm1 =	vmand vm1, vm2;
	v4 =	vnsel vm3, $0x17F, v4  }
0x34e: {  	s10 =	sadd.s32 $0x40, s10;
	vm2 =	vge.s32 v5, s6;
	vm3 =	vlt.s32 v5, s12;
	vm4 =	vlt.s32 v5, $0x17F;
	p1 =	sgt.s32 s18, $0x0  }
0x34f: {  	s7 =	smov.u32 s0;
	v7 =	vnsel vm5, $0x17F, v6;
	vm2 =	vmand vm2, vm3;
	v5 =	vnsel vm4, $0x17F, v5;
	s18 =	simm.s32 @!p1 $0x0;
	p1 =	sgt.s32 s11, s0  }
0x350: {  	vm3 =	vge.s32 v6, s6;
	vm4 =	vlt.s32 v6, s12;
	v6 =	vor.u32 s10, v0;
	s7 =	smov.u32 @p1 s11;
	s11 =	sadd.s32 $0x1, s0  }
0x351: {  	vm3 =	vmand vm3, vm4;
	vm4 =	vge.s32 v6, s6;
	vm5 =	vlt.s32 v6, s12;
	p2 =	slt.u32 s11, s7  }
.Ltmp51:
0x352: {  	vm4 =	vmand vm4, vm5;
	(pc) =	sbr.rel @!p2 .LBB2_100-.Ltmp51, $4  }
0x353: {  	s8 =	smul.u32 $0x180, s18  }
0x354: {  	vm6 =	vlt.s32 v6, $0x17F  }
0x355: {  	v6 =	vnsel vm6, $0x17F, v6;
	v13 =	vadd.s32 s8, v7  }
0x356: {  	p1 =	por $0x0, $0x0;
	v10 =	vadd.s32 s8, v3;
	v9 =	vadd.s32 s8, v4;
	v8 =	vadd.s32 s8, v5;
	s0 =	sadd.s32 $0x180, s8  }
0x357: {  	_ =	sdelay $0x1  }
0x358: {  	s11 =	sadd.s32 $0x1, s11  }
0x359: {  	p2 =	slt.u32 s11, s7  }
.Ltmp52:
0x35a: {  	_ = 	snop;
	(pc) =	sbr.rel @!p2 .LBB2_102-.Ltmp52, $4  }
0x35b: {  	[tilespmem:v10+s13+$0x0] =	vst.idx.msk vm0, v1;
	v11 =	vadd.s32 s8, v6  }
0x35c: {  	[tilespmem:v9+s13+$0x0] =	vst.idx.msk vm1, v1  }
0x35d: {  	v10 =	vadd.s32 s0, v3;
	[tilespmem:v8+s13+$0x0] =	vst.idx.msk vm2, v1  }
0x35e: {  	v12 =	vadd.s32 s0, v7;
	s8 =	sadd.s32 $0x180, s0;
	p1 =	por $0x1, $0x1;
	v9 =	vadd.s32 s0, v4;
	v8 =	vadd.s32 s0, v5;
	[tilespmem:v13+s13+$0x0] =	vst.idx.msk vm3, v1  }
.LBB2_103:
0x35f: {  	s11 =	sadd.s32 $0x1, s11  }
0x360: {  	v13 =	vadd.s32 s8, v7;
	[tilespmem:v11+s13+$0x0] =	vst.idx.msk vm4, v1;
	p2 =	slt.u32 s11, s7  }
.Ltmp53:
0x361: {  	v11 =	vadd.s32 s0, v6;
	s0 =	smov.u32 s8;
	(pc) =	sbr.rel @p2 .LBB2_103-.Ltmp53, $4  }
0x362: {  	[tilespmem:v10+s13+$0x0] =	vst.idx.msk vm0, v1  }
0x363: {  	v10 =	vadd.s32 s8, v3;
	[tilespmem:v9+s13+$0x0] =	vst.idx.msk vm1, v1  }
0x364: {  	v9 =	vadd.s32 s8, v4;
	[tilespmem:v8+s13+$0x0] =	vst.idx.msk vm2, v1  }
0x365: {  	s8 =	sadd.s32 $0x180, s8;
	v8 =	vadd.s32 s0, v5;
	[tilespmem:v12+s13+$0x0] =	vst.idx.msk vm3, v1;
	v12 =	vmov v13  }
0x366: {  	s8 =	smov.u32 s0;
	v13 =	vmov v12  }
.LBB2_105:
0x367: {  	_ =	sdelay $0x4  }
0x368: {  	[tilespmem:v11+s13+$0x0] =	vst.idx.msk @p1 vm4, v1;
	v3 =	vadd.s32 s8, v6  }
0x369: {  	[tilespmem:v10+s13+$0x0] =	vst.idx.msk vm0, v1  }
0x36a: {  	[tilespmem:v9+s13+$0x0] =	vst.idx.msk vm1, v1  }
0x36b: {  	[tilespmem:v8+s13+$0x0] =	vst.idx.msk vm2, v1  }
0x36c: {  	[tilespmem:v13+s13+$0x0] =	vst.idx.msk vm3, v1  }
0x36d: {  	[tilespmem:v3+s13+$0x0] =	vst.idx.msk vm4, v1  }
.LBB2_106:
0x36e: {  	(v2sf) =	vpush v2, $0x5;
	_ =	sdelay $0xc  }
0x36f: {  	(v2sf) =	vpush v2, $0xD;
	_ =	sdelay $0x1  }
0x370: {  	s0 =	spop (v2sf)  }
0x371: {  	p1 =	sgt.s32 s0, $0x0  }
0x372: {  	s0 =	simm.s32 @!p1 $0x0  }
0x373: {  	s6 =	smin.u32 s0, $0x13F  }
0x374: {  	s7 =	smin.u32 s0, $0x17F;
	s6 =	ssub.s32 s6, s1  }
0x375: {  	s0 =	ssub.s32 s7, s1;
	p1 =	slt.s32 s6, $0x20  }
0x376: {  	s6 =	simm.s32 @!p1 $0x20;
	p1 =	sgt.s32 s0, $0x0  }
0x377: {  	s0 =	simm.s32 @!p1 $0x0;
	s11 =	sadd.s32 $0x40, s6  }
0x378: {  	p1 =	sle.s32 s11, s0  }
.Ltmp54:
0x379: {  	_ = 	snop;
	(pc) =	sbr.rel @p1 .LBB2_114-.Ltmp54, $2  }
0x37a: {  	_ =	sdelay $0x2  }
0x37b: {  	s8 =	spop (v2sf)  }
0x37c: {  	p1 =	sgt.s32 s8, $0x0  }
0x37d: {  	p2 =	slt.s32 s8, $0x1;
	s8 =	simm.s32 @!p1 $0x0  }
0x37e: {  	s6 =	smin.u32 s8, $0x17F  }
0x37f: {  	s10 =	sand.u32 $0xF, s6  }
0x380: {  	p6 =	sne.s32 s10, $0x0  }
0x381: {  	p1 =	por !p2, !p6  }
0x382: {  	s10 =	simm.s32 $0xFFFFFFFF;
	p1 =	por !p1, !p1  }
0x383: {  	s10 =	simm.s32 @!p1 $0x0  }
0x384: {  	s10 =	sshll.u32 s10, $0x4  }
0x385: {  	s10 =	sadd.s32 s6, s10  }
0x386: {  	s8 =	smin.u32 s8, $0x13F;
	s10 =	sand.u32 $0xFFFFFFF0, s10  }
0x387: {  	s12 =	sadd.s32 $0x40, s8;
	v3 =	vor.u32 s10, v0  }
0x388: {  	s18 =	sadd.s32 $0x10, s10;
	s8 =	sadd.s32 $0x30, s10;
	vm0 =	vge.s32 v3, s6;
	vm1 =	vlt.s32 v3, s12  }
0x389: {  	vm2 =	vlt.s32 v3, $0x17F;
	v4 =	vor.u32 s18, v0;
	v6 =	vor.u32 s8, v0  }
0x38a: {  	s18 =	sadd.s32 $0x20, s10;
	vm0 =	vmand vm0, vm1;
	v3 =	vnsel vm2, $0x17F, v3;
	vm1 =	vge.s32 v4, s6  }
0x38b: {  	vm2 =	vlt.s32 v4, s12;
	vm3 =	vlt.s32 v4, $0x17F;
	v5 =	vor.u32 s18, v0  }
0x38c: {  	s18 =	ssub.s32 s7, s31;
	vm5 =	vlt.s32 v6, $0x17F;
	vm1 =	vmand vm1, vm2;
	v4 =	vnsel vm3, $0x17F, v4  }
0x38d: {  	s10 =	sadd.s32 $0x40, s10;
	vm2 =	vge.s32 v5, s6;
	vm3 =	vlt.s32 v5, s12;
	vm4 =	vlt.s32 v5, $0x17F;
	p1 =	sgt.s32 s18, $0x0  }
0x38e: {  	s7 =	smov.u32 s0;
	v7 =	vnsel vm5, $0x17F, v6;
	vm2 =	vmand vm2, vm3;
	v5 =	vnsel vm4, $0x17F, v5;
	s18 =	simm.s32 @!p1 $0x0;
	p1 =	sgt.s32 s11, s0  }
0x38f: {  	vm3 =	vge.s32 v6, s6;
	vm4 =	vlt.s32 v6, s12;
	v6 =	vor.u32 s10, v0;
	s7 =	smov.u32 @p1 s11;
	s11 =	sadd.s32 $0x1, s0  }
0x390: {  	vm3 =	vmand vm3, vm4;
	vm4 =	vge.s32 v6, s6;
	vm5 =	vlt.s32 v6, s12;
	p2 =	slt.u32 s11, s7  }
.Ltmp55:
0x391: {  	vm4 =	vmand vm4, vm5;
	(pc) =	sbr.rel @!p2 .LBB2_108-.Ltmp55, $4  }
0x392: {  	s8 =	smul.u32 $0x180, s18  }
0x393: {  	vm6 =	vlt.s32 v6, $0x17F  }
0x394: {  	v6 =	vnsel vm6, $0x17F, v6;
	v13 =	vadd.s32 s8, v7  }
0x395: {  	p1 =	por $0x0, $0x0;
	v10 =	vadd.s32 s8, v3;
	v9 =	vadd.s32 s8, v4;
	v8 =	vadd.s32 s8, v5;
	s0 =	sadd.s32 $0x180, s8  }
0x396: {  	_ =	sdelay $0x1  }
0x397: {  	s11 =	sadd.s32 $0x1, s11  }
0x398: {  	p2 =	slt.u32 s11, s7  }
.Ltmp56:
0x399: {  	_ = 	snop;
	(pc) =	sbr.rel @!p2 .LBB2_110-.Ltmp56, $4  }
0x39a: {  	[tilespmem:v10+s13+$0x0] =	vst.idx.msk vm0, v1;
	v11 =	vadd.s32 s8, v6  }
0x39b: {  	[tilespmem:v9+s13+$0x0] =	vst.idx.msk vm1, v1  }
0x39c: {  	v10 =	vadd.s32 s0, v3;
	[tilespmem:v8+s13+$0x0] =	vst.idx.msk vm2, v1  }
0x39d: {  	v12 =	vadd.s32 s0, v7;
	s8 =	sadd.s32 $0x180, s0;
	p1 =	por $0x1, $0x1;
	v9 =	vadd.s32 s0, v4;
	v8 =	vadd.s32 s0, v5;
	[tilespmem:v13+s13+$0x0] =	vst.idx.msk vm3, v1  }
.LBB2_111:
0x39e: {  	s11 =	sadd.s32 $0x1, s11  }
0x39f: {  	v13 =	vadd.s32 s8, v7;
	[tilespmem:v11+s13+$0x0] =	vst.idx.msk vm4, v1;
	p2 =	slt.u32 s11, s7  }
.Ltmp57:
0x3a0: {  	v11 =	vadd.s32 s0, v6;
	s0 =	smov.u32 s8;
	(pc) =	sbr.rel @p2 .LBB2_111-.Ltmp57, $4  }
0x3a1: {  	[tilespmem:v10+s13+$0x0] =	vst.idx.msk vm0, v1  }
0x3a2: {  	v10 =	vadd.s32 s8, v3;
	[tilespmem:v9+s13+$0x0] =	vst.idx.msk vm1, v1  }
0x3a3: {  	v9 =	vadd.s32 s8, v4;
	[tilespmem:v8+s13+$0x0] =	vst.idx.msk vm2, v1  }
0x3a4: {  	s8 =	sadd.s32 $0x180, s8;
	v8 =	vadd.s32 s0, v5;
	[tilespmem:v12+s13+$0x0] =	vst.idx.msk vm3, v1;
	v12 =	vmov v13  }
0x3a5: {  	s8 =	smov.u32 s0;
	v13 =	vmov v12  }
.LBB2_113:
0x3a6: {  	_ =	sdelay $0x4  }
0x3a7: {  	[tilespmem:v11+s13+$0x0] =	vst.idx.msk @p1 vm4, v1;
	v3 =	vadd.s32 s8, v6  }
0x3a8: {  	[tilespmem:v10+s13+$0x0] =	vst.idx.msk vm0, v1  }
0x3a9: {  	[tilespmem:v9+s13+$0x0] =	vst.idx.msk vm1, v1  }
0x3aa: {  	[tilespmem:v8+s13+$0x0] =	vst.idx.msk vm2, v1  }
0x3ab: {  	[tilespmem:v13+s13+$0x0] =	vst.idx.msk vm3, v1  }
0x3ac: {  	[tilespmem:v3+s13+$0x0] =	vst.idx.msk vm4, v1  }
.LBB2_114:
0x3ad: {  	(v2sf) =	vpush v2, $0x6;
	_ =	sdelay $0xc  }
0x3ae: {  	(v2sf) =	vpush v2, $0xE;
	_ =	sdelay $0x1  }
0x3af: {  	s0 =	spop (v2sf)  }
0x3b0: {  	p1 =	sgt.s32 s0, $0x0  }
0x3b1: {  	s0 =	simm.s32 @!p1 $0x0  }
0x3b2: {  	s6 =	smin.u32 s0, $0x13F  }
0x3b3: {  	s7 =	smin.u32 s0, $0x17F;
	s6 =	ssub.s32 s6, s1  }
0x3b4: {  	s0 =	ssub.s32 s7, s1;
	p1 =	slt.s32 s6, $0x20  }
0x3b5: {  	s6 =	simm.s32 @!p1 $0x20;
	p1 =	sgt.s32 s0, $0x0  }
0x3b6: {  	s0 =	simm.s32 @!p1 $0x0;
	s11 =	sadd.s32 $0x40, s6  }
0x3b7: {  	p1 =	sle.s32 s11, s0  }
.Ltmp58:
0x3b8: {  	_ = 	snop;
	(pc) =	sbr.rel @p1 .LBB2_122-.Ltmp58, $2  }
0x3b9: {  	_ =	sdelay $0x2  }
0x3ba: {  	s8 =	spop (v2sf)  }
0x3bb: {  	p1 =	sgt.s32 s8, $0x0  }
0x3bc: {  	p2 =	slt.s32 s8, $0x1;
	s8 =	simm.s32 @!p1 $0x0  }
0x3bd: {  	s6 =	smin.u32 s8, $0x17F  }
0x3be: {  	s10 =	sand.u32 $0xF, s6  }
0x3bf: {  	p6 =	sne.s32 s10, $0x0  }
0x3c0: {  	p1 =	por !p2, !p6  }
0x3c1: {  	s10 =	simm.s32 $0xFFFFFFFF;
	p1 =	por !p1, !p1  }
0x3c2: {  	s10 =	simm.s32 @!p1 $0x0  }
0x3c3: {  	s10 =	sshll.u32 s10, $0x4  }
0x3c4: {  	s10 =	sadd.s32 s6, s10  }
0x3c5: {  	s8 =	smin.u32 s8, $0x13F;
	s10 =	sand.u32 $0xFFFFFFF0, s10  }
0x3c6: {  	s12 =	sadd.s32 $0x40, s8;
	v3 =	vor.u32 s10, v0  }
0x3c7: {  	s18 =	sadd.s32 $0x10, s10;
	s8 =	sadd.s32 $0x30, s10;
	vm0 =	vge.s32 v3, s6;
	vm1 =	vlt.s32 v3, s12  }
0x3c8: {  	vm2 =	vlt.s32 v3, $0x17F;
	v4 =	vor.u32 s18, v0;
	v6 =	vor.u32 s8, v0  }
0x3c9: {  	s18 =	sadd.s32 $0x20, s10;
	vm0 =	vmand vm0, vm1;
	v3 =	vnsel vm2, $0x17F, v3;
	vm1 =	vge.s32 v4, s6  }
0x3ca: {  	vm2 =	vlt.s32 v4, s12;
	vm3 =	vlt.s32 v4, $0x17F;
	v5 =	vor.u32 s18, v0  }
0x3cb: {  	s18 =	ssub.s32 s7, s31;
	vm5 =	vlt.s32 v6, $0x17F;
	vm1 =	vmand vm1, vm2;
	v4 =	vnsel vm3, $0x17F, v4  }
0x3cc: {  	s10 =	sadd.s32 $0x40, s10;
	vm2 =	vge.s32 v5, s6;
	vm3 =	vlt.s32 v5, s12;
	vm4 =	vlt.s32 v5, $0x17F;
	p1 =	sgt.s32 s18, $0x0  }
0x3cd: {  	s7 =	smov.u32 s0;
	v7 =	vnsel vm5, $0x17F, v6;
	vm2 =	vmand vm2, vm3;
	v5 =	vnsel vm4, $0x17F, v5;
	s18 =	simm.s32 @!p1 $0x0;
	p1 =	sgt.s32 s11, s0  }
0x3ce: {  	vm3 =	vge.s32 v6, s6;
	vm4 =	vlt.s32 v6, s12;
	v6 =	vor.u32 s10, v0;
	s7 =	smov.u32 @p1 s11;
	s11 =	sadd.s32 $0x1, s0  }
0x3cf: {  	vm3 =	vmand vm3, vm4;
	vm4 =	vge.s32 v6, s6;
	vm5 =	vlt.s32 v6, s12;
	p2 =	slt.u32 s11, s7  }
.Ltmp59:
0x3d0: {  	vm4 =	vmand vm4, vm5;
	(pc) =	sbr.rel @!p2 .LBB2_116-.Ltmp59, $4  }
0x3d1: {  	s8 =	smul.u32 $0x180, s18  }
0x3d2: {  	vm6 =	vlt.s32 v6, $0x17F  }
0x3d3: {  	v6 =	vnsel vm6, $0x17F, v6;
	v13 =	vadd.s32 s8, v7  }
0x3d4: {  	p1 =	por $0x0, $0x0;
	v10 =	vadd.s32 s8, v3;
	v9 =	vadd.s32 s8, v4;
	v8 =	vadd.s32 s8, v5;
	s0 =	sadd.s32 $0x180, s8  }
0x3d5: {  	_ =	sdelay $0x1  }
0x3d6: {  	s11 =	sadd.s32 $0x1, s11  }
0x3d7: {  	p2 =	slt.u32 s11, s7  }
.Ltmp60:
0x3d8: {  	_ = 	snop;
	(pc) =	sbr.rel @!p2 .LBB2_118-.Ltmp60, $4  }
0x3d9: {  	[tilespmem:v10+s13+$0x0] =	vst.idx.msk vm0, v1;
	v11 =	vadd.s32 s8, v6  }
0x3da: {  	[tilespmem:v9+s13+$0x0] =	vst.idx.msk vm1, v1  }
0x3db: {  	v10 =	vadd.s32 s0, v3;
	[tilespmem:v8+s13+$0x0] =	vst.idx.msk vm2, v1  }
0x3dc: {  	v12 =	vadd.s32 s0, v7;
	s8 =	sadd.s32 $0x180, s0;
	p1 =	por $0x1, $0x1;
	v9 =	vadd.s32 s0, v4;
	v8 =	vadd.s32 s0, v5;
	[tilespmem:v13+s13+$0x0] =	vst.idx.msk vm3, v1  }
.LBB2_119:
0x3dd: {  	s11 =	sadd.s32 $0x1, s11  }
0x3de: {  	v13 =	vadd.s32 s8, v7;
	[tilespmem:v11+s13+$0x0] =	vst.idx.msk vm4, v1;
	p2 =	slt.u32 s11, s7  }
.Ltmp61:
0x3df: {  	v11 =	vadd.s32 s0, v6;
	s0 =	smov.u32 s8;
	(pc) =	sbr.rel @p2 .LBB2_119-.Ltmp61, $4  }
0x3e0: {  	[tilespmem:v10+s13+$0x0] =	vst.idx.msk vm0, v1  }
0x3e1: {  	v10 =	vadd.s32 s8, v3;
	[tilespmem:v9+s13+$0x0] =	vst.idx.msk vm1, v1  }
0x3e2: {  	v9 =	vadd.s32 s8, v4;
	[tilespmem:v8+s13+$0x0] =	vst.idx.msk vm2, v1  }
0x3e3: {  	s8 =	sadd.s32 $0x180, s8;
	v8 =	vadd.s32 s0, v5;
	[tilespmem:v12+s13+$0x0] =	vst.idx.msk vm3, v1;
	v12 =	vmov v13  }
0x3e4: {  	s8 =	smov.u32 s0;
	v13 =	vmov v12  }
.LBB2_121:
0x3e5: {  	_ =	sdelay $0x4  }
0x3e6: {  	[tilespmem:v11+s13+$0x0] =	vst.idx.msk @p1 vm4, v1;
	v3 =	vadd.s32 s8, v6  }
0x3e7: {  	[tilespmem:v10+s13+$0x0] =	vst.idx.msk vm0, v1  }
0x3e8: {  	[tilespmem:v9+s13+$0x0] =	vst.idx.msk vm1, v1  }
0x3e9: {  	[tilespmem:v8+s13+$0x0] =	vst.idx.msk vm2, v1  }
0x3ea: {  	[tilespmem:v13+s13+$0x0] =	vst.idx.msk vm3, v1  }
0x3eb: {  	[tilespmem:v3+s13+$0x0] =	vst.idx.msk vm4, v1  }
.LBB2_122:
0x3ec: {  	(v2sf) =	vpush v2, $0x7;
	_ =	sdelay $0xc  }
0x3ed: {  	(v2sf) =	vpush v2, $0xF;
	_ =	sdelay $0x1  }
0x3ee: {  	s0 =	spop (v2sf)  }
0x3ef: {  	p1 =	sgt.s32 s0, $0x0  }
0x3f0: {  	s0 =	simm.s32 @!p1 $0x0  }
0x3f1: {  	s6 =	smin.u32 s0, $0x13F  }
0x3f2: {  	s11 =	smin.u32 s0, $0x17F;
	s6 =	ssub.s32 s6, s1  }
0x3f3: {  	s0 =	ssub.s32 s11, s1;
	p1 =	slt.s32 s6, $0x20  }
0x3f4: {  	s6 =	simm.s32 @!p1 $0x20;
	p1 =	sgt.s32 s0, $0x0  }
0x3f5: {  	s0 =	simm.s32 @!p1 $0x0;
	s7 =	sadd.s32 $0x40, s6  }
0x3f6: {  	p1 =	sle.s32 s7, s0  }
.Ltmp62:
0x3f7: {  	_ = 	snop;
	(pc) =	sbr.rel @p1 .LBB2_130-.Ltmp62, $2  }
0x3f8: {  	_ =	sdelay $0x2  }
0x3f9: {  	s1 =	spop (v2sf)  }
0x3fa: {  	p1 =	sgt.s32 s1, $0x0  }
0x3fb: {  	p2 =	slt.s32 s1, $0x1;
	s1 =	simm.s32 @!p1 $0x0  }
0x3fc: {  	s6 =	smin.u32 s1, $0x17F  }
0x3fd: {  	s8 =	sand.u32 $0xF, s6  }
0x3fe: {  	p6 =	sne.s32 s8, $0x0  }
0x3ff: {  	p1 =	por !p2, !p6  }
0x400: {  	s8 =	simm.s32 $0xFFFFFFFF;
	p1 =	por !p1, !p1  }
0x401: {  	s8 =	simm.s32 @!p1 $0x0  }
0x402: {  	s8 =	sshll.u32 s8, $0x4  }
0x403: {  	s8 =	sadd.s32 s6, s8  }
0x404: {  	s1 =	smin.u32 s1, $0x13F;
	s8 =	sand.u32 $0xFFFFFFF0, s8  }
0x405: {  	s10 =	sadd.s32 $0x40, s1;
	v2 =	vor.u32 s8, v0  }
0x406: {  	s18 =	sadd.s32 $0x10, s8;
	s12 =	sadd.s32 $0x20, s8;
	vm0 =	vge.s32 v2, s6;
	vm1 =	vlt.s32 v2, s10  }
0x407: {  	vm2 =	vlt.s32 v2, $0x17F;
	v3 =	vor.u32 s18, v0;
	v4 =	vor.u32 s12, v0  }
0x408: {  	vm0 =	vmand vm0, vm1;
	v2 =	vnsel vm2, $0x17F, v2;
	vm1 =	vge.s32 v3, s6  }
0x409: {  	s18 =	sadd.s32 $0x30, s8;
	vm2 =	vlt.s32 v3, s10;
	vm3 =	vlt.s32 v3, $0x17F;
	vm4 =	vlt.s32 v4, $0x17F  }
0x40a: {  	s11 =	ssub.s32 s11, s31;
	v5 =	vor.u32 s18, v0;
	vm1 =	vmand vm1, vm2;
	v3 =	vnsel vm3, $0x17F, v3  }
0x40b: {  	s1 =	smov.u32 s0;
	p1 =	sgt.s32 s11, $0x0;
	vm2 =	vge.s32 v4, s6;
	vm3 =	vlt.s32 v4, s10;
	v4 =	vnsel vm4, $0x17F, v4  }
0x40c: {  	s11 =	simm.s32 @!p1 $0x0;
	p1 =	sgt.s32 s7, s0;
	s8 =	sadd.s32 $0x40, s8;
	vm4 =	vlt.s32 v5, s10;
	vm5 =	vlt.s32 v5, $0x17F;
	vm2 =	vmand vm2, vm3  }
0x40d: {  	s1 =	smov.u32 @p1 s7;
	s7 =	sadd.s32 $0x1, s0;
	vm3 =	vge.s32 v5, s6;
	v6 =	vnsel vm5, $0x17F, v5;
	v5 =	vor.u32 s8, v0  }
0x40e: {  	p2 =	slt.u32 s7, s1;
	vm3 =	vmand vm3, vm4;
	vm4 =	vge.s32 v5, s6;
	vm5 =	vlt.s32 v5, s10  }
.Ltmp63:
0x40f: {  	vm4 =	vmand vm4, vm5;
	(pc) =	sbr.rel @!p2 .LBB2_124-.Ltmp63, $4  }
0x410: {  	s8 =	smul.u32 $0x180, s11  }
0x411: {  	vm6 =	vlt.s32 v5, $0x17F  }
0x412: {  	v5 =	vnsel vm6, $0x17F, v5;
	v12 =	vadd.s32 s8, v6  }
0x413: {  	p1 =	por $0x0, $0x0;
	v9 =	vadd.s32 s8, v2;
	v8 =	vadd.s32 s8, v3;
	v7 =	vadd.s32 s8, v4;
	s0 =	sadd.s32 $0x180, s8  }
0x414: {  	_ =	sdelay $0x1  }
0x415: {  	s7 =	sadd.s32 $0x1, s7  }
0x416: {  	p2 =	slt.u32 s7, s1  }
.Ltmp64:
0x417: {  	_ = 	snop;
	(pc) =	sbr.rel @!p2 .LBB2_126-.Ltmp64, $4  }
0x418: {  	[tilespmem:v9+s13+$0x0] =	vst.idx.msk vm0, v1;
	v10 =	vadd.s32 s8, v5  }
0x419: {  	[tilespmem:v8+s13+$0x0] =	vst.idx.msk vm1, v1  }
0x41a: {  	v9 =	vadd.s32 s0, v2;
	[tilespmem:v7+s13+$0x0] =	vst.idx.msk vm2, v1  }
0x41b: {  	v11 =	vadd.s32 s0, v6;
	s8 =	sadd.s32 $0x180, s0;
	p1 =	por $0x1, $0x1;
	v8 =	vadd.s32 s0, v3;
	v7 =	vadd.s32 s0, v4;
	[tilespmem:v12+s13+$0x0] =	vst.idx.msk vm3, v1  }
.LBB2_127:
0x41c: {  	s7 =	sadd.s32 $0x1, s7  }
0x41d: {  	v12 =	vadd.s32 s8, v6;
	[tilespmem:v10+s13+$0x0] =	vst.idx.msk vm4, v1;
	p2 =	slt.u32 s7, s1  }
.Ltmp65:
0x41e: {  	v10 =	vadd.s32 s0, v5;
	s0 =	smov.u32 s8;
	(pc) =	sbr.rel @p2 .LBB2_127-.Ltmp65, $4  }
0x41f: {  	[tilespmem:v9+s13+$0x0] =	vst.idx.msk vm0, v1  }
0x420: {  	v9 =	vadd.s32 s8, v2;
	[tilespmem:v8+s13+$0x0] =	vst.idx.msk vm1, v1  }
0x421: {  	v8 =	vadd.s32 s8, v3;
	[tilespmem:v7+s13+$0x0] =	vst.idx.msk vm2, v1  }
0x422: {  	s8 =	sadd.s32 $0x180, s8;
	v7 =	vadd.s32 s0, v4;
	[tilespmem:v11+s13+$0x0] =	vst.idx.msk vm3, v1;
	v11 =	vmov v12  }
0x423: {  	s8 =	smov.u32 s0;
	v12 =	vmov v11  }
.LBB2_129:
0x424: {  	_ =	sdelay $0x4  }
0x425: {  	[tilespmem:v10+s13+$0x0] =	vst.idx.msk @p1 vm4, v1;
	v2 =	vadd.s32 s8, v5  }
0x426: {  	[tilespmem:v9+s13+$0x0] =	vst.idx.msk vm0, v1  }
0x427: {  	[tilespmem:v8+s13+$0x0] =	vst.idx.msk vm1, v1  }
0x428: {  	[tilespmem:v7+s13+$0x0] =	vst.idx.msk vm2, v1  }
0x429: {  	[tilespmem:v12+s13+$0x0] =	vst.idx.msk vm3, v1  }
0x42a: {  	[tilespmem:v2+s13+$0x0] =	vst.idx.msk vm4, v1  }
.LBB2_130:
0x42b: {  	s0 =	sshrl.u32 s29, $0x2  }
0x42c: {  	s1 =	smul.u32 $0x9000, s30;
	s0 =	sadd.s32 s5, s0  }
0x42d: {  	s0 =	smul.u32 $0x24000, s0;
	_ =	sdelay $0x1  }
0x42e: {  	s0 =	sadd.s32 s1, s0  }
0x42f: {  	s0 =	sshrl.u32 s0, $0x3  }
0x430: {  	p1 =	seq.s32 s24, $0xF;
	s0 =	sadd.s32 s4, s0  }
0x431: {  	[hbm4b:s0+s3] =	stream.linear.scatter [tilespmem:s13], [sflag:$0x5], $0x9000, $0x38;
	[tilespmem:$0x1B100] =	vst v63  }
0x432: {  	s0 =	sadd.s32 @!p1 $0x3, s25  }
0x433: {  	s1 =	sshrl.u32 @!p1 s0, $0x2;
	s0 =	sand.u32 @!p1 $0x3, s0  }
0x434: {  	s1 =	sadd.s32 @!p1 s5, s1;
	s0 =	smul.u32 @!p1 $0x9000, s0  }
0x435: {  	s1 =	smul.u32 @!p1 $0x24000, s1  }
0x436: {  	s6 =	simm.s32 @!p1 $0x4  }
0x437: {  	_ =	swait.ge @!p1 [sflag:s6], $0x9000;
	s0 =	sadd.s32 @!p1 s0, s1  }
0x438: {  	[sflag:s6] =	ssyncset.done @!p1 $0x0;
	s0 =	sshrl.u32 @!p1 s0, $0x3  }
0x439: {  	[sflag:s6] =	ssyncadd.s32 @!p1 $0xFFFF7000;
	s1 =	simm.s32 @!p1 $0x0;
	s0 =	sadd.s32 @!p1 s2, s0  }
0x43a: {  	[tilespmem:s1], [sflag:$0x1] =	stream.linear.gather @!p1 [hbm4b:s0+s1], $0x9000, $0x38;
	[tilespmem:$0x1B100] =	vst v63  }
0x43b: {  	s28 =	simm.s32 @p0 $0x2;
	_ =	swait.ge [sflag:s17], $0x9000  }
0x43c: {  	s30 =	sshll.u32 s28, $0x2;
	[sflag:s17] =	ssyncset.done $0x0  }
0x43d: {  	s0 =	sand.u32 $0x3FFFFFF0, s30;
	[sflag:s17] =	ssyncadd.s32 $0xFFFF7000  }
0x43e: {  	v2 =	vld [tilespmem:s0+$0x1B000];
	_ =	sdelay $0x4  }
0x43f: {  	(v2sf) =	vpush v2, $0x0;
	_ =	sdelay $0xc  }
0x440: {  	(v2sf) =	vpush v2, $0x8;
	_ =	sdelay $0x1  }
0x441: {  	s0 =	spop (v2sf)  }
0x442: {  	s29 =	sand.u32 $0x3, s28;
	p0 =	sgt.s32 s0, $0x0  }
0x443: {  	s1 =	smul.u32 $0x60, s29;
	s0 =	simm.s32 @!p0 $0x0  }
0x444: {  	s31 =	smin.u32 s0, $0x13F  }
0x445: {  	s0 =	smin.u32 s0, $0x17F;
	s6 =	ssub.s32 s31, s1  }
0x446: {  	s0 =	ssub.s32 s0, s1;
	p0 =	slt.s32 s6, $0x20  }
0x447: {  	s6 =	simm.s32 @!p0 $0x20;
	p0 =	sgt.s32 s0, $0x0  }
0x448: {  	s0 =	simm.s32 @!p0 $0x0;
	s11 =	sadd.s32 $0x40, s6  }
0x449: {  	p0 =	sle.s32 s11, s0  }
.Ltmp66:
0x44a: {  	_ = 	snop;
	(pc) =	sbr.rel @p0 .LBB2_138-.Ltmp66, $2  }
0x44b: {  	_ =	sdelay $0x2  }
0x44c: {  	s7 =	spop (v2sf)  }
0x44d: {  	p0 =	sgt.s32 s7, $0x0  }
0x44e: {  	p2 =	slt.s32 s7, $0x1;
	s7 =	simm.s32 @!p0 $0x0  }
0x44f: {  	s6 =	smin.u32 s7, $0x17F  }
0x450: {  	s8 =	sand.u32 $0xF, s6  }
0x451: {  	p6 =	sne.s32 s8, $0x0  }
0x452: {  	p0 =	por !p2, !p6  }
0x453: {  	s8 =	simm.s32 $0xFFFFFFFF;
	p0 =	por !p0, !p0  }
0x454: {  	s8 =	simm.s32 @!p0 $0x0  }
0x455: {  	s8 =	sshll.u32 s8, $0x4  }
0x456: {  	s8 =	sadd.s32 s6, s8  }
0x457: {  	s7 =	smin.u32 s7, $0x13F;
	s8 =	sand.u32 $0xFFFFFFF0, s8  }
0x458: {  	s10 =	sadd.s32 $0x40, s7;
	v3 =	vor.u32 s8, v0  }
0x459: {  	s18 =	sadd.s32 $0x10, s8;
	s30 =	sadd.s32 $0x20, s8;
	vm0 =	vge.s32 v3, s6;
	vm1 =	vlt.s32 v3, s10  }
0x45a: {  	s31 =	sadd.s32 $0x30, s8;
	vm2 =	vlt.s32 v3, $0x17F;
	v4 =	vor.u32 s18, v0;
	v5 =	vor.u32 s30, v0  }
0x45b: {  	v6 =	vor.u32 s31, v0;
	vm0 =	vmand vm0, vm1;
	v3 =	vnsel vm2, $0x17F, v3  }
0x45c: {  	vm1 =	vge.s32 v4, s6;
	vm2 =	vlt.s32 v4, s10;
	vm3 =	vlt.s32 v4, $0x17F  }
0x45d: {  	vm4 =	vlt.s32 v5, $0x17F;
	vm5 =	vlt.s32 v6, $0x17F;
	vm1 =	vmand vm1, vm2  }
0x45e: {  	v4 =	vnsel vm3, $0x17F, v4;
	vm2 =	vge.s32 v5, s6;
	vm3 =	vlt.s32 v5, s10  }
0x45f: {  	s7 =	smov.u32 s0;
	p0 =	sgt.s32 s11, s0;
	s8 =	sadd.s32 $0x40, s8;
	v5 =	vnsel vm4, $0x17F, v5;
	vm4 =	vlt.s32 v6, s10;
	v7 =	vnsel vm5, $0x17F, v6  }
0x460: {  	s7 =	smov.u32 @p0 s11;
	s11 =	sadd.s32 $0x1, s0;
	vm2 =	vmand vm2, vm3;
	vm3 =	vge.s32 v6, s6;
	v6 =	vor.u32 s8, v0  }
0x461: {  	p2 =	slt.u32 s11, s7;
	vm3 =	vmand vm3, vm4;
	vm4 =	vge.s32 v6, s6;
	vm5 =	vlt.s32 v6, s10  }
.Ltmp67:
0x462: {  	vm4 =	vmand vm4, vm5;
	(pc) =	sbr.rel @!p2 .LBB2_132-.Ltmp67, $4  }
0x463: {  	s8 =	smul.u32 $0x180, s0  }
0x464: {  	vm6 =	vlt.s32 v6, $0x17F  }
0x465: {  	v6 =	vnsel vm6, $0x17F, v6;
	v13 =	vadd.s32 s8, v7  }
0x466: {  	p0 =	por $0x0, $0x0;
	v10 =	vadd.s32 s8, v3;
	v9 =	vadd.s32 s8, v4;
	v8 =	vadd.s32 s8, v5;
	s0 =	sadd.s32 $0x180, s8  }
0x467: {  	_ =	sdelay $0x1  }
0x468: {  	s11 =	sadd.s32 $0x1, s11  }
0x469: {  	p2 =	slt.u32 s11, s7  }
.Ltmp68:
0x46a: {  	_ = 	snop;
	(pc) =	sbr.rel @!p2 .LBB2_134-.Ltmp68, $4  }
0x46b: {  	[tilespmem:v10+s16+$0x0] =	vst.idx.msk vm0, v1;
	v11 =	vadd.s32 s8, v6  }
0x46c: {  	[tilespmem:v9+s16+$0x0] =	vst.idx.msk vm1, v1  }
0x46d: {  	v10 =	vadd.s32 s0, v3;
	[tilespmem:v8+s16+$0x0] =	vst.idx.msk vm2, v1  }
0x46e: {  	v12 =	vadd.s32 s0, v7;
	s8 =	sadd.s32 $0x180, s0;
	p0 =	por $0x1, $0x1;
	v9 =	vadd.s32 s0, v4;
	v8 =	vadd.s32 s0, v5;
	[tilespmem:v13+s16+$0x0] =	vst.idx.msk vm3, v1  }
.LBB2_135:
0x46f: {  	s11 =	sadd.s32 $0x1, s11  }
0x470: {  	v13 =	vadd.s32 s8, v7;
	[tilespmem:v11+s16+$0x0] =	vst.idx.msk vm4, v1;
	p2 =	slt.u32 s11, s7  }
.Ltmp69:
0x471: {  	v11 =	vadd.s32 s0, v6;
	s0 =	smov.u32 s8;
	(pc) =	sbr.rel @p2 .LBB2_135-.Ltmp69, $4  }
0x472: {  	[tilespmem:v10+s16+$0x0] =	vst.idx.msk vm0, v1  }
0x473: {  	v10 =	vadd.s32 s8, v3;
	[tilespmem:v9+s16+$0x0] =	vst.idx.msk vm1, v1  }
0x474: {  	v9 =	vadd.s32 s8, v4;
	[tilespmem:v8+s16+$0x0] =	vst.idx.msk vm2, v1  }
0x475: {  	s8 =	sadd.s32 $0x180, s8;
	v8 =	vadd.s32 s0, v5;
	[tilespmem:v12+s16+$0x0] =	vst.idx.msk vm3, v1;
	v12 =	vmov v13  }
0x476: {  	s8 =	smov.u32 s0;
	v13 =	vmov v12  }
.LBB2_137:
0x477: {  	_ =	sdelay $0x4  }
0x478: {  	[tilespmem:v11+s16+$0x0] =	vst.idx.msk @p0 vm4, v1;
	v3 =	vadd.s32 s8, v6  }
0x479: {  	[tilespmem:v10+s16+$0x0] =	vst.idx.msk vm0, v1  }
0x47a: {  	[tilespmem:v9+s16+$0x0] =	vst.idx.msk vm1, v1  }
0x47b: {  	[tilespmem:v8+s16+$0x0] =	vst.idx.msk vm2, v1  }
0x47c: {  	[tilespmem:v13+s16+$0x0] =	vst.idx.msk vm3, v1  }
0x47d: {  	[tilespmem:v3+s16+$0x0] =	vst.idx.msk vm4, v1  }
.LBB2_138:
0x47e: {  	(v2sf) =	vpush v2, $0x1;
	_ =	sdelay $0xc  }
0x47f: {  	(v2sf) =	vpush v2, $0x9;
	_ =	sdelay $0x1  }
0x480: {  	s0 =	spop (v2sf)  }
0x481: {  	p0 =	sgt.s32 s0, $0x0  }
0x482: {  	s0 =	simm.s32 @!p0 $0x0  }
0x483: {  	s6 =	smin.u32 s0, $0x13F  }
0x484: {  	s0 =	smin.u32 s0, $0x17F;
	s6 =	ssub.s32 s6, s1  }
0x485: {  	s0 =	ssub.s32 s0, s1;
	p0 =	slt.s32 s6, $0x20  }
0x486: {  	s6 =	simm.s32 @!p0 $0x20;
	p0 =	sgt.s32 s0, $0x0  }
0x487: {  	s0 =	simm.s32 @!p0 $0x0;
	s11 =	sadd.s32 $0x40, s6  }
0x488: {  	p0 =	sle.s32 s11, s0  }
.Ltmp70:
0x489: {  	_ = 	snop;
	(pc) =	sbr.rel @p0 .LBB2_146-.Ltmp70, $2  }
0x48a: {  	_ =	sdelay $0x2  }
0x48b: {  	s7 =	spop (v2sf)  }
0x48c: {  	p0 =	sgt.s32 s7, $0x0  }
0x48d: {  	p2 =	slt.s32 s7, $0x1;
	s7 =	simm.s32 @!p0 $0x0  }
0x48e: {  	s6 =	smin.u32 s7, $0x17F  }
0x48f: {  	s8 =	sand.u32 $0xF, s6  }
0x490: {  	p6 =	sne.s32 s8, $0x0  }
0x491: {  	p0 =	por !p2, !p6  }
0x492: {  	s8 =	simm.s32 $0xFFFFFFFF;
	p0 =	por !p0, !p0  }
0x493: {  	s8 =	simm.s32 @!p0 $0x0  }
0x494: {  	s8 =	sshll.u32 s8, $0x4  }
0x495: {  	s8 =	sadd.s32 s6, s8  }
0x496: {  	s7 =	smin.u32 s7, $0x13F;
	s8 =	sand.u32 $0xFFFFFFF0, s8  }
0x497: {  	s10 =	sadd.s32 $0x40, s7;
	v3 =	vor.u32 s8, v0  }
0x498: {  	s18 =	sadd.s32 $0x10, s8;
	s30 =	sadd.s32 $0x20, s8;
	vm0 =	vge.s32 v3, s6;
	vm1 =	vlt.s32 v3, s10  }
0x499: {  	s31 =	sadd.s32 $0x30, s8;
	vm2 =	vlt.s32 v3, $0x17F;
	v4 =	vor.u32 s18, v0;
	v5 =	vor.u32 s30, v0  }
0x49a: {  	v6 =	vor.u32 s31, v0;
	vm0 =	vmand vm0, vm1;
	v3 =	vnsel vm2, $0x17F, v3  }
0x49b: {  	vm1 =	vge.s32 v4, s6;
	vm2 =	vlt.s32 v4, s10;
	vm3 =	vlt.s32 v4, $0x17F  }
0x49c: {  	vm4 =	vlt.s32 v5, $0x17F;
	vm5 =	vlt.s32 v6, $0x17F;
	vm1 =	vmand vm1, vm2  }
0x49d: {  	v4 =	vnsel vm3, $0x17F, v4;
	vm2 =	vge.s32 v5, s6;
	vm3 =	vlt.s32 v5, s10  }
0x49e: {  	s7 =	smov.u32 s0;
	p0 =	sgt.s32 s11, s0;
	s8 =	sadd.s32 $0x40, s8;
	v5 =	vnsel vm4, $0x17F, v5;
	vm4 =	vlt.s32 v6, s10;
	v7 =	vnsel vm5, $0x17F, v6  }
0x49f: {  	s7 =	smov.u32 @p0 s11;
	s11 =	sadd.s32 $0x1, s0;
	vm2 =	vmand vm2, vm3;
	vm3 =	vge.s32 v6, s6;
	v6 =	vor.u32 s8, v0  }
0x4a0: {  	p2 =	slt.u32 s11, s7;
	vm3 =	vmand vm3, vm4;
	vm4 =	vge.s32 v6, s6;
	vm5 =	vlt.s32 v6, s10  }
.Ltmp71:
0x4a1: {  	vm4 =	vmand vm4, vm5;
	(pc) =	sbr.rel @!p2 .LBB2_140-.Ltmp71, $4  }
0x4a2: {  	s8 =	smul.u32 $0x180, s0  }
0x4a3: {  	vm6 =	vlt.s32 v6, $0x17F  }
0x4a4: {  	v6 =	vnsel vm6, $0x17F, v6;
	v13 =	vadd.s32 s8, v7  }
0x4a5: {  	p0 =	por $0x0, $0x0;
	v10 =	vadd.s32 s8, v3;
	v9 =	vadd.s32 s8, v4;
	v8 =	vadd.s32 s8, v5;
	s0 =	sadd.s32 $0x180, s8  }
0x4a6: {  	_ =	sdelay $0x1  }
0x4a7: {  	s11 =	sadd.s32 $0x1, s11  }
0x4a8: {  	p2 =	slt.u32 s11, s7  }
.Ltmp72:
0x4a9: {  	_ = 	snop;
	(pc) =	sbr.rel @!p2 .LBB2_142-.Ltmp72, $4  }
0x4aa: {  	[tilespmem:v10+s16+$0x0] =	vst.idx.msk vm0, v1;
	v11 =	vadd.s32 s8, v6  }
0x4ab: {  	[tilespmem:v9+s16+$0x0] =	vst.idx.msk vm1, v1  }
0x4ac: {  	v10 =	vadd.s32 s0, v3;
	[tilespmem:v8+s16+$0x0] =	vst.idx.msk vm2, v1  }
0x4ad: {  	v12 =	vadd.s32 s0, v7;
	s8 =	sadd.s32 $0x180, s0;
	p0 =	por $0x1, $0x1;
	v9 =	vadd.s32 s0, v4;
	v8 =	vadd.s32 s0, v5;
	[tilespmem:v13+s16+$0x0] =	vst.idx.msk vm3, v1  }
.LBB2_143:
0x4ae: {  	s11 =	sadd.s32 $0x1, s11  }
0x4af: {  	v13 =	vadd.s32 s8, v7;
	[tilespmem:v11+s16+$0x0] =	vst.idx.msk vm4, v1;
	p2 =	slt.u32 s11, s7  }
.Ltmp73:
0x4b0: {  	v11 =	vadd.s32 s0, v6;
	s0 =	smov.u32 s8;
	(pc) =	sbr.rel @p2 .LBB2_143-.Ltmp73, $4  }
0x4b1: {  	[tilespmem:v10+s16+$0x0] =	vst.idx.msk vm0, v1  }
0x4b2: {  	v10 =	vadd.s32 s8, v3;
	[tilespmem:v9+s16+$0x0] =	vst.idx.msk vm1, v1  }
0x4b3: {  	v9 =	vadd.s32 s8, v4;
	[tilespmem:v8+s16+$0x0] =	vst.idx.msk vm2, v1  }
0x4b4: {  	s8 =	sadd.s32 $0x180, s8;
	v8 =	vadd.s32 s0, v5;
	[tilespmem:v12+s16+$0x0] =	vst.idx.msk vm3, v1;
	v12 =	vmov v13  }
0x4b5: {  	s8 =	smov.u32 s0;
	v13 =	vmov v12  }
.LBB2_145:
0x4b6: {  	_ =	sdelay $0x4  }
0x4b7: {  	[tilespmem:v11+s16+$0x0] =	vst.idx.msk @p0 vm4, v1;
	v3 =	vadd.s32 s8, v6  }
0x4b8: {  	[tilespmem:v10+s16+$0x0] =	vst.idx.msk vm0, v1  }
0x4b9: {  	[tilespmem:v9+s16+$0x0] =	vst.idx.msk vm1, v1  }
0x4ba: {  	[tilespmem:v8+s16+$0x0] =	vst.idx.msk vm2, v1  }
0x4bb: {  	[tilespmem:v13+s16+$0x0] =	vst.idx.msk vm3, v1  }
0x4bc: {  	[tilespmem:v3+s16+$0x0] =	vst.idx.msk vm4, v1  }
.LBB2_146:
0x4bd: {  	(v2sf) =	vpush v2, $0x2;
	_ =	sdelay $0xc  }
0x4be: {  	(v2sf) =	vpush v2, $0xA;
	_ =	sdelay $0x1  }
0x4bf: {  	s0 =	spop (v2sf)  }
0x4c0: {  	p0 =	sgt.s32 s0, $0x0  }
0x4c1: {  	s0 =	simm.s32 @!p0 $0x0  }
0x4c2: {  	s6 =	smin.u32 s0, $0x13F  }
0x4c3: {  	s0 =	smin.u32 s0, $0x17F;
	s6 =	ssub.s32 s6, s1  }
0x4c4: {  	s0 =	ssub.s32 s0, s1;
	p0 =	slt.s32 s6, $0x20  }
0x4c5: {  	s6 =	simm.s32 @!p0 $0x20;
	p0 =	sgt.s32 s0, $0x0  }
0x4c6: {  	s0 =	simm.s32 @!p0 $0x0;
	s11 =	sadd.s32 $0x40, s6  }
0x4c7: {  	p0 =	sle.s32 s11, s0  }
.Ltmp74:
0x4c8: {  	_ = 	snop;
	(pc) =	sbr.rel @p0 .LBB2_154-.Ltmp74, $2  }
0x4c9: {  	_ =	sdelay $0x2  }
0x4ca: {  	s7 =	spop (v2sf)  }
0x4cb: {  	p0 =	sgt.s32 s7, $0x0  }
0x4cc: {  	p2 =	slt.s32 s7, $0x1;
	s7 =	simm.s32 @!p0 $0x0  }
0x4cd: {  	s6 =	smin.u32 s7, $0x17F  }
0x4ce: {  	s8 =	sand.u32 $0xF, s6  }
0x4cf: {  	p6 =	sne.s32 s8, $0x0  }
0x4d0: {  	p0 =	por !p2, !p6  }
0x4d1: {  	s8 =	simm.s32 $0xFFFFFFFF;
	p0 =	por !p0, !p0  }
0x4d2: {  	s8 =	simm.s32 @!p0 $0x0  }
0x4d3: {  	s8 =	sshll.u32 s8, $0x4  }
0x4d4: {  	s8 =	sadd.s32 s6, s8  }
0x4d5: {  	s7 =	smin.u32 s7, $0x13F;
	s8 =	sand.u32 $0xFFFFFFF0, s8  }
0x4d6: {  	s10 =	sadd.s32 $0x40, s7;
	v3 =	vor.u32 s8, v0  }
0x4d7: {  	s18 =	sadd.s32 $0x10, s8;
	s30 =	sadd.s32 $0x20, s8;
	vm0 =	vge.s32 v3, s6;
	vm1 =	vlt.s32 v3, s10  }
0x4d8: {  	s31 =	sadd.s32 $0x30, s8;
	vm2 =	vlt.s32 v3, $0x17F;
	v4 =	vor.u32 s18, v0;
	v5 =	vor.u32 s30, v0  }
0x4d9: {  	v6 =	vor.u32 s31, v0;
	vm0 =	vmand vm0, vm1;
	v3 =	vnsel vm2, $0x17F, v3  }
0x4da: {  	vm1 =	vge.s32 v4, s6;
	vm2 =	vlt.s32 v4, s10;
	vm3 =	vlt.s32 v4, $0x17F  }
0x4db: {  	vm4 =	vlt.s32 v5, $0x17F;
	vm5 =	vlt.s32 v6, $0x17F;
	vm1 =	vmand vm1, vm2  }
0x4dc: {  	v4 =	vnsel vm3, $0x17F, v4;
	vm2 =	vge.s32 v5, s6;
	vm3 =	vlt.s32 v5, s10  }
0x4dd: {  	s7 =	smov.u32 s0;
	p0 =	sgt.s32 s11, s0;
	s8 =	sadd.s32 $0x40, s8;
	v5 =	vnsel vm4, $0x17F, v5;
	vm4 =	vlt.s32 v6, s10;
	v7 =	vnsel vm5, $0x17F, v6  }
0x4de: {  	s7 =	smov.u32 @p0 s11;
	s11 =	sadd.s32 $0x1, s0;
	vm2 =	vmand vm2, vm3;
	vm3 =	vge.s32 v6, s6;
	v6 =	vor.u32 s8, v0  }
0x4df: {  	p2 =	slt.u32 s11, s7;
	vm3 =	vmand vm3, vm4;
	vm4 =	vge.s32 v6, s6;
	vm5 =	vlt.s32 v6, s10  }
.Ltmp75:
0x4e0: {  	vm4 =	vmand vm4, vm5;
	(pc) =	sbr.rel @!p2 .LBB2_148-.Ltmp75, $4  }
0x4e1: {  	s8 =	smul.u32 $0x180, s0  }
0x4e2: {  	vm6 =	vlt.s32 v6, $0x17F  }
0x4e3: {  	v6 =	vnsel vm6, $0x17F, v6;
	v13 =	vadd.s32 s8, v7  }
0x4e4: {  	p0 =	por $0x0, $0x0;
	v10 =	vadd.s32 s8, v3;
	v9 =	vadd.s32 s8, v4;
	v8 =	vadd.s32 s8, v5;
	s0 =	sadd.s32 $0x180, s8  }
0x4e5: {  	_ =	sdelay $0x1  }
0x4e6: {  	s11 =	sadd.s32 $0x1, s11  }
0x4e7: {  	p2 =	slt.u32 s11, s7  }
.Ltmp76:
0x4e8: {  	_ = 	snop;
	(pc) =	sbr.rel @!p2 .LBB2_150-.Ltmp76, $4  }
0x4e9: {  	[tilespmem:v10+s16+$0x0] =	vst.idx.msk vm0, v1;
	v11 =	vadd.s32 s8, v6  }
0x4ea: {  	[tilespmem:v9+s16+$0x0] =	vst.idx.msk vm1, v1  }
0x4eb: {  	v10 =	vadd.s32 s0, v3;
	[tilespmem:v8+s16+$0x0] =	vst.idx.msk vm2, v1  }
0x4ec: {  	v12 =	vadd.s32 s0, v7;
	s8 =	sadd.s32 $0x180, s0;
	p0 =	por $0x1, $0x1;
	v9 =	vadd.s32 s0, v4;
	v8 =	vadd.s32 s0, v5;
	[tilespmem:v13+s16+$0x0] =	vst.idx.msk vm3, v1  }
.LBB2_151:
0x4ed: {  	s11 =	sadd.s32 $0x1, s11  }
0x4ee: {  	v13 =	vadd.s32 s8, v7;
	[tilespmem:v11+s16+$0x0] =	vst.idx.msk vm4, v1;
	p2 =	slt.u32 s11, s7  }
.Ltmp77:
0x4ef: {  	v11 =	vadd.s32 s0, v6;
	s0 =	smov.u32 s8;
	(pc) =	sbr.rel @p2 .LBB2_151-.Ltmp77, $4  }
0x4f0: {  	[tilespmem:v10+s16+$0x0] =	vst.idx.msk vm0, v1  }
0x4f1: {  	v10 =	vadd.s32 s8, v3;
	[tilespmem:v9+s16+$0x0] =	vst.idx.msk vm1, v1  }
0x4f2: {  	v9 =	vadd.s32 s8, v4;
	[tilespmem:v8+s16+$0x0] =	vst.idx.msk vm2, v1  }
0x4f3: {  	s8 =	sadd.s32 $0x180, s8;
	v8 =	vadd.s32 s0, v5;
	[tilespmem:v12+s16+$0x0] =	vst.idx.msk vm3, v1;
	v12 =	vmov v13  }
0x4f4: {  	s8 =	smov.u32 s0;
	v13 =	vmov v12  }
.LBB2_153:
0x4f5: {  	_ =	sdelay $0x4  }
0x4f6: {  	[tilespmem:v11+s16+$0x0] =	vst.idx.msk @p0 vm4, v1;
	v3 =	vadd.s32 s8, v6  }
0x4f7: {  	[tilespmem:v10+s16+$0x0] =	vst.idx.msk vm0, v1  }
0x4f8: {  	[tilespmem:v9+s16+$0x0] =	vst.idx.msk vm1, v1  }
0x4f9: {  	[tilespmem:v8+s16+$0x0] =	vst.idx.msk vm2, v1  }
0x4fa: {  	[tilespmem:v13+s16+$0x0] =	vst.idx.msk vm3, v1  }
0x4fb: {  	[tilespmem:v3+s16+$0x0] =	vst.idx.msk vm4, v1  }
.LBB2_154:
0x4fc: {  	(v2sf) =	vpush v2, $0x3;
	_ =	sdelay $0xc  }
0x4fd: {  	(v2sf) =	vpush v2, $0xB;
	_ =	sdelay $0x1  }
0x4fe: {  	s0 =	spop (v2sf)  }
0x4ff: {  	p0 =	sgt.s32 s0, $0x0  }
0x500: {  	s0 =	simm.s32 @!p0 $0x0  }
0x501: {  	s6 =	smin.u32 s0, $0x13F  }
0x502: {  	s0 =	smin.u32 s0, $0x17F;
	s6 =	ssub.s32 s6, s1  }
0x503: {  	s0 =	ssub.s32 s0, s1;
	p0 =	slt.s32 s6, $0x20  }
0x504: {  	s6 =	simm.s32 @!p0 $0x20;
	p0 =	sgt.s32 s0, $0x0  }
0x505: {  	s0 =	simm.s32 @!p0 $0x0;
	s11 =	sadd.s32 $0x40, s6  }
0x506: {  	p0 =	sle.s32 s11, s0  }
.Ltmp78:
0x507: {  	_ = 	snop;
	(pc) =	sbr.rel @p0 .LBB2_162-.Ltmp78, $2  }
0x508: {  	_ =	sdelay $0x2  }
0x509: {  	s7 =	spop (v2sf)  }
0x50a: {  	p0 =	sgt.s32 s7, $0x0  }
0x50b: {  	p2 =	slt.s32 s7, $0x1;
	s7 =	simm.s32 @!p0 $0x0  }
0x50c: {  	s6 =	smin.u32 s7, $0x17F  }
0x50d: {  	s8 =	sand.u32 $0xF, s6  }
0x50e: {  	p6 =	sne.s32 s8, $0x0  }
0x50f: {  	p0 =	por !p2, !p6  }
0x510: {  	s8 =	simm.s32 $0xFFFFFFFF;
	p0 =	por !p0, !p0  }
0x511: {  	s8 =	simm.s32 @!p0 $0x0  }
0x512: {  	s8 =	sshll.u32 s8, $0x4  }
0x513: {  	s8 =	sadd.s32 s6, s8  }
0x514: {  	s7 =	smin.u32 s7, $0x13F;
	s8 =	sand.u32 $0xFFFFFFF0, s8  }
0x515: {  	s10 =	sadd.s32 $0x40, s7;
	v3 =	vor.u32 s8, v0  }
0x516: {  	s18 =	sadd.s32 $0x10, s8;
	s30 =	sadd.s32 $0x20, s8;
	vm0 =	vge.s32 v3, s6;
	vm1 =	vlt.s32 v3, s10  }
0x517: {  	s31 =	sadd.s32 $0x30, s8;
	vm2 =	vlt.s32 v3, $0x17F;
	v4 =	vor.u32 s18, v0;
	v5 =	vor.u32 s30, v0  }
0x518: {  	v6 =	vor.u32 s31, v0;
	vm0 =	vmand vm0, vm1;
	v3 =	vnsel vm2, $0x17F, v3  }
0x519: {  	vm1 =	vge.s32 v4, s6;
	vm2 =	vlt.s32 v4, s10;
	vm3 =	vlt.s32 v4, $0x17F  }
0x51a: {  	vm4 =	vlt.s32 v5, $0x17F;
	vm5 =	vlt.s32 v6, $0x17F;
	vm1 =	vmand vm1, vm2  }
0x51b: {  	v4 =	vnsel vm3, $0x17F, v4;
	vm2 =	vge.s32 v5, s6;
	vm3 =	vlt.s32 v5, s10  }
0x51c: {  	s7 =	smov.u32 s0;
	p0 =	sgt.s32 s11, s0;
	s8 =	sadd.s32 $0x40, s8;
	v5 =	vnsel vm4, $0x17F, v5;
	vm4 =	vlt.s32 v6, s10;
	v7 =	vnsel vm5, $0x17F, v6  }
0x51d: {  	s7 =	smov.u32 @p0 s11;
	s11 =	sadd.s32 $0x1, s0;
	vm2 =	vmand vm2, vm3;
	vm3 =	vge.s32 v6, s6;
	v6 =	vor.u32 s8, v0  }
0x51e: {  	p2 =	slt.u32 s11, s7;
	vm3 =	vmand vm3, vm4;
	vm4 =	vge.s32 v6, s6;
	vm5 =	vlt.s32 v6, s10  }
.Ltmp79:
0x51f: {  	vm4 =	vmand vm4, vm5;
	(pc) =	sbr.rel @!p2 .LBB2_156-.Ltmp79, $4  }
0x520: {  	s8 =	smul.u32 $0x180, s0  }
0x521: {  	vm6 =	vlt.s32 v6, $0x17F  }
0x522: {  	v6 =	vnsel vm6, $0x17F, v6;
	v13 =	vadd.s32 s8, v7  }
0x523: {  	p0 =	por $0x0, $0x0;
	v10 =	vadd.s32 s8, v3;
	v9 =	vadd.s32 s8, v4;
	v8 =	vadd.s32 s8, v5;
	s0 =	sadd.s32 $0x180, s8  }
0x524: {  	_ =	sdelay $0x1  }
0x525: {  	s11 =	sadd.s32 $0x1, s11  }
0x526: {  	p2 =	slt.u32 s11, s7  }
.Ltmp80:
0x527: {  	_ = 	snop;
	(pc) =	sbr.rel @!p2 .LBB2_158-.Ltmp80, $4  }
0x528: {  	[tilespmem:v10+s16+$0x0] =	vst.idx.msk vm0, v1;
	v11 =	vadd.s32 s8, v6  }
0x529: {  	[tilespmem:v9+s16+$0x0] =	vst.idx.msk vm1, v1  }
0x52a: {  	v10 =	vadd.s32 s0, v3;
	[tilespmem:v8+s16+$0x0] =	vst.idx.msk vm2, v1  }
0x52b: {  	v12 =	vadd.s32 s0, v7;
	s8 =	sadd.s32 $0x180, s0;
	p0 =	por $0x1, $0x1;
	v9 =	vadd.s32 s0, v4;
	v8 =	vadd.s32 s0, v5;
	[tilespmem:v13+s16+$0x0] =	vst.idx.msk vm3, v1  }
.LBB2_159:
0x52c: {  	s11 =	sadd.s32 $0x1, s11  }
0x52d: {  	v13 =	vadd.s32 s8, v7;
	[tilespmem:v11+s16+$0x0] =	vst.idx.msk vm4, v1;
	p2 =	slt.u32 s11, s7  }
.Ltmp81:
0x52e: {  	v11 =	vadd.s32 s0, v6;
	s0 =	smov.u32 s8;
	(pc) =	sbr.rel @p2 .LBB2_159-.Ltmp81, $4  }
0x52f: {  	[tilespmem:v10+s16+$0x0] =	vst.idx.msk vm0, v1  }
0x530: {  	v10 =	vadd.s32 s8, v3;
	[tilespmem:v9+s16+$0x0] =	vst.idx.msk vm1, v1  }
0x531: {  	v9 =	vadd.s32 s8, v4;
	[tilespmem:v8+s16+$0x0] =	vst.idx.msk vm2, v1  }
0x532: {  	s8 =	sadd.s32 $0x180, s8;
	v8 =	vadd.s32 s0, v5;
	[tilespmem:v12+s16+$0x0] =	vst.idx.msk vm3, v1;
	v12 =	vmov v13  }
0x533: {  	s8 =	smov.u32 s0;
	v13 =	vmov v12  }
.LBB2_161:
0x534: {  	_ =	sdelay $0x4  }
0x535: {  	[tilespmem:v11+s16+$0x0] =	vst.idx.msk @p0 vm4, v1;
	v3 =	vadd.s32 s8, v6  }
0x536: {  	[tilespmem:v10+s16+$0x0] =	vst.idx.msk vm0, v1  }
0x537: {  	[tilespmem:v9+s16+$0x0] =	vst.idx.msk vm1, v1  }
0x538: {  	[tilespmem:v8+s16+$0x0] =	vst.idx.msk vm2, v1  }
0x539: {  	[tilespmem:v13+s16+$0x0] =	vst.idx.msk vm3, v1  }
0x53a: {  	[tilespmem:v3+s16+$0x0] =	vst.idx.msk vm4, v1  }
.LBB2_162:
0x53b: {  	(v2sf) =	vpush v2, $0x4;
	_ =	sdelay $0xc  }
0x53c: {  	(v2sf) =	vpush v2, $0xC;
	_ =	sdelay $0x1  }
0x53d: {  	s0 =	spop (v2sf)  }
0x53e: {  	p0 =	sgt.s32 s0, $0x0  }
0x53f: {  	s0 =	simm.s32 @!p0 $0x0  }
0x540: {  	s6 =	smin.u32 s0, $0x13F  }
0x541: {  	s0 =	smin.u32 s0, $0x17F;
	s6 =	ssub.s32 s6, s1  }
0x542: {  	s0 =	ssub.s32 s0, s1;
	p0 =	slt.s32 s6, $0x20  }
0x543: {  	s6 =	simm.s32 @!p0 $0x20;
	p0 =	sgt.s32 s0, $0x0  }
0x544: {  	s0 =	simm.s32 @!p0 $0x0;
	s11 =	sadd.s32 $0x40, s6  }
0x545: {  	p0 =	sle.s32 s11, s0  }
.Ltmp82:
0x546: {  	_ = 	snop;
	(pc) =	sbr.rel @p0 .LBB2_170-.Ltmp82, $2  }
0x547: {  	_ =	sdelay $0x2  }
0x548: {  	s7 =	spop (v2sf)  }
0x549: {  	p0 =	sgt.s32 s7, $0x0  }
0x54a: {  	p2 =	slt.s32 s7, $0x1;
	s7 =	simm.s32 @!p0 $0x0  }
0x54b: {  	s6 =	smin.u32 s7, $0x17F  }
0x54c: {  	s8 =	sand.u32 $0xF, s6  }
0x54d: {  	p6 =	sne.s32 s8, $0x0  }
0x54e: {  	p0 =	por !p2, !p6  }
0x54f: {  	s8 =	simm.s32 $0xFFFFFFFF;
	p0 =	por !p0, !p0  }
0x550: {  	s8 =	simm.s32 @!p0 $0x0  }
0x551: {  	s8 =	sshll.u32 s8, $0x4  }
0x552: {  	s8 =	sadd.s32 s6, s8  }
0x553: {  	s7 =	smin.u32 s7, $0x13F;
	s8 =	sand.u32 $0xFFFFFFF0, s8  }
0x554: {  	s10 =	sadd.s32 $0x40, s7;
	v3 =	vor.u32 s8, v0  }
0x555: {  	s18 =	sadd.s32 $0x10, s8;
	s30 =	sadd.s32 $0x20, s8;
	vm0 =	vge.s32 v3, s6;
	vm1 =	vlt.s32 v3, s10  }
0x556: {  	s31 =	sadd.s32 $0x30, s8;
	vm2 =	vlt.s32 v3, $0x17F;
	v4 =	vor.u32 s18, v0;
	v5 =	vor.u32 s30, v0  }
0x557: {  	v6 =	vor.u32 s31, v0;
	vm0 =	vmand vm0, vm1;
	v3 =	vnsel vm2, $0x17F, v3  }
0x558: {  	vm1 =	vge.s32 v4, s6;
	vm2 =	vlt.s32 v4, s10;
	vm3 =	vlt.s32 v4, $0x17F  }
0x559: {  	vm4 =	vlt.s32 v5, $0x17F;
	vm5 =	vlt.s32 v6, $0x17F;
	vm1 =	vmand vm1, vm2  }
0x55a: {  	v4 =	vnsel vm3, $0x17F, v4;
	vm2 =	vge.s32 v5, s6;
	vm3 =	vlt.s32 v5, s10  }
0x55b: {  	s7 =	smov.u32 s0;
	p0 =	sgt.s32 s11, s0;
	s8 =	sadd.s32 $0x40, s8;
	v5 =	vnsel vm4, $0x17F, v5;
	vm4 =	vlt.s32 v6, s10;
	v7 =	vnsel vm5, $0x17F, v6  }
0x55c: {  	s7 =	smov.u32 @p0 s11;
	s11 =	sadd.s32 $0x1, s0;
	vm2 =	vmand vm2, vm3;
	vm3 =	vge.s32 v6, s6;
	v6 =	vor.u32 s8, v0  }
0x55d: {  	p2 =	slt.u32 s11, s7;
	vm3 =	vmand vm3, vm4;
	vm4 =	vge.s32 v6, s6;
	vm5 =	vlt.s32 v6, s10  }
.Ltmp83:
0x55e: {  	vm4 =	vmand vm4, vm5;
	(pc) =	sbr.rel @!p2 .LBB2_164-.Ltmp83, $4  }
0x55f: {  	s8 =	smul.u32 $0x180, s0  }
0x560: {  	vm6 =	vlt.s32 v6, $0x17F  }
0x561: {  	v6 =	vnsel vm6, $0x17F, v6;
	v13 =	vadd.s32 s8, v7  }
0x562: {  	p0 =	por $0x0, $0x0;
	v10 =	vadd.s32 s8, v3;
	v9 =	vadd.s32 s8, v4;
	v8 =	vadd.s32 s8, v5;
	s0 =	sadd.s32 $0x180, s8  }
0x563: {  	_ =	sdelay $0x1  }
0x564: {  	s11 =	sadd.s32 $0x1, s11  }
0x565: {  	p2 =	slt.u32 s11, s7  }
.Ltmp84:
0x566: {  	_ = 	snop;
	(pc) =	sbr.rel @!p2 .LBB2_166-.Ltmp84, $4  }
0x567: {  	[tilespmem:v10+s16+$0x0] =	vst.idx.msk vm0, v1;
	v11 =	vadd.s32 s8, v6  }
0x568: {  	[tilespmem:v9+s16+$0x0] =	vst.idx.msk vm1, v1  }
0x569: {  	v10 =	vadd.s32 s0, v3;
	[tilespmem:v8+s16+$0x0] =	vst.idx.msk vm2, v1  }
0x56a: {  	v12 =	vadd.s32 s0, v7;
	s8 =	sadd.s32 $0x180, s0;
	p0 =	por $0x1, $0x1;
	v9 =	vadd.s32 s0, v4;
	v8 =	vadd.s32 s0, v5;
	[tilespmem:v13+s16+$0x0] =	vst.idx.msk vm3, v1  }
.LBB2_167:
0x56b: {  	s11 =	sadd.s32 $0x1, s11  }
0x56c: {  	v13 =	vadd.s32 s8, v7;
	[tilespmem:v11+s16+$0x0] =	vst.idx.msk vm4, v1;
	p2 =	slt.u32 s11, s7  }
.Ltmp85:
0x56d: {  	v11 =	vadd.s32 s0, v6;
	s0 =	smov.u32 s8;
	(pc) =	sbr.rel @p2 .LBB2_167-.Ltmp85, $4  }
0x56e: {  	[tilespmem:v10+s16+$0x0] =	vst.idx.msk vm0, v1  }
0x56f: {  	v10 =	vadd.s32 s8, v3;
	[tilespmem:v9+s16+$0x0] =	vst.idx.msk vm1, v1  }
0x570: {  	v9 =	vadd.s32 s8, v4;
	[tilespmem:v8+s16+$0x0] =	vst.idx.msk vm2, v1  }
0x571: {  	s8 =	sadd.s32 $0x180, s8;
	v8 =	vadd.s32 s0, v5;
	[tilespmem:v12+s16+$0x0] =	vst.idx.msk vm3, v1;
	v12 =	vmov v13  }
0x572: {  	s8 =	smov.u32 s0;
	v13 =	vmov v12  }
.LBB2_169:
0x573: {  	_ =	sdelay $0x4  }
0x574: {  	[tilespmem:v11+s16+$0x0] =	vst.idx.msk @p0 vm4, v1;
	v3 =	vadd.s32 s8, v6  }
0x575: {  	[tilespmem:v10+s16+$0x0] =	vst.idx.msk vm0, v1  }
0x576: {  	[tilespmem:v9+s16+$0x0] =	vst.idx.msk vm1, v1  }
0x577: {  	[tilespmem:v8+s16+$0x0] =	vst.idx.msk vm2, v1  }
0x578: {  	[tilespmem:v13+s16+$0x0] =	vst.idx.msk vm3, v1  }
0x579: {  	[tilespmem:v3+s16+$0x0] =	vst.idx.msk vm4, v1  }
.LBB2_170:
0x57a: {  	(v2sf) =	vpush v2, $0x5;
	_ =	sdelay $0xc  }
0x57b: {  	(v2sf) =	vpush v2, $0xD;
	_ =	sdelay $0x1  }
0x57c: {  	s0 =	spop (v2sf)  }
0x57d: {  	p0 =	sgt.s32 s0, $0x0  }
0x57e: {  	s0 =	simm.s32 @!p0 $0x0  }
0x57f: {  	s6 =	smin.u32 s0, $0x13F  }
0x580: {  	s0 =	smin.u32 s0, $0x17F;
	s6 =	ssub.s32 s6, s1  }
0x581: {  	s0 =	ssub.s32 s0, s1;
	p0 =	slt.s32 s6, $0x20  }
0x582: {  	s6 =	simm.s32 @!p0 $0x20;
	p0 =	sgt.s32 s0, $0x0  }
0x583: {  	s0 =	simm.s32 @!p0 $0x0;
	s11 =	sadd.s32 $0x40, s6  }
0x584: {  	p0 =	sle.s32 s11, s0  }
.Ltmp86:
0x585: {  	_ = 	snop;
	(pc) =	sbr.rel @p0 .LBB2_178-.Ltmp86, $2  }
0x586: {  	_ =	sdelay $0x2  }
0x587: {  	s7 =	spop (v2sf)  }
0x588: {  	p0 =	sgt.s32 s7, $0x0  }
0x589: {  	p2 =	slt.s32 s7, $0x1;
	s7 =	simm.s32 @!p0 $0x0  }
0x58a: {  	s6 =	smin.u32 s7, $0x17F  }
0x58b: {  	s8 =	sand.u32 $0xF, s6  }
0x58c: {  	p6 =	sne.s32 s8, $0x0  }
0x58d: {  	p0 =	por !p2, !p6  }
0x58e: {  	s8 =	simm.s32 $0xFFFFFFFF;
	p0 =	por !p0, !p0  }
0x58f: {  	s8 =	simm.s32 @!p0 $0x0  }
0x590: {  	s8 =	sshll.u32 s8, $0x4  }
0x591: {  	s8 =	sadd.s32 s6, s8  }
0x592: {  	s7 =	smin.u32 s7, $0x13F;
	s8 =	sand.u32 $0xFFFFFFF0, s8  }
0x593: {  	s10 =	sadd.s32 $0x40, s7;
	v3 =	vor.u32 s8, v0  }
0x594: {  	s18 =	sadd.s32 $0x10, s8;
	s30 =	sadd.s32 $0x20, s8;
	vm0 =	vge.s32 v3, s6;
	vm1 =	vlt.s32 v3, s10  }
0x595: {  	s31 =	sadd.s32 $0x30, s8;
	vm2 =	vlt.s32 v3, $0x17F;
	v4 =	vor.u32 s18, v0;
	v5 =	vor.u32 s30, v0  }
0x596: {  	v6 =	vor.u32 s31, v0;
	vm0 =	vmand vm0, vm1;
	v3 =	vnsel vm2, $0x17F, v3  }
0x597: {  	vm1 =	vge.s32 v4, s6;
	vm2 =	vlt.s32 v4, s10;
	vm3 =	vlt.s32 v4, $0x17F  }
0x598: {  	vm4 =	vlt.s32 v5, $0x17F;
	vm5 =	vlt.s32 v6, $0x17F;
	vm1 =	vmand vm1, vm2  }
0x599: {  	v4 =	vnsel vm3, $0x17F, v4;
	vm2 =	vge.s32 v5, s6;
	vm3 =	vlt.s32 v5, s10  }
0x59a: {  	s7 =	smov.u32 s0;
	p0 =	sgt.s32 s11, s0;
	s8 =	sadd.s32 $0x40, s8;
	v5 =	vnsel vm4, $0x17F, v5;
	vm4 =	vlt.s32 v6, s10;
	v7 =	vnsel vm5, $0x17F, v6  }
0x59b: {  	s7 =	smov.u32 @p0 s11;
	s11 =	sadd.s32 $0x1, s0;
	vm2 =	vmand vm2, vm3;
	vm3 =	vge.s32 v6, s6;
	v6 =	vor.u32 s8, v0  }
0x59c: {  	p2 =	slt.u32 s11, s7;
	vm3 =	vmand vm3, vm4;
	vm4 =	vge.s32 v6, s6;
	vm5 =	vlt.s32 v6, s10  }
.Ltmp87:
0x59d: {  	vm4 =	vmand vm4, vm5;
	(pc) =	sbr.rel @!p2 .LBB2_172-.Ltmp87, $4  }
0x59e: {  	s8 =	smul.u32 $0x180, s0  }
0x59f: {  	vm6 =	vlt.s32 v6, $0x17F  }
0x5a0: {  	v6 =	vnsel vm6, $0x17F, v6;
	v13 =	vadd.s32 s8, v7  }
0x5a1: {  	p0 =	por $0x0, $0x0;
	v10 =	vadd.s32 s8, v3;
	v9 =	vadd.s32 s8, v4;
	v8 =	vadd.s32 s8, v5;
	s0 =	sadd.s32 $0x180, s8  }
0x5a2: {  	_ =	sdelay $0x1  }
0x5a3: {  	s11 =	sadd.s32 $0x1, s11  }
0x5a4: {  	p2 =	slt.u32 s11, s7  }
.Ltmp88:
0x5a5: {  	_ = 	snop;
	(pc) =	sbr.rel @!p2 .LBB2_174-.Ltmp88, $4  }
0x5a6: {  	[tilespmem:v10+s16+$0x0] =	vst.idx.msk vm0, v1;
	v11 =	vadd.s32 s8, v6  }
0x5a7: {  	[tilespmem:v9+s16+$0x0] =	vst.idx.msk vm1, v1  }
0x5a8: {  	v10 =	vadd.s32 s0, v3;
	[tilespmem:v8+s16+$0x0] =	vst.idx.msk vm2, v1  }
0x5a9: {  	v12 =	vadd.s32 s0, v7;
	s8 =	sadd.s32 $0x180, s0;
	p0 =	por $0x1, $0x1;
	v9 =	vadd.s32 s0, v4;
	v8 =	vadd.s32 s0, v5;
	[tilespmem:v13+s16+$0x0] =	vst.idx.msk vm3, v1  }
.LBB2_175:
0x5aa: {  	s11 =	sadd.s32 $0x1, s11  }
0x5ab: {  	v13 =	vadd.s32 s8, v7;
	[tilespmem:v11+s16+$0x0] =	vst.idx.msk vm4, v1;
	p2 =	slt.u32 s11, s7  }
.Ltmp89:
0x5ac: {  	v11 =	vadd.s32 s0, v6;
	s0 =	smov.u32 s8;
	(pc) =	sbr.rel @p2 .LBB2_175-.Ltmp89, $4  }
0x5ad: {  	[tilespmem:v10+s16+$0x0] =	vst.idx.msk vm0, v1  }
0x5ae: {  	v10 =	vadd.s32 s8, v3;
	[tilespmem:v9+s16+$0x0] =	vst.idx.msk vm1, v1  }
0x5af: {  	v9 =	vadd.s32 s8, v4;
	[tilespmem:v8+s16+$0x0] =	vst.idx.msk vm2, v1  }
0x5b0: {  	s8 =	sadd.s32 $0x180, s8;
	v8 =	vadd.s32 s0, v5;
	[tilespmem:v12+s16+$0x0] =	vst.idx.msk vm3, v1;
	v12 =	vmov v13  }
0x5b1: {  	s8 =	smov.u32 s0;
	v13 =	vmov v12  }
.LBB2_177:
0x5b2: {  	_ =	sdelay $0x4  }
0x5b3: {  	[tilespmem:v11+s16+$0x0] =	vst.idx.msk @p0 vm4, v1;
	v3 =	vadd.s32 s8, v6  }
0x5b4: {  	[tilespmem:v10+s16+$0x0] =	vst.idx.msk vm0, v1  }
0x5b5: {  	[tilespmem:v9+s16+$0x0] =	vst.idx.msk vm1, v1  }
0x5b6: {  	[tilespmem:v8+s16+$0x0] =	vst.idx.msk vm2, v1  }
0x5b7: {  	[tilespmem:v13+s16+$0x0] =	vst.idx.msk vm3, v1  }
0x5b8: {  	[tilespmem:v3+s16+$0x0] =	vst.idx.msk vm4, v1  }
.LBB2_178:
0x5b9: {  	(v2sf) =	vpush v2, $0x6;
	_ =	sdelay $0xc  }
0x5ba: {  	(v2sf) =	vpush v2, $0xE;
	_ =	sdelay $0x1  }
0x5bb: {  	s0 =	spop (v2sf)  }
0x5bc: {  	p0 =	sgt.s32 s0, $0x0  }
0x5bd: {  	s0 =	simm.s32 @!p0 $0x0  }
0x5be: {  	s6 =	smin.u32 s0, $0x13F  }
0x5bf: {  	s0 =	smin.u32 s0, $0x17F;
	s6 =	ssub.s32 s6, s1  }
0x5c0: {  	s0 =	ssub.s32 s0, s1;
	p0 =	slt.s32 s6, $0x20  }
0x5c1: {  	s6 =	simm.s32 @!p0 $0x20;
	p0 =	sgt.s32 s0, $0x0  }
0x5c2: {  	s0 =	simm.s32 @!p0 $0x0;
	s11 =	sadd.s32 $0x40, s6  }
0x5c3: {  	p0 =	sle.s32 s11, s0  }
.Ltmp90:
0x5c4: {  	_ = 	snop;
	(pc) =	sbr.rel @p0 .LBB2_186-.Ltmp90, $2  }
0x5c5: {  	_ =	sdelay $0x2  }
0x5c6: {  	s7 =	spop (v2sf)  }
0x5c7: {  	p0 =	sgt.s32 s7, $0x0  }
0x5c8: {  	p2 =	slt.s32 s7, $0x1;
	s7 =	simm.s32 @!p0 $0x0  }
0x5c9: {  	s6 =	smin.u32 s7, $0x17F  }
0x5ca: {  	s8 =	sand.u32 $0xF, s6  }
0x5cb: {  	p6 =	sne.s32 s8, $0x0  }
0x5cc: {  	p0 =	por !p2, !p6  }
0x5cd: {  	s8 =	simm.s32 $0xFFFFFFFF;
	p0 =	por !p0, !p0  }
0x5ce: {  	s8 =	simm.s32 @!p0 $0x0  }
0x5cf: {  	s8 =	sshll.u32 s8, $0x4  }
0x5d0: {  	s8 =	sadd.s32 s6, s8  }
0x5d1: {  	s7 =	smin.u32 s7, $0x13F;
	s8 =	sand.u32 $0xFFFFFFF0, s8  }
0x5d2: {  	s10 =	sadd.s32 $0x40, s7;
	v3 =	vor.u32 s8, v0  }
0x5d3: {  	s18 =	sadd.s32 $0x10, s8;
	s30 =	sadd.s32 $0x20, s8;
	vm0 =	vge.s32 v3, s6;
	vm1 =	vlt.s32 v3, s10  }
0x5d4: {  	s31 =	sadd.s32 $0x30, s8;
	vm2 =	vlt.s32 v3, $0x17F;
	v4 =	vor.u32 s18, v0;
	v5 =	vor.u32 s30, v0  }
0x5d5: {  	v6 =	vor.u32 s31, v0;
	vm0 =	vmand vm0, vm1;
	v3 =	vnsel vm2, $0x17F, v3  }
0x5d6: {  	vm1 =	vge.s32 v4, s6;
	vm2 =	vlt.s32 v4, s10;
	vm3 =	vlt.s32 v4, $0x17F  }
0x5d7: {  	vm4 =	vlt.s32 v5, $0x17F;
	vm5 =	vlt.s32 v6, $0x17F;
	vm1 =	vmand vm1, vm2  }
0x5d8: {  	v4 =	vnsel vm3, $0x17F, v4;
	vm2 =	vge.s32 v5, s6;
	vm3 =	vlt.s32 v5, s10  }
0x5d9: {  	s7 =	smov.u32 s0;
	p0 =	sgt.s32 s11, s0;
	s8 =	sadd.s32 $0x40, s8;
	v5 =	vnsel vm4, $0x17F, v5;
	vm4 =	vlt.s32 v6, s10;
	v7 =	vnsel vm5, $0x17F, v6  }
0x5da: {  	s7 =	smov.u32 @p0 s11;
	s11 =	sadd.s32 $0x1, s0;
	vm2 =	vmand vm2, vm3;
	vm3 =	vge.s32 v6, s6;
	v6 =	vor.u32 s8, v0  }
0x5db: {  	p2 =	slt.u32 s11, s7;
	vm3 =	vmand vm3, vm4;
	vm4 =	vge.s32 v6, s6;
	vm5 =	vlt.s32 v6, s10  }
.Ltmp91:
0x5dc: {  	vm4 =	vmand vm4, vm5;
	(pc) =	sbr.rel @!p2 .LBB2_180-.Ltmp91, $4  }
0x5dd: {  	s8 =	smul.u32 $0x180, s0  }
0x5de: {  	vm6 =	vlt.s32 v6, $0x17F  }
0x5df: {  	v6 =	vnsel vm6, $0x17F, v6;
	v13 =	vadd.s32 s8, v7  }
0x5e0: {  	p0 =	por $0x0, $0x0;
	v10 =	vadd.s32 s8, v3;
	v9 =	vadd.s32 s8, v4;
	v8 =	vadd.s32 s8, v5;
	s0 =	sadd.s32 $0x180, s8  }
0x5e1: {  	_ =	sdelay $0x1  }
0x5e2: {  	s11 =	sadd.s32 $0x1, s11  }
0x5e3: {  	p2 =	slt.u32 s11, s7  }
.Ltmp92:
0x5e4: {  	_ = 	snop;
	(pc) =	sbr.rel @!p2 .LBB2_182-.Ltmp92, $4  }
0x5e5: {  	[tilespmem:v10+s16+$0x0] =	vst.idx.msk vm0, v1;
	v11 =	vadd.s32 s8, v6  }
0x5e6: {  	[tilespmem:v9+s16+$0x0] =	vst.idx.msk vm1, v1  }
0x5e7: {  	v10 =	vadd.s32 s0, v3;
	[tilespmem:v8+s16+$0x0] =	vst.idx.msk vm2, v1  }
0x5e8: {  	v12 =	vadd.s32 s0, v7;
	s8 =	sadd.s32 $0x180, s0;
	p0 =	por $0x1, $0x1;
	v9 =	vadd.s32 s0, v4;
	v8 =	vadd.s32 s0, v5;
	[tilespmem:v13+s16+$0x0] =	vst.idx.msk vm3, v1  }
.LBB2_183:
0x5e9: {  	s11 =	sadd.s32 $0x1, s11  }
0x5ea: {  	v13 =	vadd.s32 s8, v7;
	[tilespmem:v11+s16+$0x0] =	vst.idx.msk vm4, v1;
	p2 =	slt.u32 s11, s7  }
.Ltmp93:
0x5eb: {  	v11 =	vadd.s32 s0, v6;
	s0 =	smov.u32 s8;
	(pc) =	sbr.rel @p2 .LBB2_183-.Ltmp93, $4  }
0x5ec: {  	[tilespmem:v10+s16+$0x0] =	vst.idx.msk vm0, v1  }
0x5ed: {  	v10 =	vadd.s32 s8, v3;
	[tilespmem:v9+s16+$0x0] =	vst.idx.msk vm1, v1  }
0x5ee: {  	v9 =	vadd.s32 s8, v4;
	[tilespmem:v8+s16+$0x0] =	vst.idx.msk vm2, v1  }
0x5ef: {  	s8 =	sadd.s32 $0x180, s8;
	v8 =	vadd.s32 s0, v5;
	[tilespmem:v12+s16+$0x0] =	vst.idx.msk vm3, v1;
	v12 =	vmov v13  }
0x5f0: {  	s8 =	smov.u32 s0;
	v13 =	vmov v12  }
.LBB2_185:
0x5f1: {  	_ =	sdelay $0x4  }
0x5f2: {  	[tilespmem:v11+s16+$0x0] =	vst.idx.msk @p0 vm4, v1;
	v3 =	vadd.s32 s8, v6  }
0x5f3: {  	[tilespmem:v10+s16+$0x0] =	vst.idx.msk vm0, v1  }
0x5f4: {  	[tilespmem:v9+s16+$0x0] =	vst.idx.msk vm1, v1  }
0x5f5: {  	[tilespmem:v8+s16+$0x0] =	vst.idx.msk vm2, v1  }
0x5f6: {  	[tilespmem:v13+s16+$0x0] =	vst.idx.msk vm3, v1  }
0x5f7: {  	[tilespmem:v3+s16+$0x0] =	vst.idx.msk vm4, v1  }
.LBB2_186:
0x5f8: {  	(v2sf) =	vpush v2, $0x7;
	_ =	sdelay $0xc  }
0x5f9: {  	(v2sf) =	vpush v2, $0xF;
	_ =	sdelay $0x1  }
0x5fa: {  	s0 =	spop (v2sf)  }
0x5fb: {  	p0 =	sgt.s32 s0, $0x0  }
0x5fc: {  	s0 =	simm.s32 @!p0 $0x0  }
0x5fd: {  	s6 =	smin.u32 s0, $0x13F  }
0x5fe: {  	s0 =	smin.u32 s0, $0x17F;
	s6 =	ssub.s32 s6, s1  }
0x5ff: {  	s0 =	ssub.s32 s0, s1;
	p0 =	slt.s32 s6, $0x20  }
0x600: {  	s6 =	simm.s32 @!p0 $0x20;
	p0 =	sgt.s32 s0, $0x0  }
0x601: {  	s0 =	simm.s32 @!p0 $0x0;
	s7 =	sadd.s32 $0x40, s6  }
0x602: {  	p0 =	sle.s32 s7, s0  }
.Ltmp94:
0x603: {  	_ = 	snop;
	(pc) =	sbr.rel @p0 .LBB2_194-.Ltmp94, $2  }
0x604: {  	_ =	sdelay $0x2  }
0x605: {  	s1 =	spop (v2sf)  }
0x606: {  	p0 =	sgt.s32 s1, $0x0  }
0x607: {  	p2 =	slt.s32 s1, $0x1;
	s1 =	simm.s32 @!p0 $0x0  }
0x608: {  	s6 =	smin.u32 s1, $0x17F  }
0x609: {  	s8 =	sand.u32 $0xF, s6  }
0x60a: {  	p6 =	sne.s32 s8, $0x0  }
0x60b: {  	p0 =	por !p2, !p6  }
0x60c: {  	s8 =	simm.s32 $0xFFFFFFFF;
	p0 =	por !p0, !p0  }
0x60d: {  	s8 =	simm.s32 @!p0 $0x0  }
0x60e: {  	s8 =	sshll.u32 s8, $0x4  }
0x60f: {  	s8 =	sadd.s32 s6, s8  }
0x610: {  	s1 =	smin.u32 s1, $0x13F;
	s8 =	sand.u32 $0xFFFFFFF0, s8  }
0x611: {  	s10 =	sadd.s32 $0x40, s1;
	v2 =	vor.u32 s8, v0  }
0x612: {  	s18 =	sadd.s32 $0x10, s8;
	s30 =	sadd.s32 $0x20, s8;
	vm0 =	vge.s32 v2, s6;
	vm1 =	vlt.s32 v2, s10  }
0x613: {  	s31 =	sadd.s32 $0x30, s8;
	vm2 =	vlt.s32 v2, $0x17F;
	v3 =	vor.u32 s18, v0;
	v4 =	vor.u32 s30, v0  }
0x614: {  	v5 =	vor.u32 s31, v0;
	vm0 =	vmand vm0, vm1;
	v2 =	vnsel vm2, $0x17F, v2  }
0x615: {  	vm1 =	vge.s32 v3, s6;
	vm2 =	vlt.s32 v3, s10;
	vm3 =	vlt.s32 v3, $0x17F  }
0x616: {  	vm4 =	vlt.s32 v4, $0x17F;
	vm5 =	vlt.s32 v5, $0x17F;
	vm1 =	vmand vm1, vm2  }
0x617: {  	v3 =	vnsel vm3, $0x17F, v3;
	vm2 =	vge.s32 v4, s6;
	vm3 =	vlt.s32 v4, s10  }
0x618: {  	s1 =	smov.u32 s0;
	p0 =	sgt.s32 s7, s0;
	s8 =	sadd.s32 $0x40, s8;
	v4 =	vnsel vm4, $0x17F, v4;
	vm4 =	vlt.s32 v5, s10;
	v6 =	vnsel vm5, $0x17F, v5  }
0x619: {  	s1 =	smov.u32 @p0 s7;
	s7 =	sadd.s32 $0x1, s0;
	vm2 =	vmand vm2, vm3;
	vm3 =	vge.s32 v5, s6;
	v5 =	vor.u32 s8, v0  }
0x61a: {  	p2 =	slt.u32 s7, s1;
	vm3 =	vmand vm3, vm4;
	vm4 =	vge.s32 v5, s6;
	vm5 =	vlt.s32 v5, s10  }
.Ltmp95:
0x61b: {  	vm4 =	vmand vm4, vm5;
	(pc) =	sbr.rel @!p2 .LBB2_188-.Ltmp95, $4  }
0x61c: {  	s8 =	smul.u32 $0x180, s0  }
0x61d: {  	vm6 =	vlt.s32 v5, $0x17F  }
0x61e: {  	v5 =	vnsel vm6, $0x17F, v5;
	v12 =	vadd.s32 s8, v6  }
0x61f: {  	p0 =	por $0x0, $0x0;
	v9 =	vadd.s32 s8, v2;
	v8 =	vadd.s32 s8, v3;
	v7 =	vadd.s32 s8, v4;
	s0 =	sadd.s32 $0x180, s8  }
0x620: {  	_ =	sdelay $0x1  }
0x621: {  	s7 =	sadd.s32 $0x1, s7  }
0x622: {  	p2 =	slt.u32 s7, s1  }
.Ltmp96:
0x623: {  	_ = 	snop;
	(pc) =	sbr.rel @!p2 .LBB2_190-.Ltmp96, $4  }
0x624: {  	[tilespmem:v9+s16+$0x0] =	vst.idx.msk vm0, v1;
	v10 =	vadd.s32 s8, v5  }
0x625: {  	[tilespmem:v8+s16+$0x0] =	vst.idx.msk vm1, v1  }
0x626: {  	v9 =	vadd.s32 s0, v2;
	[tilespmem:v7+s16+$0x0] =	vst.idx.msk vm2, v1  }
0x627: {  	v11 =	vadd.s32 s0, v6;
	s8 =	sadd.s32 $0x180, s0;
	p0 =	por $0x1, $0x1;
	v8 =	vadd.s32 s0, v3;
	v7 =	vadd.s32 s0, v4;
	[tilespmem:v12+s16+$0x0] =	vst.idx.msk vm3, v1  }
.LBB2_191:
0x628: {  	s7 =	sadd.s32 $0x1, s7  }
0x629: {  	v12 =	vadd.s32 s8, v6;
	[tilespmem:v10+s16+$0x0] =	vst.idx.msk vm4, v1;
	p2 =	slt.u32 s7, s1  }
.Ltmp97:
0x62a: {  	v10 =	vadd.s32 s0, v5;
	s0 =	smov.u32 s8;
	(pc) =	sbr.rel @p2 .LBB2_191-.Ltmp97, $4  }
0x62b: {  	[tilespmem:v9+s16+$0x0] =	vst.idx.msk vm0, v1  }
0x62c: {  	v9 =	vadd.s32 s8, v2;
	[tilespmem:v8+s16+$0x0] =	vst.idx.msk vm1, v1  }
0x62d: {  	v8 =	vadd.s32 s8, v3;
	[tilespmem:v7+s16+$0x0] =	vst.idx.msk vm2, v1  }
0x62e: {  	s8 =	sadd.s32 $0x180, s8;
	v7 =	vadd.s32 s0, v4;
	[tilespmem:v11+s16+$0x0] =	vst.idx.msk vm3, v1;
	v11 =	vmov v12  }
0x62f: {  	s8 =	smov.u32 s0;
	v12 =	vmov v11  }
.LBB2_193:
0x630: {  	_ =	sdelay $0x4  }
0x631: {  	[tilespmem:v10+s16+$0x0] =	vst.idx.msk @p0 vm4, v1;
	v2 =	vadd.s32 s8, v5  }
0x632: {  	[tilespmem:v9+s16+$0x0] =	vst.idx.msk vm0, v1  }
0x633: {  	[tilespmem:v8+s16+$0x0] =	vst.idx.msk vm1, v1  }
0x634: {  	[tilespmem:v7+s16+$0x0] =	vst.idx.msk vm2, v1  }
0x635: {  	[tilespmem:v12+s16+$0x0] =	vst.idx.msk vm3, v1  }
0x636: {  	[tilespmem:v2+s16+$0x0] =	vst.idx.msk vm4, v1  }
.LBB2_194:
0x637: {  	s0 =	sshrl.u32 s28, $0x2  }
0x638: {  	s1 =	smul.u32 $0x9000, s29;
	s0 =	sadd.s32 s5, s0  }
0x639: {  	s0 =	smul.u32 $0x24000, s0  }
.Ltmp98:
0x63a: {  	_ = 	snop;
	(pc) =	sbr.rel @p1 .LBB2_196-.Ltmp98, $4  }
0x63b: {  	s0 =	sadd.s32 s1, s0  }
0x63c: {  	s0 =	sshrl.u32 s0, $0x3  }
0x63d: {  	s0 =	sadd.s32 s4, s0  }
0x63e: {  	[hbm4b:s0+s3] =	stream.linear.scatter [tilespmem:s16], [sflag:$0x6], $0x9000, $0x38;
	[tilespmem:$0x1B100] =	vst v63  }
0x63f: {  	s0 =	sadd.s32 $0x4, s25  }
0x640: {  	s0 =	sshrl.u32 s0, $0x2  }
0x641: {  	s0 =	sadd.s32 s5, s0  }
0x642: {  	s0 =	smul.u32 $0x24000, s0  }
.Ltmp99:
0x643: {  	_ = 	snop;
	(pc) =	sbr.rel .LBB2_2-.Ltmp99, $4  }
0x644: {  	_ =	swait.ge [sflag:s19], $0x9000;
	s24 =	sadd.s32 $0x1, s24;
	s0 =	sadd.s32 s26, s0  }
0x645: {  	s23 =	sadd.s32 $0x3, s23;
	[sflag:s19] =	ssyncset.done $0x0;
	s0 =	sshrl.u32 s0, $0x3  }
0x646: {  	s22 =	sadd.s32 $0x3, s22;
	[sflag:s19] =	ssyncadd.s32 $0xFFFF7000;
	s0 =	sadd.s32 s2, s0  }
0x647: {  	[tilespmem:s13], [sflag:$0x2] =	stream.linear.gather [hbm4b:s0+s3], $0x9000, $0x38;
	[tilespmem:$0x1B100] =	vst v63  }
.LBB2_4:
.Ltmp100:
0x648: {  	(pc) =	sbr.rel .LBB2_9-.Ltmp100, $2  }
0x649: {  	_ =	sdelay $0x2  }
0x64a: {  	_ = 	snop  }
.LBB2_12:
.Ltmp101:
0x64b: {  	(pc) =	sbr.rel .LBB2_17-.Ltmp101, $2  }
0x64c: {  	_ =	sdelay $0x2  }
0x64d: {  	_ = 	snop  }
.LBB2_20:
.Ltmp102:
0x64e: {  	(pc) =	sbr.rel .LBB2_25-.Ltmp102, $2  }
0x64f: {  	_ =	sdelay $0x2  }
0x650: {  	_ = 	snop  }
.LBB2_28:
.Ltmp103:
0x651: {  	(pc) =	sbr.rel .LBB2_33-.Ltmp103, $2  }
0x652: {  	_ =	sdelay $0x2  }
0x653: {  	_ = 	snop  }
.LBB2_36:
.Ltmp104:
0x654: {  	(pc) =	sbr.rel .LBB2_41-.Ltmp104, $2  }
0x655: {  	_ =	sdelay $0x2  }
0x656: {  	_ = 	snop  }
.LBB2_44:
.Ltmp105:
0x657: {  	(pc) =	sbr.rel .LBB2_49-.Ltmp105, $2  }
0x658: {  	_ =	sdelay $0x2  }
0x659: {  	_ = 	snop  }
.LBB2_52:
.Ltmp106:
0x65a: {  	(pc) =	sbr.rel .LBB2_57-.Ltmp106, $2  }
0x65b: {  	_ =	sdelay $0x2  }
0x65c: {  	_ = 	snop  }
.LBB2_60:
.Ltmp107:
0x65d: {  	(pc) =	sbr.rel .LBB2_65-.Ltmp107, $2  }
0x65e: {  	_ =	sdelay $0x2  }
0x65f: {  	_ = 	snop  }
.LBB2_68:
.Ltmp108:
0x660: {  	(pc) =	sbr.rel .LBB2_73-.Ltmp108, $2  }
0x661: {  	_ =	sdelay $0x2  }
0x662: {  	_ = 	snop  }
.LBB2_76:
.Ltmp109:
0x663: {  	(pc) =	sbr.rel .LBB2_81-.Ltmp109, $2  }
0x664: {  	_ =	sdelay $0x2  }
0x665: {  	_ = 	snop  }
.LBB2_84:
.Ltmp110:
0x666: {  	(pc) =	sbr.rel .LBB2_89-.Ltmp110, $2  }
0x667: {  	_ =	sdelay $0x2  }
0x668: {  	_ = 	snop  }
.LBB2_92:
.Ltmp111:
0x669: {  	(pc) =	sbr.rel .LBB2_97-.Ltmp111, $2  }
0x66a: {  	_ =	sdelay $0x2  }
0x66b: {  	_ = 	snop  }
.LBB2_100:
.Ltmp112:
0x66c: {  	(pc) =	sbr.rel .LBB2_105-.Ltmp112, $2  }
0x66d: {  	_ =	sdelay $0x2  }
0x66e: {  	_ = 	snop  }
.LBB2_108:
.Ltmp113:
0x66f: {  	(pc) =	sbr.rel .LBB2_113-.Ltmp113, $2  }
0x670: {  	_ =	sdelay $0x2  }
0x671: {  	_ = 	snop  }
.LBB2_116:
.Ltmp114:
0x672: {  	(pc) =	sbr.rel .LBB2_121-.Ltmp114, $2  }
0x673: {  	_ =	sdelay $0x2  }
0x674: {  	_ = 	snop  }
.LBB2_124:
.Ltmp115:
0x675: {  	(pc) =	sbr.rel .LBB2_129-.Ltmp115, $2  }
0x676: {  	_ =	sdelay $0x2  }
0x677: {  	_ = 	snop  }
.LBB2_132:
.Ltmp116:
0x678: {  	(pc) =	sbr.rel .LBB2_137-.Ltmp116, $2  }
0x679: {  	_ =	sdelay $0x2  }
0x67a: {  	_ = 	snop  }
.LBB2_140:
.Ltmp117:
0x67b: {  	(pc) =	sbr.rel .LBB2_145-.Ltmp117, $2  }
0x67c: {  	_ =	sdelay $0x2  }
0x67d: {  	_ = 	snop  }
.LBB2_148:
.Ltmp118:
0x67e: {  	(pc) =	sbr.rel .LBB2_153-.Ltmp118, $2  }
0x67f: {  	_ =	sdelay $0x2  }
0x680: {  	_ = 	snop  }
.LBB2_156:
.Ltmp119:
0x681: {  	(pc) =	sbr.rel .LBB2_161-.Ltmp119, $2  }
0x682: {  	_ =	sdelay $0x2  }
0x683: {  	_ = 	snop  }
.LBB2_164:
.Ltmp120:
0x684: {  	(pc) =	sbr.rel .LBB2_169-.Ltmp120, $2  }
0x685: {  	_ =	sdelay $0x2  }
0x686: {  	_ = 	snop  }
.LBB2_172:
.Ltmp121:
0x687: {  	(pc) =	sbr.rel .LBB2_177-.Ltmp121, $2  }
0x688: {  	_ =	sdelay $0x2  }
0x689: {  	_ = 	snop  }
.LBB2_180:
.Ltmp122:
0x68a: {  	(pc) =	sbr.rel .LBB2_185-.Ltmp122, $2  }
0x68b: {  	_ =	sdelay $0x2  }
0x68c: {  	_ = 	snop  }
.LBB2_188:
.Ltmp123:
0x68d: {  	(pc) =	sbr.rel .LBB2_193-.Ltmp123, $2  }
0x68e: {  	_ =	sdelay $0x2  }
0x68f: {  	_ = 	snop  }
.LBB2_6:
.Ltmp124:
0x690: {  	(pc) =	sbr.rel .LBB2_9-.Ltmp124, $2  }
0x691: {  	_ =	sdelay $0x2  }
0x692: {  	s7 =	smov.u32 s0;
	v13 =	vmov v12  }
.LBB2_14:
.Ltmp125:
0x693: {  	(pc) =	sbr.rel .LBB2_17-.Ltmp125, $2  }
0x694: {  	_ =	sdelay $0x2  }
0x695: {  	s11 =	smov.u32 s0;
	v13 =	vmov v12  }
.LBB2_22:
.Ltmp126:
0x696: {  	(pc) =	sbr.rel .LBB2_25-.Ltmp126, $2  }
0x697: {  	_ =	sdelay $0x2  }
0x698: {  	s11 =	smov.u32 s0;
	v13 =	vmov v12  }
.LBB2_30:
.Ltmp127:
0x699: {  	(pc) =	sbr.rel .LBB2_33-.Ltmp127, $2  }
0x69a: {  	_ =	sdelay $0x2  }
0x69b: {  	s11 =	smov.u32 s0;
	v13 =	vmov v12  }
.LBB2_38:
.Ltmp128:
0x69c: {  	(pc) =	sbr.rel .LBB2_41-.Ltmp128, $2  }
0x69d: {  	_ =	sdelay $0x2  }
0x69e: {  	s11 =	smov.u32 s0;
	v13 =	vmov v12  }
.LBB2_46:
.Ltmp129:
0x69f: {  	(pc) =	sbr.rel .LBB2_49-.Ltmp129, $2  }
0x6a0: {  	_ =	sdelay $0x2  }
0x6a1: {  	s11 =	smov.u32 s0;
	v13 =	vmov v12  }
.LBB2_54:
.Ltmp130:
0x6a2: {  	(pc) =	sbr.rel .LBB2_57-.Ltmp130, $2  }
0x6a3: {  	_ =	sdelay $0x2  }
0x6a4: {  	s11 =	smov.u32 s0;
	v13 =	vmov v12  }
.LBB2_62:
.Ltmp131:
0x6a5: {  	(pc) =	sbr.rel .LBB2_65-.Ltmp131, $2  }
0x6a6: {  	_ =	sdelay $0x2  }
0x6a7: {  	s11 =	smov.u32 s0;
	v12 =	vmov v11  }
.LBB2_70:
.Ltmp132:
0x6a8: {  	(pc) =	sbr.rel .LBB2_73-.Ltmp132, $2  }
0x6a9: {  	_ =	sdelay $0x2  }
0x6aa: {  	s8 =	smov.u32 s7;
	v13 =	vmov v12  }
.LBB2_78:
.Ltmp133:
0x6ab: {  	(pc) =	sbr.rel .LBB2_81-.Ltmp133, $2  }
0x6ac: {  	_ =	sdelay $0x2  }
0x6ad: {  	s8 =	smov.u32 s0;
	v13 =	vmov v12  }
.LBB2_86:
.Ltmp134:
0x6ae: {  	(pc) =	sbr.rel .LBB2_89-.Ltmp134, $2  }
0x6af: {  	_ =	sdelay $0x2  }
0x6b0: {  	s8 =	smov.u32 s0;
	v13 =	vmov v12  }
.LBB2_94:
.Ltmp135:
0x6b1: {  	(pc) =	sbr.rel .LBB2_97-.Ltmp135, $2  }
0x6b2: {  	_ =	sdelay $0x2  }
0x6b3: {  	s8 =	smov.u32 s0;
	v13 =	vmov v12  }
.LBB2_102:
.Ltmp136:
0x6b4: {  	(pc) =	sbr.rel .LBB2_105-.Ltmp136, $2  }
0x6b5: {  	_ =	sdelay $0x2  }
0x6b6: {  	s8 =	smov.u32 s0;
	v13 =	vmov v12  }
.LBB2_110:
.Ltmp137:
0x6b7: {  	(pc) =	sbr.rel .LBB2_113-.Ltmp137, $2  }
0x6b8: {  	_ =	sdelay $0x2  }
0x6b9: {  	s8 =	smov.u32 s0;
	v13 =	vmov v12  }
.LBB2_118:
.Ltmp138:
0x6ba: {  	(pc) =	sbr.rel .LBB2_121-.Ltmp138, $2  }
0x6bb: {  	_ =	sdelay $0x2  }
0x6bc: {  	s8 =	smov.u32 s0;
	v13 =	vmov v12  }
.LBB2_126:
.Ltmp139:
0x6bd: {  	(pc) =	sbr.rel .LBB2_129-.Ltmp139, $2  }
0x6be: {  	_ =	sdelay $0x2  }
0x6bf: {  	s8 =	smov.u32 s0;
	v12 =	vmov v11  }
.LBB2_134:
.Ltmp140:
0x6c0: {  	(pc) =	sbr.rel .LBB2_137-.Ltmp140, $2  }
0x6c1: {  	_ =	sdelay $0x2  }
0x6c2: {  	s8 =	smov.u32 s0;
	v13 =	vmov v12  }
.LBB2_142:
.Ltmp141:
0x6c3: {  	(pc) =	sbr.rel .LBB2_145-.Ltmp141, $2  }
0x6c4: {  	_ =	sdelay $0x2  }
0x6c5: {  	s8 =	smov.u32 s0;
	v13 =	vmov v12  }
.LBB2_150:
.Ltmp142:
0x6c6: {  	(pc) =	sbr.rel .LBB2_153-.Ltmp142, $2  }
0x6c7: {  	_ =	sdelay $0x2  }
0x6c8: {  	s8 =	smov.u32 s0;
	v13 =	vmov v12  }
.LBB2_158:
.Ltmp143:
0x6c9: {  	(pc) =	sbr.rel .LBB2_161-.Ltmp143, $2  }
0x6ca: {  	_ =	sdelay $0x2  }
0x6cb: {  	s8 =	smov.u32 s0;
	v13 =	vmov v12  }
.LBB2_166:
.Ltmp144:
0x6cc: {  	(pc) =	sbr.rel .LBB2_169-.Ltmp144, $2  }
0x6cd: {  	_ =	sdelay $0x2  }
0x6ce: {  	s8 =	smov.u32 s0;
	v13 =	vmov v12  }
.LBB2_174:
.Ltmp145:
0x6cf: {  	(pc) =	sbr.rel .LBB2_177-.Ltmp145, $2  }
0x6d0: {  	_ =	sdelay $0x2  }
0x6d1: {  	s8 =	smov.u32 s0;
	v13 =	vmov v12  }
.LBB2_182:
.Ltmp146:
0x6d2: {  	(pc) =	sbr.rel .LBB2_185-.Ltmp146, $2  }
0x6d3: {  	_ =	sdelay $0x2  }
0x6d4: {  	s8 =	smov.u32 s0;
	v13 =	vmov v12  }
.LBB2_190:
.Ltmp147:
0x6d5: {  	(pc) =	sbr.rel .LBB2_193-.Ltmp147, $2  }
0x6d6: {  	_ =	sdelay $0x2  }
0x6d7: {  	s8 =	smov.u32 s0;
	v12 =	vmov v11  }
.LBB2_197:
0x6d8: {  	_ =	sfence.sel $0x180000  }
0x6d9: {  	[bflag:$0x0] =	sbarrier.arrive $0xFFFF  }
0x6da: {  	_ =	strace $0x90000047  }
0x6db: {  	s0 =	stileid.u32;
	[bflag:$0x2] =	sbarrier.arrive $0xFFFF  }
0x6dc: {  	p0 =	sne.s32 s0, $0x0;
	s0 =	rddreg [dreg:$0x2]  }
0x6dd: {  	s0 =	sadd.s32 @!p0 $0x100000, s0  }
0x6de: {  	[sflag:s0] =	ssyncadd.tile.s32 @!p0 $0x1;
	_ =	shalt  }
.Lfunc_end2:
_tile_overlayer_lowered:
.L_overlay_start_2:
0x6df: {  	(tag) =	ssettag $0x2  }
0x6e0: {  	s0 =	rddreg [dreg:$0x0];
	s2 =	stileid.u32  }
0x6e1: {  	s1 =	rddreg [dreg:$0x1];
	p0 =	sne.s32 s2, $0x0  }
0x6e2: {  	s3 =	rddreg [dreg:$0x2];
	[bflag:$0x3] =	sbarrier.arrive $0xFFFF;
	s2 =	simm.s32 @!p0 $0x1C07  }
0x6e3: {  	[timem:s3], [sflag:s2] =	dma.local @!p0 [hbm:s0], s1  }
0x6e4: {  	s0 =	simm.s32 @!p0 $0x7  }
0x6e5: {  	_ =	swait.ge @!p0 [sflag:s0], s1  }
0x6e6: {  	s1 =	ssub.s32 @!p0 $0x0, s1;
	[sflag:s0] =	ssyncset.done @!p0 $0x0  }
0x6e7: {  	[sflag:s0] =	ssyncadd.s32 @!p0 s1  }
0x6e8: {  	[bflag:$0x3] =	sbarrier.arrive $0xFFFF  }
0x6e9: {  	_ =	shalt  }

</sc_bundles>
